<compile_context>
chip_gen: v7x
topology: tpu7x:2x2x1
jax: 0.10.2.dev20260603
libtpu: 0.0.44.dev20260713+nightly
codegen_flags: <defaults>
</compile_context>

<pallas_src>
import functools

import jax
import jax.numpy as jnp
import numpy as np
from jax import lax
from jax.experimental import pallas as pl
from jax.experimental.pallas import tpu as pltpu
from jax.experimental.pallas import tpu_sc as plsc

EPS = 1e-5
_NEG = np.float32(-3.0e38)


def _bn(x):
    return x / jnp.sqrt(1.0 + EPS)


def _lrelu(x):
    return jax.nn.leaky_relu(x, negative_slope=0.2)


def _conv2d(w, x):
    return jnp.einsum('oi,bihw->bohw', w, x)


def _conv1d(w, x, b=None):
    y = jnp.einsum('oi,bin->bon', w, x)
    if b is not None:
        y = y + b[None, :, None]
    return y



def _knn_body(xt_ref, xc_ref, xx_ref, out_ref, *, K, N):
    rows = xt_ref[...].astype(jnp.bfloat16)
    dist = jax.lax.dot_general(
        rows, xc_ref[...].astype(jnp.bfloat16), (((1,), (0,)), ((), ())),
        preferred_element_type=jnp.float32)
    rank = 2.0 * dist - xx_ref[...]
    npad = rank.shape[1]
    R = rank.shape[0]
    G = npad // 128
    J = (K + 1) if G < 16 else (6 if K <= 16 else 7)
    d3 = rank.reshape(R, G, 128)
    gio = jax.lax.broadcasted_iota(jnp.int32, (R, G, 128), 1)
    cvs, cgs = [], []
    for j in range(J):
        m = jnp.max(d3, axis=1)
        hit = d3 == m[:, None, :]
        g = jnp.min(jnp.where(hit, gio, G), axis=1)
        cvs.append(m)
        cgs.append(g)
        if j + 1 < J:
            d3 = jnp.where(gio == g[:, None, :], _NEG, d3)
    lio = jax.lax.broadcasted_iota(jnp.int32, (R, 128), 1)
    cv = jnp.concatenate(cvs, axis=1)
    ci = jnp.concatenate([g * 128 + lio for g in cgs], axis=1)
    cols = []
    for t in range(K + 1):
        m = jnp.max(cv, axis=1, keepdims=True)
        hit = cv == m
        a = jnp.min(jnp.where(hit, ci, npad), axis=1, keepdims=True)
        if t > 0:
            cols.append(a)
        cv = jnp.where(ci == a, _NEG, cv)
    out_ref[...] = jnp.concatenate(cols, axis=1)


def _knn_pallas(x, k):
    _, C, N = x.shape
    R = 128
    npad = ((N + 255) // 256) * 256
    cpad = ((C + 7) // 8) * 8
    xc = jnp.pad(x[0], ((0, cpad - C), (0, npad - N)))
    xt = xc.T
    xx = jnp.sum(x[0] * x[0], axis=0)
    xxp = jnp.pad(xx, (0, npad - N), constant_values=3.0e38).reshape(1, npad)
    out = pl.pallas_call(
        functools.partial(_knn_body, K=k, N=N),
        grid=(npad // R,),
        in_specs=[
            pl.BlockSpec((R, cpad), lambda i: (i, 0)),
            pl.BlockSpec((cpad, npad), lambda i: (0, 0)),
            pl.BlockSpec((1, npad), lambda i: (0, 0)),
        ],
        out_specs=pl.BlockSpec((R, k), lambda i: (i, 0)),
        out_shape=jax.ShapeDtypeStruct((npad, k), jnp.int32),
    )(xt, xc, xxp)
    return out[:N][None]



def _sc_gather(table, idx):
    M = idx.shape[0]
    D = table.shape[1]
    NW = 32
    per_w = M // NW
    ch = None
    for cand in (1000, 800, 400, 200, 40, 8):
        if per_w % cand == 0 and cand * D * 4 <= 420_000:
            ch = cand
            break
    mesh = plsc.VectorSubcoreMesh(core_axis_name="c", subcore_axis_name="s")

    @functools.partial(
        pl.kernel, mesh=mesh,
        out_type=jax.ShapeDtypeStruct((M, D), jnp.float32),
        scratch_types=[
            pltpu.VMEM((ch,), jnp.int32),
            pltpu.VMEM((ch, D), jnp.float32),
            pltpu.SemaphoreType.DMA,
        ],
    )
    def gk(tab_hbm, idx_hbm, out_hbm, idx_v, rows_v, sem):
        wid = lax.axis_index("s") * 2 + lax.axis_index("c")
        base = wid * per_w

        def body(j, carry):
            off = base + j * ch
            pltpu.sync_copy(idx_hbm.at[pl.ds(off, ch)], idx_v)
            pltpu.async_copy(tab_hbm.at[idx_v], rows_v, sem).wait()
            pltpu.sync_copy(rows_v, out_hbm.at[pl.ds(off, ch)])
            return carry

        lax.fori_loop(0, per_w // ch, body, 0)

    return gk(table, idx)


def _build_tabs(coor, nor):
    _, C, N = coor.shape
    slot = max(32, C)
    cols = []
    for a in (coor[0].T, nor[0].T, coor[0].reshape(N, C), nor[0].reshape(N, C)):
        cols.append(a if C == slot else jnp.pad(a, ((0, 0), (0, slot - C))))
    tabs = jnp.concatenate(cols, axis=1)
    dpad = ((4 * slot + 127) // 128) * 128
    if dpad != 4 * slot:
        tabs = jnp.pad(tabs, ((0, 0), (0, dpad - 4 * slot)))
    return tabs, slot



def _edge_body(tabs_ref, g_ref, wc_ref, wn_ref, wa_ref, th_ref, thb_ref,
               gw_ref, gb_ref, ww_ref, wb_ref, cout_ref, nout_ref,
               *, C, C2, K, slot):
    tb = tabs_ref[...]
    ct = tb[:, 0:C]
    nt = tb[:, slot:slot + C]
    xr = tb[:, 2 * slot:2 * slot + C]
    nr = tb[:, 3 * slot:3 * slot + C]
    g = g_ref[...]
    cf = g[:, :, 0:C]
    nf = g[:, :, slot:slot + C]
    xg = g[:, :, 2 * slot:2 * slot + C]
    ng = g[:, :, 3 * slot:3 * slot + C]
    R = ct.shape[0]
    E = K * R

    def rep(a):
        return jnp.broadcast_to(a[None], (K,) + a.shape)

    def mm(x, w):
        return jax.lax.dot_general(
            x.astype(jnp.bfloat16), w.astype(jnp.bfloat16),
            (((1,), (0,)), ((), ())), preferred_element_type=jnp.float32)

    def act(y):
        return _lrelu(_bn(y))

    ctr = rep(ct)
    ntr = rep(nt)
    c3 = act(mm(jnp.concatenate([cf - ctr, ctr], axis=2).reshape(E, 2 * C),
                wc_ref[...])).reshape(K, R, -1)
    n = act(mm(jnp.concatenate([nf - ntr, ntr], axis=2).reshape(E, 2 * C),
               wn_ref[...]))
    xrr = rep(xr)
    e3 = act(mm(jnp.concatenate([xrr - xg, xg], axis=2).reshape(E, 2 * C),
                wa_ref[...])).reshape(K, R, -1)
    emax = jnp.max(e3, axis=0, keepdims=True)
    p = jnp.exp(e3 - emax)
    att = p / jnp.sum(p, axis=0, keepdims=True)
    cout_ref[...] = jnp.sum(att * c3, axis=0)

    tcn = mm(nr, th_ref[...]) + thb_ref[...]
    tnn = (mm(ng.reshape(E, C), th_ref[...]) + thb_ref[...]).reshape(K, R, C2)
    mid = jnp.sum(rep(tcn) * tnn, axis=2, keepdims=True)
    mmax = jnp.max(mid, axis=0, keepdims=True)
    pp = jnp.exp(mid - mmax)
    coeff = pp / jnp.sum(pp, axis=0, keepdims=True)
    g1 = (mm(n, gw_ref[...]) + gb_ref[...]).reshape(K, R, -1)
    out = jnp.sum(coeff * g1, axis=0)
    nout_ref[...] = _bn(mm(out, ww_ref[...]) + wb_ref[...])


def _edge_pallas(tabs, gfl, k, conv_c_w, conv_n_w, att_w, nlb, C, slot):
    N, dpad = tabs.shape
    R = 200
    o1 = conv_c_w.shape[0]
    o2 = att_w.shape[0]
    C2 = nlb['theta_w'].shape[0]
    g3 = gfl.reshape(k, N, dpad)
    wc = conv_c_w.T
    wn = conv_n_w.T
    wa = att_w.T
    th = nlb['theta_w'].T
    thb = nlb['theta_b'].reshape(1, C2)
    gw = nlb['g_w'].T
    gb = nlb['g_b'].reshape(1, -1)
    ww = nlb['W_w'].T
    wb = nlb['W_b'].reshape(1, -1)
    couto, nouto = pl.pallas_call(
        functools.partial(_edge_body, C=C, C2=C2, K=k, slot=slot),
        grid=(N // R,),
        in_specs=[
            pl.BlockSpec((R, dpad), lambda i: (i, 0)),
            pl.BlockSpec((k, R, dpad), lambda i: (0, i, 0)),
            pl.BlockSpec(wc.shape, lambda i: (0, 0)),
            pl.BlockSpec(wn.shape, lambda i: (0, 0)),
            pl.BlockSpec(wa.shape, lambda i: (0, 0)),
            pl.BlockSpec(th.shape, lambda i: (0, 0)),
            pl.BlockSpec(thb.shape, lambda i: (0, 0)),
            pl.BlockSpec(gw.shape, lambda i: (0, 0)),
            pl.BlockSpec(gb.shape, lambda i: (0, 0)),
            pl.BlockSpec(ww.shape, lambda i: (0, 0)),
            pl.BlockSpec(wb.shape, lambda i: (0, 0)),
        ],
        out_specs=[
            pl.BlockSpec((R, o2), lambda i: (i, 0)),
            pl.BlockSpec((R, ww.shape[1]), lambda i: (i, 0)),
        ],
        out_shape=[
            jax.ShapeDtypeStruct((N, o2), jnp.float32),
            jax.ShapeDtypeStruct((N, ww.shape[1]), jnp.float32),
        ],
    )(tabs, g3, wc, wn, wa, th, thb, gw, gb, ww, wb)
    return couto, nouto



def _head_body(cc_ref, nc_ref, w5c_ref, w5n_ref, w6_ref, w7_ref, wp_ref, bp_ref, out_ref):
    def mm(w, x):
        return jax.lax.dot_general(
            w.astype(jnp.bfloat16), x.astype(jnp.bfloat16),
            (((1,), (0,)), ((), ())), preferred_element_type=jnp.float32)

    def act(y):
        return _lrelu(_bn(y))

    cfeat = act(mm(w5c_ref[...], cc_ref[...]))
    nfeat = act(mm(w5n_ref[...], nc_ref[...]))
    feat = jnp.concatenate([cfeat, nfeat], axis=0)
    feat = act(mm(w6_ref[...], feat))
    feat = act(mm(w7_ref[...], feat))
    out_ref[...] = mm(wp_ref[...], feat) + bp_ref[...]


def _head_pallas(coor_cat, nor_cat, p):
    _, cin, N = coor_cat.shape
    T = 1024
    npad = ((N + T - 1) // T) * T
    cc = jnp.pad(coor_cat[0], ((0, 0), (0, npad - N)))
    nc = jnp.pad(nor_cat[0], ((0, 0), (0, npad - N)))
    wp = jnp.pad(p['pred_w'], ((0, 2), (0, 0)))
    bp = jnp.pad(p['pred_b'], (0, 2)).reshape(16, 1)
    out = pl.pallas_call(
        _head_body,
        grid=(npad // T,),
        in_specs=[
            pl.BlockSpec((cin, T), lambda i: (0, i)),
            pl.BlockSpec((cin, T), lambda i: (0, i)),
            pl.BlockSpec(p['conv5_c_w'].shape, lambda i: (0, 0)),
            pl.BlockSpec(p['conv5_n_w'].shape, lambda i: (0, 0)),
            pl.BlockSpec(p['conv6_w'].shape, lambda i: (0, 0)),
            pl.BlockSpec(p['conv7_w'].shape, lambda i: (0, 0)),
            pl.BlockSpec((16, 256), lambda i: (0, 0)),
            pl.BlockSpec((16, 1), lambda i: (0, 0)),
        ],
        out_specs=pl.BlockSpec((16, T), lambda i: (0, i)),
        out_shape=jax.ShapeDtypeStruct((16, npad), jnp.float32),
    )(cc, nc, p['conv5_c_w'], p['conv5_n_w'], p['conv6_w'], p['conv7_w'], wp, bp)
    return jnp.transpose(out[:14, :N])[None]


def _layer(coor, nor, k, conv_c_w, conv_n_w, att_w, nlb):
    C = coor.shape[1]
    idx = _knn_pallas(coor, k)
    tabs, slot = _build_tabs(coor, nor)
    gfl = _sc_gather(tabs, idx[0].T.reshape(-1))
    couto, nouto = _edge_pallas(tabs, gfl, k, conv_c_w, conv_n_w, att_w, nlb, C, slot)
    return couto.T[None], nouto.T[None]


def kernel(x, params):
    p = params
    coor = x[:, :3, :]
    nor = x[:, 3:, :]
    coor1, nor1 = _layer(coor, nor, 16, p['conv1_c_w'], p['conv1_n_w'], p['att1_w'], p['nlb1'])
    coor2, nor2 = _layer(coor1, nor1, 16, p['conv2_c_w'], p['conv2_n_w'], p['att2_w'], p['nlb2'])
    coor3, nor3 = _layer(coor2, nor2, 32, p['conv3_c_w'], p['conv3_n_w'], p['att3_w'], p['nlb3'])
    coor_cat = jnp.concatenate([coor1, coor2, coor3], axis=1)
    nor_cat = jnp.concatenate([nor1, nor2, nor3], axis=1)
    return _head_pallas(coor_cat, nor_cat, p)

# --- scband reference (transcript-rebuilt; emitter-appended) ---
"""Pipeline reference for scband-tsgcnet-46935402611410 (READ-ONLY COPY).

The authoritative reference and input builder live on the scoring server;
editing this copy changes nothing except your own understanding.
"""

import jax, jax.numpy as jnp
import numpy as np

EPS = 1e-5

def bn(x):
    return x / jnp.sqrt(1.0 + EPS)

def lrelu(x):
    return jax.nn.leaky_relu(x, negative_slope=0.2)

def conv2d(w, x):
    return jnp.einsum('oi,bihw->bohw', w, x)

def conv1d(w, x, b=None):
    y = jnp.einsum('oi,bin->bon', w, x)
    if b is not None:
        y = y + b[None, :, None]
    return y

def knn(x, k):
    inner = -2.0 * jnp.einsum('bcn,bcm->bnm', x, x)
    xx = jnp.sum(x * x, axis=1)
    pd = -xx[:, :, None] - inner - xx[:, None, :]
    idx = jax.lax.top_k(pd, k + 1)[1][:, :, 1:]
    return jax.lax.stop_gradient(idx)

def index_points(points, idx):
    # points [B,N,C], idx [B,S,K] -> [B,S,K,C]
    return jax.vmap(lambda p, i: p[i])(points, idx)

def get_graph_feature(coor, nor, k):
    B, C, N = coor.shape
    idx = knn(coor, k)
    coor_t = jnp.transpose(coor, (0, 2, 1))
    nor_t = jnp.transpose(nor, (0, 2, 1))
    cf = index_points(coor_t, idx)
    nf = index_points(nor_t, idx)
    cc = jnp.broadcast_to(coor_t[:, :, None, :], cf.shape)
    nn_ = jnp.broadcast_to(nor_t[:, :, None, :], nf.shape)
    coor_feature = jnp.transpose(jnp.concatenate([cf - cc, cc], axis=3), (0, 3, 1, 2))
    nor_feature = jnp.transpose(jnp.concatenate([nf - nn_, nn_], axis=3), (0, 3, 1, 2))
    return coor_feature, nor_feature, idx

def graph_attention(w, idx, x, feature, K):
    B, C, N = x.shape
    xr = jnp.reshape(x, (B, N, C))  # faithful to torch .view(B,N,C)
    feat = jnp.transpose(feature, (0, 2, 3, 1))  # [B,N,K,out]
    neighbor = index_points(xr, idx)  # [B,N,K,C]
    centre = jnp.broadcast_to(xr[:, :, None, :], (B, N, K, C))
    delta_f = jnp.transpose(jnp.concatenate([centre - neighbor, neighbor], axis=3), (0, 3, 2, 1))  # [B,2C,K,N]
    e = lrelu(bn(conv2d(w, delta_f)))  # [B,out,K,N]
    e = jnp.transpose(e, (0, 3, 2, 1))  # [B,N,K,out]
    attention = jax.nn.softmax(e, axis=2)
    graph_feature = jnp.transpose(jnp.sum(attention * feat, axis=2), (0, 2, 1))  # [B,out,N]
    return graph_feature

def nonlocal_block(p, idx, x, feature):
    B, C, N = x.shape
    xr = jnp.reshape(x, (B, N, C))  # faithful to torch .view(B,N,C)
    neighbor = index_points(xr, idx)  # [B,N,k,C]
    centre = xr[:, :, None, :]  # [B,N,1,C]
    centre = jnp.transpose(centre, (0, 3, 2, 1))  # [B,C,1,N]
    centre = conv2d(p['theta_w'], centre) + p['theta_b'][None, :, None, None]
    theta_x = jnp.transpose(centre, (0, 3, 2, 1))  # [B,N,1,C]
    phi = jnp.transpose(neighbor, (0, 3, 2, 1))  # [B,C,k,N]
    phi = conv2d(p['theta_w'], phi) + p['theta_b'][None, :, None, None]
    phi_x = jnp.transpose(phi, (0, 3, 1, 2))  # [B,N,C,k]
    mid = jnp.matmul(theta_x, phi_x)  # [B,N,1,k]
    coeff = jax.nn.softmax(mid, axis=3)
    feat = conv2d(p['g_w'], feature) + p['g_b'][None, :, None, None]  # [B,out,N,k]
    g_x = jnp.transpose(feat, (0, 2, 3, 1))  # [B,N,k,out]
    output = jnp.matmul(coeff, g_x)  # [B,N,1,out]
    output = jnp.transpose(jnp.sum(output, axis=2), (0, 2, 1))  # [B,out,N]
    z = bn(conv1d(p['W_w'], output, p['W_b']))
    return z

def forward(x, params):
    p = params
    coor = x[:, :3, :]
    nor = x[:, 3:, :]
    cf1, nf1, idx1 = get_graph_feature(coor, nor, 16)
    c1 = lrelu(bn(conv2d(p['conv1_c_w'], cf1)))
    n1 = lrelu(bn(conv2d(p['conv1_n_w'], nf1)))
    coor1 = graph_attention(p['att1_w'], idx1, coor, c1, 16)
    nor1 = nonlocal_block(p['nlb1'], idx1, nor, n1)
    cf2, nf2, idx2 = get_graph_feature(coor1, nor1, 16)
    c2 = lrelu(bn(conv2d(p['conv2_c_w'], cf2)))
    n2 = lrelu(bn(conv2d(p['conv2_n_w'], nf2)))
    coor2 = graph_attention(p['att2_w'], idx2, coor1, c2, 16)
    nor2 = nonlocal_block(p['nlb2'], idx2, nor1, n2)
    cf3, nf3, idx3 = get_graph_feature(coor2, nor2, 32)
    c3 = lrelu(bn(conv2d(p['conv3_c_w'], cf3)))
    n3 = lrelu(bn(conv2d(p['conv3_n_w'], nf3)))
    coor3 = graph_attention(p['att3_w'], idx3, coor2, c3, 32)
    nor3 = nonlocal_block(p['nlb3'], idx3, nor2, n3)
    coor_cat = jnp.concatenate([coor1, coor2, coor3], axis=1)  # [B,256,N]
    nor_cat = jnp.concatenate([nor1, nor2, nor3], axis=1)  # [B,256,N]
    cfeat = lrelu(bn(conv1d(p['conv5_c_w'], coor_cat)))  # [B,512,N]
    nfeat = lrelu(bn(conv1d(p['conv5_n_w'], nor_cat)))  # [B,512,N]
    feat = jnp.concatenate([cfeat, nfeat], axis=1)  # [B,1024,N]
    feat = lrelu(bn(conv1d(p['conv6_w'], feat)))  # [B,512,N]
    feat = lrelu(bn(conv1d(p['conv7_w'], feat)))  # [B,256,N]
    score = conv1d(p['pred_w'], feat, p['pred_b'])  # [B,14,N]
    return jnp.transpose(score, (0, 2, 1))  # [B,N,14]

def setup_inputs(seed: int = 0):
    key = jax.random.key(seed)
    ks = jax.random.split(key, 32)
    def w(k, o, i):
        return (jax.random.normal(k, (o, i), dtype=jnp.float32) / np.sqrt(i)).astype(jnp.float32)
    x = jax.random.normal(ks[0], (1, 6, 10000), dtype=jnp.float32)
    params = {
        'conv1_c_w': w(ks[1], 64, 6),
        'conv2_c_w': w(ks[2], 64, 128),
        'conv3_c_w': w(ks[3], 128, 128),
        'att1_w': w(ks[4], 64, 6),
        'att2_w': w(ks[5], 64, 128),
        'att3_w': w(ks[6], 128, 128),
        'conv5_c_w': w(ks[7], 512, 256),
        'conv1_n_w': w(ks[8], 64, 6),
        'conv2_n_w': w(ks[9], 64, 128),
        'conv3_n_w': w(ks[10], 128, 128),
        'conv5_n_w': w(ks[11], 512, 256),
        'nlb1': {'theta_w': w(ks[12], 3, 3), 'theta_b': jnp.zeros(3, jnp.float32), 'g_w': w(ks[13], 64, 64), 'g_b': jnp.zeros(64, jnp.float32), 'W_w': w(ks[14], 64, 64), 'W_b': jnp.zeros(64, jnp.float32)},
        'nlb2': {'theta_w': w(ks[15], 64, 64), 'theta_b': jnp.zeros(64, jnp.float32), 'g_w': w(ks[16], 64, 64), 'g_b': jnp.zeros(64, jnp.float32), 'W_w': w(ks[17], 64, 64), 'W_b': jnp.zeros(64, jnp.float32)},
        'nlb3': {'theta_w': w(ks[18], 64, 64), 'theta_b': jnp.zeros(64, jnp.float32), 'g_w': w(ks[19], 128, 128), 'g_b': jnp.zeros(128, jnp.float32), 'W_w': w(ks[20], 128, 128), 'W_b': jnp.zeros(128, jnp.float32)},
        'conv6_w': w(ks[21], 512, 1024),
        'conv7_w': w(ks[22], 256, 512),
        'pred_w': w(ks[23], 14, 256),
        'pred_b': jnp.zeros(14, jnp.float32),
    }
    return {'x': x, 'params': params}

def reference(x, params):
    return forward(x, params)

if __name__ == "__main__":
    import jax
    _d = setup_inputs()
    print(jax.jit(kernel)(*tuple(_d.values())))

</pallas_src>

<mosaic_0001>
#map = affine_map<(d0, d1) -> (0, 0)>
#map1 = affine_map<(d0, d1) -> (0)>
module attributes {stable_mosaic.version = 14 : i64} {
  func.func @gk(%arg0: i32, %arg1: i32, %arg2: memref<10000x256xf32, #tpu.memory_space<hbm>>, %arg3: memref<160000xi32, #tpu.memory_space<hbm>>, %arg4: memref<160000x256xf32, #tpu.memory_space<hbm>>, %arg5: memref<200xi32, #tpu.memory_space<vmem>>, %arg6: memref<200x256xf32, #tpu.memory_space<vmem>>, %arg7: memref<!tpu.dma_semaphore, #tpu.memory_space<semaphore_mem>>) attributes {dimension_semantics = [#tpu.dimension_semantics<core_parallel>, #tpu.dimension_semantics<subcore_parallel>], iteration_bounds = array<i64: 2, 16>, scalar_prefetch = 0 : i64, scratch_operands = 3 : i64, tpu.core_type = #tpu.core_type<sc_vector_subcore>, window_params = [{transform_indices = #map}, {transform_indices = #map1}, {transform_indices = #map}]} {
    %mul3A = arith.constant 2 : i32
    %mul3A_0 = arith.muli %arg1, %mul3A : i32
    %add3A = arith.addi %mul3A_0, %arg0 : i32
    %mul3A_1 = arith.constant 5000 : i32
    %mul3A_2 = arith.muli %add3A, %mul3A_1 : i32
    %scan3A = arith.constant 0 : i32
    %scan3A_3 = arith.constant 0 : i32
    %scan3A_4 = arith.constant 25 : i32
    %scan3A_5 = arith.addi %scan3A_3, %scan3A_4 : i32
    %scan3A_6 = arith.constant 1 : i32
    scf.for %scan3A_8 = %scan3A_3 to %scan3A_5 step %scan3A_6  : i32 {
      %mul3A_9 = arith.constant 200 : i32
      %mul3A_10 = arith.muli %scan3A_8, %mul3A_9 : i32
      %add3A_11 = arith.addi %mul3A_2, %mul3A_10 : i32
      "tpu.region"() ({
        %run_scoped3A = tpu.sem_alloc : memref<!tpu.dma_semaphore, #tpu.memory_space<semaphore_mem>>
        %dma_start3A_16 = tpu.memref_slice %arg3[%add3A_11] : memref<160000xi32, #tpu.memory_space<hbm>> -> memref<200xi32, #tpu.memory_space<hbm>>
        %dma_start3A_17 = tpu.memref_slice %arg3[%add3A_11] : memref<160000xi32, #tpu.memory_space<hbm>> -> memref<200xi32, #tpu.memory_space<hbm>>
        tpu.enqueue_dma source(%dma_start3A_17 : memref<200xi32, #tpu.memory_space<hbm>>) target(%arg5 : memref<200xi32, #tpu.memory_space<vmem>>) target_semaphore(%run_scoped3A : memref<!tpu.dma_semaphore, #tpu.memory_space<semaphore_mem>>)
        %dma_wait3A_18 = tpu.memref_slice %arg3[%add3A_11] : memref<160000xi32, #tpu.memory_space<hbm>> -> memref<200xi32, #tpu.memory_space<hbm>>
        %dma_wait3A_19 = tpu.memref_slice %arg3[%add3A_11] : memref<160000xi32, #tpu.memory_space<hbm>> -> memref<200xi32, #tpu.memory_space<hbm>>
        tpu.wait_dma2 semaphore(%run_scoped3A : memref<!tpu.dma_semaphore, #tpu.memory_space<semaphore_mem>>) src(%dma_wait3A_19 : memref<200xi32, #tpu.memory_space<hbm>>) dst(%arg5 : memref<200xi32, #tpu.memory_space<vmem>>)
        tpu.yield
      }) : () -> ()
      %dma_start3A = arith.constant 0 : i32
      %dma_start3A_12 = arith.constant 0 : i32
      %dma_start3A_13 = tpu.memref_slice %arg2[%dma_start3A, %dma_start3A_12] : memref<10000x256xf32, #tpu.memory_space<hbm>> -> memref<10000x256xf32, #tpu.memory_space<hbm>>
      tpu.enqueue_indirect_dma source(%dma_start3A_13 : memref<10000x256xf32, #tpu.memory_space<hbm>>) target(%arg6 : memref<200x256xf32, #tpu.memory_space<vmem>>) offsets(%arg5 : memref<200xi32, #tpu.memory_space<vmem>>) semaphore(%arg7 : memref<!tpu.dma_semaphore, #tpu.memory_space<semaphore_mem>>)
      %dma_wait3A = arith.constant 0 : i32
      %dma_wait3A_14 = arith.constant 0 : i32
      %dma_wait3A_15 = tpu.memref_slice %arg2[%dma_wait3A, %dma_wait3A_14] : memref<10000x256xf32, #tpu.memory_space<hbm>> -> memref<10000x256xf32, #tpu.memory_space<hbm>>
      tpu.wait_indirect_dma semaphore(%arg7 : memref<!tpu.dma_semaphore, #tpu.memory_space<semaphore_mem>>) src(%dma_wait3A_15 : memref<10000x256xf32, #tpu.memory_space<hbm>>) dst(%arg6 : memref<200x256xf32, #tpu.memory_space<vmem>>)
      "tpu.region"() ({
        %run_scoped3A = tpu.sem_alloc : memref<!tpu.dma_semaphore, #tpu.memory_space<semaphore_mem>>
        %dma_start3A_16 = arith.constant 0 : i32
        %dma_start3A_17 = tpu.memref_slice %arg4[%add3A_11, %dma_start3A_16] : memref<160000x256xf32, #tpu.memory_space<hbm>> -> memref<200x256xf32, #tpu.memory_space<hbm>>
        %dma_start3A_18 = arith.constant 0 : i32
        %dma_start3A_19 = tpu.memref_slice %arg4[%add3A_11, %dma_start3A_18] : memref<160000x256xf32, #tpu.memory_space<hbm>> -> memref<200x256xf32, #tpu.memory_space<hbm>>
        tpu.enqueue_dma source(%arg6 : memref<200x256xf32, #tpu.memory_space<vmem>>) target(%dma_start3A_19 : memref<200x256xf32, #tpu.memory_space<hbm>>) target_semaphore(%run_scoped3A : memref<!tpu.dma_semaphore, #tpu.memory_space<semaphore_mem>>)
        %dma_wait3A_20 = arith.constant 0 : i32
        %dma_wait3A_21 = tpu.memref_slice %arg4[%add3A_11, %dma_wait3A_20] : memref<160000x256xf32, #tpu.memory_space<hbm>> -> memref<200x256xf32, #tpu.memory_space<hbm>>
        %dma_wait3A_22 = arith.constant 0 : i32
        %dma_wait3A_23 = tpu.memref_slice %arg4[%add3A_11, %dma_wait3A_22] : memref<160000x256xf32, #tpu.memory_space<hbm>> -> memref<200x256xf32, #tpu.memory_space<hbm>>
        tpu.wait_dma2 semaphore(%run_scoped3A : memref<!tpu.dma_semaphore, #tpu.memory_space<semaphore_mem>>) src(%arg6 : memref<200x256xf32, #tpu.memory_space<vmem>>) dst(%dma_wait3A_23 : memref<200x256xf32, #tpu.memory_space<hbm>>)
        tpu.yield
      }) : () -> ()
    }
    %scan3A_7 = arith.constant 25 : i32
    return
  }
}

#map = affine_map<(d0, d1) -> (0, 0)>
#map1 = affine_map<(d0, d1) -> (0)>
module attributes {stable_mosaic.version = 14 : i64} {
  func.func @gk(%arg0: i32, %arg1: i32, %arg2: memref<10000x128xf32, #tpu.memory_space<hbm>>, %arg3: memref<160000xi32, #tpu.memory_space<hbm>>, %arg4: memref<160000x128xf32, #tpu.memory_space<hbm>>, %arg5: memref<200xi32, #tpu.memory_space<vmem>>, %arg6: memref<200x128xf32, #tpu.memory_space<vmem>>, %arg7: memref<!tpu.dma_semaphore, #tpu.memory_space<semaphore_mem>>) attributes {dimension_semantics = [#tpu.dimension_semantics<core_parallel>, #tpu.dimension_semantics<subcore_parallel>], iteration_bounds = array<i64: 2, 16>, scalar_prefetch = 0 : i64, scratch_operands = 3 : i64, tpu.core_type = #tpu.core_type<sc_vector_subcore>, window_params = [{transform_indices = #map}, {transform_indices = #map1}, {transform_indices = #map}]} {
    %mul3A = arith.constant 2 : i32
    %mul3A_0 = arith.muli %arg1, %mul3A : i32
    %add3A = arith.addi %mul3A_0, %arg0 : i32
    %mul3A_1 = arith.constant 5000 : i32
    %mul3A_2 = arith.muli %add3A, %mul3A_1 : i32
    %scan3A = arith.constant 0 : i32
    %scan3A_3 = arith.constant 0 : i32
    %scan3A_4 = arith.constant 25 : i32
    %scan3A_5 = arith.addi %scan3A_3, %scan3A_4 : i32
    %scan3A_6 = arith.constant 1 : i32
    scf.for %scan3A_8 = %scan3A_3 to %scan3A_5 step %scan3A_6  : i32 {
      %mul3A_9 = arith.constant 200 : i32
      %mul3A_10 = arith.muli %scan3A_8, %mul3A_9 : i32
      %add3A_11 = arith.addi %mul3A_2, %mul3A_10 : i32
      "tpu.region"() ({
        %run_scoped3A = tpu.sem_alloc : memref<!tpu.dma_semaphore, #tpu.memory_space<semaphore_mem>>
        %dma_start3A_16 = tpu.memref_slice %arg3[%add3A_11] : memref<160000xi32, #tpu.memory_space<hbm>> -> memref<200xi32, #tpu.memory_space<hbm>>
        %dma_start3A_17 = tpu.memref_slice %arg3[%add3A_11] : memref<160000xi32, #tpu.memory_space<hbm>> -> memref<200xi32, #tpu.memory_space<hbm>>
        tpu.enqueue_dma source(%dma_start3A_17 : memref<200xi32, #tpu.memory_space<hbm>>) target(%arg5 : memref<200xi32, #tpu.memory_space<vmem>>) target_semaphore(%run_scoped3A : memref<!tpu.dma_semaphore, #tpu.memory_space<semaphore_mem>>)
        %dma_wait3A_18 = tpu.memref_slice %arg3[%add3A_11] : memref<160000xi32, #tpu.memory_space<hbm>> -> memref<200xi32, #tpu.memory_space<hbm>>
        %dma_wait3A_19 = tpu.memref_slice %arg3[%add3A_11] : memref<160000xi32, #tpu.memory_space<hbm>> -> memref<200xi32, #tpu.memory_space<hbm>>
        tpu.wait_dma2 semaphore(%run_scoped3A : memref<!tpu.dma_semaphore, #tpu.memory_space<semaphore_mem>>) src(%dma_wait3A_19 : memref<200xi32, #tpu.memory_space<hbm>>) dst(%arg5 : memref<200xi32, #tpu.memory_space<vmem>>)
        tpu.yield
      }) : () -> ()
      %dma_start3A = arith.constant 0 : i32
      %dma_start3A_12 = arith.constant 0 : i32
      %dma_start3A_13 = tpu.memref_slice %arg2[%dma_start3A, %dma_start3A_12] : memref<10000x128xf32, #tpu.memory_space<hbm>> -> memref<10000x128xf32, #tpu.memory_space<hbm>>
      tpu.enqueue_indirect_dma source(%dma_start3A_13 : memref<10000x128xf32, #tpu.memory_space<hbm>>) target(%arg6 : memref<200x128xf32, #tpu.memory_space<vmem>>) offsets(%arg5 : memref<200xi32, #tpu.memory_space<vmem>>) semaphore(%arg7 : memref<!tpu.dma_semaphore, #tpu.memory_space<semaphore_mem>>)
      %dma_wait3A = arith.constant 0 : i32
      %dma_wait3A_14 = arith.constant 0 : i32
      %dma_wait3A_15 = tpu.memref_slice %arg2[%dma_wait3A, %dma_wait3A_14] : memref<10000x128xf32, #tpu.memory_space<hbm>> -> memref<10000x128xf32, #tpu.memory_space<hbm>>
      tpu.wait_indirect_dma semaphore(%arg7 : memref<!tpu.dma_semaphore, #tpu.memory_space<semaphore_mem>>) src(%dma_wait3A_15 : memref<10000x128xf32, #tpu.memory_space<hbm>>) dst(%arg6 : memref<200x128xf32, #tpu.memory_space<vmem>>)
      "tpu.region"() ({
        %run_scoped3A = tpu.sem_alloc : memref<!tpu.dma_semaphore, #tpu.memory_space<semaphore_mem>>
        %dma_start3A_16 = arith.constant 0 : i32
        %dma_start3A_17 = tpu.memref_slice %arg4[%add3A_11, %dma_start3A_16] : memref<160000x128xf32, #tpu.memory_space<hbm>> -> memref<200x128xf32, #tpu.memory_space<hbm>>
        %dma_start3A_18 = arith.constant 0 : i32
        %dma_start3A_19 = tpu.memref_slice %arg4[%add3A_11, %dma_start3A_18] : memref<160000x128xf32, #tpu.memory_space<hbm>> -> memref<200x128xf32, #tpu.memory_space<hbm>>
        tpu.enqueue_dma source(%arg6 : memref<200x128xf32, #tpu.memory_space<vmem>>) target(%dma_start3A_19 : memref<200x128xf32, #tpu.memory_space<hbm>>) target_semaphore(%run_scoped3A : memref<!tpu.dma_semaphore, #tpu.memory_space<semaphore_mem>>)
        %dma_wait3A_20 = arith.constant 0 : i32
        %dma_wait3A_21 = tpu.memref_slice %arg4[%add3A_11, %dma_wait3A_20] : memref<160000x128xf32, #tpu.memory_space<hbm>> -> memref<200x128xf32, #tpu.memory_space<hbm>>
        %dma_wait3A_22 = arith.constant 0 : i32
        %dma_wait3A_23 = tpu.memref_slice %arg4[%add3A_11, %dma_wait3A_22] : memref<160000x128xf32, #tpu.memory_space<hbm>> -> memref<200x128xf32, #tpu.memory_space<hbm>>
        tpu.wait_dma2 semaphore(%run_scoped3A : memref<!tpu.dma_semaphore, #tpu.memory_space<semaphore_mem>>) src(%arg6 : memref<200x128xf32, #tpu.memory_space<vmem>>) dst(%dma_wait3A_23 : memref<200x128xf32, #tpu.memory_space<hbm>>)
        tpu.yield
      }) : () -> ()
    }
    %scan3A_7 = arith.constant 25 : i32
    return
  }
}

#map = affine_map<(d0, d1) -> (0, 0)>
#map1 = affine_map<(d0, d1) -> (0)>
module attributes {stable_mosaic.version = 14 : i64} {
  func.func @gk(%arg0: i32, %arg1: i32, %arg2: memref<10000x256xf32, #tpu.memory_space<hbm>>, %arg3: memref<320000xi32, #tpu.memory_space<hbm>>, %arg4: memref<320000x256xf32, #tpu.memory_space<hbm>>, %arg5: memref<400xi32, #tpu.memory_space<vmem>>, %arg6: memref<400x256xf32, #tpu.memory_space<vmem>>, %arg7: memref<!tpu.dma_semaphore, #tpu.memory_space<semaphore_mem>>) attributes {dimension_semantics = [#tpu.dimension_semantics<core_parallel>, #tpu.dimension_semantics<subcore_parallel>], iteration_bounds = array<i64: 2, 16>, scalar_prefetch = 0 : i64, scratch_operands = 3 : i64, tpu.core_type = #tpu.core_type<sc_vector_subcore>, window_params = [{transform_indices = #map}, {transform_indices = #map1}, {transform_indices = #map}]} {
    %mul3A = arith.constant 2 : i32
    %mul3A_0 = arith.muli %arg1, %mul3A : i32
    %add3A = arith.addi %mul3A_0, %arg0 : i32
    %mul3A_1 = arith.constant 10000 : i32
    %mul3A_2 = arith.muli %add3A, %mul3A_1 : i32
    %scan3A = arith.constant 0 : i32
    %scan3A_3 = arith.constant 0 : i32
    %scan3A_4 = arith.constant 25 : i32
    %scan3A_5 = arith.addi %scan3A_3, %scan3A_4 : i32
    %scan3A_6 = arith.constant 1 : i32
    scf.for %scan3A_8 = %scan3A_3 to %scan3A_5 step %scan3A_6  : i32 {
      %mul3A_9 = arith.constant 400 : i32
      %mul3A_10 = arith.muli %scan3A_8, %mul3A_9 : i32
      %add3A_11 = arith.addi %mul3A_2, %mul3A_10 : i32
      "tpu.region"() ({
        %run_scoped3A = tpu.sem_alloc : memref<!tpu.dma_semaphore, #tpu.memory_space<semaphore_mem>>
        %dma_start3A_16 = tpu.memref_slice %arg3[%add3A_11] : memref<320000xi32, #tpu.memory_space<hbm>> -> memref<400xi32, #tpu.memory_space<hbm>>
        %dma_start3A_17 = tpu.memref_slice %arg3[%add3A_11] : memref<320000xi32, #tpu.memory_space<hbm>> -> memref<400xi32, #tpu.memory_space<hbm>>
        tpu.enqueue_dma source(%dma_start3A_17 : memref<400xi32, #tpu.memory_space<hbm>>) target(%arg5 : memref<400xi32, #tpu.memory_space<vmem>>) target_semaphore(%run_scoped3A : memref<!tpu.dma_semaphore, #tpu.memory_space<semaphore_mem>>)
        %dma_wait3A_18 = tpu.memref_slice %arg3[%add3A_11] : memref<320000xi32, #tpu.memory_space<hbm>> -> memref<400xi32, #tpu.memory_space<hbm>>
        %dma_wait3A_19 = tpu.memref_slice %arg3[%add3A_11] : memref<320000xi32, #tpu.memory_space<hbm>> -> memref<400xi32, #tpu.memory_space<hbm>>
        tpu.wait_dma2 semaphore(%run_scoped3A : memref<!tpu.dma_semaphore, #tpu.memory_space<semaphore_mem>>) src(%dma_wait3A_19 : memref<400xi32, #tpu.memory_space<hbm>>) dst(%arg5 : memref<400xi32, #tpu.memory_space<vmem>>)
        tpu.yield
      }) : () -> ()
      %dma_start3A = arith.constant 0 : i32
      %dma_start3A_12 = arith.constant 0 : i32
      %dma_start3A_13 = tpu.memref_slice %arg2[%dma_start3A, %dma_start3A_12] : memref<10000x256xf32, #tpu.memory_space<hbm>> -> memref<10000x256xf32, #tpu.memory_space<hbm>>
      tpu.enqueue_indirect_dma source(%dma_start3A_13 : memref<10000x256xf32, #tpu.memory_space<hbm>>) target(%arg6 : memref<400x256xf32, #tpu.memory_space<vmem>>) offsets(%arg5 : memref<400xi32, #tpu.memory_space<vmem>>) semaphore(%arg7 : memref<!tpu.dma_semaphore, #tpu.memory_space<semaphore_mem>>)
      %dma_wait3A = arith.constant 0 : i32
      %dma_wait3A_14 = arith.constant 0 : i32
      %dma_wait3A_15 = tpu.memref_slice %arg2[%dma_wait3A, %dma_wait3A_14] : memref<10000x256xf32, #tpu.memory_space<hbm>> -> memref<10000x256xf32, #tpu.memory_space<hbm>>
      tpu.wait_indirect_dma semaphore(%arg7 : memref<!tpu.dma_semaphore, #tpu.memory_space<semaphore_mem>>) src(%dma_wait3A_15 : memref<10000x256xf32, #tpu.memory_space<hbm>>) dst(%arg6 : memref<400x256xf32, #tpu.memory_space<vmem>>)
      "tpu.region"() ({
        %run_scoped3A = tpu.sem_alloc : memref<!tpu.dma_semaphore, #tpu.memory_space<semaphore_mem>>
        %dma_start3A_16 = arith.constant 0 : i32
        %dma_start3A_17 = tpu.memref_slice %arg4[%add3A_11, %dma_start3A_16] : memref<320000x256xf32, #tpu.memory_space<hbm>> -> memref<400x256xf32, #tpu.memory_space<hbm>>
        %dma_start3A_18 = arith.constant 0 : i32
        %dma_start3A_19 = tpu.memref_slice %arg4[%add3A_11, %dma_start3A_18] : memref<320000x256xf32, #tpu.memory_space<hbm>> -> memref<400x256xf32, #tpu.memory_space<hbm>>
        tpu.enqueue_dma source(%arg6 : memref<400x256xf32, #tpu.memory_space<vmem>>) target(%dma_start3A_19 : memref<400x256xf32, #tpu.memory_space<hbm>>) target_semaphore(%run_scoped3A : memref<!tpu.dma_semaphore, #tpu.memory_space<semaphore_mem>>)
        %dma_wait3A_20 = arith.constant 0 : i32
        %dma_wait3A_21 = tpu.memref_slice %arg4[%add3A_11, %dma_wait3A_20] : memref<320000x256xf32, #tpu.memory_space<hbm>> -> memref<400x256xf32, #tpu.memory_space<hbm>>
        %dma_wait3A_22 = arith.constant 0 : i32
        %dma_wait3A_23 = tpu.memref_slice %arg4[%add3A_11, %dma_wait3A_22] : memref<320000x256xf32, #tpu.memory_space<hbm>> -> memref<400x256xf32, #tpu.memory_space<hbm>>
        tpu.wait_dma2 semaphore(%run_scoped3A : memref<!tpu.dma_semaphore, #tpu.memory_space<semaphore_mem>>) src(%arg6 : memref<400x256xf32, #tpu.memory_space<vmem>>) dst(%dma_wait3A_23 : memref<400x256xf32, #tpu.memory_space<hbm>>)
        tpu.yield
      }) : () -> ()
    }
    %scan3A_7 = arith.constant 25 : i32
    return
  }
}

module attributes {stable_mosaic.version = 14 : i64} {
  func.func @_knn_body(%arg0: i32, %arg1: memref<128x8xf32, #tpu.memory_space<vmem>>, %arg2: memref<8x10240xf32, #tpu.memory_space<vmem>>, %arg3: memref<1x10240xf32, #tpu.memory_space<vmem>>, %arg4: memref<128x16xi32, #tpu.memory_space<vmem>>) attributes {dimension_semantics = [#tpu.dimension_semantics<arbitrary>], iteration_bounds = array<i64: 80>, scalar_prefetch = 0 : i64, scratch_operands = 0 : i64, tpu.core_type = #tpu.core_type<tc>, window_params = [{transform_indices = @transform_0, window_bounds = array<i64: 128, 8>}, {pipeline_mode = #tpu.pipeline_mode<synchronous>, transform_indices = @transform_1, window_bounds = array<i64: 8, 10240>}, {pipeline_mode = #tpu.pipeline_mode<synchronous>, transform_indices = @transform_2, window_bounds = array<i64: 1, 10240>}, {transform_indices = @transform_3, window_bounds = array<i64: 128, 16>}]} {
    %get3A = arith.constant 0 : index
    %get3A_0 = arith.constant 0 : index
    %get3A_1 = vector.load %arg1[%get3A, %get3A_0] : memref<128x8xf32, #tpu.memory_space<vmem>>, vector<128x8xf32>
    %convert_element_type3A = arith.truncf %get3A_1 : vector<128x8xf32> to vector<128x8xbf16>
    %get3A_2 = arith.constant 0 : index
    %get3A_3 = arith.constant 0 : index
    %get3A_4 = vector.load %arg2[%get3A_2, %get3A_3] : memref<8x10240xf32, #tpu.memory_space<vmem>>, vector<8x10240xf32>
    %convert_element_type3A_5 = arith.truncf %get3A_4 : vector<8x10240xf32> to vector<8x10240xbf16>
    %dot_general3A = arith.constant dense<0.000000e+00> : vector<128x10240xf32>
    %dot_general3A_6 = tpu.matmul %convert_element_type3A, %convert_element_type3A_5, %dot_general3A {dimension_numbers = #tpu.dot_dimension_numbers<[1], [0], [0], [1], [0, 0, 1, 1], [], []>, transpose_lhs_hint = false} : vector<128x8xbf16>, vector<8x10240xbf16>, vector<128x10240xf32> -> vector<128x10240xf32>
    %mul3A = arith.constant 2.000000e+00 : f32
    %mul3A_7 = vector.broadcast %mul3A : f32 to vector<128x10240xf32>
    %mul3A_8 = arith.mulf %mul3A_7, %dot_general3A_6 : vector<128x10240xf32>
    %get3A_9 = arith.constant 0 : index
    %get3A_10 = arith.constant 0 : index
    %get3A_11 = vector.load %arg3[%get3A_9, %get3A_10] : memref<1x10240xf32, #tpu.memory_space<vmem>>, vector<1x10240xf32>
    %sub3A = vector.broadcast %get3A_11 : vector<1x10240xf32> to vector<128x10240xf32>
    %sub3A_12 = arith.subf %mul3A_8, %sub3A : vector<128x10240xf32>
    %reshape3A = vector.shape_cast %sub3A_12 : vector<128x10240xf32> to vector<128x80x128xf32>
    %iota3A = tpu.iota {dimensions = array<i32: 1>} : vector<128x80x128xi32>
    %reduce_max3A = arith.constant dense<0xFF800000> : vector<128x128xf32>
    %reduce_max3A_13 = vector.multi_reduction <maximumf>, %reshape3A, %reduce_max3A [1] : vector<128x80x128xf32> to vector<128x128xf32>
    %broadcast_in_dim3A = vector.shape_cast %reduce_max3A_13 : vector<128x128xf32> to vector<128x1x128xf32>
    %eq3A = vector.broadcast %broadcast_in_dim3A : vector<128x1x128xf32> to vector<128x80x128xf32>
    %eq3A_14 = arith.cmpf oeq, %reshape3A, %eq3A : vector<128x80x128xf32>
    %jit3A = arith.constant 80 : i32
    %broadcast_in_dim3A_15 = vector.broadcast %jit3A : i32 to vector<128x80x128xi32>
    %select_n3A = arith.select %eq3A_14, %iota3A, %broadcast_in_dim3A_15 : vector<128x80x128xi1>, vector<128x80x128xi32>
    %reduce_min3A = arith.constant dense<2147483647> : vector<128x128xi32>
    %reduce_min3A_16 = vector.multi_reduction <minsi>, %select_n3A, %reduce_min3A [1] : vector<128x80x128xi32> to vector<128x128xi32>
    %broadcast_in_dim3A_17 = vector.shape_cast %reduce_min3A_16 : vector<128x128xi32> to vector<128x1x128xi32>
    %eq3A_18 = vector.broadcast %broadcast_in_dim3A_17 : vector<128x1x128xi32> to vector<128x80x128xi32>
    %eq3A_19 = arith.cmpi eq, %iota3A, %eq3A_18 : vector<128x80x128xi32>
    %jit3A_20 = arith.constant -3.000000e+38 : f32
    %broadcast_in_dim3A_21 = vector.broadcast %jit3A_20 : f32 to vector<128x80x128xf32>
    %select_n3A_22 = arith.select %eq3A_19, %broadcast_in_dim3A_21, %reshape3A : vector<128x80x128xi1>, vector<128x80x128xf32>
    %reduce_max3A_23 = arith.constant dense<0xFF800000> : vector<128x128xf32>
    %reduce_max3A_24 = vector.multi_reduction <maximumf>, %select_n3A_22, %reduce_max3A_23 [1] : vector<128x80x128xf32> to vector<128x128xf32>
    %broadcast_in_dim3A_25 = vector.shape_cast %reduce_max3A_24 : vector<128x128xf32> to vector<128x1x128xf32>
    %eq3A_26 = vector.broadcast %broadcast_in_dim3A_25 : vector<128x1x128xf32> to vector<128x80x128xf32>
    %eq3A_27 = arith.cmpf oeq, %select_n3A_22, %eq3A_26 : vector<128x80x128xf32>
    %jit3A_28 = arith.constant 80 : i32
    %broadcast_in_dim3A_29 = vector.broadcast %jit3A_28 : i32 to vector<128x80x128xi32>
    %select_n3A_30 = arith.select %eq3A_27, %iota3A, %broadcast_in_dim3A_29 : vector<128x80x128xi1>, vector<128x80x128xi32>
    %reduce_min3A_31 = arith.constant dense<2147483647> : vector<128x128xi32>
    %reduce_min3A_32 = vector.multi_reduction <minsi>, %select_n3A_30, %reduce_min3A_31 [1] : vector<128x80x128xi32> to vector<128x128xi32>
    %broadcast_in_dim3A_33 = vector.shape_cast %reduce_min3A_32 : vector<128x128xi32> to vector<128x1x128xi32>
    %eq3A_34 = vector.broadcast %broadcast_in_dim3A_33 : vector<128x1x128xi32> to vector<128x80x128xi32>
    %eq3A_35 = arith.cmpi eq, %iota3A, %eq3A_34 : vector<128x80x128xi32>
    %jit3A_36 = arith.constant -3.000000e+38 : f32
    %broadcast_in_dim3A_37 = vector.broadcast %jit3A_36 : f32 to vector<128x80x128xf32>
    %select_n3A_38 = arith.select %eq3A_35, %broadcast_in_dim3A_37, %select_n3A_22 : vector<128x80x128xi1>, vector<128x80x128xf32>
    %reduce_max3A_39 = arith.constant dense<0xFF800000> : vector<128x128xf32>
    %reduce_max3A_40 = vector.multi_reduction <maximumf>, %select_n3A_38, %reduce_max3A_39 [1] : vector<128x80x128xf32> to vector<128x128xf32>
    %broadcast_in_dim3A_41 = vector.shape_cast %reduce_max3A_40 : vector<128x128xf32> to vector<128x1x128xf32>
    %eq3A_42 = vector.broadcast %broadcast_in_dim3A_41 : vector<128x1x128xf32> to vector<128x80x128xf32>
    %eq3A_43 = arith.cmpf oeq, %select_n3A_38, %eq3A_42 : vector<128x80x128xf32>
    %jit3A_44 = arith.constant 80 : i32
    %broadcast_in_dim3A_45 = vector.broadcast %jit3A_44 : i32 to vector<128x80x128xi32>
    %select_n3A_46 = arith.select %eq3A_43, %iota3A, %broadcast_in_dim3A_45 : vector<128x80x128xi1>, vector<128x80x128xi32>
    %reduce_min3A_47 = arith.constant dense<2147483647> : vector<128x128xi32>
    %reduce_min3A_48 = vector.multi_reduction <minsi>, %select_n3A_46, %reduce_min3A_47 [1] : vector<128x80x128xi32> to vector<128x128xi32>
    %broadcast_in_dim3A_49 = vector.shape_cast %reduce_min3A_48 : vector<128x128xi32> to vector<128x1x128xi32>
    %eq3A_50 = vector.broadcast %broadcast_in_dim3A_49 : vector<128x1x128xi32> to vector<128x80x128xi32>
    %eq3A_51 = arith.cmpi eq, %iota3A, %eq3A_50 : vector<128x80x128xi32>
    %jit3A_52 = arith.constant -3.000000e+38 : f32
    %broadcast_in_dim3A_53 = vector.broadcast %jit3A_52 : f32 to vector<128x80x128xf32>
    %select_n3A_54 = arith.select %eq3A_51, %broadcast_in_dim3A_53, %select_n3A_38 : vector<128x80x128xi1>, vector<128x80x128xf32>
    %reduce_max3A_55 = arith.constant dense<0xFF800000> : vector<128x128xf32>
    %reduce_max3A_56 = vector.multi_reduction <maximumf>, %select_n3A_54, %reduce_max3A_55 [1] : vector<128x80x128xf32> to vector<128x128xf32>
    %broadcast_in_dim3A_57 = vector.shape_cast %reduce_max3A_56 : vector<128x128xf32> to vector<128x1x128xf32>
    %eq3A_58 = vector.broadcast %broadcast_in_dim3A_57 : vector<128x1x128xf32> to vector<128x80x128xf32>
    %eq3A_59 = arith.cmpf oeq, %select_n3A_54, %eq3A_58 : vector<128x80x128xf32>
    %jit3A_60 = arith.constant 80 : i32
    %broadcast_in_dim3A_61 = vector.broadcast %jit3A_60 : i32 to vector<128x80x128xi32>
    %select_n3A_62 = arith.select %eq3A_59, %iota3A, %broadcast_in_dim3A_61 : vector<128x80x128xi1>, vector<128x80x128xi32>
    %reduce_min3A_63 = arith.constant dense<2147483647> : vector<128x128xi32>
    %reduce_min3A_64 = vector.multi_reduction <minsi>, %select_n3A_62, %reduce_min3A_63 [1] : vector<128x80x128xi32> to vector<128x128xi32>
    %broadcast_in_dim3A_65 = vector.shape_cast %reduce_min3A_64 : vector<128x128xi32> to vector<128x1x128xi32>
    %eq3A_66 = vector.broadcast %broadcast_in_dim3A_65 : vector<128x1x128xi32> to vector<128x80x128xi32>
    %eq3A_67 = arith.cmpi eq, %iota3A, %eq3A_66 : vector<128x80x128xi32>
    %jit3A_68 = arith.constant -3.000000e+38 : f32
    %broadcast_in_dim3A_69 = vector.broadcast %jit3A_68 : f32 to vector<128x80x128xf32>
    %select_n3A_70 = arith.select %eq3A_67, %broadcast_in_dim3A_69, %select_n3A_54 : vector<128x80x128xi1>, vector<128x80x128xf32>
    %reduce_max3A_71 = arith.constant dense<0xFF800000> : vector<128x128xf32>
    %reduce_max3A_72 = vector.multi_reduction <maximumf>, %select_n3A_70, %reduce_max3A_71 [1] : vector<128x80x128xf32> to vector<128x128xf32>
    %broadcast_in_dim3A_73 = vector.shape_cast %reduce_max3A_72 : vector<128x128xf32> to vector<128x1x128xf32>
    %eq3A_74 = vector.broadcast %broadcast_in_dim3A_73 : vector<128x1x128xf32> to vector<128x80x128xf32>
    %eq3A_75 = arith.cmpf oeq, %select_n3A_70, %eq3A_74 : vector<128x80x128xf32>
    %jit3A_76 = arith.constant 80 : i32
    %broadcast_in_dim3A_77 = vector.broadcast %jit3A_76 : i32 to vector<128x80x128xi32>
    %select_n3A_78 = arith.select %eq3A_75, %iota3A, %broadcast_in_dim3A_77 : vector<128x80x128xi1>, vector<128x80x128xi32>
    %reduce_min3A_79 = arith.constant dense<2147483647> : vector<128x128xi32>
    %reduce_min3A_80 = vector.multi_reduction <minsi>, %select_n3A_78, %reduce_min3A_79 [1] : vector<128x80x128xi32> to vector<128x128xi32>
    %broadcast_in_dim3A_81 = vector.shape_cast %reduce_min3A_80 : vector<128x128xi32> to vector<128x1x128xi32>
    %eq3A_82 = vector.broadcast %broadcast_in_dim3A_81 : vector<128x1x128xi32> to vector<128x80x128xi32>
    %eq3A_83 = arith.cmpi eq, %iota3A, %eq3A_82 : vector<128x80x128xi32>
    %jit3A_84 = arith.constant -3.000000e+38 : f32
    %broadcast_in_dim3A_85 = vector.broadcast %jit3A_84 : f32 to vector<128x80x128xf32>
    %select_n3A_86 = arith.select %eq3A_83, %broadcast_in_dim3A_85, %select_n3A_70 : vector<128x80x128xi1>, vector<128x80x128xf32>
    %reduce_max3A_87 = arith.constant dense<0xFF800000> : vector<128x128xf32>
    %reduce_max3A_88 = vector.multi_reduction <maximumf>, %select_n3A_86, %reduce_max3A_87 [1] : vector<128x80x128xf32> to vector<128x128xf32>
    %broadcast_in_dim3A_89 = vector.shape_cast %reduce_max3A_88 : vector<128x128xf32> to vector<128x1x128xf32>
    %eq3A_90 = vector.broadcast %broadcast_in_dim3A_89 : vector<128x1x128xf32> to vector<128x80x128xf32>
    %eq3A_91 = arith.cmpf oeq, %select_n3A_86, %eq3A_90 : vector<128x80x128xf32>
    %jit3A_92 = arith.constant 80 : i32
    %broadcast_in_dim3A_93 = vector.broadcast %jit3A_92 : i32 to vector<128x80x128xi32>
    %select_n3A_94 = arith.select %eq3A_91, %iota3A, %broadcast_in_dim3A_93 : vector<128x80x128xi1>, vector<128x80x128xi32>
    %reduce_min3A_95 = arith.constant dense<2147483647> : vector<128x128xi32>
    %reduce_min3A_96 = vector.multi_reduction <minsi>, %select_n3A_94, %reduce_min3A_95 [1] : vector<128x80x128xi32> to vector<128x128xi32>
    %iota3A_97 = tpu.iota {dimensions = array<i32: 1>} : vector<128x128xi32>
    %concatenate3A = tpu.concatenate %reduce_max3A_13, %reduce_max3A_24, %reduce_max3A_40, %reduce_max3A_56, %reduce_max3A_72, %reduce_max3A_88 in 1 : vector<128x128xf32>, vector<128x128xf32>, vector<128x128xf32>, vector<128x128xf32>, vector<128x128xf32>, vector<128x128xf32> -> vector<128x768xf32>
    %mul3A_98 = arith.constant 128 : i32
    %mul3A_99 = vector.broadcast %mul3A_98 : i32 to vector<128x128xi32>
    %mul3A_100 = arith.muli %reduce_min3A_16, %mul3A_99 : vector<128x128xi32>
    %add3A = arith.addi %mul3A_100, %iota3A_97 : vector<128x128xi32>
    %mul3A_101 = arith.constant 128 : i32
    %mul3A_102 = vector.broadcast %mul3A_101 : i32 to vector<128x128xi32>
    %mul3A_103 = arith.muli %reduce_min3A_32, %mul3A_102 : vector<128x128xi32>
    %add3A_104 = arith.addi %mul3A_103, %iota3A_97 : vector<128x128xi32>
    %mul3A_105 = arith.constant 128 : i32
    %mul3A_106 = vector.broadcast %mul3A_105 : i32 to vector<128x128xi32>
    %mul3A_107 = arith.muli %reduce_min3A_48, %mul3A_106 : vector<128x128xi32>
    %add3A_108 = arith.addi %mul3A_107, %iota3A_97 : vector<128x128xi32>
    %mul3A_109 = arith.constant 128 : i32
    %mul3A_110 = vector.broadcast %mul3A_109 : i32 to vector<128x128xi32>
    %mul3A_111 = arith.muli %reduce_min3A_64, %mul3A_110 : vector<128x128xi32>
    %add3A_112 = arith.addi %mul3A_111, %iota3A_97 : vector<128x128xi32>
    %mul3A_113 = arith.constant 128 : i32
    %mul3A_114 = vector.broadcast %mul3A_113 : i32 to vector<128x128xi32>
    %mul3A_115 = arith.muli %reduce_min3A_80, %mul3A_114 : vector<128x128xi32>
    %add3A_116 = arith.addi %mul3A_115, %iota3A_97 : vector<128x128xi32>
    %mul3A_117 = arith.constant 128 : i32
    %mul3A_118 = vector.broadcast %mul3A_117 : i32 to vector<128x128xi32>
    %mul3A_119 = arith.muli %reduce_min3A_96, %mul3A_118 : vector<128x128xi32>
    %add3A_120 = arith.addi %mul3A_119, %iota3A_97 : vector<128x128xi32>
    %concatenate3A_121 = tpu.concatenate %add3A, %add3A_104, %add3A_108, %add3A_112, %add3A_116, %add3A_120 in 1 : vector<128x128xi32>, vector<128x128xi32>, vector<128x128xi32>, vector<128x128xi32>, vector<128x128xi32>, vector<128x128xi32> -> vector<128x768xi32>
    %reduce_max3A_122 = arith.constant dense<0xFF800000> : vector<128xf32>
    %reduce_max3A_123 = vector.multi_reduction <maximumf>, %concatenate3A, %reduce_max3A_122 [1] : vector<128x768xf32> to vector<128xf32>
    %broadcast_in_dim3A_124 = vector.shape_cast %reduce_max3A_123 : vector<128xf32> to vector<128x1xf32>
    %eq3A_125 = vector.broadcast %broadcast_in_dim3A_124 : vector<128x1xf32> to vector<128x768xf32>
    %eq3A_126 = arith.cmpf oeq, %concatenate3A, %eq3A_125 : vector<128x768xf32>
    %jit3A_127 = arith.constant 10240 : i32
    %broadcast_in_dim3A_128 = vector.broadcast %jit3A_127 : i32 to vector<128x768xi32>
    %select_n3A_129 = arith.select %eq3A_126, %concatenate3A_121, %broadcast_in_dim3A_128 : vector<128x768xi1>, vector<128x768xi32>
    %reduce_min3A_130 = arith.constant dense<2147483647> : vector<128xi32>
    %reduce_min3A_131 = vector.multi_reduction <minsi>, %select_n3A_129, %reduce_min3A_130 [1] : vector<128x768xi32> to vector<128xi32>
    %broadcast_in_dim3A_132 = vector.shape_cast %reduce_min3A_131 : vector<128xi32> to vector<128x1xi32>
    %eq3A_133 = vector.broadcast %broadcast_in_dim3A_132 : vector<128x1xi32> to vector<128x768xi32>
    %eq3A_134 = arith.cmpi eq, %concatenate3A_121, %eq3A_133 : vector<128x768xi32>
    %jit3A_135 = arith.constant -3.000000e+38 : f32
    %broadcast_in_dim3A_136 = vector.broadcast %jit3A_135 : f32 to vector<128x768xf32>
    %select_n3A_137 = arith.select %eq3A_134, %broadcast_in_dim3A_136, %concatenate3A : vector<128x768xi1>, vector<128x768xf32>
    %reduce_max3A_138 = arith.constant dense<0xFF800000> : vector<128xf32>
    %reduce_max3A_139 = vector.multi_reduction <maximumf>, %select_n3A_137, %reduce_max3A_138 [1] : vector<128x768xf32> to vector<128xf32>
    %broadcast_in_dim3A_140 = vector.shape_cast %reduce_max3A_139 : vector<128xf32> to vector<128x1xf32>
    %eq3A_141 = vector.broadcast %broadcast_in_dim3A_140 : vector<128x1xf32> to vector<128x768xf32>
    %eq3A_142 = arith.cmpf oeq, %select_n3A_137, %eq3A_141 : vector<128x768xf32>
    %jit3A_143 = arith.constant 10240 : i32
    %broadcast_in_dim3A_144 = vector.broadcast %jit3A_143 : i32 to vector<128x768xi32>
    %select_n3A_145 = arith.select %eq3A_142, %concatenate3A_121, %broadcast_in_dim3A_144 : vector<128x768xi1>, vector<128x768xi32>
    %reduce_min3A_146 = arith.constant dense<2147483647> : vector<128xi32>
    %reduce_min3A_147 = vector.multi_reduction <minsi>, %select_n3A_145, %reduce_min3A_146 [1] : vector<128x768xi32> to vector<128xi32>
    %broadcast_in_dim3A_148 = vector.shape_cast %reduce_min3A_147 : vector<128xi32> to vector<128x1xi32>
    %eq3A_149 = vector.broadcast %broadcast_in_dim3A_148 : vector<128x1xi32> to vector<128x768xi32>
    %eq3A_150 = arith.cmpi eq, %concatenate3A_121, %eq3A_149 : vector<128x768xi32>
    %jit3A_151 = arith.constant -3.000000e+38 : f32
    %broadcast_in_dim3A_152 = vector.broadcast %jit3A_151 : f32 to vector<128x768xf32>
    %select_n3A_153 = arith.select %eq3A_150, %broadcast_in_dim3A_152, %select_n3A_137 : vector<128x768xi1>, vector<128x768xf32>
    %reduce_max3A_154 = arith.constant dense<0xFF800000> : vector<128xf32>
    %reduce_max3A_155 = vector.multi_reduction <maximumf>, %select_n3A_153, %reduce_max3A_154 [1] : vector<128x768xf32> to vector<128xf32>
    %broadcast_in_dim3A_156 = vector.shape_cast %reduce_max3A_155 : vector<128xf32> to vector<128x1xf32>
    %eq3A_157 = vector.broadcast %broadcast_in_dim3A_156 : vector<128x1xf32> to vector<128x768xf32>
    %eq3A_158 = arith.cmpf oeq, %select_n3A_153, %eq3A_157 : vector<128x768xf32>
    %jit3A_159 = arith.constant 10240 : i32
    %broadcast_in_dim3A_160 = vector.broadcast %jit3A_159 : i32 to vector<128x768xi32>
    %select_n3A_161 = arith.select %eq3A_158, %concatenate3A_121, %broadcast_in_dim3A_160 : vector<128x768xi1>, vector<128x768xi32>
    %reduce_min3A_162 = arith.constant dense<2147483647> : vector<128xi32>
    %reduce_min3A_163 = vector.multi_reduction <minsi>, %select_n3A_161, %reduce_min3A_162 [1] : vector<128x768xi32> to vector<128xi32>
    %broadcast_in_dim3A_164 = vector.shape_cast %reduce_min3A_163 : vector<128xi32> to vector<128x1xi32>
    %eq3A_165 = vector.broadcast %broadcast_in_dim3A_164 : vector<128x1xi32> to vector<128x768xi32>
    %eq3A_166 = arith.cmpi eq, %concatenate3A_121, %eq3A_165 : vector<128x768xi32>
    %jit3A_167 = arith.constant -3.000000e+38 : f32
    %broadcast_in_dim3A_168 = vector.broadcast %jit3A_167 : f32 to vector<128x768xf32>
    %select_n3A_169 = arith.select %eq3A_166, %broadcast_in_dim3A_168, %select_n3A_153 : vector<128x768xi1>, vector<128x768xf32>
    %reduce_max3A_170 = arith.constant dense<0xFF800000> : vector<128xf32>
    %reduce_max3A_171 = vector.multi_reduction <maximumf>, %select_n3A_169, %reduce_max3A_170 [1] : vector<128x768xf32> to vector<128xf32>
    %broadcast_in_dim3A_172 = vector.shape_cast %reduce_max3A_171 : vector<128xf32> to vector<128x1xf32>
    %eq3A_173 = vector.broadcast %broadcast_in_dim3A_172 : vector<128x1xf32> to vector<128x768xf32>
    %eq3A_174 = arith.cmpf oeq, %select_n3A_169, %eq3A_173 : vector<128x768xf32>
    %jit3A_175 = arith.constant 10240 : i32
    %broadcast_in_dim3A_176 = vector.broadcast %jit3A_175 : i32 to vector<128x768xi32>
    %select_n3A_177 = arith.select %eq3A_174, %concatenate3A_121, %broadcast_in_dim3A_176 : vector<128x768xi1>, vector<128x768xi32>
    %reduce_min3A_178 = arith.constant dense<2147483647> : vector<128xi32>
    %reduce_min3A_179 = vector.multi_reduction <minsi>, %select_n3A_177, %reduce_min3A_178 [1] : vector<128x768xi32> to vector<128xi32>
    %broadcast_in_dim3A_180 = vector.shape_cast %reduce_min3A_179 : vector<128xi32> to vector<128x1xi32>
    %eq3A_181 = vector.broadcast %broadcast_in_dim3A_180 : vector<128x1xi32> to vector<128x768xi32>
    %eq3A_182 = arith.cmpi eq, %concatenate3A_121, %eq3A_181 : vector<128x768xi32>
    %jit3A_183 = arith.constant -3.000000e+38 : f32
    %broadcast_in_dim3A_184 = vector.broadcast %jit3A_183 : f32 to vector<128x768xf32>
    %select_n3A_185 = arith.select %eq3A_182, %broadcast_in_dim3A_184, %select_n3A_169 : vector<128x768xi1>, vector<128x768xf32>
    %reduce_max3A_186 = arith.constant dense<0xFF800000> : vector<128xf32>
    %reduce_max3A_187 = vector.multi_reduction <maximumf>, %select_n3A_185, %reduce_max3A_186 [1] : vector<128x768xf32> to vector<128xf32>
    %broadcast_in_dim3A_188 = vector.shape_cast %reduce_max3A_187 : vector<128xf32> to vector<128x1xf32>
    %eq3A_189 = vector.broadcast %broadcast_in_dim3A_188 : vector<128x1xf32> to vector<128x768xf32>
    %eq3A_190 = arith.cmpf oeq, %select_n3A_185, %eq3A_189 : vector<128x768xf32>
    %jit3A_191 = arith.constant 10240 : i32
    %broadcast_in_dim3A_192 = vector.broadcast %jit3A_191 : i32 to vector<128x768xi32>
    %select_n3A_193 = arith.select %eq3A_190, %concatenate3A_121, %broadcast_in_dim3A_192 : vector<128x768xi1>, vector<128x768xi32>
    %reduce_min3A_194 = arith.constant dense<2147483647> : vector<128xi32>
    %reduce_min3A_195 = vector.multi_reduction <minsi>, %select_n3A_193, %reduce_min3A_194 [1] : vector<128x768xi32> to vector<128xi32>
    %broadcast_in_dim3A_196 = vector.shape_cast %reduce_min3A_195 : vector<128xi32> to vector<128x1xi32>
    %eq3A_197 = vector.broadcast %broadcast_in_dim3A_196 : vector<128x1xi32> to vector<128x768xi32>
    %eq3A_198 = arith.cmpi eq, %concatenate3A_121, %eq3A_197 : vector<128x768xi32>
    %jit3A_199 = arith.constant -3.000000e+38 : f32
    %broadcast_in_dim3A_200 = vector.broadcast %jit3A_199 : f32 to vector<128x768xf32>
    %select_n3A_201 = arith.select %eq3A_198, %broadcast_in_dim3A_200, %select_n3A_185 : vector<128x768xi1>, vector<128x768xf32>
    %reduce_max3A_202 = arith.constant dense<0xFF800000> : vector<128xf32>
    %reduce_max3A_203 = vector.multi_reduction <maximumf>, %select_n3A_201, %reduce_max3A_202 [1] : vector<128x768xf32> to vector<128xf32>
    %broadcast_in_dim3A_204 = vector.shape_cast %reduce_max3A_203 : vector<128xf32> to vector<128x1xf32>
    %eq3A_205 = vector.broadcast %broadcast_in_dim3A_204 : vector<128x1xf32> to vector<128x768xf32>
    %eq3A_206 = arith.cmpf oeq, %select_n3A_201, %eq3A_205 : vector<128x768xf32>
    %jit3A_207 = arith.constant 10240 : i32
    %broadcast_in_dim3A_208 = vector.broadcast %jit3A_207 : i32 to vector<128x768xi32>
    %select_n3A_209 = arith.select %eq3A_206, %concatenate3A_121, %broadcast_in_dim3A_208 : vector<128x768xi1>, vector<128x768xi32>
    %reduce_min3A_210 = arith.constant dense<2147483647> : vector<128xi32>
    %reduce_min3A_211 = vector.multi_reduction <minsi>, %select_n3A_209, %reduce_min3A_210 [1] : vector<128x768xi32> to vector<128xi32>
    %broadcast_in_dim3A_212 = vector.shape_cast %reduce_min3A_211 : vector<128xi32> to vector<128x1xi32>
    %eq3A_213 = vector.broadcast %broadcast_in_dim3A_212 : vector<128x1xi32> to vector<128x768xi32>
    %eq3A_214 = arith.cmpi eq, %concatenate3A_121, %eq3A_213 : vector<128x768xi32>
    %jit3A_215 = arith.constant -3.000000e+38 : f32
    %broadcast_in_dim3A_216 = vector.broadcast %jit3A_215 : f32 to vector<128x768xf32>
    %select_n3A_217 = arith.select %eq3A_214, %broadcast_in_dim3A_216, %select_n3A_201 : vector<128x768xi1>, vector<128x768xf32>
    %reduce_max3A_218 = arith.constant dense<0xFF800000> : vector<128xf32>
    %reduce_max3A_219 = vector.multi_reduction <maximumf>, %select_n3A_217, %reduce_max3A_218 [1] : vector<128x768xf32> to vector<128xf32>
    %broadcast_in_dim3A_220 = vector.shape_cast %reduce_max3A_219 : vector<128xf32> to vector<128x1xf32>
    %eq3A_221 = vector.broadcast %broadcast_in_dim3A_220 : vector<128x1xf32> to vector<128x768xf32>
    %eq3A_222 = arith.cmpf oeq, %select_n3A_217, %eq3A_221 : vector<128x768xf32>
    %jit3A_223 = arith.constant 10240 : i32
    %broadcast_in_dim3A_224 = vector.broadcast %jit3A_223 : i32 to vector<128x768xi32>
    %select_n3A_225 = arith.select %eq3A_222, %concatenate3A_121, %broadcast_in_dim3A_224 : vector<128x768xi1>, vector<128x768xi32>
    %reduce_min3A_226 = arith.constant dense<2147483647> : vector<128xi32>
    %reduce_min3A_227 = vector.multi_reduction <minsi>, %select_n3A_225, %reduce_min3A_226 [1] : vector<128x768xi32> to vector<128xi32>
    %broadcast_in_dim3A_228 = vector.shape_cast %reduce_min3A_227 : vector<128xi32> to vector<128x1xi32>
    %eq3A_229 = vector.broadcast %broadcast_in_dim3A_228 : vector<128x1xi32> to vector<128x768xi32>
    %eq3A_230 = arith.cmpi eq, %concatenate3A_121, %eq3A_229 : vector<128x768xi32>
    %jit3A_231 = arith.constant -3.000000e+38 : f32
    %broadcast_in_dim3A_232 = vector.broadcast %jit3A_231 : f32 to vector<128x768xf32>
    %select_n3A_233 = arith.select %eq3A_230, %broadcast_in_dim3A_232, %select_n3A_217 : vector<128x768xi1>, vector<128x768xf32>
    %reduce_max3A_234 = arith.constant dense<0xFF800000> : vector<128xf32>
    %reduce_max3A_235 = vector.multi_reduction <maximumf>, %select_n3A_233, %reduce_max3A_234 [1] : vector<128x768xf32> to vector<128xf32>
    %broadcast_in_dim3A_236 = vector.shape_cast %reduce_max3A_235 : vector<128xf32> to vector<128x1xf32>
    %eq3A_237 = vector.broadcast %broadcast_in_dim3A_236 : vector<128x1xf32> to vector<128x768xf32>
    %eq3A_238 = arith.cmpf oeq, %select_n3A_233, %eq3A_237 : vector<128x768xf32>
    %jit3A_239 = arith.constant 10240 : i32
    %broadcast_in_dim3A_240 = vector.broadcast %jit3A_239 : i32 to vector<128x768xi32>
    %select_n3A_241 = arith.select %eq3A_238, %concatenate3A_121, %broadcast_in_dim3A_240 : vector<128x768xi1>, vector<128x768xi32>
    %reduce_min3A_242 = arith.constant dense<2147483647> : vector<128xi32>
    %reduce_min3A_243 = vector.multi_reduction <minsi>, %select_n3A_241, %reduce_min3A_242 [1] : vector<128x768xi32> to vector<128xi32>
    %broadcast_in_dim3A_244 = vector.shape_cast %reduce_min3A_243 : vector<128xi32> to vector<128x1xi32>
    %eq3A_245 = vector.broadcast %broadcast_in_dim3A_244 : vector<128x1xi32> to vector<128x768xi32>
    %eq3A_246 = arith.cmpi eq, %concatenate3A_121, %eq3A_245 : vector<128x768xi32>
    %jit3A_247 = arith.constant -3.000000e+38 : f32
    %broadcast_in_dim3A_248 = vector.broadcast %jit3A_247 : f32 to vector<128x768xf32>
    %select_n3A_249 = arith.select %eq3A_246, %broadcast_in_dim3A_248, %select_n3A_233 : vector<128x768xi1>, vector<128x768xf32>
    %reduce_max3A_250 = arith.constant dense<0xFF800000> : vector<128xf32>
    %reduce_max3A_251 = vector.multi_reduction <maximumf>, %select_n3A_249, %reduce_max3A_250 [1] : vector<128x768xf32> to vector<128xf32>
    %broadcast_in_dim3A_252 = vector.shape_cast %reduce_max3A_251 : vector<128xf32> to vector<128x1xf32>
    %eq3A_253 = vector.broadcast %broadcast_in_dim3A_252 : vector<128x1xf32> to vector<128x768xf32>
    %eq3A_254 = arith.cmpf oeq, %select_n3A_249, %eq3A_253 : vector<128x768xf32>
    %jit3A_255 = arith.constant 10240 : i32
    %broadcast_in_dim3A_256 = vector.broadcast %jit3A_255 : i32 to vector<128x768xi32>
    %select_n3A_257 = arith.select %eq3A_254, %concatenate3A_121, %broadcast_in_dim3A_256 : vector<128x768xi1>, vector<128x768xi32>
    %reduce_min3A_258 = arith.constant dense<2147483647> : vector<128xi32>
    %reduce_min3A_259 = vector.multi_reduction <minsi>, %select_n3A_257, %reduce_min3A_258 [1] : vector<128x768xi32> to vector<128xi32>
    %broadcast_in_dim3A_260 = vector.shape_cast %reduce_min3A_259 : vector<128xi32> to vector<128x1xi32>
    %eq3A_261 = vector.broadcast %broadcast_in_dim3A_260 : vector<128x1xi32> to vector<128x768xi32>
    %eq3A_262 = arith.cmpi eq, %concatenate3A_121, %eq3A_261 : vector<128x768xi32>
    %jit3A_263 = arith.constant -3.000000e+38 : f32
    %broadcast_in_dim3A_264 = vector.broadcast %jit3A_263 : f32 to vector<128x768xf32>
    %select_n3A_265 = arith.select %eq3A_262, %broadcast_in_dim3A_264, %select_n3A_249 : vector<128x768xi1>, vector<128x768xf32>
    %reduce_max3A_266 = arith.constant dense<0xFF800000> : vector<128xf32>
    %reduce_max3A_267 = vector.multi_reduction <maximumf>, %select_n3A_265, %reduce_max3A_266 [1] : vector<128x768xf32> to vector<128xf32>
    %broadcast_in_dim3A_268 = vector.shape_cast %reduce_max3A_267 : vector<128xf32> to vector<128x1xf32>
    %eq3A_269 = vector.broadcast %broadcast_in_dim3A_268 : vector<128x1xf32> to vector<128x768xf32>
    %eq3A_270 = arith.cmpf oeq, %select_n3A_265, %eq3A_269 : vector<128x768xf32>
    %jit3A_271 = arith.constant 10240 : i32
    %broadcast_in_dim3A_272 = vector.broadcast %jit3A_271 : i32 to vector<128x768xi32>
    %select_n3A_273 = arith.select %eq3A_270, %concatenate3A_121, %broadcast_in_dim3A_272 : vector<128x768xi1>, vector<128x768xi32>
    %reduce_min3A_274 = arith.constant dense<2147483647> : vector<128xi32>
    %reduce_min3A_275 = vector.multi_reduction <minsi>, %select_n3A_273, %reduce_min3A_274 [1] : vector<128x768xi32> to vector<128xi32>
    %broadcast_in_dim3A_276 = vector.shape_cast %reduce_min3A_275 : vector<128xi32> to vector<128x1xi32>
    %eq3A_277 = vector.broadcast %broadcast_in_dim3A_276 : vector<128x1xi32> to vector<128x768xi32>
    %eq3A_278 = arith.cmpi eq, %concatenate3A_121, %eq3A_277 : vector<128x768xi32>
    %jit3A_279 = arith.constant -3.000000e+38 : f32
    %broadcast_in_dim3A_280 = vector.broadcast %jit3A_279 : f32 to vector<128x768xf32>
    %select_n3A_281 = arith.select %eq3A_278, %broadcast_in_dim3A_280, %select_n3A_265 : vector<128x768xi1>, vector<128x768xf32>
    %reduce_max3A_282 = arith.constant dense<0xFF800000> : vector<128xf32>
    %reduce_max3A_283 = vector.multi_reduction <maximumf>, %select_n3A_281, %reduce_max3A_282 [1] : vector<128x768xf32> to vector<128xf32>
    %broadcast_in_dim3A_284 = vector.shape_cast %reduce_max3A_283 : vector<128xf32> to vector<128x1xf32>
    %eq3A_285 = vector.broadcast %broadcast_in_dim3A_284 : vector<128x1xf32> to vector<128x768xf32>
    %eq3A_286 = arith.cmpf oeq, %select_n3A_281, %eq3A_285 : vector<128x768xf32>
    %jit3A_287 = arith.constant 10240 : i32
    %broadcast_in_dim3A_288 = vector.broadcast %jit3A_287 : i32 to vector<128x768xi32>
    %select_n3A_289 = arith.select %eq3A_286, %concatenate3A_121, %broadcast_in_dim3A_288 : vector<128x768xi1>, vector<128x768xi32>
    %reduce_min3A_290 = arith.constant dense<2147483647> : vector<128xi32>
    %reduce_min3A_291 = vector.multi_reduction <minsi>, %select_n3A_289, %reduce_min3A_290 [1] : vector<128x768xi32> to vector<128xi32>
    %broadcast_in_dim3A_292 = vector.shape_cast %reduce_min3A_291 : vector<128xi32> to vector<128x1xi32>
    %eq3A_293 = vector.broadcast %broadcast_in_dim3A_292 : vector<128x1xi32> to vector<128x768xi32>
    %eq3A_294 = arith.cmpi eq, %concatenate3A_121, %eq3A_293 : vector<128x768xi32>
    %jit3A_295 = arith.constant -3.000000e+38 : f32
    %broadcast_in_dim3A_296 = vector.broadcast %jit3A_295 : f32 to vector<128x768xf32>
    %select_n3A_297 = arith.select %eq3A_294, %broadcast_in_dim3A_296, %select_n3A_281 : vector<128x768xi1>, vector<128x768xf32>
    %reduce_max3A_298 = arith.constant dense<0xFF800000> : vector<128xf32>
    %reduce_max3A_299 = vector.multi_reduction <maximumf>, %select_n3A_297, %reduce_max3A_298 [1] : vector<128x768xf32> to vector<128xf32>
    %broadcast_in_dim3A_300 = vector.shape_cast %reduce_max3A_299 : vector<128xf32> to vector<128x1xf32>
    %eq3A_301 = vector.broadcast %broadcast_in_dim3A_300 : vector<128x1xf32> to vector<128x768xf32>
    %eq3A_302 = arith.cmpf oeq, %select_n3A_297, %eq3A_301 : vector<128x768xf32>
    %jit3A_303 = arith.constant 10240 : i32
    %broadcast_in_dim3A_304 = vector.broadcast %jit3A_303 : i32 to vector<128x768xi32>
    %select_n3A_305 = arith.select %eq3A_302, %concatenate3A_121, %broadcast_in_dim3A_304 : vector<128x768xi1>, vector<128x768xi32>
    %reduce_min3A_306 = arith.constant dense<2147483647> : vector<128xi32>
    %reduce_min3A_307 = vector.multi_reduction <minsi>, %select_n3A_305, %reduce_min3A_306 [1] : vector<128x768xi32> to vector<128xi32>
    %broadcast_in_dim3A_308 = vector.shape_cast %reduce_min3A_307 : vector<128xi32> to vector<128x1xi32>
    %eq3A_309 = vector.broadcast %broadcast_in_dim3A_308 : vector<128x1xi32> to vector<128x768xi32>
    %eq3A_310 = arith.cmpi eq, %concatenate3A_121, %eq3A_309 : vector<128x768xi32>
    %jit3A_311 = arith.constant -3.000000e+38 : f32
    %broadcast_in_dim3A_312 = vector.broadcast %jit3A_311 : f32 to vector<128x768xf32>
    %select_n3A_313 = arith.select %eq3A_310, %broadcast_in_dim3A_312, %select_n3A_297 : vector<128x768xi1>, vector<128x768xf32>
    %reduce_max3A_314 = arith.constant dense<0xFF800000> : vector<128xf32>
    %reduce_max3A_315 = vector.multi_reduction <maximumf>, %select_n3A_313, %reduce_max3A_314 [1] : vector<128x768xf32> to vector<128xf32>
    %broadcast_in_dim3A_316 = vector.shape_cast %reduce_max3A_315 : vector<128xf32> to vector<128x1xf32>
    %eq3A_317 = vector.broadcast %broadcast_in_dim3A_316 : vector<128x1xf32> to vector<128x768xf32>
    %eq3A_318 = arith.cmpf oeq, %select_n3A_313, %eq3A_317 : vector<128x768xf32>
    %jit3A_319 = arith.constant 10240 : i32
    %broadcast_in_dim3A_320 = vector.broadcast %jit3A_319 : i32 to vector<128x768xi32>
    %select_n3A_321 = arith.select %eq3A_318, %concatenate3A_121, %broadcast_in_dim3A_320 : vector<128x768xi1>, vector<128x768xi32>
    %reduce_min3A_322 = arith.constant dense<2147483647> : vector<128xi32>
    %reduce_min3A_323 = vector.multi_reduction <minsi>, %select_n3A_321, %reduce_min3A_322 [1] : vector<128x768xi32> to vector<128xi32>
    %broadcast_in_dim3A_324 = vector.shape_cast %reduce_min3A_323 : vector<128xi32> to vector<128x1xi32>
    %eq3A_325 = vector.broadcast %broadcast_in_dim3A_324 : vector<128x1xi32> to vector<128x768xi32>
    %eq3A_326 = arith.cmpi eq, %concatenate3A_121, %eq3A_325 : vector<128x768xi32>
    %jit3A_327 = arith.constant -3.000000e+38 : f32
    %broadcast_in_dim3A_328 = vector.broadcast %jit3A_327 : f32 to vector<128x768xf32>
    %select_n3A_329 = arith.select %eq3A_326, %broadcast_in_dim3A_328, %select_n3A_313 : vector<128x768xi1>, vector<128x768xf32>
    %reduce_max3A_330 = arith.constant dense<0xFF800000> : vector<128xf32>
    %reduce_max3A_331 = vector.multi_reduction <maximumf>, %select_n3A_329, %reduce_max3A_330 [1] : vector<128x768xf32> to vector<128xf32>
    %broadcast_in_dim3A_332 = vector.shape_cast %reduce_max3A_331 : vector<128xf32> to vector<128x1xf32>
    %eq3A_333 = vector.broadcast %broadcast_in_dim3A_332 : vector<128x1xf32> to vector<128x768xf32>
    %eq3A_334 = arith.cmpf oeq, %select_n3A_329, %eq3A_333 : vector<128x768xf32>
    %jit3A_335 = arith.constant 10240 : i32
    %broadcast_in_dim3A_336 = vector.broadcast %jit3A_335 : i32 to vector<128x768xi32>
    %select_n3A_337 = arith.select %eq3A_334, %concatenate3A_121, %broadcast_in_dim3A_336 : vector<128x768xi1>, vector<128x768xi32>
    %reduce_min3A_338 = arith.constant dense<2147483647> : vector<128xi32>
    %reduce_min3A_339 = vector.multi_reduction <minsi>, %select_n3A_337, %reduce_min3A_338 [1] : vector<128x768xi32> to vector<128xi32>
    %broadcast_in_dim3A_340 = vector.shape_cast %reduce_min3A_339 : vector<128xi32> to vector<128x1xi32>
    %eq3A_341 = vector.broadcast %broadcast_in_dim3A_340 : vector<128x1xi32> to vector<128x768xi32>
    %eq3A_342 = arith.cmpi eq, %concatenate3A_121, %eq3A_341 : vector<128x768xi32>
    %jit3A_343 = arith.constant -3.000000e+38 : f32
    %broadcast_in_dim3A_344 = vector.broadcast %jit3A_343 : f32 to vector<128x768xf32>
    %select_n3A_345 = arith.select %eq3A_342, %broadcast_in_dim3A_344, %select_n3A_329 : vector<128x768xi1>, vector<128x768xf32>
    %reduce_max3A_346 = arith.constant dense<0xFF800000> : vector<128xf32>
    %reduce_max3A_347 = vector.multi_reduction <maximumf>, %select_n3A_345, %reduce_max3A_346 [1] : vector<128x768xf32> to vector<128xf32>
    %broadcast_in_dim3A_348 = vector.shape_cast %reduce_max3A_347 : vector<128xf32> to vector<128x1xf32>
    %eq3A_349 = vector.broadcast %broadcast_in_dim3A_348 : vector<128x1xf32> to vector<128x768xf32>
    %eq3A_350 = arith.cmpf oeq, %select_n3A_345, %eq3A_349 : vector<128x768xf32>
    %jit3A_351 = arith.constant 10240 : i32
    %broadcast_in_dim3A_352 = vector.broadcast %jit3A_351 : i32 to vector<128x768xi32>
    %select_n3A_353 = arith.select %eq3A_350, %concatenate3A_121, %broadcast_in_dim3A_352 : vector<128x768xi1>, vector<128x768xi32>
    %reduce_min3A_354 = arith.constant dense<2147483647> : vector<128xi32>
    %reduce_min3A_355 = vector.multi_reduction <minsi>, %select_n3A_353, %reduce_min3A_354 [1] : vector<128x768xi32> to vector<128xi32>
    %broadcast_in_dim3A_356 = vector.shape_cast %reduce_min3A_355 : vector<128xi32> to vector<128x1xi32>
    %eq3A_357 = vector.broadcast %broadcast_in_dim3A_356 : vector<128x1xi32> to vector<128x768xi32>
    %eq3A_358 = arith.cmpi eq, %concatenate3A_121, %eq3A_357 : vector<128x768xi32>
    %jit3A_359 = arith.constant -3.000000e+38 : f32
    %broadcast_in_dim3A_360 = vector.broadcast %jit3A_359 : f32 to vector<128x768xf32>
    %select_n3A_361 = arith.select %eq3A_358, %broadcast_in_dim3A_360, %select_n3A_345 : vector<128x768xi1>, vector<128x768xf32>
    %reduce_max3A_362 = arith.constant dense<0xFF800000> : vector<128xf32>
    %reduce_max3A_363 = vector.multi_reduction <maximumf>, %select_n3A_361, %reduce_max3A_362 [1] : vector<128x768xf32> to vector<128xf32>
    %broadcast_in_dim3A_364 = vector.shape_cast %reduce_max3A_363 : vector<128xf32> to vector<128x1xf32>
    %eq3A_365 = vector.broadcast %broadcast_in_dim3A_364 : vector<128x1xf32> to vector<128x768xf32>
    %eq3A_366 = arith.cmpf oeq, %select_n3A_361, %eq3A_365 : vector<128x768xf32>
    %jit3A_367 = arith.constant 10240 : i32
    %broadcast_in_dim3A_368 = vector.broadcast %jit3A_367 : i32 to vector<128x768xi32>
    %select_n3A_369 = arith.select %eq3A_366, %concatenate3A_121, %broadcast_in_dim3A_368 : vector<128x768xi1>, vector<128x768xi32>
    %reduce_min3A_370 = arith.constant dense<2147483647> : vector<128xi32>
    %reduce_min3A_371 = vector.multi_reduction <minsi>, %select_n3A_369, %reduce_min3A_370 [1] : vector<128x768xi32> to vector<128xi32>
    %broadcast_in_dim3A_372 = vector.shape_cast %reduce_min3A_371 : vector<128xi32> to vector<128x1xi32>
    %eq3A_373 = vector.broadcast %broadcast_in_dim3A_372 : vector<128x1xi32> to vector<128x768xi32>
    %eq3A_374 = arith.cmpi eq, %concatenate3A_121, %eq3A_373 : vector<128x768xi32>
    %jit3A_375 = arith.constant -3.000000e+38 : f32
    %broadcast_in_dim3A_376 = vector.broadcast %jit3A_375 : f32 to vector<128x768xf32>
    %select_n3A_377 = arith.select %eq3A_374, %broadcast_in_dim3A_376, %select_n3A_361 : vector<128x768xi1>, vector<128x768xf32>
    %reduce_max3A_378 = arith.constant dense<0xFF800000> : vector<128xf32>
    %reduce_max3A_379 = vector.multi_reduction <maximumf>, %select_n3A_377, %reduce_max3A_378 [1] : vector<128x768xf32> to vector<128xf32>
    %broadcast_in_dim3A_380 = vector.shape_cast %reduce_max3A_379 : vector<128xf32> to vector<128x1xf32>
    %eq3A_381 = vector.broadcast %broadcast_in_dim3A_380 : vector<128x1xf32> to vector<128x768xf32>
    %eq3A_382 = arith.cmpf oeq, %select_n3A_377, %eq3A_381 : vector<128x768xf32>
    %jit3A_383 = arith.constant 10240 : i32
    %broadcast_in_dim3A_384 = vector.broadcast %jit3A_383 : i32 to vector<128x768xi32>
    %select_n3A_385 = arith.select %eq3A_382, %concatenate3A_121, %broadcast_in_dim3A_384 : vector<128x768xi1>, vector<128x768xi32>
    %reduce_min3A_386 = arith.constant dense<2147483647> : vector<128xi32>
    %reduce_min3A_387 = vector.multi_reduction <minsi>, %select_n3A_385, %reduce_min3A_386 [1] : vector<128x768xi32> to vector<128xi32>
    %broadcast_in_dim3A_388 = vector.shape_cast %reduce_min3A_387 : vector<128xi32> to vector<128x1xi32>
    %concatenate3A_389 = tpu.concatenate %broadcast_in_dim3A_148, %broadcast_in_dim3A_164, %broadcast_in_dim3A_180, %broadcast_in_dim3A_196, %broadcast_in_dim3A_212, %broadcast_in_dim3A_228, %broadcast_in_dim3A_244, %broadcast_in_dim3A_260, %broadcast_in_dim3A_276, %broadcast_in_dim3A_292, %broadcast_in_dim3A_308, %broadcast_in_dim3A_324, %broadcast_in_dim3A_340, %broadcast_in_dim3A_356, %broadcast_in_dim3A_372, %broadcast_in_dim3A_388 in 1 : vector<128x1xi32>, vector<128x1xi32>, vector<128x1xi32>, vector<128x1xi32>, vector<128x1xi32>, vector<128x1xi32>, vector<128x1xi32>, vector<128x1xi32>, vector<128x1xi32>, vector<128x1xi32>, vector<128x1xi32>, vector<128x1xi32>, vector<128x1xi32>, vector<128x1xi32>, vector<128x1xi32>, vector<128x1xi32> -> vector<128x16xi32>
    %swap3A = arith.constant 0 : index
    %swap3A_390 = arith.constant 0 : index
    %swap3A_391 = vector.load %arg4[%swap3A, %swap3A_390] : memref<128x16xi32, #tpu.memory_space<vmem>>, vector<128x16xi32>
    tpu.vector_store %arg4[%swap3A, %swap3A_390], %concatenate3A_389 {strides = array<i32>} : memref<128x16xi32, #tpu.memory_space<vmem>>, vector<128x16xi32>,
    return
  }
  func.func @transform_0(%arg0: i32) -> (i32, i32) {
    %c0_i32 = arith.constant 0 : i32
    %c0_i32_0 = arith.constant 0 : i32
    return %arg0, %c0_i32 : i32, i32
  }
  func.func @transform_1(%arg0: i32) -> (i32, i32) {
    %c0_i32 = arith.constant 0 : i32
    %c0_i32_0 = arith.constant 0 : i32
    %c0_i32_1 = arith.constant 0 : i32
    return %c0_i32, %c0_i32_0 : i32, i32
  }
  func.func @transform_2(%arg0: i32) -> (i32, i32) {
    %c0_i32 = arith.constant 0 : i32
    %c0_i32_0 = arith.constant 0 : i32
    %c0_i32_1 = arith.constant 0 : i32
    return %c0_i32, %c0_i32_0 : i32, i32
  }
  func.func @transform_3(%arg0: i32) -> (i32, i32) {
    %c0_i32 = arith.constant 0 : i32
    %c0_i32_0 = arith.constant 0 : i32
    return %arg0, %c0_i32 : i32, i32
  }
}

module attributes {stable_mosaic.version = 14 : i64} {
  func.func @_edge_body(%arg0: i32, %arg1: memref<200x128xf32, #tpu.memory_space<vmem>>, %arg2: memref<16x200x128xf32, #tpu.memory_space<vmem>>, %arg3: memref<6x64xf32, #tpu.memory_space<vmem>>, %arg4: memref<6x64xf32, #tpu.memory_space<vmem>>, %arg5: memref<6x64xf32, #tpu.memory_space<vmem>>, %arg6: memref<3x3xf32, #tpu.memory_space<vmem>>, %arg7: memref<1x3xf32, #tpu.memory_space<vmem>>, %arg8: memref<64x64xf32, #tpu.memory_space<vmem>>, %arg9: memref<1x64xf32, #tpu.memory_space<vmem>>, %arg10: memref<64x64xf32, #tpu.memory_space<vmem>>, %arg11: memref<1x64xf32, #tpu.memory_space<vmem>>, %arg12: memref<200x64xf32, #tpu.memory_space<vmem>>, %arg13: memref<200x64xf32, #tpu.memory_space<vmem>>) attributes {dimension_semantics = [#tpu.dimension_semantics<arbitrary>], iteration_bounds = array<i64: 50>, scalar_prefetch = 0 : i64, scratch_operands = 0 : i64, tpu.core_type = #tpu.core_type<tc>, window_params = [{transform_indices = @transform_0, window_bounds = array<i64: 200, 128>}, {transform_indices = @transform_1, window_bounds = array<i64: 16, 200, 128>}, {pipeline_mode = #tpu.pipeline_mode<synchronous>, transform_indices = @transform_2, window_bounds = array<i64: 6, 64>}, {pipeline_mode = #tpu.pipeline_mode<synchronous>, transform_indices = @transform_3, window_bounds = array<i64: 6, 64>}, {pipeline_mode = #tpu.pipeline_mode<synchronous>, transform_indices = @transform_4, window_bounds = array<i64: 6, 64>}, {pipeline_mode = #tpu.pipeline_mode<synchronous>, transform_indices = @transform_5, window_bounds = array<i64: 3, 3>}, {pipeline_mode = #tpu.pipeline_mode<synchronous>, transform_indices = @transform_6, window_bounds = array<i64: 1, 3>}, {pipeline_mode = #tpu.pipeline_mode<synchronous>, transform_indices = @transform_7, window_bounds = array<i64: 64, 64>}, {pipeline_mode = #tpu.pipeline_mode<synchronous>, transform_indices = @transform_8, window_bounds = array<i64: 1, 64>}, {pipeline_mode = #tpu.pipeline_mode<synchronous>, transform_indices = @transform_9, window_bounds = array<i64: 64, 64>}, {pipeline_mode = #tpu.pipeline_mode<synchronous>, transform_indices = @transform_10, window_bounds = array<i64: 1, 64>}, {transform_indices = @transform_11, window_bounds = array<i64: 200, 64>}, {transform_indices = @transform_12, window_bounds = array<i64: 200, 64>}]} {
    %get3A = arith.constant 0 : index
    %get3A_0 = arith.constant 0 : index
    %get3A_1 = vector.load %arg1[%get3A, %get3A_0] : memref<200x128xf32, #tpu.memory_space<vmem>>, vector<200x128xf32>
    %slice3A = vector.extract_strided_slice %get3A_1 {offsets = [0, 0], sizes = [200, 3], strides = [1, 1]} : vector<200x128xf32> to vector<200x3xf32>
    %slice3A_2 = vector.extract_strided_slice %get3A_1 {offsets = [0, 32], sizes = [200, 3], strides = [1, 1]} : vector<200x128xf32> to vector<200x3xf32>
    %slice3A_3 = vector.extract_strided_slice %get3A_1 {offsets = [0, 64], sizes = [200, 3], strides = [1, 1]} : vector<200x128xf32> to vector<200x3xf32>
    %slice3A_4 = vector.extract_strided_slice %get3A_1 {offsets = [0, 96], sizes = [200, 3], strides = [1, 1]} : vector<200x128xf32> to vector<200x3xf32>
    %get3A_5 = arith.constant 0 : index
    %get3A_6 = arith.constant 0 : index
    %get3A_7 = arith.constant 0 : index
    %get3A_8 = vector.load %arg2[%get3A_5, %get3A_6, %get3A_7] : memref<16x200x128xf32, #tpu.memory_space<vmem>>, vector<16x200x128xf32>
    %slice3A_9 = vector.extract_strided_slice %get3A_8 {offsets = [0, 0, 0], sizes = [16, 200, 3], strides = [1, 1, 1]} : vector<16x200x128xf32> to vector<16x200x3xf32>
    %slice3A_10 = vector.extract_strided_slice %get3A_8 {offsets = [0, 0, 32], sizes = [16, 200, 3], strides = [1, 1, 1]} : vector<16x200x128xf32> to vector<16x200x3xf32>
    %slice3A_11 = vector.extract_strided_slice %get3A_8 {offsets = [0, 0, 64], sizes = [16, 200, 3], strides = [1, 1, 1]} : vector<16x200x128xf32> to vector<16x200x3xf32>
    %slice3A_12 = vector.extract_strided_slice %get3A_8 {offsets = [0, 0, 96], sizes = [16, 200, 3], strides = [1, 1, 1]} : vector<16x200x128xf32> to vector<16x200x3xf32>
    %broadcast_in_dim3A = vector.shape_cast %slice3A : vector<200x3xf32> to vector<1x200x3xf32>
    %broadcast_in_dim3A_13 = vector.shape_cast %broadcast_in_dim3A : vector<1x200x3xf32> to vector<1x200x3xf32>
    %broadcast_in_dim3A_14 = vector.broadcast %broadcast_in_dim3A_13 : vector<1x200x3xf32> to vector<16x200x3xf32>
    %broadcast_in_dim3A_15 = vector.shape_cast %slice3A_2 : vector<200x3xf32> to vector<1x200x3xf32>
    %broadcast_in_dim3A_16 = vector.shape_cast %broadcast_in_dim3A_15 : vector<1x200x3xf32> to vector<1x200x3xf32>
    %broadcast_in_dim3A_17 = vector.broadcast %broadcast_in_dim3A_16 : vector<1x200x3xf32> to vector<16x200x3xf32>
    %sub3A = arith.subf %slice3A_9, %broadcast_in_dim3A_14 : vector<16x200x3xf32>
    %concatenate3A = tpu.concatenate %sub3A, %broadcast_in_dim3A_14 in 2 : vector<16x200x3xf32>, vector<16x200x3xf32> -> vector<16x200x6xf32>
    %reshape3A = vector.shape_cast %concatenate3A : vector<16x200x6xf32> to vector<3200x6xf32>
    %get3A_18 = arith.constant 0 : index
    %get3A_19 = arith.constant 0 : index
    %get3A_20 = vector.load %arg3[%get3A_18, %get3A_19] : memref<6x64xf32, #tpu.memory_space<vmem>>, vector<6x64xf32>
    %convert_element_type3A = arith.truncf %reshape3A : vector<3200x6xf32> to vector<3200x6xbf16>
    %convert_element_type3A_21 = arith.truncf %get3A_20 : vector<6x64xf32> to vector<6x64xbf16>
    %dot_general3A = arith.constant dense<0.000000e+00> : vector<3200x64xf32>
    %dot_general3A_22 = tpu.matmul %convert_element_type3A, %convert_element_type3A_21, %dot_general3A {dimension_numbers = #tpu.dot_dimension_numbers<[1], [0], [0], [1], [0, 0, 1, 1], [], []>, transpose_lhs_hint = false} : vector<3200x6xbf16>, vector<6x64xbf16>, vector<3200x64xf32> -> vector<3200x64xf32>
    %sqrt3A = arith.constant 1.000010e+00 : f32
    %sqrt3A_23 = math.sqrt %sqrt3A : f32
    %div3A = vector.broadcast %sqrt3A_23 : f32 to vector<3200x64xf32>
    %div3A_24 = arith.divf %dot_general3A_22, %div3A : vector<3200x64xf32>
    %jit3A = arith.constant 2.000000e-01 : f32
    %ge3A = arith.constant 0.000000e+00 : f32
    %ge3A_25 = vector.broadcast %ge3A : f32 to vector<3200x64xf32>
    %ge3A_26 = arith.cmpf oge, %div3A_24, %ge3A_25 : vector<3200x64xf32>
    %mul3A = vector.broadcast %jit3A : f32 to vector<3200x64xf32>
    %mul3A_27 = arith.mulf %mul3A, %div3A_24 : vector<3200x64xf32>
    %select_n3A = arith.select %ge3A_26, %div3A_24, %mul3A_27 : vector<3200x64xi1>, vector<3200x64xf32>
    %reshape3A_28 = vector.shape_cast %select_n3A : vector<3200x64xf32> to vector<16x200x64xf32>
    %sub3A_29 = arith.subf %slice3A_10, %broadcast_in_dim3A_17 : vector<16x200x3xf32>
    %concatenate3A_30 = tpu.concatenate %sub3A_29, %broadcast_in_dim3A_17 in 2 : vector<16x200x3xf32>, vector<16x200x3xf32> -> vector<16x200x6xf32>
    %reshape3A_31 = vector.shape_cast %concatenate3A_30 : vector<16x200x6xf32> to vector<3200x6xf32>
    %get3A_32 = arith.constant 0 : index
    %get3A_33 = arith.constant 0 : index
    %get3A_34 = vector.load %arg4[%get3A_32, %get3A_33] : memref<6x64xf32, #tpu.memory_space<vmem>>, vector<6x64xf32>
    %convert_element_type3A_35 = arith.truncf %reshape3A_31 : vector<3200x6xf32> to vector<3200x6xbf16>
    %convert_element_type3A_36 = arith.truncf %get3A_34 : vector<6x64xf32> to vector<6x64xbf16>
    %dot_general3A_37 = arith.constant dense<0.000000e+00> : vector<3200x64xf32>
    %dot_general3A_38 = tpu.matmul %convert_element_type3A_35, %convert_element_type3A_36, %dot_general3A_37 {dimension_numbers = #tpu.dot_dimension_numbers<[1], [0], [0], [1], [0, 0, 1, 1], [], []>, transpose_lhs_hint = false} : vector<3200x6xbf16>, vector<6x64xbf16>, vector<3200x64xf32> -> vector<3200x64xf32>
    %sqrt3A_39 = arith.constant 1.000010e+00 : f32
    %sqrt3A_40 = math.sqrt %sqrt3A_39 : f32
    %div3A_41 = vector.broadcast %sqrt3A_40 : f32 to vector<3200x64xf32>
    %div3A_42 = arith.divf %dot_general3A_38, %div3A_41 : vector<3200x64xf32>
    %jit3A_43 = arith.constant 2.000000e-01 : f32
    %ge3A_44 = arith.constant 0.000000e+00 : f32
    %ge3A_45 = vector.broadcast %ge3A_44 : f32 to vector<3200x64xf32>
    %ge3A_46 = arith.cmpf oge, %div3A_42, %ge3A_45 : vector<3200x64xf32>
    %mul3A_47 = vector.broadcast %jit3A_43 : f32 to vector<3200x64xf32>
    %mul3A_48 = arith.mulf %mul3A_47, %div3A_42 : vector<3200x64xf32>
    %select_n3A_49 = arith.select %ge3A_46, %div3A_42, %mul3A_48 : vector<3200x64xi1>, vector<3200x64xf32>
    %broadcast_in_dim3A_50 = vector.shape_cast %slice3A_3 : vector<200x3xf32> to vector<1x200x3xf32>
    %broadcast_in_dim3A_51 = vector.shape_cast %broadcast_in_dim3A_50 : vector<1x200x3xf32> to vector<1x200x3xf32>
    %broadcast_in_dim3A_52 = vector.broadcast %broadcast_in_dim3A_51 : vector<1x200x3xf32> to vector<16x200x3xf32>
    %sub3A_53 = arith.subf %broadcast_in_dim3A_52, %slice3A_11 : vector<16x200x3xf32>
    %concatenate3A_54 = tpu.concatenate %sub3A_53, %slice3A_11 in 2 : vector<16x200x3xf32>, vector<16x200x3xf32> -> vector<16x200x6xf32>
    %reshape3A_55 = vector.shape_cast %concatenate3A_54 : vector<16x200x6xf32> to vector<3200x6xf32>
    %get3A_56 = arith.constant 0 : index
    %get3A_57 = arith.constant 0 : index
    %get3A_58 = vector.load %arg5[%get3A_56, %get3A_57] : memref<6x64xf32, #tpu.memory_space<vmem>>, vector<6x64xf32>
    %convert_element_type3A_59 = arith.truncf %reshape3A_55 : vector<3200x6xf32> to vector<3200x6xbf16>
    %convert_element_type3A_60 = arith.truncf %get3A_58 : vector<6x64xf32> to vector<6x64xbf16>
    %dot_general3A_61 = arith.constant dense<0.000000e+00> : vector<3200x64xf32>
    %dot_general3A_62 = tpu.matmul %convert_element_type3A_59, %convert_element_type3A_60, %dot_general3A_61 {dimension_numbers = #tpu.dot_dimension_numbers<[1], [0], [0], [1], [0, 0, 1, 1], [], []>, transpose_lhs_hint = false} : vector<3200x6xbf16>, vector<6x64xbf16>, vector<3200x64xf32> -> vector<3200x64xf32>
    %sqrt3A_63 = arith.constant 1.000010e+00 : f32
    %sqrt3A_64 = math.sqrt %sqrt3A_63 : f32
    %div3A_65 = vector.broadcast %sqrt3A_64 : f32 to vector<3200x64xf32>
    %div3A_66 = arith.divf %dot_general3A_62, %div3A_65 : vector<3200x64xf32>
    %jit3A_67 = arith.constant 2.000000e-01 : f32
    %ge3A_68 = arith.constant 0.000000e+00 : f32
    %ge3A_69 = vector.broadcast %ge3A_68 : f32 to vector<3200x64xf32>
    %ge3A_70 = arith.cmpf oge, %div3A_66, %ge3A_69 : vector<3200x64xf32>
    %mul3A_71 = vector.broadcast %jit3A_67 : f32 to vector<3200x64xf32>
    %mul3A_72 = arith.mulf %mul3A_71, %div3A_66 : vector<3200x64xf32>
    %select_n3A_73 = arith.select %ge3A_70, %div3A_66, %mul3A_72 : vector<3200x64xi1>, vector<3200x64xf32>
    %reshape3A_74 = vector.shape_cast %select_n3A_73 : vector<3200x64xf32> to vector<16x200x64xf32>
    %reduce_max3A = arith.constant dense<0xFF800000> : vector<200x64xf32>
    %reduce_max3A_75 = vector.multi_reduction <maximumf>, %reshape3A_74, %reduce_max3A [0] : vector<16x200x64xf32> to vector<200x64xf32>
    %broadcast_in_dim3A_76 = vector.shape_cast %reduce_max3A_75 : vector<200x64xf32> to vector<1x200x64xf32>
    %sub3A_77 = vector.broadcast %broadcast_in_dim3A_76 : vector<1x200x64xf32> to vector<16x200x64xf32>
    %sub3A_78 = arith.subf %reshape3A_74, %sub3A_77 : vector<16x200x64xf32>
    %exp3A = math.exp %sub3A_78 : vector<16x200x64xf32>
    %reduce_sum3A = arith.constant dense<0.000000e+00> : vector<200x64xf32>
    %reduce_sum3A_79 = vector.multi_reduction <add>, %exp3A, %reduce_sum3A [0] : vector<16x200x64xf32> to vector<200x64xf32>
    %broadcast_in_dim3A_80 = vector.shape_cast %reduce_sum3A_79 : vector<200x64xf32> to vector<1x200x64xf32>
    %div3A_81 = vector.broadcast %broadcast_in_dim3A_80 : vector<1x200x64xf32> to vector<16x200x64xf32>
    %div3A_82 = arith.divf %exp3A, %div3A_81 : vector<16x200x64xf32>
    %mul3A_83 = arith.mulf %div3A_82, %reshape3A_28 : vector<16x200x64xf32>
    %reduce_sum3A_84 = arith.constant dense<0.000000e+00> : vector<200x64xf32>
    %reduce_sum3A_85 = vector.multi_reduction <add>, %mul3A_83, %reduce_sum3A_84 [0] : vector<16x200x64xf32> to vector<200x64xf32>
    %swap3A = arith.constant 0 : index
    %swap3A_86 = arith.constant 0 : index
    %swap3A_87 = vector.load %arg12[%swap3A, %swap3A_86] : memref<200x64xf32, #tpu.memory_space<vmem>>, vector<200x64xf32>
    tpu.vector_store %arg12[%swap3A, %swap3A_86], %reduce_sum3A_85 {strides = array<i32>} : memref<200x64xf32, #tpu.memory_space<vmem>>, vector<200x64xf32>,
    %get3A_88 = arith.constant 0 : index
    %get3A_89 = arith.constant 0 : index
    %get3A_90 = vector.load %arg6[%get3A_88, %get3A_89] : memref<3x3xf32, #tpu.memory_space<vmem>>, vector<3x3xf32>
    %convert_element_type3A_91 = arith.truncf %slice3A_4 : vector<200x3xf32> to vector<200x3xbf16>
    %convert_element_type3A_92 = arith.truncf %get3A_90 : vector<3x3xf32> to vector<3x3xbf16>
    %dot_general3A_93 = arith.constant dense<0.000000e+00> : vector<200x3xf32>
    %dot_general3A_94 = tpu.matmul %convert_element_type3A_91, %convert_element_type3A_92, %dot_general3A_93 {dimension_numbers = #tpu.dot_dimension_numbers<[1], [0], [0], [1], [0, 0, 1, 1], [], []>, transpose_lhs_hint = false} : vector<200x3xbf16>, vector<3x3xbf16>, vector<200x3xf32> -> vector<200x3xf32>
    %get3A_95 = arith.constant 0 : index
    %get3A_96 = arith.constant 0 : index
    %get3A_97 = vector.load %arg7[%get3A_95, %get3A_96] : memref<1x3xf32, #tpu.memory_space<vmem>>, vector<1x3xf32>
    %add3A = vector.broadcast %get3A_97 : vector<1x3xf32> to vector<200x3xf32>
    %add3A_98 = arith.addf %dot_general3A_94, %add3A : vector<200x3xf32>
    %reshape3A_99 = vector.shape_cast %slice3A_12 : vector<16x200x3xf32> to vector<3200x3xf32>
    %get3A_100 = arith.constant 0 : index
    %get3A_101 = arith.constant 0 : index
    %get3A_102 = vector.load %arg6[%get3A_100, %get3A_101] : memref<3x3xf32, #tpu.memory_space<vmem>>, vector<3x3xf32>
    %convert_element_type3A_103 = arith.truncf %reshape3A_99 : vector<3200x3xf32> to vector<3200x3xbf16>
    %convert_element_type3A_104 = arith.truncf %get3A_102 : vector<3x3xf32> to vector<3x3xbf16>
    %dot_general3A_105 = arith.constant dense<0.000000e+00> : vector<3200x3xf32>
    %dot_general3A_106 = tpu.matmul %convert_element_type3A_103, %convert_element_type3A_104, %dot_general3A_105 {dimension_numbers = #tpu.dot_dimension_numbers<[1], [0], [0], [1], [0, 0, 1, 1], [], []>, transpose_lhs_hint = false} : vector<3200x3xbf16>, vector<3x3xbf16>, vector<3200x3xf32> -> vector<3200x3xf32>
    %get3A_107 = arith.constant 0 : index
    %get3A_108 = arith.constant 0 : index
    %get3A_109 = vector.load %arg7[%get3A_107, %get3A_108] : memref<1x3xf32, #tpu.memory_space<vmem>>, vector<1x3xf32>
    %add3A_110 = vector.broadcast %get3A_109 : vector<1x3xf32> to vector<3200x3xf32>
    %add3A_111 = arith.addf %dot_general3A_106, %add3A_110 : vector<3200x3xf32>
    %reshape3A_112 = vector.shape_cast %add3A_111 : vector<3200x3xf32> to vector<16x200x3xf32>
    %broadcast_in_dim3A_113 = vector.shape_cast %add3A_98 : vector<200x3xf32> to vector<1x200x3xf32>
    %broadcast_in_dim3A_114 = vector.shape_cast %broadcast_in_dim3A_113 : vector<1x200x3xf32> to vector<1x200x3xf32>
    %broadcast_in_dim3A_115 = vector.broadcast %broadcast_in_dim3A_114 : vector<1x200x3xf32> to vector<16x200x3xf32>
    %mul3A_116 = arith.mulf %broadcast_in_dim3A_115, %reshape3A_112 : vector<16x200x3xf32>
    %reduce_sum3A_117 = arith.constant dense<0.000000e+00> : vector<16x200xf32>
    %reduce_sum3A_118 = vector.multi_reduction <add>, %mul3A_116, %reduce_sum3A_117 [2] : vector<16x200x3xf32> to vector<16x200xf32>
    %broadcast_in_dim3A_119 = vector.shape_cast %reduce_sum3A_118 : vector<16x200xf32> to vector<16x200x1xf32>
    %reduce_max3A_120 = arith.constant dense<0xFF800000> : vector<200x1xf32>
    %reduce_max3A_121 = vector.multi_reduction <maximumf>, %broadcast_in_dim3A_119, %reduce_max3A_120 [0] : vector<16x200x1xf32> to vector<200x1xf32>
    %broadcast_in_dim3A_122 = vector.shape_cast %reduce_max3A_121 : vector<200x1xf32> to vector<1x200x1xf32>
    %sub3A_123 = vector.broadcast %broadcast_in_dim3A_122 : vector<1x200x1xf32> to vector<16x200x1xf32>
    %sub3A_124 = arith.subf %broadcast_in_dim3A_119, %sub3A_123 : vector<16x200x1xf32>
    %exp3A_125 = math.exp %sub3A_124 : vector<16x200x1xf32>
    %reduce_sum3A_126 = arith.constant dense<0.000000e+00> : vector<200x1xf32>
    %reduce_sum3A_127 = vector.multi_reduction <add>, %exp3A_125, %reduce_sum3A_126 [0] : vector<16x200x1xf32> to vector<200x1xf32>
    %broadcast_in_dim3A_128 = vector.shape_cast %reduce_sum3A_127 : vector<200x1xf32> to vector<1x200x1xf32>
    %div3A_129 = vector.broadcast %broadcast_in_dim3A_128 : vector<1x200x1xf32> to vector<16x200x1xf32>
    %div3A_130 = arith.divf %exp3A_125, %div3A_129 : vector<16x200x1xf32>
    %get3A_131 = arith.constant 0 : index
    %get3A_132 = arith.constant 0 : index
    %get3A_133 = vector.load %arg8[%get3A_131, %get3A_132] : memref<64x64xf32, #tpu.memory_space<vmem>>, vector<64x64xf32>
    %convert_element_type3A_134 = arith.truncf %select_n3A_49 : vector<3200x64xf32> to vector<3200x64xbf16>
    %convert_element_type3A_135 = arith.truncf %get3A_133 : vector<64x64xf32> to vector<64x64xbf16>
    %dot_general3A_136 = arith.constant dense<0.000000e+00> : vector<3200x64xf32>
    %dot_general3A_137 = tpu.matmul %convert_element_type3A_134, %convert_element_type3A_135, %dot_general3A_136 {dimension_numbers = #tpu.dot_dimension_numbers<[1], [0], [0], [1], [0, 0, 1, 1], [], []>, transpose_lhs_hint = false} : vector<3200x64xbf16>, vector<64x64xbf16>, vector<3200x64xf32> -> vector<3200x64xf32>
    %get3A_138 = arith.constant 0 : index
    %get3A_139 = arith.constant 0 : index
    %get3A_140 = vector.load %arg9[%get3A_138, %get3A_139] : memref<1x64xf32, #tpu.memory_space<vmem>>, vector<1x64xf32>
    %add3A_141 = vector.broadcast %get3A_140 : vector<1x64xf32> to vector<3200x64xf32>
    %add3A_142 = arith.addf %dot_general3A_137, %add3A_141 : vector<3200x64xf32>
    %reshape3A_143 = vector.shape_cast %add3A_142 : vector<3200x64xf32> to vector<16x200x64xf32>
    %mul3A_144 = vector.broadcast %div3A_130 : vector<16x200x1xf32> to vector<16x200x64xf32>
    %mul3A_145 = arith.mulf %mul3A_144, %reshape3A_143 : vector<16x200x64xf32>
    %reduce_sum3A_146 = arith.constant dense<0.000000e+00> : vector<200x64xf32>
    %reduce_sum3A_147 = vector.multi_reduction <add>, %mul3A_145, %reduce_sum3A_146 [0] : vector<16x200x64xf32> to vector<200x64xf32>
    %get3A_148 = arith.constant 0 : index
    %get3A_149 = arith.constant 0 : index
    %get3A_150 = vector.load %arg10[%get3A_148, %get3A_149] : memref<64x64xf32, #tpu.memory_space<vmem>>, vector<64x64xf32>
    %convert_element_type3A_151 = arith.truncf %reduce_sum3A_147 : vector<200x64xf32> to vector<200x64xbf16>
    %convert_element_type3A_152 = arith.truncf %get3A_150 : vector<64x64xf32> to vector<64x64xbf16>
    %dot_general3A_153 = arith.constant dense<0.000000e+00> : vector<200x64xf32>
    %dot_general3A_154 = tpu.matmul %convert_element_type3A_151, %convert_element_type3A_152, %dot_general3A_153 {dimension_numbers = #tpu.dot_dimension_numbers<[1], [0], [0], [1], [0, 0, 1, 1], [], []>, transpose_lhs_hint = false} : vector<200x64xbf16>, vector<64x64xbf16>, vector<200x64xf32> -> vector<200x64xf32>
    %get3A_155 = arith.constant 0 : index
    %get3A_156 = arith.constant 0 : index
    %get3A_157 = vector.load %arg11[%get3A_155, %get3A_156] : memref<1x64xf32, #tpu.memory_space<vmem>>, vector<1x64xf32>
    %add3A_158 = vector.broadcast %get3A_157 : vector<1x64xf32> to vector<200x64xf32>
    %add3A_159 = arith.addf %dot_general3A_154, %add3A_158 : vector<200x64xf32>
    %sqrt3A_160 = arith.constant 1.000010e+00 : f32
    %sqrt3A_161 = math.sqrt %sqrt3A_160 : f32
    %div3A_162 = vector.broadcast %sqrt3A_161 : f32 to vector<200x64xf32>
    %div3A_163 = arith.divf %add3A_159, %div3A_162 : vector<200x64xf32>
    %swap3A_164 = arith.constant 0 : index
    %swap3A_165 = arith.constant 0 : index
    %swap3A_166 = vector.load %arg13[%swap3A_164, %swap3A_165] : memref<200x64xf32, #tpu.memory_space<vmem>>, vector<200x64xf32>
    tpu.vector_store %arg13[%swap3A_164, %swap3A_165], %div3A_163 {strides = array<i32>} : memref<200x64xf32, #tpu.memory_space<vmem>>, vector<200x64xf32>,
    return
  }
  func.func @transform_0(%arg0: i32) -> (i32, i32) {
    %c0_i32 = arith.constant 0 : i32
    %c0_i32_0 = arith.constant 0 : i32
    return %arg0, %c0_i32 : i32, i32
  }
  func.func @transform_1(%arg0: i32) -> (i32, i32, i32) {
    %c0_i32 = arith.constant 0 : i32
    %c0_i32_0 = arith.constant 0 : i32
    %c0_i32_1 = arith.constant 0 : i32
    return %c0_i32, %arg0, %c0_i32_0 : i32, i32, i32
  }
  func.func @transform_2(%arg0: i32) -> (i32, i32) {
    %c0_i32 = arith.constant 0 : i32
    %c0_i32_0 = arith.constant 0 : i32
    %c0_i32_1 = arith.constant 0 : i32
    return %c0_i32, %c0_i32_0 : i32, i32
  }
  func.func @transform_3(%arg0: i32) -> (i32, i32) {
    %c0_i32 = arith.constant 0 : i32
    %c0_i32_0 = arith.constant 0 : i32
    %c0_i32_1 = arith.constant 0 : i32
    return %c0_i32, %c0_i32_0 : i32, i32
  }
  func.func @transform_4(%arg0: i32) -> (i32, i32) {
    %c0_i32 = arith.constant 0 : i32
    %c0_i32_0 = arith.constant 0 : i32
    %c0_i32_1 = arith.constant 0 : i32
    return %c0_i32, %c0_i32_0 : i32, i32
  }
  func.func @transform_5(%arg0: i32) -> (i32, i32) {
    %c0_i32 = arith.constant 0 : i32
    %c0_i32_0 = arith.constant 0 : i32
    %c0_i32_1 = arith.constant 0 : i32
    return %c0_i32, %c0_i32_0 : i32, i32
  }
  func.func @transform_6(%arg0: i32) -> (i32, i32) {
    %c0_i32 = arith.constant 0 : i32
    %c0_i32_0 = arith.constant 0 : i32
    %c0_i32_1 = arith.constant 0 : i32
    return %c0_i32, %c0_i32_0 : i32, i32
  }
  func.func @transform_7(%arg0: i32) -> (i32, i32) {
    %c0_i32 = arith.constant 0 : i32
    %c0_i32_0 = arith.constant 0 : i32
    %c0_i32_1 = arith.constant 0 : i32
    return %c0_i32, %c0_i32_0 : i32, i32
  }
  func.func @transform_8(%arg0: i32) -> (i32, i32) {
    %c0_i32 = arith.constant 0 : i32
    %c0_i32_0 = arith.constant 0 : i32
    %c0_i32_1 = arith.constant 0 : i32
    return %c0_i32, %c0_i32_0 : i32, i32
  }
  func.func @transform_9(%arg0: i32) -> (i32, i32) {
    %c0_i32 = arith.constant 0 : i32
    %c0_i32_0 = arith.constant 0 : i32
    %c0_i32_1 = arith.constant 0 : i32
    return %c0_i32, %c0_i32_0 : i32, i32
  }
  func.func @transform_10(%arg0: i32) -> (i32, i32) {
    %c0_i32 = arith.constant 0 : i32
    %c0_i32_0 = arith.constant 0 : i32
    %c0_i32_1 = arith.constant 0 : i32
    return %c0_i32, %c0_i32_0 : i32, i32
  }
  func.func @transform_11(%arg0: i32) -> (i32, i32) {
    %c0_i32 = arith.constant 0 : i32
    %c0_i32_0 = arith.constant 0 : i32
    return %arg0, %c0_i32 : i32, i32
  }
  func.func @transform_12(%arg0: i32) -> (i32, i32) {
    %c0_i32 = arith.constant 0 : i32
    %c0_i32_0 = arith.constant 0 : i32
    return %arg0, %c0_i32 : i32, i32
  }
}

module attributes {stable_mosaic.version = 14 : i64} {
  func.func @_knn_body(%arg0: i32, %arg1: memref<128x64xf32, #tpu.memory_space<vmem>>, %arg2: memref<64x10240xf32, #tpu.memory_space<vmem>>, %arg3: memref<1x10240xf32, #tpu.memory_space<vmem>>, %arg4: memref<128x16xi32, #tpu.memory_space<vmem>>) attributes {dimension_semantics = [#tpu.dimension_semantics<arbitrary>], iteration_bounds = array<i64: 80>, scalar_prefetch = 0 : i64, scratch_operands = 0 : i64, tpu.core_type = #tpu.core_type<tc>, window_params = [{transform_indices = @transform_0, window_bounds = array<i64: 128, 64>}, {pipeline_mode = #tpu.pipeline_mode<synchronous>, transform_indices = @transform_1, window_bounds = array<i64: 64, 10240>}, {pipeline_mode = #tpu.pipeline_mode<synchronous>, transform_indices = @transform_2, window_bounds = array<i64: 1, 10240>}, {transform_indices = @transform_3, window_bounds = array<i64: 128, 16>}]} {
    %get3A = arith.constant 0 : index
    %get3A_0 = arith.constant 0 : index
    %get3A_1 = vector.load %arg1[%get3A, %get3A_0] : memref<128x64xf32, #tpu.memory_space<vmem>>, vector<128x64xf32>
    %convert_element_type3A = arith.truncf %get3A_1 : vector<128x64xf32> to vector<128x64xbf16>
    %get3A_2 = arith.constant 0 : index
    %get3A_3 = arith.constant 0 : index
    %get3A_4 = vector.load %arg2[%get3A_2, %get3A_3] : memref<64x10240xf32, #tpu.memory_space<vmem>>, vector<64x10240xf32>
    %convert_element_type3A_5 = arith.truncf %get3A_4 : vector<64x10240xf32> to vector<64x10240xbf16>
    %dot_general3A = arith.constant dense<0.000000e+00> : vector<128x10240xf32>
    %dot_general3A_6 = tpu.matmul %convert_element_type3A, %convert_element_type3A_5, %dot_general3A {dimension_numbers = #tpu.dot_dimension_numbers<[1], [0], [0], [1], [0, 0, 1, 1], [], []>, transpose_lhs_hint = false} : vector<128x64xbf16>, vector<64x10240xbf16>, vector<128x10240xf32> -> vector<128x10240xf32>
    %mul3A = arith.constant 2.000000e+00 : f32
    %mul3A_7 = vector.broadcast %mul3A : f32 to vector<128x10240xf32>
    %mul3A_8 = arith.mulf %mul3A_7, %dot_general3A_6 : vector<128x10240xf32>
    %get3A_9 = arith.constant 0 : index
    %get3A_10 = arith.constant 0 : index
    %get3A_11 = vector.load %arg3[%get3A_9, %get3A_10] : memref<1x10240xf32, #tpu.memory_space<vmem>>, vector<1x10240xf32>
    %sub3A = vector.broadcast %get3A_11 : vector<1x10240xf32> to vector<128x10240xf32>
    %sub3A_12 = arith.subf %mul3A_8, %sub3A : vector<128x10240xf32>
    %reshape3A = vector.shape_cast %sub3A_12 : vector<128x10240xf32> to vector<128x80x128xf32>
    %iota3A = tpu.iota {dimensions = array<i32: 1>} : vector<128x80x128xi32>
    %reduce_max3A = arith.constant dense<0xFF800000> : vector<128x128xf32>
    %reduce_max3A_13 = vector.multi_reduction <maximumf>, %reshape3A, %reduce_max3A [1] : vector<128x80x128xf32> to vector<128x128xf32>
    %broadcast_in_dim3A = vector.shape_cast %reduce_max3A_13 : vector<128x128xf32> to vector<128x1x128xf32>
    %eq3A = vector.broadcast %broadcast_in_dim3A : vector<128x1x128xf32> to vector<128x80x128xf32>
    %eq3A_14 = arith.cmpf oeq, %reshape3A, %eq3A : vector<128x80x128xf32>
    %jit3A = arith.constant 80 : i32
    %broadcast_in_dim3A_15 = vector.broadcast %jit3A : i32 to vector<128x80x128xi32>
    %select_n3A = arith.select %eq3A_14, %iota3A, %broadcast_in_dim3A_15 : vector<128x80x128xi1>, vector<128x80x128xi32>
    %reduce_min3A = arith.constant dense<2147483647> : vector<128x128xi32>
    %reduce_min3A_16 = vector.multi_reduction <minsi>, %select_n3A, %reduce_min3A [1] : vector<128x80x128xi32> to vector<128x128xi32>
    %broadcast_in_dim3A_17 = vector.shape_cast %reduce_min3A_16 : vector<128x128xi32> to vector<128x1x128xi32>
    %eq3A_18 = vector.broadcast %broadcast_in_dim3A_17 : vector<128x1x128xi32> to vector<128x80x128xi32>
    %eq3A_19 = arith.cmpi eq, %iota3A, %eq3A_18 : vector<128x80x128xi32>
    %jit3A_20 = arith.constant -3.000000e+38 : f32
    %broadcast_in_dim3A_21 = vector.broadcast %jit3A_20 : f32 to vector<128x80x128xf32>
    %select_n3A_22 = arith.select %eq3A_19, %broadcast_in_dim3A_21, %reshape3A : vector<128x80x128xi1>, vector<128x80x128xf32>
    %reduce_max3A_23 = arith.constant dense<0xFF800000> : vector<128x128xf32>
    %reduce_max3A_24 = vector.multi_reduction <maximumf>, %select_n3A_22, %reduce_max3A_23 [1] : vector<128x80x128xf32> to vector<128x128xf32>
    %broadcast_in_dim3A_25 = vector.shape_cast %reduce_max3A_24 : vector<128x128xf32> to vector<128x1x128xf32>
    %eq3A_26 = vector.broadcast %broadcast_in_dim3A_25 : vector<128x1x128xf32> to vector<128x80x128xf32>
    %eq3A_27 = arith.cmpf oeq, %select_n3A_22, %eq3A_26 : vector<128x80x128xf32>
    %jit3A_28 = arith.constant 80 : i32
    %broadcast_in_dim3A_29 = vector.broadcast %jit3A_28 : i32 to vector<128x80x128xi32>
    %select_n3A_30 = arith.select %eq3A_27, %iota3A, %broadcast_in_dim3A_29 : vector<128x80x128xi1>, vector<128x80x128xi32>
    %reduce_min3A_31 = arith.constant dense<2147483647> : vector<128x128xi32>
    %reduce_min3A_32 = vector.multi_reduction <minsi>, %select_n3A_30, %reduce_min3A_31 [1] : vector<128x80x128xi32> to vector<128x128xi32>
    %broadcast_in_dim3A_33 = vector.shape_cast %reduce_min3A_32 : vector<128x128xi32> to vector<128x1x128xi32>
    %eq3A_34 = vector.broadcast %broadcast_in_dim3A_33 : vector<128x1x128xi32> to vector<128x80x128xi32>
    %eq3A_35 = arith.cmpi eq, %iota3A, %eq3A_34 : vector<128x80x128xi32>
    %jit3A_36 = arith.constant -3.000000e+38 : f32
    %broadcast_in_dim3A_37 = vector.broadcast %jit3A_36 : f32 to vector<128x80x128xf32>
    %select_n3A_38 = arith.select %eq3A_35, %broadcast_in_dim3A_37, %select_n3A_22 : vector<128x80x128xi1>, vector<128x80x128xf32>
    %reduce_max3A_39 = arith.constant dense<0xFF800000> : vector<128x128xf32>
    %reduce_max3A_40 = vector.multi_reduction <maximumf>, %select_n3A_38, %reduce_max3A_39 [1] : vector<128x80x128xf32> to vector<128x128xf32>
    %broadcast_in_dim3A_41 = vector.shape_cast %reduce_max3A_40 : vector<128x128xf32> to vector<128x1x128xf32>
    %eq3A_42 = vector.broadcast %broadcast_in_dim3A_41 : vector<128x1x128xf32> to vector<128x80x128xf32>
    %eq3A_43 = arith.cmpf oeq, %select_n3A_38, %eq3A_42 : vector<128x80x128xf32>
    %jit3A_44 = arith.constant 80 : i32
    %broadcast_in_dim3A_45 = vector.broadcast %jit3A_44 : i32 to vector<128x80x128xi32>
    %select_n3A_46 = arith.select %eq3A_43, %iota3A, %broadcast_in_dim3A_45 : vector<128x80x128xi1>, vector<128x80x128xi32>
    %reduce_min3A_47 = arith.constant dense<2147483647> : vector<128x128xi32>
    %reduce_min3A_48 = vector.multi_reduction <minsi>, %select_n3A_46, %reduce_min3A_47 [1] : vector<128x80x128xi32> to vector<128x128xi32>
    %broadcast_in_dim3A_49 = vector.shape_cast %reduce_min3A_48 : vector<128x128xi32> to vector<128x1x128xi32>
    %eq3A_50 = vector.broadcast %broadcast_in_dim3A_49 : vector<128x1x128xi32> to vector<128x80x128xi32>
    %eq3A_51 = arith.cmpi eq, %iota3A, %eq3A_50 : vector<128x80x128xi32>
    %jit3A_52 = arith.constant -3.000000e+38 : f32
    %broadcast_in_dim3A_53 = vector.broadcast %jit3A_52 : f32 to vector<128x80x128xf32>
    %select_n3A_54 = arith.select %eq3A_51, %broadcast_in_dim3A_53, %select_n3A_38 : vector<128x80x128xi1>, vector<128x80x128xf32>
    %reduce_max3A_55 = arith.constant dense<0xFF800000> : vector<128x128xf32>
    %reduce_max3A_56 = vector.multi_reduction <maximumf>, %select_n3A_54, %reduce_max3A_55 [1] : vector<128x80x128xf32> to vector<128x128xf32>
    %broadcast_in_dim3A_57 = vector.shape_cast %reduce_max3A_56 : vector<128x128xf32> to vector<128x1x128xf32>
    %eq3A_58 = vector.broadcast %broadcast_in_dim3A_57 : vector<128x1x128xf32> to vector<128x80x128xf32>
    %eq3A_59 = arith.cmpf oeq, %select_n3A_54, %eq3A_58 : vector<128x80x128xf32>
    %jit3A_60 = arith.constant 80 : i32
    %broadcast_in_dim3A_61 = vector.broadcast %jit3A_60 : i32 to vector<128x80x128xi32>
    %select_n3A_62 = arith.select %eq3A_59, %iota3A, %broadcast_in_dim3A_61 : vector<128x80x128xi1>, vector<128x80x128xi32>
    %reduce_min3A_63 = arith.constant dense<2147483647> : vector<128x128xi32>
    %reduce_min3A_64 = vector.multi_reduction <minsi>, %select_n3A_62, %reduce_min3A_63 [1] : vector<128x80x128xi32> to vector<128x128xi32>
    %broadcast_in_dim3A_65 = vector.shape_cast %reduce_min3A_64 : vector<128x128xi32> to vector<128x1x128xi32>
    %eq3A_66 = vector.broadcast %broadcast_in_dim3A_65 : vector<128x1x128xi32> to vector<128x80x128xi32>
    %eq3A_67 = arith.cmpi eq, %iota3A, %eq3A_66 : vector<128x80x128xi32>
    %jit3A_68 = arith.constant -3.000000e+38 : f32
    %broadcast_in_dim3A_69 = vector.broadcast %jit3A_68 : f32 to vector<128x80x128xf32>
    %select_n3A_70 = arith.select %eq3A_67, %broadcast_in_dim3A_69, %select_n3A_54 : vector<128x80x128xi1>, vector<128x80x128xf32>
    %reduce_max3A_71 = arith.constant dense<0xFF800000> : vector<128x128xf32>
    %reduce_max3A_72 = vector.multi_reduction <maximumf>, %select_n3A_70, %reduce_max3A_71 [1] : vector<128x80x128xf32> to vector<128x128xf32>
    %broadcast_in_dim3A_73 = vector.shape_cast %reduce_max3A_72 : vector<128x128xf32> to vector<128x1x128xf32>
    %eq3A_74 = vector.broadcast %broadcast_in_dim3A_73 : vector<128x1x128xf32> to vector<128x80x128xf32>
    %eq3A_75 = arith.cmpf oeq, %select_n3A_70, %eq3A_74 : vector<128x80x128xf32>
    %jit3A_76 = arith.constant 80 : i32
    %broadcast_in_dim3A_77 = vector.broadcast %jit3A_76 : i32 to vector<128x80x128xi32>
    %select_n3A_78 = arith.select %eq3A_75, %iota3A, %broadcast_in_dim3A_77 : vector<128x80x128xi1>, vector<128x80x128xi32>
    %reduce_min3A_79 = arith.constant dense<2147483647> : vector<128x128xi32>
    %reduce_min3A_80 = vector.multi_reduction <minsi>, %select_n3A_78, %reduce_min3A_79 [1] : vector<128x80x128xi32> to vector<128x128xi32>
    %broadcast_in_dim3A_81 = vector.shape_cast %reduce_min3A_80 : vector<128x128xi32> to vector<128x1x128xi32>
    %eq3A_82 = vector.broadcast %broadcast_in_dim3A_81 : vector<128x1x128xi32> to vector<128x80x128xi32>
    %eq3A_83 = arith.cmpi eq, %iota3A, %eq3A_82 : vector<128x80x128xi32>
    %jit3A_84 = arith.constant -3.000000e+38 : f32
    %broadcast_in_dim3A_85 = vector.broadcast %jit3A_84 : f32 to vector<128x80x128xf32>
    %select_n3A_86 = arith.select %eq3A_83, %broadcast_in_dim3A_85, %select_n3A_70 : vector<128x80x128xi1>, vector<128x80x128xf32>
    %reduce_max3A_87 = arith.constant dense<0xFF800000> : vector<128x128xf32>
    %reduce_max3A_88 = vector.multi_reduction <maximumf>, %select_n3A_86, %reduce_max3A_87 [1] : vector<128x80x128xf32> to vector<128x128xf32>
    %broadcast_in_dim3A_89 = vector.shape_cast %reduce_max3A_88 : vector<128x128xf32> to vector<128x1x128xf32>
    %eq3A_90 = vector.broadcast %broadcast_in_dim3A_89 : vector<128x1x128xf32> to vector<128x80x128xf32>
    %eq3A_91 = arith.cmpf oeq, %select_n3A_86, %eq3A_90 : vector<128x80x128xf32>
    %jit3A_92 = arith.constant 80 : i32
    %broadcast_in_dim3A_93 = vector.broadcast %jit3A_92 : i32 to vector<128x80x128xi32>
    %select_n3A_94 = arith.select %eq3A_91, %iota3A, %broadcast_in_dim3A_93 : vector<128x80x128xi1>, vector<128x80x128xi32>
    %reduce_min3A_95 = arith.constant dense<2147483647> : vector<128x128xi32>
    %reduce_min3A_96 = vector.multi_reduction <minsi>, %select_n3A_94, %reduce_min3A_95 [1] : vector<128x80x128xi32> to vector<128x128xi32>
    %iota3A_97 = tpu.iota {dimensions = array<i32: 1>} : vector<128x128xi32>
    %concatenate3A = tpu.concatenate %reduce_max3A_13, %reduce_max3A_24, %reduce_max3A_40, %reduce_max3A_56, %reduce_max3A_72, %reduce_max3A_88 in 1 : vector<128x128xf32>, vector<128x128xf32>, vector<128x128xf32>, vector<128x128xf32>, vector<128x128xf32>, vector<128x128xf32> -> vector<128x768xf32>
    %mul3A_98 = arith.constant 128 : i32
    %mul3A_99 = vector.broadcast %mul3A_98 : i32 to vector<128x128xi32>
    %mul3A_100 = arith.muli %reduce_min3A_16, %mul3A_99 : vector<128x128xi32>
    %add3A = arith.addi %mul3A_100, %iota3A_97 : vector<128x128xi32>
    %mul3A_101 = arith.constant 128 : i32
    %mul3A_102 = vector.broadcast %mul3A_101 : i32 to vector<128x128xi32>
    %mul3A_103 = arith.muli %reduce_min3A_32, %mul3A_102 : vector<128x128xi32>
    %add3A_104 = arith.addi %mul3A_103, %iota3A_97 : vector<128x128xi32>
    %mul3A_105 = arith.constant 128 : i32
    %mul3A_106 = vector.broadcast %mul3A_105 : i32 to vector<128x128xi32>
    %mul3A_107 = arith.muli %reduce_min3A_48, %mul3A_106 : vector<128x128xi32>
    %add3A_108 = arith.addi %mul3A_107, %iota3A_97 : vector<128x128xi32>
    %mul3A_109 = arith.constant 128 : i32
    %mul3A_110 = vector.broadcast %mul3A_109 : i32 to vector<128x128xi32>
    %mul3A_111 = arith.muli %reduce_min3A_64, %mul3A_110 : vector<128x128xi32>
    %add3A_112 = arith.addi %mul3A_111, %iota3A_97 : vector<128x128xi32>
    %mul3A_113 = arith.constant 128 : i32
    %mul3A_114 = vector.broadcast %mul3A_113 : i32 to vector<128x128xi32>
    %mul3A_115 = arith.muli %reduce_min3A_80, %mul3A_114 : vector<128x128xi32>
    %add3A_116 = arith.addi %mul3A_115, %iota3A_97 : vector<128x128xi32>
    %mul3A_117 = arith.constant 128 : i32
    %mul3A_118 = vector.broadcast %mul3A_117 : i32 to vector<128x128xi32>
    %mul3A_119 = arith.muli %reduce_min3A_96, %mul3A_118 : vector<128x128xi32>
    %add3A_120 = arith.addi %mul3A_119, %iota3A_97 : vector<128x128xi32>
    %concatenate3A_121 = tpu.concatenate %add3A, %add3A_104, %add3A_108, %add3A_112, %add3A_116, %add3A_120 in 1 : vector<128x128xi32>, vector<128x128xi32>, vector<128x128xi32>, vector<128x128xi32>, vector<128x128xi32>, vector<128x128xi32> -> vector<128x768xi32>
    %reduce_max3A_122 = arith.constant dense<0xFF800000> : vector<128xf32>
    %reduce_max3A_123 = vector.multi_reduction <maximumf>, %concatenate3A, %reduce_max3A_122 [1] : vector<128x768xf32> to vector<128xf32>
    %broadcast_in_dim3A_124 = vector.shape_cast %reduce_max3A_123 : vector<128xf32> to vector<128x1xf32>
    %eq3A_125 = vector.broadcast %broadcast_in_dim3A_124 : vector<128x1xf32> to vector<128x768xf32>
    %eq3A_126 = arith.cmpf oeq, %concatenate3A, %eq3A_125 : vector<128x768xf32>
    %jit3A_127 = arith.constant 10240 : i32
    %broadcast_in_dim3A_128 = vector.broadcast %jit3A_127 : i32 to vector<128x768xi32>
    %select_n3A_129 = arith.select %eq3A_126, %concatenate3A_121, %broadcast_in_dim3A_128 : vector<128x768xi1>, vector<128x768xi32>
    %reduce_min3A_130 = arith.constant dense<2147483647> : vector<128xi32>
    %reduce_min3A_131 = vector.multi_reduction <minsi>, %select_n3A_129, %reduce_min3A_130 [1] : vector<128x768xi32> to vector<128xi32>
    %broadcast_in_dim3A_132 = vector.shape_cast %reduce_min3A_131 : vector<128xi32> to vector<128x1xi32>
    %eq3A_133 = vector.broadcast %broadcast_in_dim3A_132 : vector<128x1xi32> to vector<128x768xi32>
    %eq3A_134 = arith.cmpi eq, %concatenate3A_121, %eq3A_133 : vector<128x768xi32>
    %jit3A_135 = arith.constant -3.000000e+38 : f32
    %broadcast_in_dim3A_136 = vector.broadcast %jit3A_135 : f32 to vector<128x768xf32>
    %select_n3A_137 = arith.select %eq3A_134, %broadcast_in_dim3A_136, %concatenate3A : vector<128x768xi1>, vector<128x768xf32>
    %reduce_max3A_138 = arith.constant dense<0xFF800000> : vector<128xf32>
    %reduce_max3A_139 = vector.multi_reduction <maximumf>, %select_n3A_137, %reduce_max3A_138 [1] : vector<128x768xf32> to vector<128xf32>
    %broadcast_in_dim3A_140 = vector.shape_cast %reduce_max3A_139 : vector<128xf32> to vector<128x1xf32>
    %eq3A_141 = vector.broadcast %broadcast_in_dim3A_140 : vector<128x1xf32> to vector<128x768xf32>
    %eq3A_142 = arith.cmpf oeq, %select_n3A_137, %eq3A_141 : vector<128x768xf32>
    %jit3A_143 = arith.constant 10240 : i32
    %broadcast_in_dim3A_144 = vector.broadcast %jit3A_143 : i32 to vector<128x768xi32>
    %select_n3A_145 = arith.select %eq3A_142, %concatenate3A_121, %broadcast_in_dim3A_144 : vector<128x768xi1>, vector<128x768xi32>
    %reduce_min3A_146 = arith.constant dense<2147483647> : vector<128xi32>
    %reduce_min3A_147 = vector.multi_reduction <minsi>, %select_n3A_145, %reduce_min3A_146 [1] : vector<128x768xi32> to vector<128xi32>
    %broadcast_in_dim3A_148 = vector.shape_cast %reduce_min3A_147 : vector<128xi32> to vector<128x1xi32>
    %eq3A_149 = vector.broadcast %broadcast_in_dim3A_148 : vector<128x1xi32> to vector<128x768xi32>
    %eq3A_150 = arith.cmpi eq, %concatenate3A_121, %eq3A_149 : vector<128x768xi32>
    %jit3A_151 = arith.constant -3.000000e+38 : f32
    %broadcast_in_dim3A_152 = vector.broadcast %jit3A_151 : f32 to vector<128x768xf32>
    %select_n3A_153 = arith.select %eq3A_150, %broadcast_in_dim3A_152, %select_n3A_137 : vector<128x768xi1>, vector<128x768xf32>
    %reduce_max3A_154 = arith.constant dense<0xFF800000> : vector<128xf32>
    %reduce_max3A_155 = vector.multi_reduction <maximumf>, %select_n3A_153, %reduce_max3A_154 [1] : vector<128x768xf32> to vector<128xf32>
    %broadcast_in_dim3A_156 = vector.shape_cast %reduce_max3A_155 : vector<128xf32> to vector<128x1xf32>
    %eq3A_157 = vector.broadcast %broadcast_in_dim3A_156 : vector<128x1xf32> to vector<128x768xf32>
    %eq3A_158 = arith.cmpf oeq, %select_n3A_153, %eq3A_157 : vector<128x768xf32>
    %jit3A_159 = arith.constant 10240 : i32
    %broadcast_in_dim3A_160 = vector.broadcast %jit3A_159 : i32 to vector<128x768xi32>
    %select_n3A_161 = arith.select %eq3A_158, %concatenate3A_121, %broadcast_in_dim3A_160 : vector<128x768xi1>, vector<128x768xi32>
    %reduce_min3A_162 = arith.constant dense<2147483647> : vector<128xi32>
    %reduce_min3A_163 = vector.multi_reduction <minsi>, %select_n3A_161, %reduce_min3A_162 [1] : vector<128x768xi32> to vector<128xi32>
    %broadcast_in_dim3A_164 = vector.shape_cast %reduce_min3A_163 : vector<128xi32> to vector<128x1xi32>
    %eq3A_165 = vector.broadcast %broadcast_in_dim3A_164 : vector<128x1xi32> to vector<128x768xi32>
    %eq3A_166 = arith.cmpi eq, %concatenate3A_121, %eq3A_165 : vector<128x768xi32>
    %jit3A_167 = arith.constant -3.000000e+38 : f32
    %broadcast_in_dim3A_168 = vector.broadcast %jit3A_167 : f32 to vector<128x768xf32>
    %select_n3A_169 = arith.select %eq3A_166, %broadcast_in_dim3A_168, %select_n3A_153 : vector<128x768xi1>, vector<128x768xf32>
    %reduce_max3A_170 = arith.constant dense<0xFF800000> : vector<128xf32>
    %reduce_max3A_171 = vector.multi_reduction <maximumf>, %select_n3A_169, %reduce_max3A_170 [1] : vector<128x768xf32> to vector<128xf32>
    %broadcast_in_dim3A_172 = vector.shape_cast %reduce_max3A_171 : vector<128xf32> to vector<128x1xf32>
    %eq3A_173 = vector.broadcast %broadcast_in_dim3A_172 : vector<128x1xf32> to vector<128x768xf32>
    %eq3A_174 = arith.cmpf oeq, %select_n3A_169, %eq3A_173 : vector<128x768xf32>
    %jit3A_175 = arith.constant 10240 : i32
    %broadcast_in_dim3A_176 = vector.broadcast %jit3A_175 : i32 to vector<128x768xi32>
    %select_n3A_177 = arith.select %eq3A_174, %concatenate3A_121, %broadcast_in_dim3A_176 : vector<128x768xi1>, vector<128x768xi32>
    %reduce_min3A_178 = arith.constant dense<2147483647> : vector<128xi32>
    %reduce_min3A_179 = vector.multi_reduction <minsi>, %select_n3A_177, %reduce_min3A_178 [1] : vector<128x768xi32> to vector<128xi32>
    %broadcast_in_dim3A_180 = vector.shape_cast %reduce_min3A_179 : vector<128xi32> to vector<128x1xi32>
    %eq3A_181 = vector.broadcast %broadcast_in_dim3A_180 : vector<128x1xi32> to vector<128x768xi32>
    %eq3A_182 = arith.cmpi eq, %concatenate3A_121, %eq3A_181 : vector<128x768xi32>
    %jit3A_183 = arith.constant -3.000000e+38 : f32
    %broadcast_in_dim3A_184 = vector.broadcast %jit3A_183 : f32 to vector<128x768xf32>
    %select_n3A_185 = arith.select %eq3A_182, %broadcast_in_dim3A_184, %select_n3A_169 : vector<128x768xi1>, vector<128x768xf32>
    %reduce_max3A_186 = arith.constant dense<0xFF800000> : vector<128xf32>
    %reduce_max3A_187 = vector.multi_reduction <maximumf>, %select_n3A_185, %reduce_max3A_186 [1] : vector<128x768xf32> to vector<128xf32>
    %broadcast_in_dim3A_188 = vector.shape_cast %reduce_max3A_187 : vector<128xf32> to vector<128x1xf32>
    %eq3A_189 = vector.broadcast %broadcast_in_dim3A_188 : vector<128x1xf32> to vector<128x768xf32>
    %eq3A_190 = arith.cmpf oeq, %select_n3A_185, %eq3A_189 : vector<128x768xf32>
    %jit3A_191 = arith.constant 10240 : i32
    %broadcast_in_dim3A_192 = vector.broadcast %jit3A_191 : i32 to vector<128x768xi32>
    %select_n3A_193 = arith.select %eq3A_190, %concatenate3A_121, %broadcast_in_dim3A_192 : vector<128x768xi1>, vector<128x768xi32>
    %reduce_min3A_194 = arith.constant dense<2147483647> : vector<128xi32>
    %reduce_min3A_195 = vector.multi_reduction <minsi>, %select_n3A_193, %reduce_min3A_194 [1] : vector<128x768xi32> to vector<128xi32>
    %broadcast_in_dim3A_196 = vector.shape_cast %reduce_min3A_195 : vector<128xi32> to vector<128x1xi32>
    %eq3A_197 = vector.broadcast %broadcast_in_dim3A_196 : vector<128x1xi32> to vector<128x768xi32>
    %eq3A_198 = arith.cmpi eq, %concatenate3A_121, %eq3A_197 : vector<128x768xi32>
    %jit3A_199 = arith.constant -3.000000e+38 : f32
    %broadcast_in_dim3A_200 = vector.broadcast %jit3A_199 : f32 to vector<128x768xf32>
    %select_n3A_201 = arith.select %eq3A_198, %broadcast_in_dim3A_200, %select_n3A_185 : vector<128x768xi1>, vector<128x768xf32>
    %reduce_max3A_202 = arith.constant dense<0xFF800000> : vector<128xf32>
    %reduce_max3A_203 = vector.multi_reduction <maximumf>, %select_n3A_201, %reduce_max3A_202 [1] : vector<128x768xf32> to vector<128xf32>
    %broadcast_in_dim3A_204 = vector.shape_cast %reduce_max3A_203 : vector<128xf32> to vector<128x1xf32>
    %eq3A_205 = vector.broadcast %broadcast_in_dim3A_204 : vector<128x1xf32> to vector<128x768xf32>
    %eq3A_206 = arith.cmpf oeq, %select_n3A_201, %eq3A_205 : vector<128x768xf32>
    %jit3A_207 = arith.constant 10240 : i32
    %broadcast_in_dim3A_208 = vector.broadcast %jit3A_207 : i32 to vector<128x768xi32>
    %select_n3A_209 = arith.select %eq3A_206, %concatenate3A_121, %broadcast_in_dim3A_208 : vector<128x768xi1>, vector<128x768xi32>
    %reduce_min3A_210 = arith.constant dense<2147483647> : vector<128xi32>
    %reduce_min3A_211 = vector.multi_reduction <minsi>, %select_n3A_209, %reduce_min3A_210 [1] : vector<128x768xi32> to vector<128xi32>
    %broadcast_in_dim3A_212 = vector.shape_cast %reduce_min3A_211 : vector<128xi32> to vector<128x1xi32>
    %eq3A_213 = vector.broadcast %broadcast_in_dim3A_212 : vector<128x1xi32> to vector<128x768xi32>
    %eq3A_214 = arith.cmpi eq, %concatenate3A_121, %eq3A_213 : vector<128x768xi32>
    %jit3A_215 = arith.constant -3.000000e+38 : f32
    %broadcast_in_dim3A_216 = vector.broadcast %jit3A_215 : f32 to vector<128x768xf32>
    %select_n3A_217 = arith.select %eq3A_214, %broadcast_in_dim3A_216, %select_n3A_201 : vector<128x768xi1>, vector<128x768xf32>
    %reduce_max3A_218 = arith.constant dense<0xFF800000> : vector<128xf32>
    %reduce_max3A_219 = vector.multi_reduction <maximumf>, %select_n3A_217, %reduce_max3A_218 [1] : vector<128x768xf32> to vector<128xf32>
    %broadcast_in_dim3A_220 = vector.shape_cast %reduce_max3A_219 : vector<128xf32> to vector<128x1xf32>
    %eq3A_221 = vector.broadcast %broadcast_in_dim3A_220 : vector<128x1xf32> to vector<128x768xf32>
    %eq3A_222 = arith.cmpf oeq, %select_n3A_217, %eq3A_221 : vector<128x768xf32>
    %jit3A_223 = arith.constant 10240 : i32
    %broadcast_in_dim3A_224 = vector.broadcast %jit3A_223 : i32 to vector<128x768xi32>
    %select_n3A_225 = arith.select %eq3A_222, %concatenate3A_121, %broadcast_in_dim3A_224 : vector<128x768xi1>, vector<128x768xi32>
    %reduce_min3A_226 = arith.constant dense<2147483647> : vector<128xi32>
    %reduce_min3A_227 = vector.multi_reduction <minsi>, %select_n3A_225, %reduce_min3A_226 [1] : vector<128x768xi32> to vector<128xi32>
    %broadcast_in_dim3A_228 = vector.shape_cast %reduce_min3A_227 : vector<128xi32> to vector<128x1xi32>
    %eq3A_229 = vector.broadcast %broadcast_in_dim3A_228 : vector<128x1xi32> to vector<128x768xi32>
    %eq3A_230 = arith.cmpi eq, %concatenate3A_121, %eq3A_229 : vector<128x768xi32>
    %jit3A_231 = arith.constant -3.000000e+38 : f32
    %broadcast_in_dim3A_232 = vector.broadcast %jit3A_231 : f32 to vector<128x768xf32>
    %select_n3A_233 = arith.select %eq3A_230, %broadcast_in_dim3A_232, %select_n3A_217 : vector<128x768xi1>, vector<128x768xf32>
    %reduce_max3A_234 = arith.constant dense<0xFF800000> : vector<128xf32>
    %reduce_max3A_235 = vector.multi_reduction <maximumf>, %select_n3A_233, %reduce_max3A_234 [1] : vector<128x768xf32> to vector<128xf32>
    %broadcast_in_dim3A_236 = vector.shape_cast %reduce_max3A_235 : vector<128xf32> to vector<128x1xf32>
    %eq3A_237 = vector.broadcast %broadcast_in_dim3A_236 : vector<128x1xf32> to vector<128x768xf32>
    %eq3A_238 = arith.cmpf oeq, %select_n3A_233, %eq3A_237 : vector<128x768xf32>
    %jit3A_239 = arith.constant 10240 : i32
    %broadcast_in_dim3A_240 = vector.broadcast %jit3A_239 : i32 to vector<128x768xi32>
    %select_n3A_241 = arith.select %eq3A_238, %concatenate3A_121, %broadcast_in_dim3A_240 : vector<128x768xi1>, vector<128x768xi32>
    %reduce_min3A_242 = arith.constant dense<2147483647> : vector<128xi32>
    %reduce_min3A_243 = vector.multi_reduction <minsi>, %select_n3A_241, %reduce_min3A_242 [1] : vector<128x768xi32> to vector<128xi32>
    %broadcast_in_dim3A_244 = vector.shape_cast %reduce_min3A_243 : vector<128xi32> to vector<128x1xi32>
    %eq3A_245 = vector.broadcast %broadcast_in_dim3A_244 : vector<128x1xi32> to vector<128x768xi32>
    %eq3A_246 = arith.cmpi eq, %concatenate3A_121, %eq3A_245 : vector<128x768xi32>
    %jit3A_247 = arith.constant -3.000000e+38 : f32
    %broadcast_in_dim3A_248 = vector.broadcast %jit3A_247 : f32 to vector<128x768xf32>
    %select_n3A_249 = arith.select %eq3A_246, %broadcast_in_dim3A_248, %select_n3A_233 : vector<128x768xi1>, vector<128x768xf32>
    %reduce_max3A_250 = arith.constant dense<0xFF800000> : vector<128xf32>
    %reduce_max3A_251 = vector.multi_reduction <maximumf>, %select_n3A_249, %reduce_max3A_250 [1] : vector<128x768xf32> to vector<128xf32>
    %broadcast_in_dim3A_252 = vector.shape_cast %reduce_max3A_251 : vector<128xf32> to vector<128x1xf32>
    %eq3A_253 = vector.broadcast %broadcast_in_dim3A_252 : vector<128x1xf32> to vector<128x768xf32>
    %eq3A_254 = arith.cmpf oeq, %select_n3A_249, %eq3A_253 : vector<128x768xf32>
    %jit3A_255 = arith.constant 10240 : i32
    %broadcast_in_dim3A_256 = vector.broadcast %jit3A_255 : i32 to vector<128x768xi32>
    %select_n3A_257 = arith.select %eq3A_254, %concatenate3A_121, %broadcast_in_dim3A_256 : vector<128x768xi1>, vector<128x768xi32>
    %reduce_min3A_258 = arith.constant dense<2147483647> : vector<128xi32>
    %reduce_min3A_259 = vector.multi_reduction <minsi>, %select_n3A_257, %reduce_min3A_258 [1] : vector<128x768xi32> to vector<128xi32>
    %broadcast_in_dim3A_260 = vector.shape_cast %reduce_min3A_259 : vector<128xi32> to vector<128x1xi32>
    %eq3A_261 = vector.broadcast %broadcast_in_dim3A_260 : vector<128x1xi32> to vector<128x768xi32>
    %eq3A_262 = arith.cmpi eq, %concatenate3A_121, %eq3A_261 : vector<128x768xi32>
    %jit3A_263 = arith.constant -3.000000e+38 : f32
    %broadcast_in_dim3A_264 = vector.broadcast %jit3A_263 : f32 to vector<128x768xf32>
    %select_n3A_265 = arith.select %eq3A_262, %broadcast_in_dim3A_264, %select_n3A_249 : vector<128x768xi1>, vector<128x768xf32>
    %reduce_max3A_266 = arith.constant dense<0xFF800000> : vector<128xf32>
    %reduce_max3A_267 = vector.multi_reduction <maximumf>, %select_n3A_265, %reduce_max3A_266 [1] : vector<128x768xf32> to vector<128xf32>
    %broadcast_in_dim3A_268 = vector.shape_cast %reduce_max3A_267 : vector<128xf32> to vector<128x1xf32>
    %eq3A_269 = vector.broadcast %broadcast_in_dim3A_268 : vector<128x1xf32> to vector<128x768xf32>
    %eq3A_270 = arith.cmpf oeq, %select_n3A_265, %eq3A_269 : vector<128x768xf32>
    %jit3A_271 = arith.constant 10240 : i32
    %broadcast_in_dim3A_272 = vector.broadcast %jit3A_271 : i32 to vector<128x768xi32>
    %select_n3A_273 = arith.select %eq3A_270, %concatenate3A_121, %broadcast_in_dim3A_272 : vector<128x768xi1>, vector<128x768xi32>
    %reduce_min3A_274 = arith.constant dense<2147483647> : vector<128xi32>
    %reduce_min3A_275 = vector.multi_reduction <minsi>, %select_n3A_273, %reduce_min3A_274 [1] : vector<128x768xi32> to vector<128xi32>
    %broadcast_in_dim3A_276 = vector.shape_cast %reduce_min3A_275 : vector<128xi32> to vector<128x1xi32>
    %eq3A_277 = vector.broadcast %broadcast_in_dim3A_276 : vector<128x1xi32> to vector<128x768xi32>
    %eq3A_278 = arith.cmpi eq, %concatenate3A_121, %eq3A_277 : vector<128x768xi32>
    %jit3A_279 = arith.constant -3.000000e+38 : f32
    %broadcast_in_dim3A_280 = vector.broadcast %jit3A_279 : f32 to vector<128x768xf32>
    %select_n3A_281 = arith.select %eq3A_278, %broadcast_in_dim3A_280, %select_n3A_265 : vector<128x768xi1>, vector<128x768xf32>
    %reduce_max3A_282 = arith.constant dense<0xFF800000> : vector<128xf32>
    %reduce_max3A_283 = vector.multi_reduction <maximumf>, %select_n3A_281, %reduce_max3A_282 [1] : vector<128x768xf32> to vector<128xf32>
    %broadcast_in_dim3A_284 = vector.shape_cast %reduce_max3A_283 : vector<128xf32> to vector<128x1xf32>
    %eq3A_285 = vector.broadcast %broadcast_in_dim3A_284 : vector<128x1xf32> to vector<128x768xf32>
    %eq3A_286 = arith.cmpf oeq, %select_n3A_281, %eq3A_285 : vector<128x768xf32>
    %jit3A_287 = arith.constant 10240 : i32
    %broadcast_in_dim3A_288 = vector.broadcast %jit3A_287 : i32 to vector<128x768xi32>
    %select_n3A_289 = arith.select %eq3A_286, %concatenate3A_121, %broadcast_in_dim3A_288 : vector<128x768xi1>, vector<128x768xi32>
    %reduce_min3A_290 = arith.constant dense<2147483647> : vector<128xi32>
    %reduce_min3A_291 = vector.multi_reduction <minsi>, %select_n3A_289, %reduce_min3A_290 [1] : vector<128x768xi32> to vector<128xi32>
    %broadcast_in_dim3A_292 = vector.shape_cast %reduce_min3A_291 : vector<128xi32> to vector<128x1xi32>
    %eq3A_293 = vector.broadcast %broadcast_in_dim3A_292 : vector<128x1xi32> to vector<128x768xi32>
    %eq3A_294 = arith.cmpi eq, %concatenate3A_121, %eq3A_293 : vector<128x768xi32>
    %jit3A_295 = arith.constant -3.000000e+38 : f32
    %broadcast_in_dim3A_296 = vector.broadcast %jit3A_295 : f32 to vector<128x768xf32>
    %select_n3A_297 = arith.select %eq3A_294, %broadcast_in_dim3A_296, %select_n3A_281 : vector<128x768xi1>, vector<128x768xf32>
    %reduce_max3A_298 = arith.constant dense<0xFF800000> : vector<128xf32>
    %reduce_max3A_299 = vector.multi_reduction <maximumf>, %select_n3A_297, %reduce_max3A_298 [1] : vector<128x768xf32> to vector<128xf32>
    %broadcast_in_dim3A_300 = vector.shape_cast %reduce_max3A_299 : vector<128xf32> to vector<128x1xf32>
    %eq3A_301 = vector.broadcast %broadcast_in_dim3A_300 : vector<128x1xf32> to vector<128x768xf32>
    %eq3A_302 = arith.cmpf oeq, %select_n3A_297, %eq3A_301 : vector<128x768xf32>
    %jit3A_303 = arith.constant 10240 : i32
    %broadcast_in_dim3A_304 = vector.broadcast %jit3A_303 : i32 to vector<128x768xi32>
    %select_n3A_305 = arith.select %eq3A_302, %concatenate3A_121, %broadcast_in_dim3A_304 : vector<128x768xi1>, vector<128x768xi32>
    %reduce_min3A_306 = arith.constant dense<2147483647> : vector<128xi32>
    %reduce_min3A_307 = vector.multi_reduction <minsi>, %select_n3A_305, %reduce_min3A_306 [1] : vector<128x768xi32> to vector<128xi32>
    %broadcast_in_dim3A_308 = vector.shape_cast %reduce_min3A_307 : vector<128xi32> to vector<128x1xi32>
    %eq3A_309 = vector.broadcast %broadcast_in_dim3A_308 : vector<128x1xi32> to vector<128x768xi32>
    %eq3A_310 = arith.cmpi eq, %concatenate3A_121, %eq3A_309 : vector<128x768xi32>
    %jit3A_311 = arith.constant -3.000000e+38 : f32
    %broadcast_in_dim3A_312 = vector.broadcast %jit3A_311 : f32 to vector<128x768xf32>
    %select_n3A_313 = arith.select %eq3A_310, %broadcast_in_dim3A_312, %select_n3A_297 : vector<128x768xi1>, vector<128x768xf32>
    %reduce_max3A_314 = arith.constant dense<0xFF800000> : vector<128xf32>
    %reduce_max3A_315 = vector.multi_reduction <maximumf>, %select_n3A_313, %reduce_max3A_314 [1] : vector<128x768xf32> to vector<128xf32>
    %broadcast_in_dim3A_316 = vector.shape_cast %reduce_max3A_315 : vector<128xf32> to vector<128x1xf32>
    %eq3A_317 = vector.broadcast %broadcast_in_dim3A_316 : vector<128x1xf32> to vector<128x768xf32>
    %eq3A_318 = arith.cmpf oeq, %select_n3A_313, %eq3A_317 : vector<128x768xf32>
    %jit3A_319 = arith.constant 10240 : i32
    %broadcast_in_dim3A_320 = vector.broadcast %jit3A_319 : i32 to vector<128x768xi32>
    %select_n3A_321 = arith.select %eq3A_318, %concatenate3A_121, %broadcast_in_dim3A_320 : vector<128x768xi1>, vector<128x768xi32>
    %reduce_min3A_322 = arith.constant dense<2147483647> : vector<128xi32>
    %reduce_min3A_323 = vector.multi_reduction <minsi>, %select_n3A_321, %reduce_min3A_322 [1] : vector<128x768xi32> to vector<128xi32>
    %broadcast_in_dim3A_324 = vector.shape_cast %reduce_min3A_323 : vector<128xi32> to vector<128x1xi32>
    %eq3A_325 = vector.broadcast %broadcast_in_dim3A_324 : vector<128x1xi32> to vector<128x768xi32>
    %eq3A_326 = arith.cmpi eq, %concatenate3A_121, %eq3A_325 : vector<128x768xi32>
    %jit3A_327 = arith.constant -3.000000e+38 : f32
    %broadcast_in_dim3A_328 = vector.broadcast %jit3A_327 : f32 to vector<128x768xf32>
    %select_n3A_329 = arith.select %eq3A_326, %broadcast_in_dim3A_328, %select_n3A_313 : vector<128x768xi1>, vector<128x768xf32>
    %reduce_max3A_330 = arith.constant dense<0xFF800000> : vector<128xf32>
    %reduce_max3A_331 = vector.multi_reduction <maximumf>, %select_n3A_329, %reduce_max3A_330 [1] : vector<128x768xf32> to vector<128xf32>
    %broadcast_in_dim3A_332 = vector.shape_cast %reduce_max3A_331 : vector<128xf32> to vector<128x1xf32>
    %eq3A_333 = vector.broadcast %broadcast_in_dim3A_332 : vector<128x1xf32> to vector<128x768xf32>
    %eq3A_334 = arith.cmpf oeq, %select_n3A_329, %eq3A_333 : vector<128x768xf32>
    %jit3A_335 = arith.constant 10240 : i32
    %broadcast_in_dim3A_336 = vector.broadcast %jit3A_335 : i32 to vector<128x768xi32>
    %select_n3A_337 = arith.select %eq3A_334, %concatenate3A_121, %broadcast_in_dim3A_336 : vector<128x768xi1>, vector<128x768xi32>
    %reduce_min3A_338 = arith.constant dense<2147483647> : vector<128xi32>
    %reduce_min3A_339 = vector.multi_reduction <minsi>, %select_n3A_337, %reduce_min3A_338 [1] : vector<128x768xi32> to vector<128xi32>
    %broadcast_in_dim3A_340 = vector.shape_cast %reduce_min3A_339 : vector<128xi32> to vector<128x1xi32>
    %eq3A_341 = vector.broadcast %broadcast_in_dim3A_340 : vector<128x1xi32> to vector<128x768xi32>
    %eq3A_342 = arith.cmpi eq, %concatenate3A_121, %eq3A_341 : vector<128x768xi32>
    %jit3A_343 = arith.constant -3.000000e+38 : f32
    %broadcast_in_dim3A_344 = vector.broadcast %jit3A_343 : f32 to vector<128x768xf32>
    %select_n3A_345 = arith.select %eq3A_342, %broadcast_in_dim3A_344, %select_n3A_329 : vector<128x768xi1>, vector<128x768xf32>
    %reduce_max3A_346 = arith.constant dense<0xFF800000> : vector<128xf32>
    %reduce_max3A_347 = vector.multi_reduction <maximumf>, %select_n3A_345, %reduce_max3A_346 [1] : vector<128x768xf32> to vector<128xf32>
    %broadcast_in_dim3A_348 = vector.shape_cast %reduce_max3A_347 : vector<128xf32> to vector<128x1xf32>
    %eq3A_349 = vector.broadcast %broadcast_in_dim3A_348 : vector<128x1xf32> to vector<128x768xf32>
    %eq3A_350 = arith.cmpf oeq, %select_n3A_345, %eq3A_349 : vector<128x768xf32>
    %jit3A_351 = arith.constant 10240 : i32
    %broadcast_in_dim3A_352 = vector.broadcast %jit3A_351 : i32 to vector<128x768xi32>
    %select_n3A_353 = arith.select %eq3A_350, %concatenate3A_121, %broadcast_in_dim3A_352 : vector<128x768xi1>, vector<128x768xi32>
    %reduce_min3A_354 = arith.constant dense<2147483647> : vector<128xi32>
    %reduce_min3A_355 = vector.multi_reduction <minsi>, %select_n3A_353, %reduce_min3A_354 [1] : vector<128x768xi32> to vector<128xi32>
    %broadcast_in_dim3A_356 = vector.shape_cast %reduce_min3A_355 : vector<128xi32> to vector<128x1xi32>
    %eq3A_357 = vector.broadcast %broadcast_in_dim3A_356 : vector<128x1xi32> to vector<128x768xi32>
    %eq3A_358 = arith.cmpi eq, %concatenate3A_121, %eq3A_357 : vector<128x768xi32>
    %jit3A_359 = arith.constant -3.000000e+38 : f32
    %broadcast_in_dim3A_360 = vector.broadcast %jit3A_359 : f32 to vector<128x768xf32>
    %select_n3A_361 = arith.select %eq3A_358, %broadcast_in_dim3A_360, %select_n3A_345 : vector<128x768xi1>, vector<128x768xf32>
    %reduce_max3A_362 = arith.constant dense<0xFF800000> : vector<128xf32>
    %reduce_max3A_363 = vector.multi_reduction <maximumf>, %select_n3A_361, %reduce_max3A_362 [1] : vector<128x768xf32> to vector<128xf32>
    %broadcast_in_dim3A_364 = vector.shape_cast %reduce_max3A_363 : vector<128xf32> to vector<128x1xf32>
    %eq3A_365 = vector.broadcast %broadcast_in_dim3A_364 : vector<128x1xf32> to vector<128x768xf32>
    %eq3A_366 = arith.cmpf oeq, %select_n3A_361, %eq3A_365 : vector<128x768xf32>
    %jit3A_367 = arith.constant 10240 : i32
    %broadcast_in_dim3A_368 = vector.broadcast %jit3A_367 : i32 to vector<128x768xi32>
    %select_n3A_369 = arith.select %eq3A_366, %concatenate3A_121, %broadcast_in_dim3A_368 : vector<128x768xi1>, vector<128x768xi32>
    %reduce_min3A_370 = arith.constant dense<2147483647> : vector<128xi32>
    %reduce_min3A_371 = vector.multi_reduction <minsi>, %select_n3A_369, %reduce_min3A_370 [1] : vector<128x768xi32> to vector<128xi32>
    %broadcast_in_dim3A_372 = vector.shape_cast %reduce_min3A_371 : vector<128xi32> to vector<128x1xi32>
    %eq3A_373 = vector.broadcast %broadcast_in_dim3A_372 : vector<128x1xi32> to vector<128x768xi32>
    %eq3A_374 = arith.cmpi eq, %concatenate3A_121, %eq3A_373 : vector<128x768xi32>
    %jit3A_375 = arith.constant -3.000000e+38 : f32
    %broadcast_in_dim3A_376 = vector.broadcast %jit3A_375 : f32 to vector<128x768xf32>
    %select_n3A_377 = arith.select %eq3A_374, %broadcast_in_dim3A_376, %select_n3A_361 : vector<128x768xi1>, vector<128x768xf32>
    %reduce_max3A_378 = arith.constant dense<0xFF800000> : vector<128xf32>
    %reduce_max3A_379 = vector.multi_reduction <maximumf>, %select_n3A_377, %reduce_max3A_378 [1] : vector<128x768xf32> to vector<128xf32>
    %broadcast_in_dim3A_380 = vector.shape_cast %reduce_max3A_379 : vector<128xf32> to vector<128x1xf32>
    %eq3A_381 = vector.broadcast %broadcast_in_dim3A_380 : vector<128x1xf32> to vector<128x768xf32>
    %eq3A_382 = arith.cmpf oeq, %select_n3A_377, %eq3A_381 : vector<128x768xf32>
    %jit3A_383 = arith.constant 10240 : i32
    %broadcast_in_dim3A_384 = vector.broadcast %jit3A_383 : i32 to vector<128x768xi32>
    %select_n3A_385 = arith.select %eq3A_382, %concatenate3A_121, %broadcast_in_dim3A_384 : vector<128x768xi1>, vector<128x768xi32>
    %reduce_min3A_386 = arith.constant dense<2147483647> : vector<128xi32>
    %reduce_min3A_387 = vector.multi_reduction <minsi>, %select_n3A_385, %reduce_min3A_386 [1] : vector<128x768xi32> to vector<128xi32>
    %broadcast_in_dim3A_388 = vector.shape_cast %reduce_min3A_387 : vector<128xi32> to vector<128x1xi32>
    %concatenate3A_389 = tpu.concatenate %broadcast_in_dim3A_148, %broadcast_in_dim3A_164, %broadcast_in_dim3A_180, %broadcast_in_dim3A_196, %broadcast_in_dim3A_212, %broadcast_in_dim3A_228, %broadcast_in_dim3A_244, %broadcast_in_dim3A_260, %broadcast_in_dim3A_276, %broadcast_in_dim3A_292, %broadcast_in_dim3A_308, %broadcast_in_dim3A_324, %broadcast_in_dim3A_340, %broadcast_in_dim3A_356, %broadcast_in_dim3A_372, %broadcast_in_dim3A_388 in 1 : vector<128x1xi32>, vector<128x1xi32>, vector<128x1xi32>, vector<128x1xi32>, vector<128x1xi32>, vector<128x1xi32>, vector<128x1xi32>, vector<128x1xi32>, vector<128x1xi32>, vector<128x1xi32>, vector<128x1xi32>, vector<128x1xi32>, vector<128x1xi32>, vector<128x1xi32>, vector<128x1xi32>, vector<128x1xi32> -> vector<128x16xi32>
    %swap3A = arith.constant 0 : index
    %swap3A_390 = arith.constant 0 : index
    %swap3A_391 = vector.load %arg4[%swap3A, %swap3A_390] : memref<128x16xi32, #tpu.memory_space<vmem>>, vector<128x16xi32>
    tpu.vector_store %arg4[%swap3A, %swap3A_390], %concatenate3A_389 {strides = array<i32>} : memref<128x16xi32, #tpu.memory_space<vmem>>, vector<128x16xi32>,
    return
  }
  func.func @transform_0(%arg0: i32) -> (i32, i32) {
    %c0_i32 = arith.constant 0 : i32
    %c0_i32_0 = arith.constant 0 : i32
    return %arg0, %c0_i32 : i32, i32
  }
  func.func @transform_1(%arg0: i32) -> (i32, i32) {
    %c0_i32 = arith.constant 0 : i32
    %c0_i32_0 = arith.constant 0 : i32
    %c0_i32_1 = arith.constant 0 : i32
    return %c0_i32, %c0_i32_0 : i32, i32
  }
  func.func @transform_2(%arg0: i32) -> (i32, i32) {
    %c0_i32 = arith.constant 0 : i32
    %c0_i32_0 = arith.constant 0 : i32
    %c0_i32_1 = arith.constant 0 : i32
    return %c0_i32, %c0_i32_0 : i32, i32
  }
  func.func @transform_3(%arg0: i32) -> (i32, i32) {
    %c0_i32 = arith.constant 0 : i32
    %c0_i32_0 = arith.constant 0 : i32
    return %arg0, %c0_i32 : i32, i32
  }
}

module attributes {stable_mosaic.version = 14 : i64} {
  func.func @_edge_body(%arg0: i32, %arg1: memref<200x256xf32, #tpu.memory_space<vmem>>, %arg2: memref<16x200x256xf32, #tpu.memory_space<vmem>>, %arg3: memref<128x64xf32, #tpu.memory_space<vmem>>, %arg4: memref<128x64xf32, #tpu.memory_space<vmem>>, %arg5: memref<128x64xf32, #tpu.memory_space<vmem>>, %arg6: memref<64x64xf32, #tpu.memory_space<vmem>>, %arg7: memref<1x64xf32, #tpu.memory_space<vmem>>, %arg8: memref<64x64xf32, #tpu.memory_space<vmem>>, %arg9: memref<1x64xf32, #tpu.memory_space<vmem>>, %arg10: memref<64x64xf32, #tpu.memory_space<vmem>>, %arg11: memref<1x64xf32, #tpu.memory_space<vmem>>, %arg12: memref<200x64xf32, #tpu.memory_space<vmem>>, %arg13: memref<200x64xf32, #tpu.memory_space<vmem>>) attributes {dimension_semantics = [#tpu.dimension_semantics<arbitrary>], iteration_bounds = array<i64: 50>, scalar_prefetch = 0 : i64, scratch_operands = 0 : i64, tpu.core_type = #tpu.core_type<tc>, window_params = [{transform_indices = @transform_0, window_bounds = array<i64: 200, 256>}, {transform_indices = @transform_1, window_bounds = array<i64: 16, 200, 256>}, {pipeline_mode = #tpu.pipeline_mode<synchronous>, transform_indices = @transform_2, window_bounds = array<i64: 128, 64>}, {pipeline_mode = #tpu.pipeline_mode<synchronous>, transform_indices = @transform_3, window_bounds = array<i64: 128, 64>}, {pipeline_mode = #tpu.pipeline_mode<synchronous>, transform_indices = @transform_4, window_bounds = array<i64: 128, 64>}, {pipeline_mode = #tpu.pipeline_mode<synchronous>, transform_indices = @transform_5, window_bounds = array<i64: 64, 64>}, {pipeline_mode = #tpu.pipeline_mode<synchronous>, transform_indices = @transform_6, window_bounds = array<i64: 1, 64>}, {pipeline_mode = #tpu.pipeline_mode<synchronous>, transform_indices = @transform_7, window_bounds = array<i64: 64, 64>}, {pipeline_mode = #tpu.pipeline_mode<synchronous>, transform_indices = @transform_8, window_bounds = array<i64: 1, 64>}, {pipeline_mode = #tpu.pipeline_mode<synchronous>, transform_indices = @transform_9, window_bounds = array<i64: 64, 64>}, {pipeline_mode = #tpu.pipeline_mode<synchronous>, transform_indices = @transform_10, window_bounds = array<i64: 1, 64>}, {transform_indices = @transform_11, window_bounds = array<i64: 200, 64>}, {transform_indices = @transform_12, window_bounds = array<i64: 200, 64>}]} {
    %get3A = arith.constant 0 : index
    %get3A_0 = arith.constant 0 : index
    %get3A_1 = vector.load %arg1[%get3A, %get3A_0] : memref<200x256xf32, #tpu.memory_space<vmem>>, vector<200x256xf32>
    %slice3A = vector.extract_strided_slice %get3A_1 {offsets = [0, 0], sizes = [200, 64], strides = [1, 1]} : vector<200x256xf32> to vector<200x64xf32>
    %slice3A_2 = vector.extract_strided_slice %get3A_1 {offsets = [0, 64], sizes = [200, 64], strides = [1, 1]} : vector<200x256xf32> to vector<200x64xf32>
    %slice3A_3 = vector.extract_strided_slice %get3A_1 {offsets = [0, 128], sizes = [200, 64], strides = [1, 1]} : vector<200x256xf32> to vector<200x64xf32>
    %slice3A_4 = vector.extract_strided_slice %get3A_1 {offsets = [0, 192], sizes = [200, 64], strides = [1, 1]} : vector<200x256xf32> to vector<200x64xf32>
    %get3A_5 = arith.constant 0 : index
    %get3A_6 = arith.constant 0 : index
    %get3A_7 = arith.constant 0 : index
    %get3A_8 = vector.load %arg2[%get3A_5, %get3A_6, %get3A_7] : memref<16x200x256xf32, #tpu.memory_space<vmem>>, vector<16x200x256xf32>
    %slice3A_9 = vector.extract_strided_slice %get3A_8 {offsets = [0, 0, 0], sizes = [16, 200, 64], strides = [1, 1, 1]} : vector<16x200x256xf32> to vector<16x200x64xf32>
    %slice3A_10 = vector.extract_strided_slice %get3A_8 {offsets = [0, 0, 64], sizes = [16, 200, 64], strides = [1, 1, 1]} : vector<16x200x256xf32> to vector<16x200x64xf32>
    %slice3A_11 = vector.extract_strided_slice %get3A_8 {offsets = [0, 0, 128], sizes = [16, 200, 64], strides = [1, 1, 1]} : vector<16x200x256xf32> to vector<16x200x64xf32>
    %slice3A_12 = vector.extract_strided_slice %get3A_8 {offsets = [0, 0, 192], sizes = [16, 200, 64], strides = [1, 1, 1]} : vector<16x200x256xf32> to vector<16x200x64xf32>
    %broadcast_in_dim3A = vector.shape_cast %slice3A : vector<200x64xf32> to vector<1x200x64xf32>
    %broadcast_in_dim3A_13 = vector.shape_cast %broadcast_in_dim3A : vector<1x200x64xf32> to vector<1x200x64xf32>
    %broadcast_in_dim3A_14 = vector.broadcast %broadcast_in_dim3A_13 : vector<1x200x64xf32> to vector<16x200x64xf32>
    %broadcast_in_dim3A_15 = vector.shape_cast %slice3A_2 : vector<200x64xf32> to vector<1x200x64xf32>
    %broadcast_in_dim3A_16 = vector.shape_cast %broadcast_in_dim3A_15 : vector<1x200x64xf32> to vector<1x200x64xf32>
    %broadcast_in_dim3A_17 = vector.broadcast %broadcast_in_dim3A_16 : vector<1x200x64xf32> to vector<16x200x64xf32>
    %sub3A = arith.subf %slice3A_9, %broadcast_in_dim3A_14 : vector<16x200x64xf32>
    %concatenate3A = tpu.concatenate %sub3A, %broadcast_in_dim3A_14 in 2 : vector<16x200x64xf32>, vector<16x200x64xf32> -> vector<16x200x128xf32>
    %reshape3A = vector.shape_cast %concatenate3A : vector<16x200x128xf32> to vector<3200x128xf32>
    %get3A_18 = arith.constant 0 : index
    %get3A_19 = arith.constant 0 : index
    %get3A_20 = vector.load %arg3[%get3A_18, %get3A_19] : memref<128x64xf32, #tpu.memory_space<vmem>>, vector<128x64xf32>
    %convert_element_type3A = arith.truncf %reshape3A : vector<3200x128xf32> to vector<3200x128xbf16>
    %convert_element_type3A_21 = arith.truncf %get3A_20 : vector<128x64xf32> to vector<128x64xbf16>
    %dot_general3A = arith.constant dense<0.000000e+00> : vector<3200x64xf32>
    %dot_general3A_22 = tpu.matmul %convert_element_type3A, %convert_element_type3A_21, %dot_general3A {dimension_numbers = #tpu.dot_dimension_numbers<[1], [0], [0], [1], [0, 0, 1, 1], [], []>, transpose_lhs_hint = false} : vector<3200x128xbf16>, vector<128x64xbf16>, vector<3200x64xf32> -> vector<3200x64xf32>
    %sqrt3A = arith.constant 1.000010e+00 : f32
    %sqrt3A_23 = math.sqrt %sqrt3A : f32
    %div3A = vector.broadcast %sqrt3A_23 : f32 to vector<3200x64xf32>
    %div3A_24 = arith.divf %dot_general3A_22, %div3A : vector<3200x64xf32>
    %jit3A = arith.constant 2.000000e-01 : f32
    %ge3A = arith.constant 0.000000e+00 : f32
    %ge3A_25 = vector.broadcast %ge3A : f32 to vector<3200x64xf32>
    %ge3A_26 = arith.cmpf oge, %div3A_24, %ge3A_25 : vector<3200x64xf32>
    %mul3A = vector.broadcast %jit3A : f32 to vector<3200x64xf32>
    %mul3A_27 = arith.mulf %mul3A, %div3A_24 : vector<3200x64xf32>
    %select_n3A = arith.select %ge3A_26, %div3A_24, %mul3A_27 : vector<3200x64xi1>, vector<3200x64xf32>
    %reshape3A_28 = vector.shape_cast %select_n3A : vector<3200x64xf32> to vector<16x200x64xf32>
    %sub3A_29 = arith.subf %slice3A_10, %broadcast_in_dim3A_17 : vector<16x200x64xf32>
    %concatenate3A_30 = tpu.concatenate %sub3A_29, %broadcast_in_dim3A_17 in 2 : vector<16x200x64xf32>, vector<16x200x64xf32> -> vector<16x200x128xf32>
    %reshape3A_31 = vector.shape_cast %concatenate3A_30 : vector<16x200x128xf32> to vector<3200x128xf32>
    %get3A_32 = arith.constant 0 : index
    %get3A_33 = arith.constant 0 : index
    %get3A_34 = vector.load %arg4[%get3A_32, %get3A_33] : memref<128x64xf32, #tpu.memory_space<vmem>>, vector<128x64xf32>
    %convert_element_type3A_35 = arith.truncf %reshape3A_31 : vector<3200x128xf32> to vector<3200x128xbf16>
    %convert_element_type3A_36 = arith.truncf %get3A_34 : vector<128x64xf32> to vector<128x64xbf16>
    %dot_general3A_37 = arith.constant dense<0.000000e+00> : vector<3200x64xf32>
    %dot_general3A_38 = tpu.matmul %convert_element_type3A_35, %convert_element_type3A_36, %dot_general3A_37 {dimension_numbers = #tpu.dot_dimension_numbers<[1], [0], [0], [1], [0, 0, 1, 1], [], []>, transpose_lhs_hint = false} : vector<3200x128xbf16>, vector<128x64xbf16>, vector<3200x64xf32> -> vector<3200x64xf32>
    %sqrt3A_39 = arith.constant 1.000010e+00 : f32
    %sqrt3A_40 = math.sqrt %sqrt3A_39 : f32
    %div3A_41 = vector.broadcast %sqrt3A_40 : f32 to vector<3200x64xf32>
    %div3A_42 = arith.divf %dot_general3A_38, %div3A_41 : vector<3200x64xf32>
    %jit3A_43 = arith.constant 2.000000e-01 : f32
    %ge3A_44 = arith.constant 0.000000e+00 : f32
    %ge3A_45 = vector.broadcast %ge3A_44 : f32 to vector<3200x64xf32>
    %ge3A_46 = arith.cmpf oge, %div3A_42, %ge3A_45 : vector<3200x64xf32>
    %mul3A_47 = vector.broadcast %jit3A_43 : f32 to vector<3200x64xf32>
    %mul3A_48 = arith.mulf %mul3A_47, %div3A_42 : vector<3200x64xf32>
    %select_n3A_49 = arith.select %ge3A_46, %div3A_42, %mul3A_48 : vector<3200x64xi1>, vector<3200x64xf32>
    %broadcast_in_dim3A_50 = vector.shape_cast %slice3A_3 : vector<200x64xf32> to vector<1x200x64xf32>
    %broadcast_in_dim3A_51 = vector.shape_cast %broadcast_in_dim3A_50 : vector<1x200x64xf32> to vector<1x200x64xf32>
    %broadcast_in_dim3A_52 = vector.broadcast %broadcast_in_dim3A_51 : vector<1x200x64xf32> to vector<16x200x64xf32>
    %sub3A_53 = arith.subf %broadcast_in_dim3A_52, %slice3A_11 : vector<16x200x64xf32>
    %concatenate3A_54 = tpu.concatenate %sub3A_53, %slice3A_11 in 2 : vector<16x200x64xf32>, vector<16x200x64xf32> -> vector<16x200x128xf32>
    %reshape3A_55 = vector.shape_cast %concatenate3A_54 : vector<16x200x128xf32> to vector<3200x128xf32>
    %get3A_56 = arith.constant 0 : index
    %get3A_57 = arith.constant 0 : index
    %get3A_58 = vector.load %arg5[%get3A_56, %get3A_57] : memref<128x64xf32, #tpu.memory_space<vmem>>, vector<128x64xf32>
    %convert_element_type3A_59 = arith.truncf %reshape3A_55 : vector<3200x128xf32> to vector<3200x128xbf16>
    %convert_element_type3A_60 = arith.truncf %get3A_58 : vector<128x64xf32> to vector<128x64xbf16>
    %dot_general3A_61 = arith.constant dense<0.000000e+00> : vector<3200x64xf32>
    %dot_general3A_62 = tpu.matmul %convert_element_type3A_59, %convert_element_type3A_60, %dot_general3A_61 {dimension_numbers = #tpu.dot_dimension_numbers<[1], [0], [0], [1], [0, 0, 1, 1], [], []>, transpose_lhs_hint = false} : vector<3200x128xbf16>, vector<128x64xbf16>, vector<3200x64xf32> -> vector<3200x64xf32>
    %sqrt3A_63 = arith.constant 1.000010e+00 : f32
    %sqrt3A_64 = math.sqrt %sqrt3A_63 : f32
    %div3A_65 = vector.broadcast %sqrt3A_64 : f32 to vector<3200x64xf32>
    %div3A_66 = arith.divf %dot_general3A_62, %div3A_65 : vector<3200x64xf32>
    %jit3A_67 = arith.constant 2.000000e-01 : f32
    %ge3A_68 = arith.constant 0.000000e+00 : f32
    %ge3A_69 = vector.broadcast %ge3A_68 : f32 to vector<3200x64xf32>
    %ge3A_70 = arith.cmpf oge, %div3A_66, %ge3A_69 : vector<3200x64xf32>
    %mul3A_71 = vector.broadcast %jit3A_67 : f32 to vector<3200x64xf32>
    %mul3A_72 = arith.mulf %mul3A_71, %div3A_66 : vector<3200x64xf32>
    %select_n3A_73 = arith.select %ge3A_70, %div3A_66, %mul3A_72 : vector<3200x64xi1>, vector<3200x64xf32>
    %reshape3A_74 = vector.shape_cast %select_n3A_73 : vector<3200x64xf32> to vector<16x200x64xf32>
    %reduce_max3A = arith.constant dense<0xFF800000> : vector<200x64xf32>
    %reduce_max3A_75 = vector.multi_reduction <maximumf>, %reshape3A_74, %reduce_max3A [0] : vector<16x200x64xf32> to vector<200x64xf32>
    %broadcast_in_dim3A_76 = vector.shape_cast %reduce_max3A_75 : vector<200x64xf32> to vector<1x200x64xf32>
    %sub3A_77 = vector.broadcast %broadcast_in_dim3A_76 : vector<1x200x64xf32> to vector<16x200x64xf32>
    %sub3A_78 = arith.subf %reshape3A_74, %sub3A_77 : vector<16x200x64xf32>
    %exp3A = math.exp %sub3A_78 : vector<16x200x64xf32>
    %reduce_sum3A = arith.constant dense<0.000000e+00> : vector<200x64xf32>
    %reduce_sum3A_79 = vector.multi_reduction <add>, %exp3A, %reduce_sum3A [0] : vector<16x200x64xf32> to vector<200x64xf32>
    %broadcast_in_dim3A_80 = vector.shape_cast %reduce_sum3A_79 : vector<200x64xf32> to vector<1x200x64xf32>
    %div3A_81 = vector.broadcast %broadcast_in_dim3A_80 : vector<1x200x64xf32> to vector<16x200x64xf32>
    %div3A_82 = arith.divf %exp3A, %div3A_81 : vector<16x200x64xf32>
    %mul3A_83 = arith.mulf %div3A_82, %reshape3A_28 : vector<16x200x64xf32>
    %reduce_sum3A_84 = arith.constant dense<0.000000e+00> : vector<200x64xf32>
    %reduce_sum3A_85 = vector.multi_reduction <add>, %mul3A_83, %reduce_sum3A_84 [0] : vector<16x200x64xf32> to vector<200x64xf32>
    %swap3A = arith.constant 0 : index
    %swap3A_86 = arith.constant 0 : index
    %swap3A_87 = vector.load %arg12[%swap3A, %swap3A_86] : memref<200x64xf32, #tpu.memory_space<vmem>>, vector<200x64xf32>
    tpu.vector_store %arg12[%swap3A, %swap3A_86], %reduce_sum3A_85 {strides = array<i32>} : memref<200x64xf32, #tpu.memory_space<vmem>>, vector<200x64xf32>,
    %get3A_88 = arith.constant 0 : index
    %get3A_89 = arith.constant 0 : index
    %get3A_90 = vector.load %arg6[%get3A_88, %get3A_89] : memref<64x64xf32, #tpu.memory_space<vmem>>, vector<64x64xf32>
    %convert_element_type3A_91 = arith.truncf %slice3A_4 : vector<200x64xf32> to vector<200x64xbf16>
    %convert_element_type3A_92 = arith.truncf %get3A_90 : vector<64x64xf32> to vector<64x64xbf16>
    %dot_general3A_93 = arith.constant dense<0.000000e+00> : vector<200x64xf32>
    %dot_general3A_94 = tpu.matmul %convert_element_type3A_91, %convert_element_type3A_92, %dot_general3A_93 {dimension_numbers = #tpu.dot_dimension_numbers<[1], [0], [0], [1], [0, 0, 1, 1], [], []>, transpose_lhs_hint = false} : vector<200x64xbf16>, vector<64x64xbf16>, vector<200x64xf32> -> vector<200x64xf32>
    %get3A_95 = arith.constant 0 : index
    %get3A_96 = arith.constant 0 : index
    %get3A_97 = vector.load %arg7[%get3A_95, %get3A_96] : memref<1x64xf32, #tpu.memory_space<vmem>>, vector<1x64xf32>
    %add3A = vector.broadcast %get3A_97 : vector<1x64xf32> to vector<200x64xf32>
    %add3A_98 = arith.addf %dot_general3A_94, %add3A : vector<200x64xf32>
    %reshape3A_99 = vector.shape_cast %slice3A_12 : vector<16x200x64xf32> to vector<3200x64xf32>
    %get3A_100 = arith.constant 0 : index
    %get3A_101 = arith.constant 0 : index
    %get3A_102 = vector.load %arg6[%get3A_100, %get3A_101] : memref<64x64xf32, #tpu.memory_space<vmem>>, vector<64x64xf32>
    %convert_element_type3A_103 = arith.truncf %reshape3A_99 : vector<3200x64xf32> to vector<3200x64xbf16>
    %convert_element_type3A_104 = arith.truncf %get3A_102 : vector<64x64xf32> to vector<64x64xbf16>
    %dot_general3A_105 = arith.constant dense<0.000000e+00> : vector<3200x64xf32>
    %dot_general3A_106 = tpu.matmul %convert_element_type3A_103, %convert_element_type3A_104, %dot_general3A_105 {dimension_numbers = #tpu.dot_dimension_numbers<[1], [0], [0], [1], [0, 0, 1, 1], [], []>, transpose_lhs_hint = false} : vector<3200x64xbf16>, vector<64x64xbf16>, vector<3200x64xf32> -> vector<3200x64xf32>
    %get3A_107 = arith.constant 0 : index
    %get3A_108 = arith.constant 0 : index
    %get3A_109 = vector.load %arg7[%get3A_107, %get3A_108] : memref<1x64xf32, #tpu.memory_space<vmem>>, vector<1x64xf32>
    %add3A_110 = vector.broadcast %get3A_109 : vector<1x64xf32> to vector<3200x64xf32>
    %add3A_111 = arith.addf %dot_general3A_106, %add3A_110 : vector<3200x64xf32>
    %reshape3A_112 = vector.shape_cast %add3A_111 : vector<3200x64xf32> to vector<16x200x64xf32>
    %broadcast_in_dim3A_113 = vector.shape_cast %add3A_98 : vector<200x64xf32> to vector<1x200x64xf32>
    %broadcast_in_dim3A_114 = vector.shape_cast %broadcast_in_dim3A_113 : vector<1x200x64xf32> to vector<1x200x64xf32>
    %broadcast_in_dim3A_115 = vector.broadcast %broadcast_in_dim3A_114 : vector<1x200x64xf32> to vector<16x200x64xf32>
    %mul3A_116 = arith.mulf %broadcast_in_dim3A_115, %reshape3A_112 : vector<16x200x64xf32>
    %reduce_sum3A_117 = arith.constant dense<0.000000e+00> : vector<16x200xf32>
    %reduce_sum3A_118 = vector.multi_reduction <add>, %mul3A_116, %reduce_sum3A_117 [2] : vector<16x200x64xf32> to vector<16x200xf32>
    %broadcast_in_dim3A_119 = vector.shape_cast %reduce_sum3A_118 : vector<16x200xf32> to vector<16x200x1xf32>
    %reduce_max3A_120 = arith.constant dense<0xFF800000> : vector<200x1xf32>
    %reduce_max3A_121 = vector.multi_reduction <maximumf>, %broadcast_in_dim3A_119, %reduce_max3A_120 [0] : vector<16x200x1xf32> to vector<200x1xf32>
    %broadcast_in_dim3A_122 = vector.shape_cast %reduce_max3A_121 : vector<200x1xf32> to vector<1x200x1xf32>
    %sub3A_123 = vector.broadcast %broadcast_in_dim3A_122 : vector<1x200x1xf32> to vector<16x200x1xf32>
    %sub3A_124 = arith.subf %broadcast_in_dim3A_119, %sub3A_123 : vector<16x200x1xf32>
    %exp3A_125 = math.exp %sub3A_124 : vector<16x200x1xf32>
    %reduce_sum3A_126 = arith.constant dense<0.000000e+00> : vector<200x1xf32>
    %reduce_sum3A_127 = vector.multi_reduction <add>, %exp3A_125, %reduce_sum3A_126 [0] : vector<16x200x1xf32> to vector<200x1xf32>
    %broadcast_in_dim3A_128 = vector.shape_cast %reduce_sum3A_127 : vector<200x1xf32> to vector<1x200x1xf32>
    %div3A_129 = vector.broadcast %broadcast_in_dim3A_128 : vector<1x200x1xf32> to vector<16x200x1xf32>
    %div3A_130 = arith.divf %exp3A_125, %div3A_129 : vector<16x200x1xf32>
    %get3A_131 = arith.constant 0 : index
    %get3A_132 = arith.constant 0 : index
    %get3A_133 = vector.load %arg8[%get3A_131, %get3A_132] : memref<64x64xf32, #tpu.memory_space<vmem>>, vector<64x64xf32>
    %convert_element_type3A_134 = arith.truncf %select_n3A_49 : vector<3200x64xf32> to vector<3200x64xbf16>
    %convert_element_type3A_135 = arith.truncf %get3A_133 : vector<64x64xf32> to vector<64x64xbf16>
    %dot_general3A_136 = arith.constant dense<0.000000e+00> : vector<3200x64xf32>
    %dot_general3A_137 = tpu.matmul %convert_element_type3A_134, %convert_element_type3A_135, %dot_general3A_136 {dimension_numbers = #tpu.dot_dimension_numbers<[1], [0], [0], [1], [0, 0, 1, 1], [], []>, transpose_lhs_hint = false} : vector<3200x64xbf16>, vector<64x64xbf16>, vector<3200x64xf32> -> vector<3200x64xf32>
    %get3A_138 = arith.constant 0 : index
    %get3A_139 = arith.constant 0 : index
    %get3A_140 = vector.load %arg9[%get3A_138, %get3A_139] : memref<1x64xf32, #tpu.memory_space<vmem>>, vector<1x64xf32>
    %add3A_141 = vector.broadcast %get3A_140 : vector<1x64xf32> to vector<3200x64xf32>
    %add3A_142 = arith.addf %dot_general3A_137, %add3A_141 : vector<3200x64xf32>
    %reshape3A_143 = vector.shape_cast %add3A_142 : vector<3200x64xf32> to vector<16x200x64xf32>
    %mul3A_144 = vector.broadcast %div3A_130 : vector<16x200x1xf32> to vector<16x200x64xf32>
    %mul3A_145 = arith.mulf %mul3A_144, %reshape3A_143 : vector<16x200x64xf32>
    %reduce_sum3A_146 = arith.constant dense<0.000000e+00> : vector<200x64xf32>
    %reduce_sum3A_147 = vector.multi_reduction <add>, %mul3A_145, %reduce_sum3A_146 [0] : vector<16x200x64xf32> to vector<200x64xf32>
    %get3A_148 = arith.constant 0 : index
    %get3A_149 = arith.constant 0 : index
    %get3A_150 = vector.load %arg10[%get3A_148, %get3A_149] : memref<64x64xf32, #tpu.memory_space<vmem>>, vector<64x64xf32>
    %convert_element_type3A_151 = arith.truncf %reduce_sum3A_147 : vector<200x64xf32> to vector<200x64xbf16>
    %convert_element_type3A_152 = arith.truncf %get3A_150 : vector<64x64xf32> to vector<64x64xbf16>
    %dot_general3A_153 = arith.constant dense<0.000000e+00> : vector<200x64xf32>
    %dot_general3A_154 = tpu.matmul %convert_element_type3A_151, %convert_element_type3A_152, %dot_general3A_153 {dimension_numbers = #tpu.dot_dimension_numbers<[1], [0], [0], [1], [0, 0, 1, 1], [], []>, transpose_lhs_hint = false} : vector<200x64xbf16>, vector<64x64xbf16>, vector<200x64xf32> -> vector<200x64xf32>
    %get3A_155 = arith.constant 0 : index
    %get3A_156 = arith.constant 0 : index
    %get3A_157 = vector.load %arg11[%get3A_155, %get3A_156] : memref<1x64xf32, #tpu.memory_space<vmem>>, vector<1x64xf32>
    %add3A_158 = vector.broadcast %get3A_157 : vector<1x64xf32> to vector<200x64xf32>
    %add3A_159 = arith.addf %dot_general3A_154, %add3A_158 : vector<200x64xf32>
    %sqrt3A_160 = arith.constant 1.000010e+00 : f32
    %sqrt3A_161 = math.sqrt %sqrt3A_160 : f32
    %div3A_162 = vector.broadcast %sqrt3A_161 : f32 to vector<200x64xf32>
    %div3A_163 = arith.divf %add3A_159, %div3A_162 : vector<200x64xf32>
    %swap3A_164 = arith.constant 0 : index
    %swap3A_165 = arith.constant 0 : index
    %swap3A_166 = vector.load %arg13[%swap3A_164, %swap3A_165] : memref<200x64xf32, #tpu.memory_space<vmem>>, vector<200x64xf32>
    tpu.vector_store %arg13[%swap3A_164, %swap3A_165], %div3A_163 {strides = array<i32>} : memref<200x64xf32, #tpu.memory_space<vmem>>, vector<200x64xf32>,
    return
  }
  func.func @transform_0(%arg0: i32) -> (i32, i32) {
    %c0_i32 = arith.constant 0 : i32
    %c0_i32_0 = arith.constant 0 : i32
    return %arg0, %c0_i32 : i32, i32
  }
  func.func @transform_1(%arg0: i32) -> (i32, i32, i32) {
    %c0_i32 = arith.constant 0 : i32
    %c0_i32_0 = arith.constant 0 : i32
    %c0_i32_1 = arith.constant 0 : i32
    return %c0_i32, %arg0, %c0_i32_0 : i32, i32, i32
  }
  func.func @transform_2(%arg0: i32) -> (i32, i32) {
    %c0_i32 = arith.constant 0 : i32
    %c0_i32_0 = arith.constant 0 : i32
    %c0_i32_1 = arith.constant 0 : i32
    return %c0_i32, %c0_i32_0 : i32, i32
  }
  func.func @transform_3(%arg0: i32) -> (i32, i32) {
    %c0_i32 = arith.constant 0 : i32
    %c0_i32_0 = arith.constant 0 : i32
    %c0_i32_1 = arith.constant 0 : i32
    return %c0_i32, %c0_i32_0 : i32, i32
  }
  func.func @transform_4(%arg0: i32) -> (i32, i32) {
    %c0_i32 = arith.constant 0 : i32
    %c0_i32_0 = arith.constant 0 : i32
    %c0_i32_1 = arith.constant 0 : i32
    return %c0_i32, %c0_i32_0 : i32, i32
  }
  func.func @transform_5(%arg0: i32) -> (i32, i32) {
    %c0_i32 = arith.constant 0 : i32
    %c0_i32_0 = arith.constant 0 : i32
    %c0_i32_1 = arith.constant 0 : i32
    return %c0_i32, %c0_i32_0 : i32, i32
  }
  func.func @transform_6(%arg0: i32) -> (i32, i32) {
    %c0_i32 = arith.constant 0 : i32
    %c0_i32_0 = arith.constant 0 : i32
    %c0_i32_1 = arith.constant 0 : i32
    return %c0_i32, %c0_i32_0 : i32, i32
  }
  func.func @transform_7(%arg0: i32) -> (i32, i32) {
    %c0_i32 = arith.constant 0 : i32
    %c0_i32_0 = arith.constant 0 : i32
    %c0_i32_1 = arith.constant 0 : i32
    return %c0_i32, %c0_i32_0 : i32, i32
  }
  func.func @transform_8(%arg0: i32) -> (i32, i32) {
    %c0_i32 = arith.constant 0 : i32
    %c0_i32_0 = arith.constant 0 : i32
    %c0_i32_1 = arith.constant 0 : i32
    return %c0_i32, %c0_i32_0 : i32, i32
  }
  func.func @transform_9(%arg0: i32) -> (i32, i32) {
    %c0_i32 = arith.constant 0 : i32
    %c0_i32_0 = arith.constant 0 : i32
    %c0_i32_1 = arith.constant 0 : i32
    return %c0_i32, %c0_i32_0 : i32, i32
  }
  func.func @transform_10(%arg0: i32) -> (i32, i32) {
    %c0_i32 = arith.constant 0 : i32
    %c0_i32_0 = arith.constant 0 : i32
    %c0_i32_1 = arith.constant 0 : i32
    return %c0_i32, %c0_i32_0 : i32, i32
  }
  func.func @transform_11(%arg0: i32) -> (i32, i32) {
    %c0_i32 = arith.constant 0 : i32
    %c0_i32_0 = arith.constant 0 : i32
    return %arg0, %c0_i32 : i32, i32
  }
  func.func @transform_12(%arg0: i32) -> (i32, i32) {
    %c0_i32 = arith.constant 0 : i32
    %c0_i32_0 = arith.constant 0 : i32
    return %arg0, %c0_i32 : i32, i32
  }
}

module attributes {stable_mosaic.version = 14 : i64} {
  func.func @_knn_body(%arg0: i32, %arg1: memref<128x64xf32, #tpu.memory_space<vmem>>, %arg2: memref<64x10240xf32, #tpu.memory_space<vmem>>, %arg3: memref<1x10240xf32, #tpu.memory_space<vmem>>, %arg4: memref<128x32xi32, #tpu.memory_space<vmem>>) attributes {dimension_semantics = [#tpu.dimension_semantics<arbitrary>], iteration_bounds = array<i64: 80>, scalar_prefetch = 0 : i64, scratch_operands = 0 : i64, tpu.core_type = #tpu.core_type<tc>, window_params = [{transform_indices = @transform_0, window_bounds = array<i64: 128, 64>}, {pipeline_mode = #tpu.pipeline_mode<synchronous>, transform_indices = @transform_1, window_bounds = array<i64: 64, 10240>}, {pipeline_mode = #tpu.pipeline_mode<synchronous>, transform_indices = @transform_2, window_bounds = array<i64: 1, 10240>}, {transform_indices = @transform_3, window_bounds = array<i64: 128, 32>}]} {
    %get3A = arith.constant 0 : index
    %get3A_0 = arith.constant 0 : index
    %get3A_1 = vector.load %arg1[%get3A, %get3A_0] : memref<128x64xf32, #tpu.memory_space<vmem>>, vector<128x64xf32>
    %convert_element_type3A = arith.truncf %get3A_1 : vector<128x64xf32> to vector<128x64xbf16>
    %get3A_2 = arith.constant 0 : index
    %get3A_3 = arith.constant 0 : index
    %get3A_4 = vector.load %arg2[%get3A_2, %get3A_3] : memref<64x10240xf32, #tpu.memory_space<vmem>>, vector<64x10240xf32>
    %convert_element_type3A_5 = arith.truncf %get3A_4 : vector<64x10240xf32> to vector<64x10240xbf16>
    %dot_general3A = arith.constant dense<0.000000e+00> : vector<128x10240xf32>
    %dot_general3A_6 = tpu.matmul %convert_element_type3A, %convert_element_type3A_5, %dot_general3A {dimension_numbers = #tpu.dot_dimension_numbers<[1], [0], [0], [1], [0, 0, 1, 1], [], []>, transpose_lhs_hint = false} : vector<128x64xbf16>, vector<64x10240xbf16>, vector<128x10240xf32> -> vector<128x10240xf32>
    %mul3A = arith.constant 2.000000e+00 : f32
    %mul3A_7 = vector.broadcast %mul3A : f32 to vector<128x10240xf32>
    %mul3A_8 = arith.mulf %mul3A_7, %dot_general3A_6 : vector<128x10240xf32>
    %get3A_9 = arith.constant 0 : index
    %get3A_10 = arith.constant 0 : index
    %get3A_11 = vector.load %arg3[%get3A_9, %get3A_10] : memref<1x10240xf32, #tpu.memory_space<vmem>>, vector<1x10240xf32>
    %sub3A = vector.broadcast %get3A_11 : vector<1x10240xf32> to vector<128x10240xf32>
    %sub3A_12 = arith.subf %mul3A_8, %sub3A : vector<128x10240xf32>
    %reshape3A = vector.shape_cast %sub3A_12 : vector<128x10240xf32> to vector<128x80x128xf32>
    %iota3A = tpu.iota {dimensions = array<i32: 1>} : vector<128x80x128xi32>
    %reduce_max3A = arith.constant dense<0xFF800000> : vector<128x128xf32>
    %reduce_max3A_13 = vector.multi_reduction <maximumf>, %reshape3A, %reduce_max3A [1] : vector<128x80x128xf32> to vector<128x128xf32>
    %broadcast_in_dim3A = vector.shape_cast %reduce_max3A_13 : vector<128x128xf32> to vector<128x1x128xf32>
    %eq3A = vector.broadcast %broadcast_in_dim3A : vector<128x1x128xf32> to vector<128x80x128xf32>
    %eq3A_14 = arith.cmpf oeq, %reshape3A, %eq3A : vector<128x80x128xf32>
    %jit3A = arith.constant 80 : i32
    %broadcast_in_dim3A_15 = vector.broadcast %jit3A : i32 to vector<128x80x128xi32>
    %select_n3A = arith.select %eq3A_14, %iota3A, %broadcast_in_dim3A_15 : vector<128x80x128xi1>, vector<128x80x128xi32>
    %reduce_min3A = arith.constant dense<2147483647> : vector<128x128xi32>
    %reduce_min3A_16 = vector.multi_reduction <minsi>, %select_n3A, %reduce_min3A [1] : vector<128x80x128xi32> to vector<128x128xi32>
    %broadcast_in_dim3A_17 = vector.shape_cast %reduce_min3A_16 : vector<128x128xi32> to vector<128x1x128xi32>
    %eq3A_18 = vector.broadcast %broadcast_in_dim3A_17 : vector<128x1x128xi32> to vector<128x80x128xi32>
    %eq3A_19 = arith.cmpi eq, %iota3A, %eq3A_18 : vector<128x80x128xi32>
    %jit3A_20 = arith.constant -3.000000e+38 : f32
    %broadcast_in_dim3A_21 = vector.broadcast %jit3A_20 : f32 to vector<128x80x128xf32>
    %select_n3A_22 = arith.select %eq3A_19, %broadcast_in_dim3A_21, %reshape3A : vector<128x80x128xi1>, vector<128x80x128xf32>
    %reduce_max3A_23 = arith.constant dense<0xFF800000> : vector<128x128xf32>
    %reduce_max3A_24 = vector.multi_reduction <maximumf>, %select_n3A_22, %reduce_max3A_23 [1] : vector<128x80x128xf32> to vector<128x128xf32>
    %broadcast_in_dim3A_25 = vector.shape_cast %reduce_max3A_24 : vector<128x128xf32> to vector<128x1x128xf32>
    %eq3A_26 = vector.broadcast %broadcast_in_dim3A_25 : vector<128x1x128xf32> to vector<128x80x128xf32>
    %eq3A_27 = arith.cmpf oeq, %select_n3A_22, %eq3A_26 : vector<128x80x128xf32>
    %jit3A_28 = arith.constant 80 : i32
    %broadcast_in_dim3A_29 = vector.broadcast %jit3A_28 : i32 to vector<128x80x128xi32>
    %select_n3A_30 = arith.select %eq3A_27, %iota3A, %broadcast_in_dim3A_29 : vector<128x80x128xi1>, vector<128x80x128xi32>
    %reduce_min3A_31 = arith.constant dense<2147483647> : vector<128x128xi32>
    %reduce_min3A_32 = vector.multi_reduction <minsi>, %select_n3A_30, %reduce_min3A_31 [1] : vector<128x80x128xi32> to vector<128x128xi32>
    %broadcast_in_dim3A_33 = vector.shape_cast %reduce_min3A_32 : vector<128x128xi32> to vector<128x1x128xi32>
    %eq3A_34 = vector.broadcast %broadcast_in_dim3A_33 : vector<128x1x128xi32> to vector<128x80x128xi32>
    %eq3A_35 = arith.cmpi eq, %iota3A, %eq3A_34 : vector<128x80x128xi32>
    %jit3A_36 = arith.constant -3.000000e+38 : f32
    %broadcast_in_dim3A_37 = vector.broadcast %jit3A_36 : f32 to vector<128x80x128xf32>
    %select_n3A_38 = arith.select %eq3A_35, %broadcast_in_dim3A_37, %select_n3A_22 : vector<128x80x128xi1>, vector<128x80x128xf32>
    %reduce_max3A_39 = arith.constant dense<0xFF800000> : vector<128x128xf32>
    %reduce_max3A_40 = vector.multi_reduction <maximumf>, %select_n3A_38, %reduce_max3A_39 [1] : vector<128x80x128xf32> to vector<128x128xf32>
    %broadcast_in_dim3A_41 = vector.shape_cast %reduce_max3A_40 : vector<128x128xf32> to vector<128x1x128xf32>
    %eq3A_42 = vector.broadcast %broadcast_in_dim3A_41 : vector<128x1x128xf32> to vector<128x80x128xf32>
    %eq3A_43 = arith.cmpf oeq, %select_n3A_38, %eq3A_42 : vector<128x80x128xf32>
    %jit3A_44 = arith.constant 80 : i32
    %broadcast_in_dim3A_45 = vector.broadcast %jit3A_44 : i32 to vector<128x80x128xi32>
    %select_n3A_46 = arith.select %eq3A_43, %iota3A, %broadcast_in_dim3A_45 : vector<128x80x128xi1>, vector<128x80x128xi32>
    %reduce_min3A_47 = arith.constant dense<2147483647> : vector<128x128xi32>
    %reduce_min3A_48 = vector.multi_reduction <minsi>, %select_n3A_46, %reduce_min3A_47 [1] : vector<128x80x128xi32> to vector<128x128xi32>
    %broadcast_in_dim3A_49 = vector.shape_cast %reduce_min3A_48 : vector<128x128xi32> to vector<128x1x128xi32>
    %eq3A_50 = vector.broadcast %broadcast_in_dim3A_49 : vector<128x1x128xi32> to vector<128x80x128xi32>
    %eq3A_51 = arith.cmpi eq, %iota3A, %eq3A_50 : vector<128x80x128xi32>
    %jit3A_52 = arith.constant -3.000000e+38 : f32
    %broadcast_in_dim3A_53 = vector.broadcast %jit3A_52 : f32 to vector<128x80x128xf32>
    %select_n3A_54 = arith.select %eq3A_51, %broadcast_in_dim3A_53, %select_n3A_38 : vector<128x80x128xi1>, vector<128x80x128xf32>
    %reduce_max3A_55 = arith.constant dense<0xFF800000> : vector<128x128xf32>
    %reduce_max3A_56 = vector.multi_reduction <maximumf>, %select_n3A_54, %reduce_max3A_55 [1] : vector<128x80x128xf32> to vector<128x128xf32>
    %broadcast_in_dim3A_57 = vector.shape_cast %reduce_max3A_56 : vector<128x128xf32> to vector<128x1x128xf32>
    %eq3A_58 = vector.broadcast %broadcast_in_dim3A_57 : vector<128x1x128xf32> to vector<128x80x128xf32>
    %eq3A_59 = arith.cmpf oeq, %select_n3A_54, %eq3A_58 : vector<128x80x128xf32>
    %jit3A_60 = arith.constant 80 : i32
    %broadcast_in_dim3A_61 = vector.broadcast %jit3A_60 : i32 to vector<128x80x128xi32>
    %select_n3A_62 = arith.select %eq3A_59, %iota3A, %broadcast_in_dim3A_61 : vector<128x80x128xi1>, vector<128x80x128xi32>
    %reduce_min3A_63 = arith.constant dense<2147483647> : vector<128x128xi32>
    %reduce_min3A_64 = vector.multi_reduction <minsi>, %select_n3A_62, %reduce_min3A_63 [1] : vector<128x80x128xi32> to vector<128x128xi32>
    %broadcast_in_dim3A_65 = vector.shape_cast %reduce_min3A_64 : vector<128x128xi32> to vector<128x1x128xi32>
    %eq3A_66 = vector.broadcast %broadcast_in_dim3A_65 : vector<128x1x128xi32> to vector<128x80x128xi32>
    %eq3A_67 = arith.cmpi eq, %iota3A, %eq3A_66 : vector<128x80x128xi32>
    %jit3A_68 = arith.constant -3.000000e+38 : f32
    %broadcast_in_dim3A_69 = vector.broadcast %jit3A_68 : f32 to vector<128x80x128xf32>
    %select_n3A_70 = arith.select %eq3A_67, %broadcast_in_dim3A_69, %select_n3A_54 : vector<128x80x128xi1>, vector<128x80x128xf32>
    %reduce_max3A_71 = arith.constant dense<0xFF800000> : vector<128x128xf32>
    %reduce_max3A_72 = vector.multi_reduction <maximumf>, %select_n3A_70, %reduce_max3A_71 [1] : vector<128x80x128xf32> to vector<128x128xf32>
    %broadcast_in_dim3A_73 = vector.shape_cast %reduce_max3A_72 : vector<128x128xf32> to vector<128x1x128xf32>
    %eq3A_74 = vector.broadcast %broadcast_in_dim3A_73 : vector<128x1x128xf32> to vector<128x80x128xf32>
    %eq3A_75 = arith.cmpf oeq, %select_n3A_70, %eq3A_74 : vector<128x80x128xf32>
    %jit3A_76 = arith.constant 80 : i32
    %broadcast_in_dim3A_77 = vector.broadcast %jit3A_76 : i32 to vector<128x80x128xi32>
    %select_n3A_78 = arith.select %eq3A_75, %iota3A, %broadcast_in_dim3A_77 : vector<128x80x128xi1>, vector<128x80x128xi32>
    %reduce_min3A_79 = arith.constant dense<2147483647> : vector<128x128xi32>
    %reduce_min3A_80 = vector.multi_reduction <minsi>, %select_n3A_78, %reduce_min3A_79 [1] : vector<128x80x128xi32> to vector<128x128xi32>
    %broadcast_in_dim3A_81 = vector.shape_cast %reduce_min3A_80 : vector<128x128xi32> to vector<128x1x128xi32>
    %eq3A_82 = vector.broadcast %broadcast_in_dim3A_81 : vector<128x1x128xi32> to vector<128x80x128xi32>
    %eq3A_83 = arith.cmpi eq, %iota3A, %eq3A_82 : vector<128x80x128xi32>
    %jit3A_84 = arith.constant -3.000000e+38 : f32
    %broadcast_in_dim3A_85 = vector.broadcast %jit3A_84 : f32 to vector<128x80x128xf32>
    %select_n3A_86 = arith.select %eq3A_83, %broadcast_in_dim3A_85, %select_n3A_70 : vector<128x80x128xi1>, vector<128x80x128xf32>
    %reduce_max3A_87 = arith.constant dense<0xFF800000> : vector<128x128xf32>
    %reduce_max3A_88 = vector.multi_reduction <maximumf>, %select_n3A_86, %reduce_max3A_87 [1] : vector<128x80x128xf32> to vector<128x128xf32>
    %broadcast_in_dim3A_89 = vector.shape_cast %reduce_max3A_88 : vector<128x128xf32> to vector<128x1x128xf32>
    %eq3A_90 = vector.broadcast %broadcast_in_dim3A_89 : vector<128x1x128xf32> to vector<128x80x128xf32>
    %eq3A_91 = arith.cmpf oeq, %select_n3A_86, %eq3A_90 : vector<128x80x128xf32>
    %jit3A_92 = arith.constant 80 : i32
    %broadcast_in_dim3A_93 = vector.broadcast %jit3A_92 : i32 to vector<128x80x128xi32>
    %select_n3A_94 = arith.select %eq3A_91, %iota3A, %broadcast_in_dim3A_93 : vector<128x80x128xi1>, vector<128x80x128xi32>
    %reduce_min3A_95 = arith.constant dense<2147483647> : vector<128x128xi32>
    %reduce_min3A_96 = vector.multi_reduction <minsi>, %select_n3A_94, %reduce_min3A_95 [1] : vector<128x80x128xi32> to vector<128x128xi32>
    %broadcast_in_dim3A_97 = vector.shape_cast %reduce_min3A_96 : vector<128x128xi32> to vector<128x1x128xi32>
    %eq3A_98 = vector.broadcast %broadcast_in_dim3A_97 : vector<128x1x128xi32> to vector<128x80x128xi32>
    %eq3A_99 = arith.cmpi eq, %iota3A, %eq3A_98 : vector<128x80x128xi32>
    %jit3A_100 = arith.constant -3.000000e+38 : f32
    %broadcast_in_dim3A_101 = vector.broadcast %jit3A_100 : f32 to vector<128x80x128xf32>
    %select_n3A_102 = arith.select %eq3A_99, %broadcast_in_dim3A_101, %select_n3A_86 : vector<128x80x128xi1>, vector<128x80x128xf32>
    %reduce_max3A_103 = arith.constant dense<0xFF800000> : vector<128x128xf32>
    %reduce_max3A_104 = vector.multi_reduction <maximumf>, %select_n3A_102, %reduce_max3A_103 [1] : vector<128x80x128xf32> to vector<128x128xf32>
    %broadcast_in_dim3A_105 = vector.shape_cast %reduce_max3A_104 : vector<128x128xf32> to vector<128x1x128xf32>
    %eq3A_106 = vector.broadcast %broadcast_in_dim3A_105 : vector<128x1x128xf32> to vector<128x80x128xf32>
    %eq3A_107 = arith.cmpf oeq, %select_n3A_102, %eq3A_106 : vector<128x80x128xf32>
    %jit3A_108 = arith.constant 80 : i32
    %broadcast_in_dim3A_109 = vector.broadcast %jit3A_108 : i32 to vector<128x80x128xi32>
    %select_n3A_110 = arith.select %eq3A_107, %iota3A, %broadcast_in_dim3A_109 : vector<128x80x128xi1>, vector<128x80x128xi32>
    %reduce_min3A_111 = arith.constant dense<2147483647> : vector<128x128xi32>
    %reduce_min3A_112 = vector.multi_reduction <minsi>, %select_n3A_110, %reduce_min3A_111 [1] : vector<128x80x128xi32> to vector<128x128xi32>
    %iota3A_113 = tpu.iota {dimensions = array<i32: 1>} : vector<128x128xi32>
    %concatenate3A = tpu.concatenate %reduce_max3A_13, %reduce_max3A_24, %reduce_max3A_40, %reduce_max3A_56, %reduce_max3A_72, %reduce_max3A_88, %reduce_max3A_104 in 1 : vector<128x128xf32>, vector<128x128xf32>, vector<128x128xf32>, vector<128x128xf32>, vector<128x128xf32>, vector<128x128xf32>, vector<128x128xf32> -> vector<128x896xf32>
    %mul3A_114 = arith.constant 128 : i32
    %mul3A_115 = vector.broadcast %mul3A_114 : i32 to vector<128x128xi32>
    %mul3A_116 = arith.muli %reduce_min3A_16, %mul3A_115 : vector<128x128xi32>
    %add3A = arith.addi %mul3A_116, %iota3A_113 : vector<128x128xi32>
    %mul3A_117 = arith.constant 128 : i32
    %mul3A_118 = vector.broadcast %mul3A_117 : i32 to vector<128x128xi32>
    %mul3A_119 = arith.muli %reduce_min3A_32, %mul3A_118 : vector<128x128xi32>
    %add3A_120 = arith.addi %mul3A_119, %iota3A_113 : vector<128x128xi32>
    %mul3A_121 = arith.constant 128 : i32
    %mul3A_122 = vector.broadcast %mul3A_121 : i32 to vector<128x128xi32>
    %mul3A_123 = arith.muli %reduce_min3A_48, %mul3A_122 : vector<128x128xi32>
    %add3A_124 = arith.addi %mul3A_123, %iota3A_113 : vector<128x128xi32>
    %mul3A_125 = arith.constant 128 : i32
    %mul3A_126 = vector.broadcast %mul3A_125 : i32 to vector<128x128xi32>
    %mul3A_127 = arith.muli %reduce_min3A_64, %mul3A_126 : vector<128x128xi32>
    %add3A_128 = arith.addi %mul3A_127, %iota3A_113 : vector<128x128xi32>
    %mul3A_129 = arith.constant 128 : i32
    %mul3A_130 = vector.broadcast %mul3A_129 : i32 to vector<128x128xi32>
    %mul3A_131 = arith.muli %reduce_min3A_80, %mul3A_130 : vector<128x128xi32>
    %add3A_132 = arith.addi %mul3A_131, %iota3A_113 : vector<128x128xi32>
    %mul3A_133 = arith.constant 128 : i32
    %mul3A_134 = vector.broadcast %mul3A_133 : i32 to vector<128x128xi32>
    %mul3A_135 = arith.muli %reduce_min3A_96, %mul3A_134 : vector<128x128xi32>
    %add3A_136 = arith.addi %mul3A_135, %iota3A_113 : vector<128x128xi32>
    %mul3A_137 = arith.constant 128 : i32
    %mul3A_138 = vector.broadcast %mul3A_137 : i32 to vector<128x128xi32>
    %mul3A_139 = arith.muli %reduce_min3A_112, %mul3A_138 : vector<128x128xi32>
    %add3A_140 = arith.addi %mul3A_139, %iota3A_113 : vector<128x128xi32>
    %concatenate3A_141 = tpu.concatenate %add3A, %add3A_120, %add3A_124, %add3A_128, %add3A_132, %add3A_136, %add3A_140 in 1 : vector<128x128xi32>, vector<128x128xi32>, vector<128x128xi32>, vector<128x128xi32>, vector<128x128xi32>, vector<128x128xi32>, vector<128x128xi32> -> vector<128x896xi32>
    %reduce_max3A_142 = arith.constant dense<0xFF800000> : vector<128xf32>
    %reduce_max3A_143 = vector.multi_reduction <maximumf>, %concatenate3A, %reduce_max3A_142 [1] : vector<128x896xf32> to vector<128xf32>
    %broadcast_in_dim3A_144 = vector.shape_cast %reduce_max3A_143 : vector<128xf32> to vector<128x1xf32>
    %eq3A_145 = vector.broadcast %broadcast_in_dim3A_144 : vector<128x1xf32> to vector<128x896xf32>
    %eq3A_146 = arith.cmpf oeq, %concatenate3A, %eq3A_145 : vector<128x896xf32>
    %jit3A_147 = arith.constant 10240 : i32
    %broadcast_in_dim3A_148 = vector.broadcast %jit3A_147 : i32 to vector<128x896xi32>
    %select_n3A_149 = arith.select %eq3A_146, %concatenate3A_141, %broadcast_in_dim3A_148 : vector<128x896xi1>, vector<128x896xi32>
    %reduce_min3A_150 = arith.constant dense<2147483647> : vector<128xi32>
    %reduce_min3A_151 = vector.multi_reduction <minsi>, %select_n3A_149, %reduce_min3A_150 [1] : vector<128x896xi32> to vector<128xi32>
    %broadcast_in_dim3A_152 = vector.shape_cast %reduce_min3A_151 : vector<128xi32> to vector<128x1xi32>
    %eq3A_153 = vector.broadcast %broadcast_in_dim3A_152 : vector<128x1xi32> to vector<128x896xi32>
    %eq3A_154 = arith.cmpi eq, %concatenate3A_141, %eq3A_153 : vector<128x896xi32>
    %jit3A_155 = arith.constant -3.000000e+38 : f32
    %broadcast_in_dim3A_156 = vector.broadcast %jit3A_155 : f32 to vector<128x896xf32>
    %select_n3A_157 = arith.select %eq3A_154, %broadcast_in_dim3A_156, %concatenate3A : vector<128x896xi1>, vector<128x896xf32>
    %reduce_max3A_158 = arith.constant dense<0xFF800000> : vector<128xf32>
    %reduce_max3A_159 = vector.multi_reduction <maximumf>, %select_n3A_157, %reduce_max3A_158 [1] : vector<128x896xf32> to vector<128xf32>
    %broadcast_in_dim3A_160 = vector.shape_cast %reduce_max3A_159 : vector<128xf32> to vector<128x1xf32>
    %eq3A_161 = vector.broadcast %broadcast_in_dim3A_160 : vector<128x1xf32> to vector<128x896xf32>
    %eq3A_162 = arith.cmpf oeq, %select_n3A_157, %eq3A_161 : vector<128x896xf32>
    %jit3A_163 = arith.constant 10240 : i32
    %broadcast_in_dim3A_164 = vector.broadcast %jit3A_163 : i32 to vector<128x896xi32>
    %select_n3A_165 = arith.select %eq3A_162, %concatenate3A_141, %broadcast_in_dim3A_164 : vector<128x896xi1>, vector<128x896xi32>
    %reduce_min3A_166 = arith.constant dense<2147483647> : vector<128xi32>
    %reduce_min3A_167 = vector.multi_reduction <minsi>, %select_n3A_165, %reduce_min3A_166 [1] : vector<128x896xi32> to vector<128xi32>
    %broadcast_in_dim3A_168 = vector.shape_cast %reduce_min3A_167 : vector<128xi32> to vector<128x1xi32>
    %eq3A_169 = vector.broadcast %broadcast_in_dim3A_168 : vector<128x1xi32> to vector<128x896xi32>
    %eq3A_170 = arith.cmpi eq, %concatenate3A_141, %eq3A_169 : vector<128x896xi32>
    %jit3A_171 = arith.constant -3.000000e+38 : f32
    %broadcast_in_dim3A_172 = vector.broadcast %jit3A_171 : f32 to vector<128x896xf32>
    %select_n3A_173 = arith.select %eq3A_170, %broadcast_in_dim3A_172, %select_n3A_157 : vector<128x896xi1>, vector<128x896xf32>
    %reduce_max3A_174 = arith.constant dense<0xFF800000> : vector<128xf32>
    %reduce_max3A_175 = vector.multi_reduction <maximumf>, %select_n3A_173, %reduce_max3A_174 [1] : vector<128x896xf32> to vector<128xf32>
    %broadcast_in_dim3A_176 = vector.shape_cast %reduce_max3A_175 : vector<128xf32> to vector<128x1xf32>
    %eq3A_177 = vector.broadcast %broadcast_in_dim3A_176 : vector<128x1xf32> to vector<128x896xf32>
    %eq3A_178 = arith.cmpf oeq, %select_n3A_173, %eq3A_177 : vector<128x896xf32>
    %jit3A_179 = arith.constant 10240 : i32
    %broadcast_in_dim3A_180 = vector.broadcast %jit3A_179 : i32 to vector<128x896xi32>
    %select_n3A_181 = arith.select %eq3A_178, %concatenate3A_141, %broadcast_in_dim3A_180 : vector<128x896xi1>, vector<128x896xi32>
    %reduce_min3A_182 = arith.constant dense<2147483647> : vector<128xi32>
    %reduce_min3A_183 = vector.multi_reduction <minsi>, %select_n3A_181, %reduce_min3A_182 [1] : vector<128x896xi32> to vector<128xi32>
    %broadcast_in_dim3A_184 = vector.shape_cast %reduce_min3A_183 : vector<128xi32> to vector<128x1xi32>
    %eq3A_185 = vector.broadcast %broadcast_in_dim3A_184 : vector<128x1xi32> to vector<128x896xi32>
    %eq3A_186 = arith.cmpi eq, %concatenate3A_141, %eq3A_185 : vector<128x896xi32>
    %jit3A_187 = arith.constant -3.000000e+38 : f32
    %broadcast_in_dim3A_188 = vector.broadcast %jit3A_187 : f32 to vector<128x896xf32>
    %select_n3A_189 = arith.select %eq3A_186, %broadcast_in_dim3A_188, %select_n3A_173 : vector<128x896xi1>, vector<128x896xf32>
    %reduce_max3A_190 = arith.constant dense<0xFF800000> : vector<128xf32>
    %reduce_max3A_191 = vector.multi_reduction <maximumf>, %select_n3A_189, %reduce_max3A_190 [1] : vector<128x896xf32> to vector<128xf32>
    %broadcast_in_dim3A_192 = vector.shape_cast %reduce_max3A_191 : vector<128xf32> to vector<128x1xf32>
    %eq3A_193 = vector.broadcast %broadcast_in_dim3A_192 : vector<128x1xf32> to vector<128x896xf32>
    %eq3A_194 = arith.cmpf oeq, %select_n3A_189, %eq3A_193 : vector<128x896xf32>
    %jit3A_195 = arith.constant 10240 : i32
    %broadcast_in_dim3A_196 = vector.broadcast %jit3A_195 : i32 to vector<128x896xi32>
    %select_n3A_197 = arith.select %eq3A_194, %concatenate3A_141, %broadcast_in_dim3A_196 : vector<128x896xi1>, vector<128x896xi32>
    %reduce_min3A_198 = arith.constant dense<2147483647> : vector<128xi32>
    %reduce_min3A_199 = vector.multi_reduction <minsi>, %select_n3A_197, %reduce_min3A_198 [1] : vector<128x896xi32> to vector<128xi32>
    %broadcast_in_dim3A_200 = vector.shape_cast %reduce_min3A_199 : vector<128xi32> to vector<128x1xi32>
    %eq3A_201 = vector.broadcast %broadcast_in_dim3A_200 : vector<128x1xi32> to vector<128x896xi32>
    %eq3A_202 = arith.cmpi eq, %concatenate3A_141, %eq3A_201 : vector<128x896xi32>
    %jit3A_203 = arith.constant -3.000000e+38 : f32
    %broadcast_in_dim3A_204 = vector.broadcast %jit3A_203 : f32 to vector<128x896xf32>
    %select_n3A_205 = arith.select %eq3A_202, %broadcast_in_dim3A_204, %select_n3A_189 : vector<128x896xi1>, vector<128x896xf32>
    %reduce_max3A_206 = arith.constant dense<0xFF800000> : vector<128xf32>
    %reduce_max3A_207 = vector.multi_reduction <maximumf>, %select_n3A_205, %reduce_max3A_206 [1] : vector<128x896xf32> to vector<128xf32>
    %broadcast_in_dim3A_208 = vector.shape_cast %reduce_max3A_207 : vector<128xf32> to vector<128x1xf32>
    %eq3A_209 = vector.broadcast %broadcast_in_dim3A_208 : vector<128x1xf32> to vector<128x896xf32>
    %eq3A_210 = arith.cmpf oeq, %select_n3A_205, %eq3A_209 : vector<128x896xf32>
    %jit3A_211 = arith.constant 10240 : i32
    %broadcast_in_dim3A_212 = vector.broadcast %jit3A_211 : i32 to vector<128x896xi32>
    %select_n3A_213 = arith.select %eq3A_210, %concatenate3A_141, %broadcast_in_dim3A_212 : vector<128x896xi1>, vector<128x896xi32>
    %reduce_min3A_214 = arith.constant dense<2147483647> : vector<128xi32>
    %reduce_min3A_215 = vector.multi_reduction <minsi>, %select_n3A_213, %reduce_min3A_214 [1] : vector<128x896xi32> to vector<128xi32>
    %broadcast_in_dim3A_216 = vector.shape_cast %reduce_min3A_215 : vector<128xi32> to vector<128x1xi32>
    %eq3A_217 = vector.broadcast %broadcast_in_dim3A_216 : vector<128x1xi32> to vector<128x896xi32>
    %eq3A_218 = arith.cmpi eq, %concatenate3A_141, %eq3A_217 : vector<128x896xi32>
    %jit3A_219 = arith.constant -3.000000e+38 : f32
    %broadcast_in_dim3A_220 = vector.broadcast %jit3A_219 : f32 to vector<128x896xf32>
    %select_n3A_221 = arith.select %eq3A_218, %broadcast_in_dim3A_220, %select_n3A_205 : vector<128x896xi1>, vector<128x896xf32>
    %reduce_max3A_222 = arith.constant dense<0xFF800000> : vector<128xf32>
    %reduce_max3A_223 = vector.multi_reduction <maximumf>, %select_n3A_221, %reduce_max3A_222 [1] : vector<128x896xf32> to vector<128xf32>
    %broadcast_in_dim3A_224 = vector.shape_cast %reduce_max3A_223 : vector<128xf32> to vector<128x1xf32>
    %eq3A_225 = vector.broadcast %broadcast_in_dim3A_224 : vector<128x1xf32> to vector<128x896xf32>
    %eq3A_226 = arith.cmpf oeq, %select_n3A_221, %eq3A_225 : vector<128x896xf32>
    %jit3A_227 = arith.constant 10240 : i32
    %broadcast_in_dim3A_228 = vector.broadcast %jit3A_227 : i32 to vector<128x896xi32>
    %select_n3A_229 = arith.select %eq3A_226, %concatenate3A_141, %broadcast_in_dim3A_228 : vector<128x896xi1>, vector<128x896xi32>
    %reduce_min3A_230 = arith.constant dense<2147483647> : vector<128xi32>
    %reduce_min3A_231 = vector.multi_reduction <minsi>, %select_n3A_229, %reduce_min3A_230 [1] : vector<128x896xi32> to vector<128xi32>
    %broadcast_in_dim3A_232 = vector.shape_cast %reduce_min3A_231 : vector<128xi32> to vector<128x1xi32>
    %eq3A_233 = vector.broadcast %broadcast_in_dim3A_232 : vector<128x1xi32> to vector<128x896xi32>
    %eq3A_234 = arith.cmpi eq, %concatenate3A_141, %eq3A_233 : vector<128x896xi32>
    %jit3A_235 = arith.constant -3.000000e+38 : f32
    %broadcast_in_dim3A_236 = vector.broadcast %jit3A_235 : f32 to vector<128x896xf32>
    %select_n3A_237 = arith.select %eq3A_234, %broadcast_in_dim3A_236, %select_n3A_221 : vector<128x896xi1>, vector<128x896xf32>
    %reduce_max3A_238 = arith.constant dense<0xFF800000> : vector<128xf32>
    %reduce_max3A_239 = vector.multi_reduction <maximumf>, %select_n3A_237, %reduce_max3A_238 [1] : vector<128x896xf32> to vector<128xf32>
    %broadcast_in_dim3A_240 = vector.shape_cast %reduce_max3A_239 : vector<128xf32> to vector<128x1xf32>
    %eq3A_241 = vector.broadcast %broadcast_in_dim3A_240 : vector<128x1xf32> to vector<128x896xf32>
    %eq3A_242 = arith.cmpf oeq, %select_n3A_237, %eq3A_241 : vector<128x896xf32>
    %jit3A_243 = arith.constant 10240 : i32
    %broadcast_in_dim3A_244 = vector.broadcast %jit3A_243 : i32 to vector<128x896xi32>
    %select_n3A_245 = arith.select %eq3A_242, %concatenate3A_141, %broadcast_in_dim3A_244 : vector<128x896xi1>, vector<128x896xi32>
    %reduce_min3A_246 = arith.constant dense<2147483647> : vector<128xi32>
    %reduce_min3A_247 = vector.multi_reduction <minsi>, %select_n3A_245, %reduce_min3A_246 [1] : vector<128x896xi32> to vector<128xi32>
    %broadcast_in_dim3A_248 = vector.shape_cast %reduce_min3A_247 : vector<128xi32> to vector<128x1xi32>
    %eq3A_249 = vector.broadcast %broadcast_in_dim3A_248 : vector<128x1xi32> to vector<128x896xi32>
    %eq3A_250 = arith.cmpi eq, %concatenate3A_141, %eq3A_249 : vector<128x896xi32>
    %jit3A_251 = arith.constant -3.000000e+38 : f32
    %broadcast_in_dim3A_252 = vector.broadcast %jit3A_251 : f32 to vector<128x896xf32>
    %select_n3A_253 = arith.select %eq3A_250, %broadcast_in_dim3A_252, %select_n3A_237 : vector<128x896xi1>, vector<128x896xf32>
    %reduce_max3A_254 = arith.constant dense<0xFF800000> : vector<128xf32>
    %reduce_max3A_255 = vector.multi_reduction <maximumf>, %select_n3A_253, %reduce_max3A_254 [1] : vector<128x896xf32> to vector<128xf32>
    %broadcast_in_dim3A_256 = vector.shape_cast %reduce_max3A_255 : vector<128xf32> to vector<128x1xf32>
    %eq3A_257 = vector.broadcast %broadcast_in_dim3A_256 : vector<128x1xf32> to vector<128x896xf32>
    %eq3A_258 = arith.cmpf oeq, %select_n3A_253, %eq3A_257 : vector<128x896xf32>
    %jit3A_259 = arith.constant 10240 : i32
    %broadcast_in_dim3A_260 = vector.broadcast %jit3A_259 : i32 to vector<128x896xi32>
    %select_n3A_261 = arith.select %eq3A_258, %concatenate3A_141, %broadcast_in_dim3A_260 : vector<128x896xi1>, vector<128x896xi32>
    %reduce_min3A_262 = arith.constant dense<2147483647> : vector<128xi32>
    %reduce_min3A_263 = vector.multi_reduction <minsi>, %select_n3A_261, %reduce_min3A_262 [1] : vector<128x896xi32> to vector<128xi32>
    %broadcast_in_dim3A_264 = vector.shape_cast %reduce_min3A_263 : vector<128xi32> to vector<128x1xi32>
    %eq3A_265 = vector.broadcast %broadcast_in_dim3A_264 : vector<128x1xi32> to vector<128x896xi32>
    %eq3A_266 = arith.cmpi eq, %concatenate3A_141, %eq3A_265 : vector<128x896xi32>
    %jit3A_267 = arith.constant -3.000000e+38 : f32
    %broadcast_in_dim3A_268 = vector.broadcast %jit3A_267 : f32 to vector<128x896xf32>
    %select_n3A_269 = arith.select %eq3A_266, %broadcast_in_dim3A_268, %select_n3A_253 : vector<128x896xi1>, vector<128x896xf32>
    %reduce_max3A_270 = arith.constant dense<0xFF800000> : vector<128xf32>
    %reduce_max3A_271 = vector.multi_reduction <maximumf>, %select_n3A_269, %reduce_max3A_270 [1] : vector<128x896xf32> to vector<128xf32>
    %broadcast_in_dim3A_272 = vector.shape_cast %reduce_max3A_271 : vector<128xf32> to vector<128x1xf32>
    %eq3A_273 = vector.broadcast %broadcast_in_dim3A_272 : vector<128x1xf32> to vector<128x896xf32>
    %eq3A_274 = arith.cmpf oeq, %select_n3A_269, %eq3A_273 : vector<128x896xf32>
    %jit3A_275 = arith.constant 10240 : i32
    %broadcast_in_dim3A_276 = vector.broadcast %jit3A_275 : i32 to vector<128x896xi32>
    %select_n3A_277 = arith.select %eq3A_274, %concatenate3A_141, %broadcast_in_dim3A_276 : vector<128x896xi1>, vector<128x896xi32>
    %reduce_min3A_278 = arith.constant dense<2147483647> : vector<128xi32>
    %reduce_min3A_279 = vector.multi_reduction <minsi>, %select_n3A_277, %reduce_min3A_278 [1] : vector<128x896xi32> to vector<128xi32>
    %broadcast_in_dim3A_280 = vector.shape_cast %reduce_min3A_279 : vector<128xi32> to vector<128x1xi32>
    %eq3A_281 = vector.broadcast %broadcast_in_dim3A_280 : vector<128x1xi32> to vector<128x896xi32>
    %eq3A_282 = arith.cmpi eq, %concatenate3A_141, %eq3A_281 : vector<128x896xi32>
    %jit3A_283 = arith.constant -3.000000e+38 : f32
    %broadcast_in_dim3A_284 = vector.broadcast %jit3A_283 : f32 to vector<128x896xf32>
    %select_n3A_285 = arith.select %eq3A_282, %broadcast_in_dim3A_284, %select_n3A_269 : vector<128x896xi1>, vector<128x896xf32>
    %reduce_max3A_286 = arith.constant dense<0xFF800000> : vector<128xf32>
    %reduce_max3A_287 = vector.multi_reduction <maximumf>, %select_n3A_285, %reduce_max3A_286 [1] : vector<128x896xf32> to vector<128xf32>
    %broadcast_in_dim3A_288 = vector.shape_cast %reduce_max3A_287 : vector<128xf32> to vector<128x1xf32>
    %eq3A_289 = vector.broadcast %broadcast_in_dim3A_288 : vector<128x1xf32> to vector<128x896xf32>
    %eq3A_290 = arith.cmpf oeq, %select_n3A_285, %eq3A_289 : vector<128x896xf32>
    %jit3A_291 = arith.constant 10240 : i32
    %broadcast_in_dim3A_292 = vector.broadcast %jit3A_291 : i32 to vector<128x896xi32>
    %select_n3A_293 = arith.select %eq3A_290, %concatenate3A_141, %broadcast_in_dim3A_292 : vector<128x896xi1>, vector<128x896xi32>
    %reduce_min3A_294 = arith.constant dense<2147483647> : vector<128xi32>
    %reduce_min3A_295 = vector.multi_reduction <minsi>, %select_n3A_293, %reduce_min3A_294 [1] : vector<128x896xi32> to vector<128xi32>
    %broadcast_in_dim3A_296 = vector.shape_cast %reduce_min3A_295 : vector<128xi32> to vector<128x1xi32>
    %eq3A_297 = vector.broadcast %broadcast_in_dim3A_296 : vector<128x1xi32> to vector<128x896xi32>
    %eq3A_298 = arith.cmpi eq, %concatenate3A_141, %eq3A_297 : vector<128x896xi32>
    %jit3A_299 = arith.constant -3.000000e+38 : f32
    %broadcast_in_dim3A_300 = vector.broadcast %jit3A_299 : f32 to vector<128x896xf32>
    %select_n3A_301 = arith.select %eq3A_298, %broadcast_in_dim3A_300, %select_n3A_285 : vector<128x896xi1>, vector<128x896xf32>
    %reduce_max3A_302 = arith.constant dense<0xFF800000> : vector<128xf32>
    %reduce_max3A_303 = vector.multi_reduction <maximumf>, %select_n3A_301, %reduce_max3A_302 [1] : vector<128x896xf32> to vector<128xf32>
    %broadcast_in_dim3A_304 = vector.shape_cast %reduce_max3A_303 : vector<128xf32> to vector<128x1xf32>
    %eq3A_305 = vector.broadcast %broadcast_in_dim3A_304 : vector<128x1xf32> to vector<128x896xf32>
    %eq3A_306 = arith.cmpf oeq, %select_n3A_301, %eq3A_305 : vector<128x896xf32>
    %jit3A_307 = arith.constant 10240 : i32
    %broadcast_in_dim3A_308 = vector.broadcast %jit3A_307 : i32 to vector<128x896xi32>
    %select_n3A_309 = arith.select %eq3A_306, %concatenate3A_141, %broadcast_in_dim3A_308 : vector<128x896xi1>, vector<128x896xi32>
    %reduce_min3A_310 = arith.constant dense<2147483647> : vector<128xi32>
    %reduce_min3A_311 = vector.multi_reduction <minsi>, %select_n3A_309, %reduce_min3A_310 [1] : vector<128x896xi32> to vector<128xi32>
    %broadcast_in_dim3A_312 = vector.shape_cast %reduce_min3A_311 : vector<128xi32> to vector<128x1xi32>
    %eq3A_313 = vector.broadcast %broadcast_in_dim3A_312 : vector<128x1xi32> to vector<128x896xi32>
    %eq3A_314 = arith.cmpi eq, %concatenate3A_141, %eq3A_313 : vector<128x896xi32>
    %jit3A_315 = arith.constant -3.000000e+38 : f32
    %broadcast_in_dim3A_316 = vector.broadcast %jit3A_315 : f32 to vector<128x896xf32>
    %select_n3A_317 = arith.select %eq3A_314, %broadcast_in_dim3A_316, %select_n3A_301 : vector<128x896xi1>, vector<128x896xf32>
    %reduce_max3A_318 = arith.constant dense<0xFF800000> : vector<128xf32>
    %reduce_max3A_319 = vector.multi_reduction <maximumf>, %select_n3A_317, %reduce_max3A_318 [1] : vector<128x896xf32> to vector<128xf32>
    %broadcast_in_dim3A_320 = vector.shape_cast %reduce_max3A_319 : vector<128xf32> to vector<128x1xf32>
    %eq3A_321 = vector.broadcast %broadcast_in_dim3A_320 : vector<128x1xf32> to vector<128x896xf32>
    %eq3A_322 = arith.cmpf oeq, %select_n3A_317, %eq3A_321 : vector<128x896xf32>
    %jit3A_323 = arith.constant 10240 : i32
    %broadcast_in_dim3A_324 = vector.broadcast %jit3A_323 : i32 to vector<128x896xi32>
    %select_n3A_325 = arith.select %eq3A_322, %concatenate3A_141, %broadcast_in_dim3A_324 : vector<128x896xi1>, vector<128x896xi32>
    %reduce_min3A_326 = arith.constant dense<2147483647> : vector<128xi32>
    %reduce_min3A_327 = vector.multi_reduction <minsi>, %select_n3A_325, %reduce_min3A_326 [1] : vector<128x896xi32> to vector<128xi32>
    %broadcast_in_dim3A_328 = vector.shape_cast %reduce_min3A_327 : vector<128xi32> to vector<128x1xi32>
    %eq3A_329 = vector.broadcast %broadcast_in_dim3A_328 : vector<128x1xi32> to vector<128x896xi32>
    %eq3A_330 = arith.cmpi eq, %concatenate3A_141, %eq3A_329 : vector<128x896xi32>
    %jit3A_331 = arith.constant -3.000000e+38 : f32
    %broadcast_in_dim3A_332 = vector.broadcast %jit3A_331 : f32 to vector<128x896xf32>
    %select_n3A_333 = arith.select %eq3A_330, %broadcast_in_dim3A_332, %select_n3A_317 : vector<128x896xi1>, vector<128x896xf32>
    %reduce_max3A_334 = arith.constant dense<0xFF800000> : vector<128xf32>
    %reduce_max3A_335 = vector.multi_reduction <maximumf>, %select_n3A_333, %reduce_max3A_334 [1] : vector<128x896xf32> to vector<128xf32>
    %broadcast_in_dim3A_336 = vector.shape_cast %reduce_max3A_335 : vector<128xf32> to vector<128x1xf32>
    %eq3A_337 = vector.broadcast %broadcast_in_dim3A_336 : vector<128x1xf32> to vector<128x896xf32>
    %eq3A_338 = arith.cmpf oeq, %select_n3A_333, %eq3A_337 : vector<128x896xf32>
    %jit3A_339 = arith.constant 10240 : i32
    %broadcast_in_dim3A_340 = vector.broadcast %jit3A_339 : i32 to vector<128x896xi32>
    %select_n3A_341 = arith.select %eq3A_338, %concatenate3A_141, %broadcast_in_dim3A_340 : vector<128x896xi1>, vector<128x896xi32>
    %reduce_min3A_342 = arith.constant dense<2147483647> : vector<128xi32>
    %reduce_min3A_343 = vector.multi_reduction <minsi>, %select_n3A_341, %reduce_min3A_342 [1] : vector<128x896xi32> to vector<128xi32>
    %broadcast_in_dim3A_344 = vector.shape_cast %reduce_min3A_343 : vector<128xi32> to vector<128x1xi32>
    %eq3A_345 = vector.broadcast %broadcast_in_dim3A_344 : vector<128x1xi32> to vector<128x896xi32>
    %eq3A_346 = arith.cmpi eq, %concatenate3A_141, %eq3A_345 : vector<128x896xi32>
    %jit3A_347 = arith.constant -3.000000e+38 : f32
    %broadcast_in_dim3A_348 = vector.broadcast %jit3A_347 : f32 to vector<128x896xf32>
    %select_n3A_349 = arith.select %eq3A_346, %broadcast_in_dim3A_348, %select_n3A_333 : vector<128x896xi1>, vector<128x896xf32>
    %reduce_max3A_350 = arith.constant dense<0xFF800000> : vector<128xf32>
    %reduce_max3A_351 = vector.multi_reduction <maximumf>, %select_n3A_349, %reduce_max3A_350 [1] : vector<128x896xf32> to vector<128xf32>
    %broadcast_in_dim3A_352 = vector.shape_cast %reduce_max3A_351 : vector<128xf32> to vector<128x1xf32>
    %eq3A_353 = vector.broadcast %broadcast_in_dim3A_352 : vector<128x1xf32> to vector<128x896xf32>
    %eq3A_354 = arith.cmpf oeq, %select_n3A_349, %eq3A_353 : vector<128x896xf32>
    %jit3A_355 = arith.constant 10240 : i32
    %broadcast_in_dim3A_356 = vector.broadcast %jit3A_355 : i32 to vector<128x896xi32>
    %select_n3A_357 = arith.select %eq3A_354, %concatenate3A_141, %broadcast_in_dim3A_356 : vector<128x896xi1>, vector<128x896xi32>
    %reduce_min3A_358 = arith.constant dense<2147483647> : vector<128xi32>
    %reduce_min3A_359 = vector.multi_reduction <minsi>, %select_n3A_357, %reduce_min3A_358 [1] : vector<128x896xi32> to vector<128xi32>
    %broadcast_in_dim3A_360 = vector.shape_cast %reduce_min3A_359 : vector<128xi32> to vector<128x1xi32>
    %eq3A_361 = vector.broadcast %broadcast_in_dim3A_360 : vector<128x1xi32> to vector<128x896xi32>
    %eq3A_362 = arith.cmpi eq, %concatenate3A_141, %eq3A_361 : vector<128x896xi32>
    %jit3A_363 = arith.constant -3.000000e+38 : f32
    %broadcast_in_dim3A_364 = vector.broadcast %jit3A_363 : f32 to vector<128x896xf32>
    %select_n3A_365 = arith.select %eq3A_362, %broadcast_in_dim3A_364, %select_n3A_349 : vector<128x896xi1>, vector<128x896xf32>
    %reduce_max3A_366 = arith.constant dense<0xFF800000> : vector<128xf32>
    %reduce_max3A_367 = vector.multi_reduction <maximumf>, %select_n3A_365, %reduce_max3A_366 [1] : vector<128x896xf32> to vector<128xf32>
    %broadcast_in_dim3A_368 = vector.shape_cast %reduce_max3A_367 : vector<128xf32> to vector<128x1xf32>
    %eq3A_369 = vector.broadcast %broadcast_in_dim3A_368 : vector<128x1xf32> to vector<128x896xf32>
    %eq3A_370 = arith.cmpf oeq, %select_n3A_365, %eq3A_369 : vector<128x896xf32>
    %jit3A_371 = arith.constant 10240 : i32
    %broadcast_in_dim3A_372 = vector.broadcast %jit3A_371 : i32 to vector<128x896xi32>
    %select_n3A_373 = arith.select %eq3A_370, %concatenate3A_141, %broadcast_in_dim3A_372 : vector<128x896xi1>, vector<128x896xi32>
    %reduce_min3A_374 = arith.constant dense<2147483647> : vector<128xi32>
    %reduce_min3A_375 = vector.multi_reduction <minsi>, %select_n3A_373, %reduce_min3A_374 [1] : vector<128x896xi32> to vector<128xi32>
    %broadcast_in_dim3A_376 = vector.shape_cast %reduce_min3A_375 : vector<128xi32> to vector<128x1xi32>
    %eq3A_377 = vector.broadcast %broadcast_in_dim3A_376 : vector<128x1xi32> to vector<128x896xi32>
    %eq3A_378 = arith.cmpi eq, %concatenate3A_141, %eq3A_377 : vector<128x896xi32>
    %jit3A_379 = arith.constant -3.000000e+38 : f32
    %broadcast_in_dim3A_380 = vector.broadcast %jit3A_379 : f32 to vector<128x896xf32>
    %select_n3A_381 = arith.select %eq3A_378, %broadcast_in_dim3A_380, %select_n3A_365 : vector<128x896xi1>, vector<128x896xf32>
    %reduce_max3A_382 = arith.constant dense<0xFF800000> : vector<128xf32>
    %reduce_max3A_383 = vector.multi_reduction <maximumf>, %select_n3A_381, %reduce_max3A_382 [1] : vector<128x896xf32> to vector<128xf32>
    %broadcast_in_dim3A_384 = vector.shape_cast %reduce_max3A_383 : vector<128xf32> to vector<128x1xf32>
    %eq3A_385 = vector.broadcast %broadcast_in_dim3A_384 : vector<128x1xf32> to vector<128x896xf32>
    %eq3A_386 = arith.cmpf oeq, %select_n3A_381, %eq3A_385 : vector<128x896xf32>
    %jit3A_387 = arith.constant 10240 : i32
    %broadcast_in_dim3A_388 = vector.broadcast %jit3A_387 : i32 to vector<128x896xi32>
    %select_n3A_389 = arith.select %eq3A_386, %concatenate3A_141, %broadcast_in_dim3A_388 : vector<128x896xi1>, vector<128x896xi32>
    %reduce_min3A_390 = arith.constant dense<2147483647> : vector<128xi32>
    %reduce_min3A_391 = vector.multi_reduction <minsi>, %select_n3A_389, %reduce_min3A_390 [1] : vector<128x896xi32> to vector<128xi32>
    %broadcast_in_dim3A_392 = vector.shape_cast %reduce_min3A_391 : vector<128xi32> to vector<128x1xi32>
    %eq3A_393 = vector.broadcast %broadcast_in_dim3A_392 : vector<128x1xi32> to vector<128x896xi32>
    %eq3A_394 = arith.cmpi eq, %concatenate3A_141, %eq3A_393 : vector<128x896xi32>
    %jit3A_395 = arith.constant -3.000000e+38 : f32
    %broadcast_in_dim3A_396 = vector.broadcast %jit3A_395 : f32 to vector<128x896xf32>
    %select_n3A_397 = arith.select %eq3A_394, %broadcast_in_dim3A_396, %select_n3A_381 : vector<128x896xi1>, vector<128x896xf32>
    %reduce_max3A_398 = arith.constant dense<0xFF800000> : vector<128xf32>
    %reduce_max3A_399 = vector.multi_reduction <maximumf>, %select_n3A_397, %reduce_max3A_398 [1] : vector<128x896xf32> to vector<128xf32>
    %broadcast_in_dim3A_400 = vector.shape_cast %reduce_max3A_399 : vector<128xf32> to vector<128x1xf32>
    %eq3A_401 = vector.broadcast %broadcast_in_dim3A_400 : vector<128x1xf32> to vector<128x896xf32>
    %eq3A_402 = arith.cmpf oeq, %select_n3A_397, %eq3A_401 : vector<128x896xf32>
    %jit3A_403 = arith.constant 10240 : i32
    %broadcast_in_dim3A_404 = vector.broadcast %jit3A_403 : i32 to vector<128x896xi32>
    %select_n3A_405 = arith.select %eq3A_402, %concatenate3A_141, %broadcast_in_dim3A_404 : vector<128x896xi1>, vector<128x896xi32>
    %reduce_min3A_406 = arith.constant dense<2147483647> : vector<128xi32>
    %reduce_min3A_407 = vector.multi_reduction <minsi>, %select_n3A_405, %reduce_min3A_406 [1] : vector<128x896xi32> to vector<128xi32>
    %broadcast_in_dim3A_408 = vector.shape_cast %reduce_min3A_407 : vector<128xi32> to vector<128x1xi32>
    %eq3A_409 = vector.broadcast %broadcast_in_dim3A_408 : vector<128x1xi32> to vector<128x896xi32>
    %eq3A_410 = arith.cmpi eq, %concatenate3A_141, %eq3A_409 : vector<128x896xi32>
    %jit3A_411 = arith.constant -3.000000e+38 : f32
    %broadcast_in_dim3A_412 = vector.broadcast %jit3A_411 : f32 to vector<128x896xf32>
    %select_n3A_413 = arith.select %eq3A_410, %broadcast_in_dim3A_412, %select_n3A_397 : vector<128x896xi1>, vector<128x896xf32>
    %reduce_max3A_414 = arith.constant dense<0xFF800000> : vector<128xf32>
    %reduce_max3A_415 = vector.multi_reduction <maximumf>, %select_n3A_413, %reduce_max3A_414 [1] : vector<128x896xf32> to vector<128xf32>
    %broadcast_in_dim3A_416 = vector.shape_cast %reduce_max3A_415 : vector<128xf32> to vector<128x1xf32>
    %eq3A_417 = vector.broadcast %broadcast_in_dim3A_416 : vector<128x1xf32> to vector<128x896xf32>
    %eq3A_418 = arith.cmpf oeq, %select_n3A_413, %eq3A_417 : vector<128x896xf32>
    %jit3A_419 = arith.constant 10240 : i32
    %broadcast_in_dim3A_420 = vector.broadcast %jit3A_419 : i32 to vector<128x896xi32>
    %select_n3A_421 = arith.select %eq3A_418, %concatenate3A_141, %broadcast_in_dim3A_420 : vector<128x896xi1>, vector<128x896xi32>
    %reduce_min3A_422 = arith.constant dense<2147483647> : vector<128xi32>
    %reduce_min3A_423 = vector.multi_reduction <minsi>, %select_n3A_421, %reduce_min3A_422 [1] : vector<128x896xi32> to vector<128xi32>
    %broadcast_in_dim3A_424 = vector.shape_cast %reduce_min3A_423 : vector<128xi32> to vector<128x1xi32>
    %eq3A_425 = vector.broadcast %broadcast_in_dim3A_424 : vector<128x1xi32> to vector<128x896xi32>
    %eq3A_426 = arith.cmpi eq, %concatenate3A_141, %eq3A_425 : vector<128x896xi32>
    %jit3A_427 = arith.constant -3.000000e+38 : f32
    %broadcast_in_dim3A_428 = vector.broadcast %jit3A_427 : f32 to vector<128x896xf32>
    %select_n3A_429 = arith.select %eq3A_426, %broadcast_in_dim3A_428, %select_n3A_413 : vector<128x896xi1>, vector<128x896xf32>
    %reduce_max3A_430 = arith.constant dense<0xFF800000> : vector<128xf32>
    %reduce_max3A_431 = vector.multi_reduction <maximumf>, %select_n3A_429, %reduce_max3A_430 [1] : vector<128x896xf32> to vector<128xf32>
    %broadcast_in_dim3A_432 = vector.shape_cast %reduce_max3A_431 : vector<128xf32> to vector<128x1xf32>
    %eq3A_433 = vector.broadcast %broadcast_in_dim3A_432 : vector<128x1xf32> to vector<128x896xf32>
    %eq3A_434 = arith.cmpf oeq, %select_n3A_429, %eq3A_433 : vector<128x896xf32>
    %jit3A_435 = arith.constant 10240 : i32
    %broadcast_in_dim3A_436 = vector.broadcast %jit3A_435 : i32 to vector<128x896xi32>
    %select_n3A_437 = arith.select %eq3A_434, %concatenate3A_141, %broadcast_in_dim3A_436 : vector<128x896xi1>, vector<128x896xi32>
    %reduce_min3A_438 = arith.constant dense<2147483647> : vector<128xi32>
    %reduce_min3A_439 = vector.multi_reduction <minsi>, %select_n3A_437, %reduce_min3A_438 [1] : vector<128x896xi32> to vector<128xi32>
    %broadcast_in_dim3A_440 = vector.shape_cast %reduce_min3A_439 : vector<128xi32> to vector<128x1xi32>
    %eq3A_441 = vector.broadcast %broadcast_in_dim3A_440 : vector<128x1xi32> to vector<128x896xi32>
    %eq3A_442 = arith.cmpi eq, %concatenate3A_141, %eq3A_441 : vector<128x896xi32>
    %jit3A_443 = arith.constant -3.000000e+38 : f32
    %broadcast_in_dim3A_444 = vector.broadcast %jit3A_443 : f32 to vector<128x896xf32>
    %select_n3A_445 = arith.select %eq3A_442, %broadcast_in_dim3A_444, %select_n3A_429 : vector<128x896xi1>, vector<128x896xf32>
    %reduce_max3A_446 = arith.constant dense<0xFF800000> : vector<128xf32>
    %reduce_max3A_447 = vector.multi_reduction <maximumf>, %select_n3A_445, %reduce_max3A_446 [1] : vector<128x896xf32> to vector<128xf32>
    %broadcast_in_dim3A_448 = vector.shape_cast %reduce_max3A_447 : vector<128xf32> to vector<128x1xf32>
    %eq3A_449 = vector.broadcast %broadcast_in_dim3A_448 : vector<128x1xf32> to vector<128x896xf32>
    %eq3A_450 = arith.cmpf oeq, %select_n3A_445, %eq3A_449 : vector<128x896xf32>
    %jit3A_451 = arith.constant 10240 : i32
    %broadcast_in_dim3A_452 = vector.broadcast %jit3A_451 : i32 to vector<128x896xi32>
    %select_n3A_453 = arith.select %eq3A_450, %concatenate3A_141, %broadcast_in_dim3A_452 : vector<128x896xi1>, vector<128x896xi32>
    %reduce_min3A_454 = arith.constant dense<2147483647> : vector<128xi32>
    %reduce_min3A_455 = vector.multi_reduction <minsi>, %select_n3A_453, %reduce_min3A_454 [1] : vector<128x896xi32> to vector<128xi32>
    %broadcast_in_dim3A_456 = vector.shape_cast %reduce_min3A_455 : vector<128xi32> to vector<128x1xi32>
    %eq3A_457 = vector.broadcast %broadcast_in_dim3A_456 : vector<128x1xi32> to vector<128x896xi32>
    %eq3A_458 = arith.cmpi eq, %concatenate3A_141, %eq3A_457 : vector<128x896xi32>
    %jit3A_459 = arith.constant -3.000000e+38 : f32
    %broadcast_in_dim3A_460 = vector.broadcast %jit3A_459 : f32 to vector<128x896xf32>
    %select_n3A_461 = arith.select %eq3A_458, %broadcast_in_dim3A_460, %select_n3A_445 : vector<128x896xi1>, vector<128x896xf32>
    %reduce_max3A_462 = arith.constant dense<0xFF800000> : vector<128xf32>
    %reduce_max3A_463 = vector.multi_reduction <maximumf>, %select_n3A_461, %reduce_max3A_462 [1] : vector<128x896xf32> to vector<128xf32>
    %broadcast_in_dim3A_464 = vector.shape_cast %reduce_max3A_463 : vector<128xf32> to vector<128x1xf32>
    %eq3A_465 = vector.broadcast %broadcast_in_dim3A_464 : vector<128x1xf32> to vector<128x896xf32>
    %eq3A_466 = arith.cmpf oeq, %select_n3A_461, %eq3A_465 : vector<128x896xf32>
    %jit3A_467 = arith.constant 10240 : i32
    %broadcast_in_dim3A_468 = vector.broadcast %jit3A_467 : i32 to vector<128x896xi32>
    %select_n3A_469 = arith.select %eq3A_466, %concatenate3A_141, %broadcast_in_dim3A_468 : vector<128x896xi1>, vector<128x896xi32>
    %reduce_min3A_470 = arith.constant dense<2147483647> : vector<128xi32>
    %reduce_min3A_471 = vector.multi_reduction <minsi>, %select_n3A_469, %reduce_min3A_470 [1] : vector<128x896xi32> to vector<128xi32>
    %broadcast_in_dim3A_472 = vector.shape_cast %reduce_min3A_471 : vector<128xi32> to vector<128x1xi32>
    %eq3A_473 = vector.broadcast %broadcast_in_dim3A_472 : vector<128x1xi32> to vector<128x896xi32>
    %eq3A_474 = arith.cmpi eq, %concatenate3A_141, %eq3A_473 : vector<128x896xi32>
    %jit3A_475 = arith.constant -3.000000e+38 : f32
    %broadcast_in_dim3A_476 = vector.broadcast %jit3A_475 : f32 to vector<128x896xf32>
    %select_n3A_477 = arith.select %eq3A_474, %broadcast_in_dim3A_476, %select_n3A_461 : vector<128x896xi1>, vector<128x896xf32>
    %reduce_max3A_478 = arith.constant dense<0xFF800000> : vector<128xf32>
    %reduce_max3A_479 = vector.multi_reduction <maximumf>, %select_n3A_477, %reduce_max3A_478 [1] : vector<128x896xf32> to vector<128xf32>
    %broadcast_in_dim3A_480 = vector.shape_cast %reduce_max3A_479 : vector<128xf32> to vector<128x1xf32>
    %eq3A_481 = vector.broadcast %broadcast_in_dim3A_480 : vector<128x1xf32> to vector<128x896xf32>
    %eq3A_482 = arith.cmpf oeq, %select_n3A_477, %eq3A_481 : vector<128x896xf32>
    %jit3A_483 = arith.constant 10240 : i32
    %broadcast_in_dim3A_484 = vector.broadcast %jit3A_483 : i32 to vector<128x896xi32>
    %select_n3A_485 = arith.select %eq3A_482, %concatenate3A_141, %broadcast_in_dim3A_484 : vector<128x896xi1>, vector<128x896xi32>
    %reduce_min3A_486 = arith.constant dense<2147483647> : vector<128xi32>
    %reduce_min3A_487 = vector.multi_reduction <minsi>, %select_n3A_485, %reduce_min3A_486 [1] : vector<128x896xi32> to vector<128xi32>
    %broadcast_in_dim3A_488 = vector.shape_cast %reduce_min3A_487 : vector<128xi32> to vector<128x1xi32>
    %eq3A_489 = vector.broadcast %broadcast_in_dim3A_488 : vector<128x1xi32> to vector<128x896xi32>
    %eq3A_490 = arith.cmpi eq, %concatenate3A_141, %eq3A_489 : vector<128x896xi32>
    %jit3A_491 = arith.constant -3.000000e+38 : f32
    %broadcast_in_dim3A_492 = vector.broadcast %jit3A_491 : f32 to vector<128x896xf32>
    %select_n3A_493 = arith.select %eq3A_490, %broadcast_in_dim3A_492, %select_n3A_477 : vector<128x896xi1>, vector<128x896xf32>
    %reduce_max3A_494 = arith.constant dense<0xFF800000> : vector<128xf32>
    %reduce_max3A_495 = vector.multi_reduction <maximumf>, %select_n3A_493, %reduce_max3A_494 [1] : vector<128x896xf32> to vector<128xf32>
    %broadcast_in_dim3A_496 = vector.shape_cast %reduce_max3A_495 : vector<128xf32> to vector<128x1xf32>
    %eq3A_497 = vector.broadcast %broadcast_in_dim3A_496 : vector<128x1xf32> to vector<128x896xf32>
    %eq3A_498 = arith.cmpf oeq, %select_n3A_493, %eq3A_497 : vector<128x896xf32>
    %jit3A_499 = arith.constant 10240 : i32
    %broadcast_in_dim3A_500 = vector.broadcast %jit3A_499 : i32 to vector<128x896xi32>
    %select_n3A_501 = arith.select %eq3A_498, %concatenate3A_141, %broadcast_in_dim3A_500 : vector<128x896xi1>, vector<128x896xi32>
    %reduce_min3A_502 = arith.constant dense<2147483647> : vector<128xi32>
    %reduce_min3A_503 = vector.multi_reduction <minsi>, %select_n3A_501, %reduce_min3A_502 [1] : vector<128x896xi32> to vector<128xi32>
    %broadcast_in_dim3A_504 = vector.shape_cast %reduce_min3A_503 : vector<128xi32> to vector<128x1xi32>
    %eq3A_505 = vector.broadcast %broadcast_in_dim3A_504 : vector<128x1xi32> to vector<128x896xi32>
    %eq3A_506 = arith.cmpi eq, %concatenate3A_141, %eq3A_505 : vector<128x896xi32>
    %jit3A_507 = arith.constant -3.000000e+38 : f32
    %broadcast_in_dim3A_508 = vector.broadcast %jit3A_507 : f32 to vector<128x896xf32>
    %select_n3A_509 = arith.select %eq3A_506, %broadcast_in_dim3A_508, %select_n3A_493 : vector<128x896xi1>, vector<128x896xf32>
    %reduce_max3A_510 = arith.constant dense<0xFF800000> : vector<128xf32>
    %reduce_max3A_511 = vector.multi_reduction <maximumf>, %select_n3A_509, %reduce_max3A_510 [1] : vector<128x896xf32> to vector<128xf32>
    %broadcast_in_dim3A_512 = vector.shape_cast %reduce_max3A_511 : vector<128xf32> to vector<128x1xf32>
    %eq3A_513 = vector.broadcast %broadcast_in_dim3A_512 : vector<128x1xf32> to vector<128x896xf32>
    %eq3A_514 = arith.cmpf oeq, %select_n3A_509, %eq3A_513 : vector<128x896xf32>
    %jit3A_515 = arith.constant 10240 : i32
    %broadcast_in_dim3A_516 = vector.broadcast %jit3A_515 : i32 to vector<128x896xi32>
    %select_n3A_517 = arith.select %eq3A_514, %concatenate3A_141, %broadcast_in_dim3A_516 : vector<128x896xi1>, vector<128x896xi32>
    %reduce_min3A_518 = arith.constant dense<2147483647> : vector<128xi32>
    %reduce_min3A_519 = vector.multi_reduction <minsi>, %select_n3A_517, %reduce_min3A_518 [1] : vector<128x896xi32> to vector<128xi32>
    %broadcast_in_dim3A_520 = vector.shape_cast %reduce_min3A_519 : vector<128xi32> to vector<128x1xi32>
    %eq3A_521 = vector.broadcast %broadcast_in_dim3A_520 : vector<128x1xi32> to vector<128x896xi32>
    %eq3A_522 = arith.cmpi eq, %concatenate3A_141, %eq3A_521 : vector<128x896xi32>
    %jit3A_523 = arith.constant -3.000000e+38 : f32
    %broadcast_in_dim3A_524 = vector.broadcast %jit3A_523 : f32 to vector<128x896xf32>
    %select_n3A_525 = arith.select %eq3A_522, %broadcast_in_dim3A_524, %select_n3A_509 : vector<128x896xi1>, vector<128x896xf32>
    %reduce_max3A_526 = arith.constant dense<0xFF800000> : vector<128xf32>
    %reduce_max3A_527 = vector.multi_reduction <maximumf>, %select_n3A_525, %reduce_max3A_526 [1] : vector<128x896xf32> to vector<128xf32>
    %broadcast_in_dim3A_528 = vector.shape_cast %reduce_max3A_527 : vector<128xf32> to vector<128x1xf32>
    %eq3A_529 = vector.broadcast %broadcast_in_dim3A_528 : vector<128x1xf32> to vector<128x896xf32>
    %eq3A_530 = arith.cmpf oeq, %select_n3A_525, %eq3A_529 : vector<128x896xf32>
    %jit3A_531 = arith.constant 10240 : i32
    %broadcast_in_dim3A_532 = vector.broadcast %jit3A_531 : i32 to vector<128x896xi32>
    %select_n3A_533 = arith.select %eq3A_530, %concatenate3A_141, %broadcast_in_dim3A_532 : vector<128x896xi1>, vector<128x896xi32>
    %reduce_min3A_534 = arith.constant dense<2147483647> : vector<128xi32>
    %reduce_min3A_535 = vector.multi_reduction <minsi>, %select_n3A_533, %reduce_min3A_534 [1] : vector<128x896xi32> to vector<128xi32>
    %broadcast_in_dim3A_536 = vector.shape_cast %reduce_min3A_535 : vector<128xi32> to vector<128x1xi32>
    %eq3A_537 = vector.broadcast %broadcast_in_dim3A_536 : vector<128x1xi32> to vector<128x896xi32>
    %eq3A_538 = arith.cmpi eq, %concatenate3A_141, %eq3A_537 : vector<128x896xi32>
    %jit3A_539 = arith.constant -3.000000e+38 : f32
    %broadcast_in_dim3A_540 = vector.broadcast %jit3A_539 : f32 to vector<128x896xf32>
    %select_n3A_541 = arith.select %eq3A_538, %broadcast_in_dim3A_540, %select_n3A_525 : vector<128x896xi1>, vector<128x896xf32>
    %reduce_max3A_542 = arith.constant dense<0xFF800000> : vector<128xf32>
    %reduce_max3A_543 = vector.multi_reduction <maximumf>, %select_n3A_541, %reduce_max3A_542 [1] : vector<128x896xf32> to vector<128xf32>
    %broadcast_in_dim3A_544 = vector.shape_cast %reduce_max3A_543 : vector<128xf32> to vector<128x1xf32>
    %eq3A_545 = vector.broadcast %broadcast_in_dim3A_544 : vector<128x1xf32> to vector<128x896xf32>
    %eq3A_546 = arith.cmpf oeq, %select_n3A_541, %eq3A_545 : vector<128x896xf32>
    %jit3A_547 = arith.constant 10240 : i32
    %broadcast_in_dim3A_548 = vector.broadcast %jit3A_547 : i32 to vector<128x896xi32>
    %select_n3A_549 = arith.select %eq3A_546, %concatenate3A_141, %broadcast_in_dim3A_548 : vector<128x896xi1>, vector<128x896xi32>
    %reduce_min3A_550 = arith.constant dense<2147483647> : vector<128xi32>
    %reduce_min3A_551 = vector.multi_reduction <minsi>, %select_n3A_549, %reduce_min3A_550 [1] : vector<128x896xi32> to vector<128xi32>
    %broadcast_in_dim3A_552 = vector.shape_cast %reduce_min3A_551 : vector<128xi32> to vector<128x1xi32>
    %eq3A_553 = vector.broadcast %broadcast_in_dim3A_552 : vector<128x1xi32> to vector<128x896xi32>
    %eq3A_554 = arith.cmpi eq, %concatenate3A_141, %eq3A_553 : vector<128x896xi32>
    %jit3A_555 = arith.constant -3.000000e+38 : f32
    %broadcast_in_dim3A_556 = vector.broadcast %jit3A_555 : f32 to vector<128x896xf32>
    %select_n3A_557 = arith.select %eq3A_554, %broadcast_in_dim3A_556, %select_n3A_541 : vector<128x896xi1>, vector<128x896xf32>
    %reduce_max3A_558 = arith.constant dense<0xFF800000> : vector<128xf32>
    %reduce_max3A_559 = vector.multi_reduction <maximumf>, %select_n3A_557, %reduce_max3A_558 [1] : vector<128x896xf32> to vector<128xf32>
    %broadcast_in_dim3A_560 = vector.shape_cast %reduce_max3A_559 : vector<128xf32> to vector<128x1xf32>
    %eq3A_561 = vector.broadcast %broadcast_in_dim3A_560 : vector<128x1xf32> to vector<128x896xf32>
    %eq3A_562 = arith.cmpf oeq, %select_n3A_557, %eq3A_561 : vector<128x896xf32>
    %jit3A_563 = arith.constant 10240 : i32
    %broadcast_in_dim3A_564 = vector.broadcast %jit3A_563 : i32 to vector<128x896xi32>
    %select_n3A_565 = arith.select %eq3A_562, %concatenate3A_141, %broadcast_in_dim3A_564 : vector<128x896xi1>, vector<128x896xi32>
    %reduce_min3A_566 = arith.constant dense<2147483647> : vector<128xi32>
    %reduce_min3A_567 = vector.multi_reduction <minsi>, %select_n3A_565, %reduce_min3A_566 [1] : vector<128x896xi32> to vector<128xi32>
    %broadcast_in_dim3A_568 = vector.shape_cast %reduce_min3A_567 : vector<128xi32> to vector<128x1xi32>
    %eq3A_569 = vector.broadcast %broadcast_in_dim3A_568 : vector<128x1xi32> to vector<128x896xi32>
    %eq3A_570 = arith.cmpi eq, %concatenate3A_141, %eq3A_569 : vector<128x896xi32>
    %jit3A_571 = arith.constant -3.000000e+38 : f32
    %broadcast_in_dim3A_572 = vector.broadcast %jit3A_571 : f32 to vector<128x896xf32>
    %select_n3A_573 = arith.select %eq3A_570, %broadcast_in_dim3A_572, %select_n3A_557 : vector<128x896xi1>, vector<128x896xf32>
    %reduce_max3A_574 = arith.constant dense<0xFF800000> : vector<128xf32>
    %reduce_max3A_575 = vector.multi_reduction <maximumf>, %select_n3A_573, %reduce_max3A_574 [1] : vector<128x896xf32> to vector<128xf32>
    %broadcast_in_dim3A_576 = vector.shape_cast %reduce_max3A_575 : vector<128xf32> to vector<128x1xf32>
    %eq3A_577 = vector.broadcast %broadcast_in_dim3A_576 : vector<128x1xf32> to vector<128x896xf32>
    %eq3A_578 = arith.cmpf oeq, %select_n3A_573, %eq3A_577 : vector<128x896xf32>
    %jit3A_579 = arith.constant 10240 : i32
    %broadcast_in_dim3A_580 = vector.broadcast %jit3A_579 : i32 to vector<128x896xi32>
    %select_n3A_581 = arith.select %eq3A_578, %concatenate3A_141, %broadcast_in_dim3A_580 : vector<128x896xi1>, vector<128x896xi32>
    %reduce_min3A_582 = arith.constant dense<2147483647> : vector<128xi32>
    %reduce_min3A_583 = vector.multi_reduction <minsi>, %select_n3A_581, %reduce_min3A_582 [1] : vector<128x896xi32> to vector<128xi32>
    %broadcast_in_dim3A_584 = vector.shape_cast %reduce_min3A_583 : vector<128xi32> to vector<128x1xi32>
    %eq3A_585 = vector.broadcast %broadcast_in_dim3A_584 : vector<128x1xi32> to vector<128x896xi32>
    %eq3A_586 = arith.cmpi eq, %concatenate3A_141, %eq3A_585 : vector<128x896xi32>
    %jit3A_587 = arith.constant -3.000000e+38 : f32
    %broadcast_in_dim3A_588 = vector.broadcast %jit3A_587 : f32 to vector<128x896xf32>
    %select_n3A_589 = arith.select %eq3A_586, %broadcast_in_dim3A_588, %select_n3A_573 : vector<128x896xi1>, vector<128x896xf32>
    %reduce_max3A_590 = arith.constant dense<0xFF800000> : vector<128xf32>
    %reduce_max3A_591 = vector.multi_reduction <maximumf>, %select_n3A_589, %reduce_max3A_590 [1] : vector<128x896xf32> to vector<128xf32>
    %broadcast_in_dim3A_592 = vector.shape_cast %reduce_max3A_591 : vector<128xf32> to vector<128x1xf32>
    %eq3A_593 = vector.broadcast %broadcast_in_dim3A_592 : vector<128x1xf32> to vector<128x896xf32>
    %eq3A_594 = arith.cmpf oeq, %select_n3A_589, %eq3A_593 : vector<128x896xf32>
    %jit3A_595 = arith.constant 10240 : i32
    %broadcast_in_dim3A_596 = vector.broadcast %jit3A_595 : i32 to vector<128x896xi32>
    %select_n3A_597 = arith.select %eq3A_594, %concatenate3A_141, %broadcast_in_dim3A_596 : vector<128x896xi1>, vector<128x896xi32>
    %reduce_min3A_598 = arith.constant dense<2147483647> : vector<128xi32>
    %reduce_min3A_599 = vector.multi_reduction <minsi>, %select_n3A_597, %reduce_min3A_598 [1] : vector<128x896xi32> to vector<128xi32>
    %broadcast_in_dim3A_600 = vector.shape_cast %reduce_min3A_599 : vector<128xi32> to vector<128x1xi32>
    %eq3A_601 = vector.broadcast %broadcast_in_dim3A_600 : vector<128x1xi32> to vector<128x896xi32>
    %eq3A_602 = arith.cmpi eq, %concatenate3A_141, %eq3A_601 : vector<128x896xi32>
    %jit3A_603 = arith.constant -3.000000e+38 : f32
    %broadcast_in_dim3A_604 = vector.broadcast %jit3A_603 : f32 to vector<128x896xf32>
    %select_n3A_605 = arith.select %eq3A_602, %broadcast_in_dim3A_604, %select_n3A_589 : vector<128x896xi1>, vector<128x896xf32>
    %reduce_max3A_606 = arith.constant dense<0xFF800000> : vector<128xf32>
    %reduce_max3A_607 = vector.multi_reduction <maximumf>, %select_n3A_605, %reduce_max3A_606 [1] : vector<128x896xf32> to vector<128xf32>
    %broadcast_in_dim3A_608 = vector.shape_cast %reduce_max3A_607 : vector<128xf32> to vector<128x1xf32>
    %eq3A_609 = vector.broadcast %broadcast_in_dim3A_608 : vector<128x1xf32> to vector<128x896xf32>
    %eq3A_610 = arith.cmpf oeq, %select_n3A_605, %eq3A_609 : vector<128x896xf32>
    %jit3A_611 = arith.constant 10240 : i32
    %broadcast_in_dim3A_612 = vector.broadcast %jit3A_611 : i32 to vector<128x896xi32>
    %select_n3A_613 = arith.select %eq3A_610, %concatenate3A_141, %broadcast_in_dim3A_612 : vector<128x896xi1>, vector<128x896xi32>
    %reduce_min3A_614 = arith.constant dense<2147483647> : vector<128xi32>
    %reduce_min3A_615 = vector.multi_reduction <minsi>, %select_n3A_613, %reduce_min3A_614 [1] : vector<128x896xi32> to vector<128xi32>
    %broadcast_in_dim3A_616 = vector.shape_cast %reduce_min3A_615 : vector<128xi32> to vector<128x1xi32>
    %eq3A_617 = vector.broadcast %broadcast_in_dim3A_616 : vector<128x1xi32> to vector<128x896xi32>
    %eq3A_618 = arith.cmpi eq, %concatenate3A_141, %eq3A_617 : vector<128x896xi32>
    %jit3A_619 = arith.constant -3.000000e+38 : f32
    %broadcast_in_dim3A_620 = vector.broadcast %jit3A_619 : f32 to vector<128x896xf32>
    %select_n3A_621 = arith.select %eq3A_618, %broadcast_in_dim3A_620, %select_n3A_605 : vector<128x896xi1>, vector<128x896xf32>
    %reduce_max3A_622 = arith.constant dense<0xFF800000> : vector<128xf32>
    %reduce_max3A_623 = vector.multi_reduction <maximumf>, %select_n3A_621, %reduce_max3A_622 [1] : vector<128x896xf32> to vector<128xf32>
    %broadcast_in_dim3A_624 = vector.shape_cast %reduce_max3A_623 : vector<128xf32> to vector<128x1xf32>
    %eq3A_625 = vector.broadcast %broadcast_in_dim3A_624 : vector<128x1xf32> to vector<128x896xf32>
    %eq3A_626 = arith.cmpf oeq, %select_n3A_621, %eq3A_625 : vector<128x896xf32>
    %jit3A_627 = arith.constant 10240 : i32
    %broadcast_in_dim3A_628 = vector.broadcast %jit3A_627 : i32 to vector<128x896xi32>
    %select_n3A_629 = arith.select %eq3A_626, %concatenate3A_141, %broadcast_in_dim3A_628 : vector<128x896xi1>, vector<128x896xi32>
    %reduce_min3A_630 = arith.constant dense<2147483647> : vector<128xi32>
    %reduce_min3A_631 = vector.multi_reduction <minsi>, %select_n3A_629, %reduce_min3A_630 [1] : vector<128x896xi32> to vector<128xi32>
    %broadcast_in_dim3A_632 = vector.shape_cast %reduce_min3A_631 : vector<128xi32> to vector<128x1xi32>
    %eq3A_633 = vector.broadcast %broadcast_in_dim3A_632 : vector<128x1xi32> to vector<128x896xi32>
    %eq3A_634 = arith.cmpi eq, %concatenate3A_141, %eq3A_633 : vector<128x896xi32>
    %jit3A_635 = arith.constant -3.000000e+38 : f32
    %broadcast_in_dim3A_636 = vector.broadcast %jit3A_635 : f32 to vector<128x896xf32>
    %select_n3A_637 = arith.select %eq3A_634, %broadcast_in_dim3A_636, %select_n3A_621 : vector<128x896xi1>, vector<128x896xf32>
    %reduce_max3A_638 = arith.constant dense<0xFF800000> : vector<128xf32>
    %reduce_max3A_639 = vector.multi_reduction <maximumf>, %select_n3A_637, %reduce_max3A_638 [1] : vector<128x896xf32> to vector<128xf32>
    %broadcast_in_dim3A_640 = vector.shape_cast %reduce_max3A_639 : vector<128xf32> to vector<128x1xf32>
    %eq3A_641 = vector.broadcast %broadcast_in_dim3A_640 : vector<128x1xf32> to vector<128x896xf32>
    %eq3A_642 = arith.cmpf oeq, %select_n3A_637, %eq3A_641 : vector<128x896xf32>
    %jit3A_643 = arith.constant 10240 : i32
    %broadcast_in_dim3A_644 = vector.broadcast %jit3A_643 : i32 to vector<128x896xi32>
    %select_n3A_645 = arith.select %eq3A_642, %concatenate3A_141, %broadcast_in_dim3A_644 : vector<128x896xi1>, vector<128x896xi32>
    %reduce_min3A_646 = arith.constant dense<2147483647> : vector<128xi32>
    %reduce_min3A_647 = vector.multi_reduction <minsi>, %select_n3A_645, %reduce_min3A_646 [1] : vector<128x896xi32> to vector<128xi32>
    %broadcast_in_dim3A_648 = vector.shape_cast %reduce_min3A_647 : vector<128xi32> to vector<128x1xi32>
    %eq3A_649 = vector.broadcast %broadcast_in_dim3A_648 : vector<128x1xi32> to vector<128x896xi32>
    %eq3A_650 = arith.cmpi eq, %concatenate3A_141, %eq3A_649 : vector<128x896xi32>
    %jit3A_651 = arith.constant -3.000000e+38 : f32
    %broadcast_in_dim3A_652 = vector.broadcast %jit3A_651 : f32 to vector<128x896xf32>
    %select_n3A_653 = arith.select %eq3A_650, %broadcast_in_dim3A_652, %select_n3A_637 : vector<128x896xi1>, vector<128x896xf32>
    %reduce_max3A_654 = arith.constant dense<0xFF800000> : vector<128xf32>
    %reduce_max3A_655 = vector.multi_reduction <maximumf>, %select_n3A_653, %reduce_max3A_654 [1] : vector<128x896xf32> to vector<128xf32>
    %broadcast_in_dim3A_656 = vector.shape_cast %reduce_max3A_655 : vector<128xf32> to vector<128x1xf32>
    %eq3A_657 = vector.broadcast %broadcast_in_dim3A_656 : vector<128x1xf32> to vector<128x896xf32>
    %eq3A_658 = arith.cmpf oeq, %select_n3A_653, %eq3A_657 : vector<128x896xf32>
    %jit3A_659 = arith.constant 10240 : i32
    %broadcast_in_dim3A_660 = vector.broadcast %jit3A_659 : i32 to vector<128x896xi32>
    %select_n3A_661 = arith.select %eq3A_658, %concatenate3A_141, %broadcast_in_dim3A_660 : vector<128x896xi1>, vector<128x896xi32>
    %reduce_min3A_662 = arith.constant dense<2147483647> : vector<128xi32>
    %reduce_min3A_663 = vector.multi_reduction <minsi>, %select_n3A_661, %reduce_min3A_662 [1] : vector<128x896xi32> to vector<128xi32>
    %broadcast_in_dim3A_664 = vector.shape_cast %reduce_min3A_663 : vector<128xi32> to vector<128x1xi32>
    %concatenate3A_665 = tpu.concatenate %broadcast_in_dim3A_168, %broadcast_in_dim3A_184, %broadcast_in_dim3A_200, %broadcast_in_dim3A_216, %broadcast_in_dim3A_232, %broadcast_in_dim3A_248, %broadcast_in_dim3A_264, %broadcast_in_dim3A_280, %broadcast_in_dim3A_296, %broadcast_in_dim3A_312, %broadcast_in_dim3A_328, %broadcast_in_dim3A_344, %broadcast_in_dim3A_360, %broadcast_in_dim3A_376, %broadcast_in_dim3A_392, %broadcast_in_dim3A_408, %broadcast_in_dim3A_424, %broadcast_in_dim3A_440, %broadcast_in_dim3A_456, %broadcast_in_dim3A_472, %broadcast_in_dim3A_488, %broadcast_in_dim3A_504, %broadcast_in_dim3A_520, %broadcast_in_dim3A_536, %broadcast_in_dim3A_552, %broadcast_in_dim3A_568, %broadcast_in_dim3A_584, %broadcast_in_dim3A_600, %broadcast_in_dim3A_616, %broadcast_in_dim3A_632, %broadcast_in_dim3A_648, %broadcast_in_dim3A_664 in 1 : vector<128x1xi32>, vector<128x1xi32>, vector<128x1xi32>, vector<128x1xi32>, vector<128x1xi32>, vector<128x1xi32>, vector<128x1xi32>, vector<128x1xi32>, vector<128x1xi32>, vector<128x1xi32>, vector<128x1xi32>, vector<128x1xi32>, vector<128x1xi32>, vector<128x1xi32>, vector<128x1xi32>, vector<128x1xi32>, vector<128x1xi32>, vector<128x1xi32>, vector<128x1xi32>, vector<128x1xi32>, vector<128x1xi32>, vector<128x1xi32>, vector<128x1xi32>, vector<128x1xi32>, vector<128x1xi32>, vector<128x1xi32>, vector<128x1xi32>, vector<128x1xi32>, vector<128x1xi32>, vector<128x1xi32>, vector<128x1xi32>, vector<128x1xi32> -> vector<128x32xi32>
    %swap3A = arith.constant 0 : index
    %swap3A_666 = arith.constant 0 : index
    %swap3A_667 = vector.load %arg4[%swap3A, %swap3A_666] : memref<128x32xi32, #tpu.memory_space<vmem>>, vector<128x32xi32>
    tpu.vector_store %arg4[%swap3A, %swap3A_666], %concatenate3A_665 {strides = array<i32>} : memref<128x32xi32, #tpu.memory_space<vmem>>, vector<128x32xi32>,
    return
  }
  func.func @transform_0(%arg0: i32) -> (i32, i32) {
    %c0_i32 = arith.constant 0 : i32
    %c0_i32_0 = arith.constant 0 : i32
    return %arg0, %c0_i32 : i32, i32
  }
  func.func @transform_1(%arg0: i32) -> (i32, i32) {
    %c0_i32 = arith.constant 0 : i32
    %c0_i32_0 = arith.constant 0 : i32
    %c0_i32_1 = arith.constant 0 : i32
    return %c0_i32, %c0_i32_0 : i32, i32
  }
  func.func @transform_2(%arg0: i32) -> (i32, i32) {
    %c0_i32 = arith.constant 0 : i32
    %c0_i32_0 = arith.constant 0 : i32
    %c0_i32_1 = arith.constant 0 : i32
    return %c0_i32, %c0_i32_0 : i32, i32
  }
  func.func @transform_3(%arg0: i32) -> (i32, i32) {
    %c0_i32 = arith.constant 0 : i32
    %c0_i32_0 = arith.constant 0 : i32
    return %arg0, %c0_i32 : i32, i32
  }
}

module attributes {stable_mosaic.version = 14 : i64} {
  func.func @_edge_body(%arg0: i32, %arg1: memref<200x256xf32, #tpu.memory_space<vmem>>, %arg2: memref<32x200x256xf32, #tpu.memory_space<vmem>>, %arg3: memref<128x128xf32, #tpu.memory_space<vmem>>, %arg4: memref<128x128xf32, #tpu.memory_space<vmem>>, %arg5: memref<128x128xf32, #tpu.memory_space<vmem>>, %arg6: memref<64x64xf32, #tpu.memory_space<vmem>>, %arg7: memref<1x64xf32, #tpu.memory_space<vmem>>, %arg8: memref<128x128xf32, #tpu.memory_space<vmem>>, %arg9: memref<1x128xf32, #tpu.memory_space<vmem>>, %arg10: memref<128x128xf32, #tpu.memory_space<vmem>>, %arg11: memref<1x128xf32, #tpu.memory_space<vmem>>, %arg12: memref<200x128xf32, #tpu.memory_space<vmem>>, %arg13: memref<200x128xf32, #tpu.memory_space<vmem>>) attributes {dimension_semantics = [#tpu.dimension_semantics<arbitrary>], iteration_bounds = array<i64: 50>, scalar_prefetch = 0 : i64, scratch_operands = 0 : i64, tpu.core_type = #tpu.core_type<tc>, window_params = [{transform_indices = @transform_0, window_bounds = array<i64: 200, 256>}, {transform_indices = @transform_1, window_bounds = array<i64: 32, 200, 256>}, {pipeline_mode = #tpu.pipeline_mode<synchronous>, transform_indices = @transform_2, window_bounds = array<i64: 128, 128>}, {pipeline_mode = #tpu.pipeline_mode<synchronous>, transform_indices = @transform_3, window_bounds = array<i64: 128, 128>}, {pipeline_mode = #tpu.pipeline_mode<synchronous>, transform_indices = @transform_4, window_bounds = array<i64: 128, 128>}, {pipeline_mode = #tpu.pipeline_mode<synchronous>, transform_indices = @transform_5, window_bounds = array<i64: 64, 64>}, {pipeline_mode = #tpu.pipeline_mode<synchronous>, transform_indices = @transform_6, window_bounds = array<i64: 1, 64>}, {pipeline_mode = #tpu.pipeline_mode<synchronous>, transform_indices = @transform_7, window_bounds = array<i64: 128, 128>}, {pipeline_mode = #tpu.pipeline_mode<synchronous>, transform_indices = @transform_8, window_bounds = array<i64: 1, 128>}, {pipeline_mode = #tpu.pipeline_mode<synchronous>, transform_indices = @transform_9, window_bounds = array<i64: 128, 128>}, {pipeline_mode = #tpu.pipeline_mode<synchronous>, transform_indices = @transform_10, window_bounds = array<i64: 1, 128>}, {transform_indices = @transform_11, window_bounds = array<i64: 200, 128>}, {transform_indices = @transform_12, window_bounds = array<i64: 200, 128>}]} {
    %get3A = arith.constant 0 : index
    %get3A_0 = arith.constant 0 : index
    %get3A_1 = vector.load %arg1[%get3A, %get3A_0] : memref<200x256xf32, #tpu.memory_space<vmem>>, vector<200x256xf32>
    %slice3A = vector.extract_strided_slice %get3A_1 {offsets = [0, 0], sizes = [200, 64], strides = [1, 1]} : vector<200x256xf32> to vector<200x64xf32>
    %slice3A_2 = vector.extract_strided_slice %get3A_1 {offsets = [0, 64], sizes = [200, 64], strides = [1, 1]} : vector<200x256xf32> to vector<200x64xf32>
    %slice3A_3 = vector.extract_strided_slice %get3A_1 {offsets = [0, 128], sizes = [200, 64], strides = [1, 1]} : vector<200x256xf32> to vector<200x64xf32>
    %slice3A_4 = vector.extract_strided_slice %get3A_1 {offsets = [0, 192], sizes = [200, 64], strides = [1, 1]} : vector<200x256xf32> to vector<200x64xf32>
    %get3A_5 = arith.constant 0 : index
    %get3A_6 = arith.constant 0 : index
    %get3A_7 = arith.constant 0 : index
    %get3A_8 = vector.load %arg2[%get3A_5, %get3A_6, %get3A_7] : memref<32x200x256xf32, #tpu.memory_space<vmem>>, vector<32x200x256xf32>
    %slice3A_9 = vector.extract_strided_slice %get3A_8 {offsets = [0, 0, 0], sizes = [32, 200, 64], strides = [1, 1, 1]} : vector<32x200x256xf32> to vector<32x200x64xf32>
    %slice3A_10 = vector.extract_strided_slice %get3A_8 {offsets = [0, 0, 64], sizes = [32, 200, 64], strides = [1, 1, 1]} : vector<32x200x256xf32> to vector<32x200x64xf32>
    %slice3A_11 = vector.extract_strided_slice %get3A_8 {offsets = [0, 0, 128], sizes = [32, 200, 64], strides = [1, 1, 1]} : vector<32x200x256xf32> to vector<32x200x64xf32>
    %slice3A_12 = vector.extract_strided_slice %get3A_8 {offsets = [0, 0, 192], sizes = [32, 200, 64], strides = [1, 1, 1]} : vector<32x200x256xf32> to vector<32x200x64xf32>
    %broadcast_in_dim3A = vector.shape_cast %slice3A : vector<200x64xf32> to vector<1x200x64xf32>
    %broadcast_in_dim3A_13 = vector.shape_cast %broadcast_in_dim3A : vector<1x200x64xf32> to vector<1x200x64xf32>
    %broadcast_in_dim3A_14 = vector.broadcast %broadcast_in_dim3A_13 : vector<1x200x64xf32> to vector<32x200x64xf32>
    %broadcast_in_dim3A_15 = vector.shape_cast %slice3A_2 : vector<200x64xf32> to vector<1x200x64xf32>
    %broadcast_in_dim3A_16 = vector.shape_cast %broadcast_in_dim3A_15 : vector<1x200x64xf32> to vector<1x200x64xf32>
    %broadcast_in_dim3A_17 = vector.broadcast %broadcast_in_dim3A_16 : vector<1x200x64xf32> to vector<32x200x64xf32>
    %sub3A = arith.subf %slice3A_9, %broadcast_in_dim3A_14 : vector<32x200x64xf32>
    %concatenate3A = tpu.concatenate %sub3A, %broadcast_in_dim3A_14 in 2 : vector<32x200x64xf32>, vector<32x200x64xf32> -> vector<32x200x128xf32>
    %reshape3A = vector.shape_cast %concatenate3A : vector<32x200x128xf32> to vector<6400x128xf32>
    %get3A_18 = arith.constant 0 : index
    %get3A_19 = arith.constant 0 : index
    %get3A_20 = vector.load %arg3[%get3A_18, %get3A_19] : memref<128x128xf32, #tpu.memory_space<vmem>>, vector<128x128xf32>
    %convert_element_type3A = arith.truncf %reshape3A : vector<6400x128xf32> to vector<6400x128xbf16>
    %convert_element_type3A_21 = arith.truncf %get3A_20 : vector<128x128xf32> to vector<128x128xbf16>
    %dot_general3A = arith.constant dense<0.000000e+00> : vector<6400x128xf32>
    %dot_general3A_22 = tpu.matmul %convert_element_type3A, %convert_element_type3A_21, %dot_general3A {dimension_numbers = #tpu.dot_dimension_numbers<[1], [0], [0], [1], [0, 0, 1, 1], [], []>, transpose_lhs_hint = false} : vector<6400x128xbf16>, vector<128x128xbf16>, vector<6400x128xf32> -> vector<6400x128xf32>
    %sqrt3A = arith.constant 1.000010e+00 : f32
    %sqrt3A_23 = math.sqrt %sqrt3A : f32
    %div3A = vector.broadcast %sqrt3A_23 : f32 to vector<6400x128xf32>
    %div3A_24 = arith.divf %dot_general3A_22, %div3A : vector<6400x128xf32>
    %jit3A = arith.constant 2.000000e-01 : f32
    %ge3A = arith.constant 0.000000e+00 : f32
    %ge3A_25 = vector.broadcast %ge3A : f32 to vector<6400x128xf32>
    %ge3A_26 = arith.cmpf oge, %div3A_24, %ge3A_25 : vector<6400x128xf32>
    %mul3A = vector.broadcast %jit3A : f32 to vector<6400x128xf32>
    %mul3A_27 = arith.mulf %mul3A, %div3A_24 : vector<6400x128xf32>
    %select_n3A = arith.select %ge3A_26, %div3A_24, %mul3A_27 : vector<6400x128xi1>, vector<6400x128xf32>
    %reshape3A_28 = vector.shape_cast %select_n3A : vector<6400x128xf32> to vector<32x200x128xf32>
    %sub3A_29 = arith.subf %slice3A_10, %broadcast_in_dim3A_17 : vector<32x200x64xf32>
    %concatenate3A_30 = tpu.concatenate %sub3A_29, %broadcast_in_dim3A_17 in 2 : vector<32x200x64xf32>, vector<32x200x64xf32> -> vector<32x200x128xf32>
    %reshape3A_31 = vector.shape_cast %concatenate3A_30 : vector<32x200x128xf32> to vector<6400x128xf32>
    %get3A_32 = arith.constant 0 : index
    %get3A_33 = arith.constant 0 : index
    %get3A_34 = vector.load %arg4[%get3A_32, %get3A_33] : memref<128x128xf32, #tpu.memory_space<vmem>>, vector<128x128xf32>
    %convert_element_type3A_35 = arith.truncf %reshape3A_31 : vector<6400x128xf32> to vector<6400x128xbf16>
    %convert_element_type3A_36 = arith.truncf %get3A_34 : vector<128x128xf32> to vector<128x128xbf16>
    %dot_general3A_37 = arith.constant dense<0.000000e+00> : vector<6400x128xf32>
    %dot_general3A_38 = tpu.matmul %convert_element_type3A_35, %convert_element_type3A_36, %dot_general3A_37 {dimension_numbers = #tpu.dot_dimension_numbers<[1], [0], [0], [1], [0, 0, 1, 1], [], []>, transpose_lhs_hint = false} : vector<6400x128xbf16>, vector<128x128xbf16>, vector<6400x128xf32> -> vector<6400x128xf32>
    %sqrt3A_39 = arith.constant 1.000010e+00 : f32
    %sqrt3A_40 = math.sqrt %sqrt3A_39 : f32
    %div3A_41 = vector.broadcast %sqrt3A_40 : f32 to vector<6400x128xf32>
    %div3A_42 = arith.divf %dot_general3A_38, %div3A_41 : vector<6400x128xf32>
    %jit3A_43 = arith.constant 2.000000e-01 : f32
    %ge3A_44 = arith.constant 0.000000e+00 : f32
    %ge3A_45 = vector.broadcast %ge3A_44 : f32 to vector<6400x128xf32>
    %ge3A_46 = arith.cmpf oge, %div3A_42, %ge3A_45 : vector<6400x128xf32>
    %mul3A_47 = vector.broadcast %jit3A_43 : f32 to vector<6400x128xf32>
    %mul3A_48 = arith.mulf %mul3A_47, %div3A_42 : vector<6400x128xf32>
    %select_n3A_49 = arith.select %ge3A_46, %div3A_42, %mul3A_48 : vector<6400x128xi1>, vector<6400x128xf32>
    %broadcast_in_dim3A_50 = vector.shape_cast %slice3A_3 : vector<200x64xf32> to vector<1x200x64xf32>
    %broadcast_in_dim3A_51 = vector.shape_cast %broadcast_in_dim3A_50 : vector<1x200x64xf32> to vector<1x200x64xf32>
    %broadcast_in_dim3A_52 = vector.broadcast %broadcast_in_dim3A_51 : vector<1x200x64xf32> to vector<32x200x64xf32>
    %sub3A_53 = arith.subf %broadcast_in_dim3A_52, %slice3A_11 : vector<32x200x64xf32>
    %concatenate3A_54 = tpu.concatenate %sub3A_53, %slice3A_11 in 2 : vector<32x200x64xf32>, vector<32x200x64xf32> -> vector<32x200x128xf32>
    %reshape3A_55 = vector.shape_cast %concatenate3A_54 : vector<32x200x128xf32> to vector<6400x128xf32>
    %get3A_56 = arith.constant 0 : index
    %get3A_57 = arith.constant 0 : index
    %get3A_58 = vector.load %arg5[%get3A_56, %get3A_57] : memref<128x128xf32, #tpu.memory_space<vmem>>, vector<128x128xf32>
    %convert_element_type3A_59 = arith.truncf %reshape3A_55 : vector<6400x128xf32> to vector<6400x128xbf16>
    %convert_element_type3A_60 = arith.truncf %get3A_58 : vector<128x128xf32> to vector<128x128xbf16>
    %dot_general3A_61 = arith.constant dense<0.000000e+00> : vector<6400x128xf32>
    %dot_general3A_62 = tpu.matmul %convert_element_type3A_59, %convert_element_type3A_60, %dot_general3A_61 {dimension_numbers = #tpu.dot_dimension_numbers<[1], [0], [0], [1], [0, 0, 1, 1], [], []>, transpose_lhs_hint = false} : vector<6400x128xbf16>, vector<128x128xbf16>, vector<6400x128xf32> -> vector<6400x128xf32>
    %sqrt3A_63 = arith.constant 1.000010e+00 : f32
    %sqrt3A_64 = math.sqrt %sqrt3A_63 : f32
    %div3A_65 = vector.broadcast %sqrt3A_64 : f32 to vector<6400x128xf32>
    %div3A_66 = arith.divf %dot_general3A_62, %div3A_65 : vector<6400x128xf32>
    %jit3A_67 = arith.constant 2.000000e-01 : f32
    %ge3A_68 = arith.constant 0.000000e+00 : f32
    %ge3A_69 = vector.broadcast %ge3A_68 : f32 to vector<6400x128xf32>
    %ge3A_70 = arith.cmpf oge, %div3A_66, %ge3A_69 : vector<6400x128xf32>
    %mul3A_71 = vector.broadcast %jit3A_67 : f32 to vector<6400x128xf32>
    %mul3A_72 = arith.mulf %mul3A_71, %div3A_66 : vector<6400x128xf32>
    %select_n3A_73 = arith.select %ge3A_70, %div3A_66, %mul3A_72 : vector<6400x128xi1>, vector<6400x128xf32>
    %reshape3A_74 = vector.shape_cast %select_n3A_73 : vector<6400x128xf32> to vector<32x200x128xf32>
    %reduce_max3A = arith.constant dense<0xFF800000> : vector<200x128xf32>
    %reduce_max3A_75 = vector.multi_reduction <maximumf>, %reshape3A_74, %reduce_max3A [0] : vector<32x200x128xf32> to vector<200x128xf32>
    %broadcast_in_dim3A_76 = vector.shape_cast %reduce_max3A_75 : vector<200x128xf32> to vector<1x200x128xf32>
    %sub3A_77 = vector.broadcast %broadcast_in_dim3A_76 : vector<1x200x128xf32> to vector<32x200x128xf32>
    %sub3A_78 = arith.subf %reshape3A_74, %sub3A_77 : vector<32x200x128xf32>
    %exp3A = math.exp %sub3A_78 : vector<32x200x128xf32>
    %reduce_sum3A = arith.constant dense<0.000000e+00> : vector<200x128xf32>
    %reduce_sum3A_79 = vector.multi_reduction <add>, %exp3A, %reduce_sum3A [0] : vector<32x200x128xf32> to vector<200x128xf32>
    %broadcast_in_dim3A_80 = vector.shape_cast %reduce_sum3A_79 : vector<200x128xf32> to vector<1x200x128xf32>
    %div3A_81 = vector.broadcast %broadcast_in_dim3A_80 : vector<1x200x128xf32> to vector<32x200x128xf32>
    %div3A_82 = arith.divf %exp3A, %div3A_81 : vector<32x200x128xf32>
    %mul3A_83 = arith.mulf %div3A_82, %reshape3A_28 : vector<32x200x128xf32>
    %reduce_sum3A_84 = arith.constant dense<0.000000e+00> : vector<200x128xf32>
    %reduce_sum3A_85 = vector.multi_reduction <add>, %mul3A_83, %reduce_sum3A_84 [0] : vector<32x200x128xf32> to vector<200x128xf32>
    %swap3A = arith.constant 0 : index
    %swap3A_86 = arith.constant 0 : index
    %swap3A_87 = vector.load %arg12[%swap3A, %swap3A_86] : memref<200x128xf32, #tpu.memory_space<vmem>>, vector<200x128xf32>
    tpu.vector_store %arg12[%swap3A, %swap3A_86], %reduce_sum3A_85 {strides = array<i32>} : memref<200x128xf32, #tpu.memory_space<vmem>>, vector<200x128xf32>,
    %get3A_88 = arith.constant 0 : index
    %get3A_89 = arith.constant 0 : index
    %get3A_90 = vector.load %arg6[%get3A_88, %get3A_89] : memref<64x64xf32, #tpu.memory_space<vmem>>, vector<64x64xf32>
    %convert_element_type3A_91 = arith.truncf %slice3A_4 : vector<200x64xf32> to vector<200x64xbf16>
    %convert_element_type3A_92 = arith.truncf %get3A_90 : vector<64x64xf32> to vector<64x64xbf16>
    %dot_general3A_93 = arith.constant dense<0.000000e+00> : vector<200x64xf32>
    %dot_general3A_94 = tpu.matmul %convert_element_type3A_91, %convert_element_type3A_92, %dot_general3A_93 {dimension_numbers = #tpu.dot_dimension_numbers<[1], [0], [0], [1], [0, 0, 1, 1], [], []>, transpose_lhs_hint = false} : vector<200x64xbf16>, vector<64x64xbf16>, vector<200x64xf32> -> vector<200x64xf32>
    %get3A_95 = arith.constant 0 : index
    %get3A_96 = arith.constant 0 : index
    %get3A_97 = vector.load %arg7[%get3A_95, %get3A_96] : memref<1x64xf32, #tpu.memory_space<vmem>>, vector<1x64xf32>
    %add3A = vector.broadcast %get3A_97 : vector<1x64xf32> to vector<200x64xf32>
    %add3A_98 = arith.addf %dot_general3A_94, %add3A : vector<200x64xf32>
    %reshape3A_99 = vector.shape_cast %slice3A_12 : vector<32x200x64xf32> to vector<6400x64xf32>
    %get3A_100 = arith.constant 0 : index
    %get3A_101 = arith.constant 0 : index
    %get3A_102 = vector.load %arg6[%get3A_100, %get3A_101] : memref<64x64xf32, #tpu.memory_space<vmem>>, vector<64x64xf32>
    %convert_element_type3A_103 = arith.truncf %reshape3A_99 : vector<6400x64xf32> to vector<6400x64xbf16>
    %convert_element_type3A_104 = arith.truncf %get3A_102 : vector<64x64xf32> to vector<64x64xbf16>
    %dot_general3A_105 = arith.constant dense<0.000000e+00> : vector<6400x64xf32>
    %dot_general3A_106 = tpu.matmul %convert_element_type3A_103, %convert_element_type3A_104, %dot_general3A_105 {dimension_numbers = #tpu.dot_dimension_numbers<[1], [0], [0], [1], [0, 0, 1, 1], [], []>, transpose_lhs_hint = false} : vector<6400x64xbf16>, vector<64x64xbf16>, vector<6400x64xf32> -> vector<6400x64xf32>
    %get3A_107 = arith.constant 0 : index
    %get3A_108 = arith.constant 0 : index
    %get3A_109 = vector.load %arg7[%get3A_107, %get3A_108] : memref<1x64xf32, #tpu.memory_space<vmem>>, vector<1x64xf32>
    %add3A_110 = vector.broadcast %get3A_109 : vector<1x64xf32> to vector<6400x64xf32>
    %add3A_111 = arith.addf %dot_general3A_106, %add3A_110 : vector<6400x64xf32>
    %reshape3A_112 = vector.shape_cast %add3A_111 : vector<6400x64xf32> to vector<32x200x64xf32>
    %broadcast_in_dim3A_113 = vector.shape_cast %add3A_98 : vector<200x64xf32> to vector<1x200x64xf32>
    %broadcast_in_dim3A_114 = vector.shape_cast %broadcast_in_dim3A_113 : vector<1x200x64xf32> to vector<1x200x64xf32>
    %broadcast_in_dim3A_115 = vector.broadcast %broadcast_in_dim3A_114 : vector<1x200x64xf32> to vector<32x200x64xf32>
    %mul3A_116 = arith.mulf %broadcast_in_dim3A_115, %reshape3A_112 : vector<32x200x64xf32>
    %reduce_sum3A_117 = arith.constant dense<0.000000e+00> : vector<32x200xf32>
    %reduce_sum3A_118 = vector.multi_reduction <add>, %mul3A_116, %reduce_sum3A_117 [2] : vector<32x200x64xf32> to vector<32x200xf32>
    %broadcast_in_dim3A_119 = vector.shape_cast %reduce_sum3A_118 : vector<32x200xf32> to vector<32x200x1xf32>
    %reduce_max3A_120 = arith.constant dense<0xFF800000> : vector<200x1xf32>
    %reduce_max3A_121 = vector.multi_reduction <maximumf>, %broadcast_in_dim3A_119, %reduce_max3A_120 [0] : vector<32x200x1xf32> to vector<200x1xf32>
    %broadcast_in_dim3A_122 = vector.shape_cast %reduce_max3A_121 : vector<200x1xf32> to vector<1x200x1xf32>
    %sub3A_123 = vector.broadcast %broadcast_in_dim3A_122 : vector<1x200x1xf32> to vector<32x200x1xf32>
    %sub3A_124 = arith.subf %broadcast_in_dim3A_119, %sub3A_123 : vector<32x200x1xf32>
    %exp3A_125 = math.exp %sub3A_124 : vector<32x200x1xf32>
    %reduce_sum3A_126 = arith.constant dense<0.000000e+00> : vector<200x1xf32>
    %reduce_sum3A_127 = vector.multi_reduction <add>, %exp3A_125, %reduce_sum3A_126 [0] : vector<32x200x1xf32> to vector<200x1xf32>
    %broadcast_in_dim3A_128 = vector.shape_cast %reduce_sum3A_127 : vector<200x1xf32> to vector<1x200x1xf32>
    %div3A_129 = vector.broadcast %broadcast_in_dim3A_128 : vector<1x200x1xf32> to vector<32x200x1xf32>
    %div3A_130 = arith.divf %exp3A_125, %div3A_129 : vector<32x200x1xf32>
    %get3A_131 = arith.constant 0 : index
    %get3A_132 = arith.constant 0 : index
    %get3A_133 = vector.load %arg8[%get3A_131, %get3A_132] : memref<128x128xf32, #tpu.memory_space<vmem>>, vector<128x128xf32>
    %convert_element_type3A_134 = arith.truncf %select_n3A_49 : vector<6400x128xf32> to vector<6400x128xbf16>
    %convert_element_type3A_135 = arith.truncf %get3A_133 : vector<128x128xf32> to vector<128x128xbf16>
    %dot_general3A_136 = arith.constant dense<0.000000e+00> : vector<6400x128xf32>
    %dot_general3A_137 = tpu.matmul %convert_element_type3A_134, %convert_element_type3A_135, %dot_general3A_136 {dimension_numbers = #tpu.dot_dimension_numbers<[1], [0], [0], [1], [0, 0, 1, 1], [], []>, transpose_lhs_hint = false} : vector<6400x128xbf16>, vector<128x128xbf16>, vector<6400x128xf32> -> vector<6400x128xf32>
    %get3A_138 = arith.constant 0 : index
    %get3A_139 = arith.constant 0 : index
    %get3A_140 = vector.load %arg9[%get3A_138, %get3A_139] : memref<1x128xf32, #tpu.memory_space<vmem>>, vector<1x128xf32>
    %add3A_141 = vector.broadcast %get3A_140 : vector<1x128xf32> to vector<6400x128xf32>
    %add3A_142 = arith.addf %dot_general3A_137, %add3A_141 : vector<6400x128xf32>
    %reshape3A_143 = vector.shape_cast %add3A_142 : vector<6400x128xf32> to vector<32x200x128xf32>
    %mul3A_144 = vector.broadcast %div3A_130 : vector<32x200x1xf32> to vector<32x200x128xf32>
    %mul3A_145 = arith.mulf %mul3A_144, %reshape3A_143 : vector<32x200x128xf32>
    %reduce_sum3A_146 = arith.constant dense<0.000000e+00> : vector<200x128xf32>
    %reduce_sum3A_147 = vector.multi_reduction <add>, %mul3A_145, %reduce_sum3A_146 [0] : vector<32x200x128xf32> to vector<200x128xf32>
    %get3A_148 = arith.constant 0 : index
    %get3A_149 = arith.constant 0 : index
    %get3A_150 = vector.load %arg10[%get3A_148, %get3A_149] : memref<128x128xf32, #tpu.memory_space<vmem>>, vector<128x128xf32>
    %convert_element_type3A_151 = arith.truncf %reduce_sum3A_147 : vector<200x128xf32> to vector<200x128xbf16>
    %convert_element_type3A_152 = arith.truncf %get3A_150 : vector<128x128xf32> to vector<128x128xbf16>
    %dot_general3A_153 = arith.constant dense<0.000000e+00> : vector<200x128xf32>
    %dot_general3A_154 = tpu.matmul %convert_element_type3A_151, %convert_element_type3A_152, %dot_general3A_153 {dimension_numbers = #tpu.dot_dimension_numbers<[1], [0], [0], [1], [0, 0, 1, 1], [], []>, transpose_lhs_hint = false} : vector<200x128xbf16>, vector<128x128xbf16>, vector<200x128xf32> -> vector<200x128xf32>
    %get3A_155 = arith.constant 0 : index
    %get3A_156 = arith.constant 0 : index
    %get3A_157 = vector.load %arg11[%get3A_155, %get3A_156] : memref<1x128xf32, #tpu.memory_space<vmem>>, vector<1x128xf32>
    %add3A_158 = vector.broadcast %get3A_157 : vector<1x128xf32> to vector<200x128xf32>
    %add3A_159 = arith.addf %dot_general3A_154, %add3A_158 : vector<200x128xf32>
    %sqrt3A_160 = arith.constant 1.000010e+00 : f32
    %sqrt3A_161 = math.sqrt %sqrt3A_160 : f32
    %div3A_162 = vector.broadcast %sqrt3A_161 : f32 to vector<200x128xf32>
    %div3A_163 = arith.divf %add3A_159, %div3A_162 : vector<200x128xf32>
    %swap3A_164 = arith.constant 0 : index
    %swap3A_165 = arith.constant 0 : index
    %swap3A_166 = vector.load %arg13[%swap3A_164, %swap3A_165] : memref<200x128xf32, #tpu.memory_space<vmem>>, vector<200x128xf32>
    tpu.vector_store %arg13[%swap3A_164, %swap3A_165], %div3A_163 {strides = array<i32>} : memref<200x128xf32, #tpu.memory_space<vmem>>, vector<200x128xf32>,
    return
  }
  func.func @transform_0(%arg0: i32) -> (i32, i32) {
    %c0_i32 = arith.constant 0 : i32
    %c0_i32_0 = arith.constant 0 : i32
    return %arg0, %c0_i32 : i32, i32
  }
  func.func @transform_1(%arg0: i32) -> (i32, i32, i32) {
    %c0_i32 = arith.constant 0 : i32
    %c0_i32_0 = arith.constant 0 : i32
    %c0_i32_1 = arith.constant 0 : i32
    return %c0_i32, %arg0, %c0_i32_0 : i32, i32, i32
  }
  func.func @transform_2(%arg0: i32) -> (i32, i32) {
    %c0_i32 = arith.constant 0 : i32
    %c0_i32_0 = arith.constant 0 : i32
    %c0_i32_1 = arith.constant 0 : i32
    return %c0_i32, %c0_i32_0 : i32, i32
  }
  func.func @transform_3(%arg0: i32) -> (i32, i32) {
    %c0_i32 = arith.constant 0 : i32
    %c0_i32_0 = arith.constant 0 : i32
    %c0_i32_1 = arith.constant 0 : i32
    return %c0_i32, %c0_i32_0 : i32, i32
  }
  func.func @transform_4(%arg0: i32) -> (i32, i32) {
    %c0_i32 = arith.constant 0 : i32
    %c0_i32_0 = arith.constant 0 : i32
    %c0_i32_1 = arith.constant 0 : i32
    return %c0_i32, %c0_i32_0 : i32, i32
  }
  func.func @transform_5(%arg0: i32) -> (i32, i32) {
    %c0_i32 = arith.constant 0 : i32
    %c0_i32_0 = arith.constant 0 : i32
    %c0_i32_1 = arith.constant 0 : i32
    return %c0_i32, %c0_i32_0 : i32, i32
  }
  func.func @transform_6(%arg0: i32) -> (i32, i32) {
    %c0_i32 = arith.constant 0 : i32
    %c0_i32_0 = arith.constant 0 : i32
    %c0_i32_1 = arith.constant 0 : i32
    return %c0_i32, %c0_i32_0 : i32, i32
  }
  func.func @transform_7(%arg0: i32) -> (i32, i32) {
    %c0_i32 = arith.constant 0 : i32
    %c0_i32_0 = arith.constant 0 : i32
    %c0_i32_1 = arith.constant 0 : i32
    return %c0_i32, %c0_i32_0 : i32, i32
  }
  func.func @transform_8(%arg0: i32) -> (i32, i32) {
    %c0_i32 = arith.constant 0 : i32
    %c0_i32_0 = arith.constant 0 : i32
    %c0_i32_1 = arith.constant 0 : i32
    return %c0_i32, %c0_i32_0 : i32, i32
  }
  func.func @transform_9(%arg0: i32) -> (i32, i32) {
    %c0_i32 = arith.constant 0 : i32
    %c0_i32_0 = arith.constant 0 : i32
    %c0_i32_1 = arith.constant 0 : i32
    return %c0_i32, %c0_i32_0 : i32, i32
  }
  func.func @transform_10(%arg0: i32) -> (i32, i32) {
    %c0_i32 = arith.constant 0 : i32
    %c0_i32_0 = arith.constant 0 : i32
    %c0_i32_1 = arith.constant 0 : i32
    return %c0_i32, %c0_i32_0 : i32, i32
  }
  func.func @transform_11(%arg0: i32) -> (i32, i32) {
    %c0_i32 = arith.constant 0 : i32
    %c0_i32_0 = arith.constant 0 : i32
    return %arg0, %c0_i32 : i32, i32
  }
  func.func @transform_12(%arg0: i32) -> (i32, i32) {
    %c0_i32 = arith.constant 0 : i32
    %c0_i32_0 = arith.constant 0 : i32
    return %arg0, %c0_i32 : i32, i32
  }
}

module attributes {stable_mosaic.version = 14 : i64} {
  func.func @_head_body(%arg0: i32, %arg1: memref<256x1024xf32, #tpu.memory_space<vmem>>, %arg2: memref<256x1024xf32, #tpu.memory_space<vmem>>, %arg3: memref<512x256xf32, #tpu.memory_space<vmem>>, %arg4: memref<512x256xf32, #tpu.memory_space<vmem>>, %arg5: memref<512x1024xf32, #tpu.memory_space<vmem>>, %arg6: memref<256x512xf32, #tpu.memory_space<vmem>>, %arg7: memref<16x256xf32, #tpu.memory_space<vmem>>, %arg8: memref<16x1xf32, #tpu.memory_space<vmem>>, %arg9: memref<16x1024xf32, #tpu.memory_space<vmem>>) attributes {dimension_semantics = [#tpu.dimension_semantics<arbitrary>], iteration_bounds = array<i64: 10>, scalar_prefetch = 0 : i64, scratch_operands = 0 : i64, tpu.core_type = #tpu.core_type<tc>, window_params = [{transform_indices = @transform_0, window_bounds = array<i64: 256, 1024>}, {transform_indices = @transform_1, window_bounds = array<i64: 256, 1024>}, {pipeline_mode = #tpu.pipeline_mode<synchronous>, transform_indices = @transform_2, window_bounds = array<i64: 512, 256>}, {pipeline_mode = #tpu.pipeline_mode<synchronous>, transform_indices = @transform_3, window_bounds = array<i64: 512, 256>}, {pipeline_mode = #tpu.pipeline_mode<synchronous>, transform_indices = @transform_4, window_bounds = array<i64: 512, 1024>}, {pipeline_mode = #tpu.pipeline_mode<synchronous>, transform_indices = @transform_5, window_bounds = array<i64: 256, 512>}, {pipeline_mode = #tpu.pipeline_mode<synchronous>, transform_indices = @transform_6, window_bounds = array<i64: 16, 256>}, {pipeline_mode = #tpu.pipeline_mode<synchronous>, transform_indices = @transform_7, window_bounds = array<i64: 16, 1>}, {transform_indices = @transform_8, window_bounds = array<i64: 16, 1024>}]} {
    %get3A = arith.constant 0 : index
    %get3A_0 = arith.constant 0 : index
    %get3A_1 = vector.load %arg3[%get3A, %get3A_0] : memref<512x256xf32, #tpu.memory_space<vmem>>, vector<512x256xf32>
    %get3A_2 = arith.constant 0 : index
    %get3A_3 = arith.constant 0 : index
    %get3A_4 = vector.load %arg1[%get3A_2, %get3A_3] : memref<256x1024xf32, #tpu.memory_space<vmem>>, vector<256x1024xf32>
    %convert_element_type3A = arith.truncf %get3A_1 : vector<512x256xf32> to vector<512x256xbf16>
    %convert_element_type3A_5 = arith.truncf %get3A_4 : vector<256x1024xf32> to vector<256x1024xbf16>
    %dot_general3A = arith.constant dense<0.000000e+00> : vector<512x1024xf32>
    %dot_general3A_6 = tpu.matmul %convert_element_type3A, %convert_element_type3A_5, %dot_general3A {dimension_numbers = #tpu.dot_dimension_numbers<[1], [0], [0], [1], [0, 0, 1, 1], [], []>, transpose_lhs_hint = false} : vector<512x256xbf16>, vector<256x1024xbf16>, vector<512x1024xf32> -> vector<512x1024xf32>
    %sqrt3A = arith.constant 1.000010e+00 : f32
    %sqrt3A_7 = math.sqrt %sqrt3A : f32
    %div3A = vector.broadcast %sqrt3A_7 : f32 to vector<512x1024xf32>
    %div3A_8 = arith.divf %dot_general3A_6, %div3A : vector<512x1024xf32>
    %jit3A = arith.constant 2.000000e-01 : f32
    %ge3A = arith.constant 0.000000e+00 : f32
    %ge3A_9 = vector.broadcast %ge3A : f32 to vector<512x1024xf32>
    %ge3A_10 = arith.cmpf oge, %div3A_8, %ge3A_9 : vector<512x1024xf32>
    %mul3A = vector.broadcast %jit3A : f32 to vector<512x1024xf32>
    %mul3A_11 = arith.mulf %mul3A, %div3A_8 : vector<512x1024xf32>
    %select_n3A = arith.select %ge3A_10, %div3A_8, %mul3A_11 : vector<512x1024xi1>, vector<512x1024xf32>
    %get3A_12 = arith.constant 0 : index
    %get3A_13 = arith.constant 0 : index
    %get3A_14 = vector.load %arg4[%get3A_12, %get3A_13] : memref<512x256xf32, #tpu.memory_space<vmem>>, vector<512x256xf32>
    %get3A_15 = arith.constant 0 : index
    %get3A_16 = arith.constant 0 : index
    %get3A_17 = vector.load %arg2[%get3A_15, %get3A_16] : memref<256x1024xf32, #tpu.memory_space<vmem>>, vector<256x1024xf32>
    %convert_element_type3A_18 = arith.truncf %get3A_14 : vector<512x256xf32> to vector<512x256xbf16>
    %convert_element_type3A_19 = arith.truncf %get3A_17 : vector<256x1024xf32> to vector<256x1024xbf16>
    %dot_general3A_20 = arith.constant dense<0.000000e+00> : vector<512x1024xf32>
    %dot_general3A_21 = tpu.matmul %convert_element_type3A_18, %convert_element_type3A_19, %dot_general3A_20 {dimension_numbers = #tpu.dot_dimension_numbers<[1], [0], [0], [1], [0, 0, 1, 1], [], []>, transpose_lhs_hint = false} : vector<512x256xbf16>, vector<256x1024xbf16>, vector<512x1024xf32> -> vector<512x1024xf32>
    %sqrt3A_22 = arith.constant 1.000010e+00 : f32
    %sqrt3A_23 = math.sqrt %sqrt3A_22 : f32
    %div3A_24 = vector.broadcast %sqrt3A_23 : f32 to vector<512x1024xf32>
    %div3A_25 = arith.divf %dot_general3A_21, %div3A_24 : vector<512x1024xf32>
    %jit3A_26 = arith.constant 2.000000e-01 : f32
    %ge3A_27 = arith.constant 0.000000e+00 : f32
    %ge3A_28 = vector.broadcast %ge3A_27 : f32 to vector<512x1024xf32>
    %ge3A_29 = arith.cmpf oge, %div3A_25, %ge3A_28 : vector<512x1024xf32>
    %mul3A_30 = vector.broadcast %jit3A_26 : f32 to vector<512x1024xf32>
    %mul3A_31 = arith.mulf %mul3A_30, %div3A_25 : vector<512x1024xf32>
    %select_n3A_32 = arith.select %ge3A_29, %div3A_25, %mul3A_31 : vector<512x1024xi1>, vector<512x1024xf32>
    %concatenate3A = tpu.concatenate %select_n3A, %select_n3A_32 in 0 : vector<512x1024xf32>, vector<512x1024xf32> -> vector<1024x1024xf32>
    %get3A_33 = arith.constant 0 : index
    %get3A_34 = arith.constant 0 : index
    %get3A_35 = vector.load %arg5[%get3A_33, %get3A_34] : memref<512x1024xf32, #tpu.memory_space<vmem>>, vector<512x1024xf32>
    %convert_element_type3A_36 = arith.truncf %get3A_35 : vector<512x1024xf32> to vector<512x1024xbf16>
    %convert_element_type3A_37 = arith.truncf %concatenate3A : vector<1024x1024xf32> to vector<1024x1024xbf16>
    %dot_general3A_38 = arith.constant dense<0.000000e+00> : vector<512x1024xf32>
    %dot_general3A_39 = tpu.matmul %convert_element_type3A_36, %convert_element_type3A_37, %dot_general3A_38 {dimension_numbers = #tpu.dot_dimension_numbers<[1], [0], [0], [1], [0, 0, 1, 1], [], []>, transpose_lhs_hint = false} : vector<512x1024xbf16>, vector<1024x1024xbf16>, vector<512x1024xf32> -> vector<512x1024xf32>
    %sqrt3A_40 = arith.constant 1.000010e+00 : f32
    %sqrt3A_41 = math.sqrt %sqrt3A_40 : f32
    %div3A_42 = vector.broadcast %sqrt3A_41 : f32 to vector<512x1024xf32>
    %div3A_43 = arith.divf %dot_general3A_39, %div3A_42 : vector<512x1024xf32>
    %jit3A_44 = arith.constant 2.000000e-01 : f32
    %ge3A_45 = arith.constant 0.000000e+00 : f32
    %ge3A_46 = vector.broadcast %ge3A_45 : f32 to vector<512x1024xf32>
    %ge3A_47 = arith.cmpf oge, %div3A_43, %ge3A_46 : vector<512x1024xf32>
    %mul3A_48 = vector.broadcast %jit3A_44 : f32 to vector<512x1024xf32>
    %mul3A_49 = arith.mulf %mul3A_48, %div3A_43 : vector<512x1024xf32>
    %select_n3A_50 = arith.select %ge3A_47, %div3A_43, %mul3A_49 : vector<512x1024xi1>, vector<512x1024xf32>
    %get3A_51 = arith.constant 0 : index
    %get3A_52 = arith.constant 0 : index
    %get3A_53 = vector.load %arg6[%get3A_51, %get3A_52] : memref<256x512xf32, #tpu.memory_space<vmem>>, vector<256x512xf32>
    %convert_element_type3A_54 = arith.truncf %get3A_53 : vector<256x512xf32> to vector<256x512xbf16>
    %convert_element_type3A_55 = arith.truncf %select_n3A_50 : vector<512x1024xf32> to vector<512x1024xbf16>
    %dot_general3A_56 = arith.constant dense<0.000000e+00> : vector<256x1024xf32>
    %dot_general3A_57 = tpu.matmul %convert_element_type3A_54, %convert_element_type3A_55, %dot_general3A_56 {dimension_numbers = #tpu.dot_dimension_numbers<[1], [0], [0], [1], [0, 0, 1, 1], [], []>, transpose_lhs_hint = false} : vector<256x512xbf16>, vector<512x1024xbf16>, vector<256x1024xf32> -> vector<256x1024xf32>
    %sqrt3A_58 = arith.constant 1.000010e+00 : f32
    %sqrt3A_59 = math.sqrt %sqrt3A_58 : f32
    %div3A_60 = vector.broadcast %sqrt3A_59 : f32 to vector<256x1024xf32>
    %div3A_61 = arith.divf %dot_general3A_57, %div3A_60 : vector<256x1024xf32>
    %jit3A_62 = arith.constant 2.000000e-01 : f32
    %ge3A_63 = arith.constant 0.000000e+00 : f32
    %ge3A_64 = vector.broadcast %ge3A_63 : f32 to vector<256x1024xf32>
    %ge3A_65 = arith.cmpf oge, %div3A_61, %ge3A_64 : vector<256x1024xf32>
    %mul3A_66 = vector.broadcast %jit3A_62 : f32 to vector<256x1024xf32>
    %mul3A_67 = arith.mulf %mul3A_66, %div3A_61 : vector<256x1024xf32>
    %select_n3A_68 = arith.select %ge3A_65, %div3A_61, %mul3A_67 : vector<256x1024xi1>, vector<256x1024xf32>
    %get3A_69 = arith.constant 0 : index
    %get3A_70 = arith.constant 0 : index
    %get3A_71 = vector.load %arg7[%get3A_69, %get3A_70] : memref<16x256xf32, #tpu.memory_space<vmem>>, vector<16x256xf32>
    %convert_element_type3A_72 = arith.truncf %get3A_71 : vector<16x256xf32> to vector<16x256xbf16>
    %convert_element_type3A_73 = arith.truncf %select_n3A_68 : vector<256x1024xf32> to vector<256x1024xbf16>
    %dot_general3A_74 = arith.constant dense<0.000000e+00> : vector<16x1024xf32>
    %dot_general3A_75 = tpu.matmul %convert_element_type3A_72, %convert_element_type3A_73, %dot_general3A_74 {dimension_numbers = #tpu.dot_dimension_numbers<[1], [0], [0], [1], [0, 0, 1, 1], [], []>, transpose_lhs_hint = false} : vector<16x256xbf16>, vector<256x1024xbf16>, vector<16x1024xf32> -> vector<16x1024xf32>
    %get3A_76 = arith.constant 0 : index
    %get3A_77 = arith.constant 0 : index
    %get3A_78 = vector.load %arg8[%get3A_76, %get3A_77] : memref<16x1xf32, #tpu.memory_space<vmem>>, vector<16x1xf32>
    %add3A = vector.broadcast %get3A_78 : vector<16x1xf32> to vector<16x1024xf32>
    %add3A_79 = arith.addf %dot_general3A_75, %add3A : vector<16x1024xf32>
    %swap3A = arith.constant 0 : index
    %swap3A_80 = arith.constant 0 : index
    %swap3A_81 = vector.load %arg9[%swap3A, %swap3A_80] : memref<16x1024xf32, #tpu.memory_space<vmem>>, vector<16x1024xf32>
    tpu.vector_store %arg9[%swap3A, %swap3A_80], %add3A_79 {strides = array<i32>} : memref<16x1024xf32, #tpu.memory_space<vmem>>, vector<16x1024xf32>,
    return
  }
  func.func @transform_0(%arg0: i32) -> (i32, i32) {
    %c0_i32 = arith.constant 0 : i32
    %c0_i32_0 = arith.constant 0 : i32
    return %c0_i32, %arg0 : i32, i32
  }
  func.func @transform_1(%arg0: i32) -> (i32, i32) {
    %c0_i32 = arith.constant 0 : i32
    %c0_i32_0 = arith.constant 0 : i32
    return %c0_i32, %arg0 : i32, i32
  }
  func.func @transform_2(%arg0: i32) -> (i32, i32) {
    %c0_i32 = arith.constant 0 : i32
    %c0_i32_0 = arith.constant 0 : i32
    %c0_i32_1 = arith.constant 0 : i32
    return %c0_i32, %c0_i32_0 : i32, i32
  }
  func.func @transform_3(%arg0: i32) -> (i32, i32) {
    %c0_i32 = arith.constant 0 : i32
    %c0_i32_0 = arith.constant 0 : i32
    %c0_i32_1 = arith.constant 0 : i32
    return %c0_i32, %c0_i32_0 : i32, i32
  }
  func.func @transform_4(%arg0: i32) -> (i32, i32) {
    %c0_i32 = arith.constant 0 : i32
    %c0_i32_0 = arith.constant 0 : i32
    %c0_i32_1 = arith.constant 0 : i32
    return %c0_i32, %c0_i32_0 : i32, i32
  }
  func.func @transform_5(%arg0: i32) -> (i32, i32) {
    %c0_i32 = arith.constant 0 : i32
    %c0_i32_0 = arith.constant 0 : i32
    %c0_i32_1 = arith.constant 0 : i32
    return %c0_i32, %c0_i32_0 : i32, i32
  }
  func.func @transform_6(%arg0: i32) -> (i32, i32) {
    %c0_i32 = arith.constant 0 : i32
    %c0_i32_0 = arith.constant 0 : i32
    %c0_i32_1 = arith.constant 0 : i32
    return %c0_i32, %c0_i32_0 : i32, i32
  }
  func.func @transform_7(%arg0: i32) -> (i32, i32) {
    %c0_i32 = arith.constant 0 : i32
    %c0_i32_0 = arith.constant 0 : i32
    %c0_i32_1 = arith.constant 0 : i32
    return %c0_i32, %c0_i32_0 : i32, i32
  }
  func.func @transform_8(%arg0: i32) -> (i32, i32) {
    %c0_i32 = arith.constant 0 : i32
    %c0_i32_0 = arith.constant 0 : i32
    return %c0_i32, %arg0 : i32, i32
  }
}

</mosaic_0001>

<sc_bundles>
// kernel: kernel.12.cloned.1.call-start
scs
__scs_entry_jumppad:
0x0: {  	(pc) =	sbr.rel $0x88, $3  }
0x1: {  	(tag) =	ssettag $0x0;
	lr =	simm.s32 $0x1  }
0x2: {  	[smem:$0x3F7F] =	sst lr;
	_ =	strace $0xD0000000  }
0x3: {  	_ = 	snop  }
0x4: {  	_ = 	snop  }
0x5: {  	_ = 	snop  }
0x6: {  	_ = 	snop  }
0x7: {  	_ = 	snop  }
__scs_overlays_trampoline_lowered:
0x8: {  	[smem:$0x3F8E] =	sst s0  }
0x9: {  	[smem:$0x3F8F] =	sst s1  }
0xa: {  	[smem:$0x3F90] =	sst s2  }
0xb: {  	[smem:$0x3F91] =	sst s3  }
0xc: {  	[smem:$0x3F92] =	sst s4  }
0xd: {  	[smem:$0x3F93] =	sst s5  }
0xe: {  	[smem:$0x3F94] =	sst s6  }
0xf: {  	[smem:$0x3F95] =	sst s7  }
0x10: {  	[smem:$0x3F96] =	sst s8  }
0x11: {  	[smem:$0x3F97] =	sst s9;
	s0 =	simm.s32 @!p0 $0x0  }
0x12: {  	s1 =	sld [smem:$0x3F7D];
	s0 =	simm.s32 @p0 $0x1  }
0x13: {  	[smem:$0x3F98] =	sst s0;
	s0 =	simm.s32 @!p1 $0x0  }
0x14: {  	s2 =	sld [smem:$0x3F7C];
	s0 =	simm.s32 @p1 $0x1  }
0x15: {  	[smem:$0x3F99] =	sst s0;
	s0 =	simm.s32 @!p2 $0x0  }
0x16: {  	s3 =	sld [smem:$0x3FDB];
	s0 =	simm.s32 @p2 $0x1  }
0x17: {  	s4 =	simm.s32 $0x1BF5;
	[smem:$0x3F9B] =	sst s0  }
0x18: {  	s0 =	sld [smem:$0x3F7E];
	_ =	swait.ge [sflag:s4], $0x0  }
0x19: {  	s7 =	sld [smem:$0x3F7F]  }
0x1a: {  	s8 =	sadd.s32 $0xFFFFE003, lr  }
0x1b: {  	s9 =	sadd.s32 $0xFFFFFEF7, lr;
	s5 =	simm.s32 $0xFFFFFFFF;
	p2 =	slt.u32 s8, $0xFFFFF086  }
0x1c: {  	p1 =	slt.u32 s9, $0xF7A;
	s5 =	simm.s32 @!p2 $0x0  }
0x1d: {  	s5 =	simm.s32 @p1 $0x1;
	p0 =	seq.s32 s7, s2  }
0x1e: {  	s7 =	smul.u32 @!p0 $0xF7A, s2;
	p2 =	seq.s32 @!p0 s5, $0x0  }
0x1f: {  	s9 =	smul.u32 $0xF7A, s1;
	s8 =	simm.s32 @!p0 $0x1BF5;
	p2 =	por !p2, p0  }
0x20: {  	[sflag:s8] =	ssyncset.s32 @!p0 $0xFFFFF086;
	s6 =	sadd.s32 @!p0 s3, s7;
	s7 =	simm.s32 @!p0 $0x108  }
0x21: {  	s3 =	sadd.s32 s3, s9;
	s6 =	sadd.s32 @!p0 $0x88, s6;
	s7 =	simm.s32 @p2 $0x1082  }
0x22: {  	[simem:s7], [sflag:s8] =	dma.local @!p0 [hbm:s6], $0xF7A  }
0x23: {  	s9 =	sor.u32 $0xD0000000, s2;
	s6 =	simm.s32 $0x108;
	_ =	swait.ge @!p0 [sflag:s8], $0x0  }
0x24: {  	s3 =	sadd.s32 $0x88, s3;
	s6 =	simm.s32 @!p1 $0x1082;
	[sflag:s4] =	ssyncset.s32 $0xFFFFF086  }
0x25: {  	[simem:s6], [sflag:s4] =	dma.local [hbm:s3], $0xF7A  }
0x26: {  	[smem:$0x3F7F] =	sst s1;
	(tag) =	ssettag s2;
	_ =	strace s9  }
0x27: {  	s1 =	sld [smem:$0x3F8F]  }
0x28: {  	s2 =	sld [smem:$0x3F90]  }
0x29: {  	s4 =	sld [smem:$0x3F92]  }
0x2a: {  	p0 =	seq.s32 s5, $0x0;
	s5 =	sld [smem:$0x3F93]  }
0x2b: {  	s6 =	sld [smem:$0x3F94]  }
0x2c: {  	s7 =	sld [smem:$0x3F95]  }
0x2d: {  	s3 =	simm.s32 $0x108;
	s8 =	sld [smem:$0x3F96]  }
0x2e: {  	s3 =	simm.s32 @!p0 $0x1082;
	s9 =	sld [smem:$0x3F97]  }
0x2f: {  	lr =	sadd.s32 s0, s3;
	s0 =	sld [smem:$0x3F8E]  }
0x30: {  	s3 =	sld [smem:$0x3F91]  }
0x31: {  	[smem:$0x3F9A] =	sst s10  }
0x32: {  	s10 =	sld [smem:$0x3F98];
	_ =	sdelay $0x3  }
0x33: {  	p0 =	seq.s32 s10, $0x1;
	s10 =	sld [smem:$0x3F9A];
	_ =	sdelay $0x3  }
0x34: {  	[smem:$0x3F9A] =	sst s10  }
0x35: {  	s10 =	sld [smem:$0x3F99];
	_ =	sdelay $0x3  }
0x36: {  	p1 =	seq.s32 s10, $0x1;
	s10 =	sld [smem:$0x3F9A];
	_ =	sdelay $0x3  }
0x37: {  	[smem:$0x3F9A] =	sst s10  }
0x38: {  	s10 =	sld [smem:$0x3F9B]  }
0x39: {  	_ = 	snop;
	(pc) =	sbr.ind lr, $3  }
0x3a: {  	_ = 	snop  }
0x3b: {  	_ = 	snop  }
0x3c: {  	p2 =	seq.s32 s10, $0x1;
	s10 =	sld [smem:$0x3F9A]  }
0x3d: {  	_ =	shalt  }
0x3e: {  	_ =	shalt  }
0x3f: {  	_ =	shalt  }
0x40: {  	_ =	shalt  }
0x41: {  	_ =	shalt  }
0x42: {  	_ =	shalt  }
0x43: {  	_ =	shalt  }
0x44: {  	_ =	shalt  }
0x45: {  	_ =	shalt  }
0x46: {  	_ =	shalt  }
0x47: {  	_ =	shalt  }
0x48: {  	_ =	shalt  }
0x49: {  	_ =	shalt  }
0x4a: {  	_ =	shalt  }
0x4b: {  	_ =	shalt  }
0x4c: {  	_ =	shalt  }
0x4d: {  	_ =	shalt  }
0x4e: {  	_ =	shalt  }
0x4f: {  	_ =	shalt  }
0x50: {  	_ =	shalt  }
0x51: {  	_ =	shalt  }
0x52: {  	_ =	shalt  }
0x53: {  	_ =	shalt  }
0x54: {  	_ =	shalt  }
0x55: {  	_ =	shalt  }
0x56: {  	_ =	shalt  }
0x57: {  	_ =	shalt  }
0x58: {  	_ =	shalt  }
0x59: {  	_ =	shalt  }
0x5a: {  	_ =	shalt  }
0x5b: {  	_ =	shalt  }
0x5c: {  	_ =	shalt  }
0x5d: {  	_ =	shalt  }
0x5e: {  	_ =	shalt  }
0x5f: {  	_ =	shalt  }
0x60: {  	_ =	shalt  }
0x61: {  	_ =	shalt  }
0x62: {  	_ =	shalt  }
0x63: {  	_ =	shalt  }
0x64: {  	_ =	shalt  }
0x65: {  	_ =	shalt  }
0x66: {  	_ =	shalt  }
0x67: {  	_ =	shalt  }
0x68: {  	_ =	shalt  }
0x69: {  	_ =	shalt  }
0x6a: {  	_ =	shalt  }
0x6b: {  	_ =	shalt  }
0x6c: {  	_ =	shalt  }
0x6d: {  	_ =	shalt  }
0x6e: {  	_ =	shalt  }
0x6f: {  	_ =	shalt  }
0x70: {  	_ =	shalt  }
0x71: {  	_ =	shalt  }
0x72: {  	_ =	shalt  }
0x73: {  	_ =	shalt  }
0x74: {  	_ =	shalt  }
0x75: {  	_ =	shalt  }
0x76: {  	_ =	shalt  }
0x77: {  	_ =	shalt  }
0x78: {  	_ =	shalt  }
0x79: {  	_ =	shalt  }
0x7a: {  	_ =	shalt  }
0x7b: {  	_ =	shalt  }
0x7c: {  	_ =	shalt  }
0x7d: {  	_ =	shalt  }
0x7e: {  	_ =	shalt  }
0x7f: {  	_ =	shalt  }
0x80: {  	_ =	shalt  }
0x81: {  	_ =	shalt  }
0x82: {  	_ =	shalt  }
0x83: {  	_ =	shalt  }
0x84: {  	_ =	shalt  }
0x85: {  	_ =	shalt  }
0x86: {  	_ =	shalt  }
0x87: {  	_ =	shalt  }
.Lfunc_end0:
.L_simem_size_0:
called_computation_lowered:
.L_overlay_start_0:
0x88: {  	s2 =	sld [smem:$0x3FD9]  }
0x89: {  	s3 =	sld [smem:$0x3FFE];
	_ =	sdelay $0x1  }
0x8a: {  	s1 =	srdreg.scid  }
0x8b: {  	s0 =	sand.u32 $0x1, s1  }
0x8c: {  	s16 =	sshll.u32 s0, $0xA;
	s2 =	sadd.s32 s3, s2  }
0x8d: {  	s2 =	sadd.s32 s2, s16  }
0x8e: {  	[smem:$0x3FA6] =	sst s2  }
0x8f: {  	_ = 	snop  }
0x90: {  	(tm) =	ssettm $0x1  }
0x91: {  	s17 =	sld [smem:$0x3FFB];
	_ =	sdelay $0x3  }
0x92: {  	_ =	strace s17  }
0x93: {  	s2 =	sld [smem:$0x3FFC];
	_ =	sdelay $0x3  }
0x94: {  	_ =	strace s2  }
0x95: {  	s2 =	sld [smem:$0x3FFD];
	_ =	sdelay $0x3  }
0x96: {  	_ =	strace s2  }
0x97: {  	_ =	strace $0x8FFFFFFF  }
0x98: {  	s18 =	sld [smem:$0x3FDB];
	_ =	sdelay $0x1  }
0x99: {  	s19 =	simm.s32 $_scs_section_size  }
0x9a: {  	s4 =	simm.s32 $_size__tile_overlayer_lowered;
	s5 =	simm.s32 $_tile_overlayer_lowered  }
0x9b: {  	s22 =	simm.s32 $0x1BFF;
	s21 =	sshll.u32 s5, $0x1;
	s2 =	sadd.s32 s19, s18  }
0x9c: {  	s6 =	simm.s32 $0x0;
	s20 =	sshll.u32 s4, $0x1;
	s4 =	sadd.s32 s21, s2  }
0x9d: {  	[timem:s6], [sflag:s22] =	dma.local [hbm:s4], s20  }
0x9e: {  	_ =	swait.ge [sflag:s22], s20  }
0x9f: {  	s3 =	ssub.s32 $0x0, s20;
	[sflag:s22] =	ssyncset.done $0x0  }
0xa0: {  	[sflag:s22] =	ssyncadd.s32 s3;
	_ =	sdelay $0x1  }
0xa1: {  	s23 =	simm.s32 $0x1B8B  }
0xa2: {  	_ =	swait.ge [sflag:s23], $0x1  }
0xa3: {  	[sflag:s23] =	ssyncset.done $0x0  }
0xa4: {  	s25 =	simm.s32 $0x1B8E;
	s24 =	sld [smem:$0x3FFE];
	[sflag:s23] =	ssyncadd.s32 $0xFFFFFFFF  }
0xa5: {  	s26 =	simm.s32 $execute0_lowered;
	[smem:$0x3FD2] =	sst s25  }
0xa6: {  	s4 =	sshll.u32 s26, $0x1;
	_ =	strace $0x80000046;
	[dreg:$0x1] =	wrdreg $0xFFFFFFFF  }
0xa7: {  	s28 =	simm.s32 $_size_execute0_lowered;
	s2 =	sadd.s32 s2, s4;
	[dreg:$0x0] =	wrdreg $0x0  }
0xa8: {  	s4 =	sshll.u32 s28, $0x1;
	[dreg:$0x2] =	wrdreg s2  }
0xa9: {  	[dreg:$0x3] =	wrdreg s4  }
0xaa: {  	[dreg:$0x4] =	wrdreg $0xC0  }
0xab: {  	_ =	task [dreg:s6], $0x5FFFF  }
0xac: {  	[dreg:$0x1] =	wrdreg $0xFFFFFFFF  }
0xad: {  	[dreg:$0x0] =	wrdreg $0x60  }
0xae: {  	[dreg:$0x2] =	wrdreg s24  }
0xaf: {  	[dreg:$0x3] =	wrdreg $0x9  }
0xb0: {  	_ =	task.clear_ibuf [dreg:s6], $0x4FFFF;
	_ =	strace $0x90000046  }
0xb1: {  	s29 =	simm.s32 $0x9;
	_ =	strace $0x80000048  }
0xb2: {  	_ =	swait.ge [sflag:s29], $0x1  }
0xb3: {  	[sflag:s29] =	ssyncadd.s32 $0xFFFFFFFF  }
0xb4: {  	_ =	strace $0x90000048  }
0xb5: {  	_ =	sfence  }
0xb6: {  	s30 =	sld [smem:$0x0];
	_ =	sdelay $0x2  }
0xb7: {  	s31 =	sshll.u32 s1, $0xD;
	s1 =	sshrl.u32 s1, $0x2  }
0xb8: {  	s3 =	sand.u32 $0x4000, s31;
	s1 =	sadd.s32 s1, s30  }
0xb9: {  	s0 =	sor.u32 s3, s0;
	s1 =	sshll.u32 s1, $0x11  }
0xba: {  	s0 =	sor.u32 s1, s0  }
0xbb: {  	s0 =	sadd.s32 $0x8F2B, s0  }
0xbc: {  	[sflag:s0] =	ssyncadd.remote.s32 $0x1  }
0xbd: {  	_ =	sfence.sel $0xFFFF  }
0xbe: {  	[dreg:$0x0] =	wrdreg $0xFFFFFFFF;
	(pc) =	sbr.abs _section_cstart, $3  }
0xbf: {  	[dreg:$0x1] =	wrdreg $0xFFFFFFFF  }
0xc0: {  	_ =	task.clear_ibuf [dreg:s6], $0x2FFFF;
	_ =	strace $0x9FFFFFFF  }
0xc1: {  	(tm) =	ssettm $0x7FFFFFFF  }
tec
execute0_lowered:
.L_overlay_start_1:
0x0: {  	(tag) =	ssettag $0x1  }
0x1: {  	s4 =	rddreg [dreg:$0x0]  }
0x2: {  	s0 =	rddreg [dreg:$0x1]  }
0x3: {  	s3 =	srdreg.scid;
	s1 =	stileid.u32;
	s2 =	simm.s32 $0x0  }
0x4: {  	s10 =	simm.s32 $0x1;
	s11 =	simm.s32 $0x0;
	s6 =	smul.u32 $0x2710, s1  }
0x5: {  	s5 =	sand.u32 $0x1, s3;
	[smem:$0x7FF] =	sst s2;
	s8 =	smul.u32 $0x27100, s1  }
0x6: {  	s3 =	sadd.s32 $0xB000, s4;
	s7 =	smul.u32 $0x1388, s5;
	s9 =	ssub.s32 $0x2, s5  }
0x7: {  	_ =	strace $0x80000047;
	s5 =	smul.u32 $0x13880, s5;
	s31 =	sshrl.u32 s9, $0x1  }
0x8: {  	s30 =	sadd.s32 s8, s4;
	s6 =	sadd.s32 s7, s6;
	s8 =	ssub.s32 s9, s31  }
0x9: {  	s5 =	sadd.s32 s5, s30;
	s7 =	simm.s32 $0x2;
	s6 =	sshrl.u32 s6, $0x3  }
0xa: {  	s9 =	simm.s32 $0x100;
	s5 =	sadd.s32 $0x32200, s5;
	s6 =	sadd.s32 s6, s4  }
0xb: {  	s4 =	smax.u32 s8, $0x1;
	s8 =	simm.s32 $0xC8;
	s6 =	sadd.s32 $0x6000, s6  }
.LBB2_1:
0xc: {  	s12 =	sadd.s32 $0x0, s6  }
0xd: {  	[tilespmem:s2], [sflag:$0x2] =	stream.linear.gather [hbm4b:s12+s2], $0xC8, $0x38;
	[tilespmem:$0x6500] =	vst v63  }
0xe: {  	_ =	swait.ge [sflag:s7], $0xC8  }
0xf: {  	[sflag:s7] =	ssyncset.done $0x0  }
0x10: {  	[sflag:s7] =	ssyncadd.s32 $0xFFFFFF38  }
0x11: {  	[tilespmem:s9], [sflag:$0x1] =	stream.indirect.gather [hbm4b:s3+s8], $0x80, s2, s8, $0xb8;
	[tilespmem:$0x6500] =	vst v63  }
0x12: {  	_ =	swait.ge [sflag:s10], $0x6400  }
0x13: {  	[sflag:s10] =	ssyncset.done $0x0  }
0x14: {  	[sflag:s10] =	ssyncadd.s32 $0xFFFF9C00  }
0x15: {  	[hbm4b:s5+s2] =	stream.linear.scatter [tilespmem:s9], [sflag:$0x2], $0x6400, $0x38;
	[tilespmem:$0x6500] =	vst v63  }
0x16: {  	s13 =	simm.s32 $0x19;
	_ =	swait.ge [sflag:s7], $0x6400  }
0x17: {  	s14 =	simm.s32 $0x32;
	s12 =	sadd.s32 $0xC80, s5;
	[sflag:s7] =	ssyncset.done $0x0  }
.LBB2_2:
0x18: {  	s15 =	sadd.s32 s13, s6  }
0x19: {  	[sflag:s7] =	ssyncadd.s32 $0xFFFF9C00;
	s13 =	smov.u32 s14;
	s16 =	sadd.s32 $0x19, s14  }
0x1a: {  	[tilespmem:s2], [sflag:$0x2] =	stream.linear.gather [hbm4b:s15+s2], $0xC8, $0x38;
	[tilespmem:$0x6500] =	vst v63  }
0x1b: {  	p0 =	sne.s32 s14, $0x258;
	_ =	swait.ge [sflag:s7], $0xC8  }
0x1c: {  	[sflag:s7] =	ssyncset.done $0x0  }
0x1d: {  	[sflag:s7] =	ssyncadd.s32 $0xFFFFFF38  }
0x1e: {  	[tilespmem:s9], [sflag:$0x1] =	stream.indirect.gather [hbm4b:s3+s8], $0x80, s2, s8, $0xb8;
	[tilespmem:$0x6500] =	vst v63  }
0x1f: {  	_ =	swait.ge [sflag:s10], $0x6400  }
.Ltmp0:
0x20: {  	[sflag:s10] =	ssyncset.done $0x0;
	(pc) =	sbr.rel @p0 .LBB2_2-.Ltmp0, $4  }
0x21: {  	[sflag:s10] =	ssyncadd.s32 $0xFFFF9C00  }
0x22: {  	[hbm4b:s12+s2] =	stream.linear.scatter [tilespmem:s9], [sflag:$0x2], $0x6400, $0x38;
	[tilespmem:$0x6500] =	vst v63  }
0x23: {  	_ =	swait.ge [sflag:s7], $0x6400  }
0x24: {  	s14 =	smov.u32 s16;
	s12 =	sadd.s32 $0xC80, s12;
	[sflag:s7] =	ssyncset.done $0x0  }
0x25: {  	s13 =	sadd.s32 s13, s6;
	[sflag:s7] =	ssyncadd.s32 $0xFFFF9C00  }
0x26: {  	[tilespmem:s2], [sflag:$0x2] =	stream.linear.gather [hbm4b:s13+s2], $0xC8, $0x38;
	[tilespmem:$0x6500] =	vst v63  }
0x27: {  	_ =	swait.ge [sflag:s7], $0xC8  }
0x28: {  	[sflag:s7] =	ssyncset.done $0x0  }
0x29: {  	[sflag:s7] =	ssyncadd.s32 $0xFFFFFF38  }
0x2a: {  	[tilespmem:s9], [sflag:$0x1] =	stream.indirect.gather [hbm4b:s3+s8], $0x80, s2, s8, $0xb8;
	[tilespmem:$0x6500] =	vst v63  }
0x2b: {  	s11 =	sadd.s32 $0x1, s11;
	_ =	swait.ge [sflag:s10], $0x6400  }
0x2c: {  	p0 =	sne.s32 s11, s4;
	[sflag:s10] =	ssyncset.done $0x0  }
.Ltmp1:
0x2d: {  	[sflag:s10] =	ssyncadd.s32 $0xFFFF9C00;
	(pc) =	sbr.rel @p0 .LBB2_1-.Ltmp1, $4  }
0x2e: {  	[hbm4b:s12+s2] =	stream.linear.scatter [tilespmem:s9], [sflag:$0x2], $0x6400, $0x38;
	[tilespmem:$0x6500] =	vst v63  }
0x2f: {  	_ =	swait.ge [sflag:s7], $0x6400  }
0x30: {  	[sflag:s7] =	ssyncset.done $0x0  }
0x31: {  	[sflag:s7] =	ssyncadd.s32 $0xFFFF9C00  }
0x32: {  	_ =	sfence.sel $0x180000  }
0x33: {  	[bflag:$0x0] =	sbarrier.arrive $0xFFFF  }
0x34: {  	p0 =	sne.s32 s1, $0x0;
	_ =	strace $0x90000047  }
0x35: {  	s0 =	sadd.s32 @!p0 $0x100000, s0;
	[bflag:$0x2] =	sbarrier.arrive $0xFFFF  }
0x36: {  	[sflag:s0] =	ssyncadd.tile.s32 @!p0 $0x1;
	_ =	shalt  }
.Lfunc_end2:
_tile_overlayer_lowered:
.L_overlay_start_2:
0x37: {  	(tag) =	ssettag $0x2  }
0x38: {  	s0 =	rddreg [dreg:$0x0];
	s2 =	stileid.u32  }
0x39: {  	s1 =	rddreg [dreg:$0x1];
	p0 =	sne.s32 s2, $0x0  }
0x3a: {  	s3 =	rddreg [dreg:$0x2];
	[bflag:$0x3] =	sbarrier.arrive $0xFFFF;
	s2 =	simm.s32 @!p0 $0x1C02  }
0x3b: {  	[timem:s3], [sflag:s2] =	dma.local @!p0 [hbm:s0], s1  }
0x3c: {  	s0 =	simm.s32 @!p0 $0x2  }
0x3d: {  	_ =	swait.ge @!p0 [sflag:s0], s1  }
0x3e: {  	s1 =	ssub.s32 @!p0 $0x0, s1;
	[sflag:s0] =	ssyncset.done @!p0 $0x0  }
0x3f: {  	[sflag:s0] =	ssyncadd.s32 @!p0 s1  }
0x40: {  	[bflag:$0x3] =	sbarrier.arrive $0xFFFF  }
0x41: {  	_ =	shalt  }

// kernel: kernel.15.cloned.1.call-start
scs
__scs_entry_jumppad:
0x0: {  	(pc) =	sbr.rel $0x88, $3  }
0x1: {  	(tag) =	ssettag $0x0;
	lr =	simm.s32 $0x1  }
0x2: {  	[smem:$0x3F7F] =	sst lr;
	_ =	strace $0xD0000000  }
0x3: {  	_ = 	snop  }
0x4: {  	_ = 	snop  }
0x5: {  	_ = 	snop  }
0x6: {  	_ = 	snop  }
0x7: {  	_ = 	snop  }
__scs_overlays_trampoline_lowered:
0x8: {  	[smem:$0x3F8E] =	sst s0  }
0x9: {  	[smem:$0x3F8F] =	sst s1  }
0xa: {  	[smem:$0x3F90] =	sst s2  }
0xb: {  	[smem:$0x3F91] =	sst s3  }
0xc: {  	[smem:$0x3F92] =	sst s4  }
0xd: {  	[smem:$0x3F93] =	sst s5  }
0xe: {  	[smem:$0x3F94] =	sst s6  }
0xf: {  	[smem:$0x3F95] =	sst s7  }
0x10: {  	[smem:$0x3F96] =	sst s8  }
0x11: {  	[smem:$0x3F97] =	sst s9;
	s0 =	simm.s32 @!p0 $0x0  }
0x12: {  	s1 =	sld [smem:$0x3F7D];
	s0 =	simm.s32 @p0 $0x1  }
0x13: {  	[smem:$0x3F98] =	sst s0;
	s0 =	simm.s32 @!p1 $0x0  }
0x14: {  	s2 =	sld [smem:$0x3F7C];
	s0 =	simm.s32 @p1 $0x1  }
0x15: {  	[smem:$0x3F99] =	sst s0;
	s0 =	simm.s32 @!p2 $0x0  }
0x16: {  	s3 =	sld [smem:$0x3FDB];
	s0 =	simm.s32 @p2 $0x1  }
0x17: {  	s4 =	simm.s32 $0x1BF5;
	[smem:$0x3F9B] =	sst s0  }
0x18: {  	s0 =	sld [smem:$0x3F7E];
	_ =	swait.ge [sflag:s4], $0x0  }
0x19: {  	s7 =	sld [smem:$0x3F7F]  }
0x1a: {  	s8 =	sadd.s32 $0xFFFFE003, lr  }
0x1b: {  	s9 =	sadd.s32 $0xFFFFFEF7, lr;
	s5 =	simm.s32 $0xFFFFFFFF;
	p2 =	slt.u32 s8, $0xFFFFF086  }
0x1c: {  	p1 =	slt.u32 s9, $0xF7A;
	s5 =	simm.s32 @!p2 $0x0  }
0x1d: {  	s5 =	simm.s32 @p1 $0x1;
	p0 =	seq.s32 s7, s2  }
0x1e: {  	s7 =	smul.u32 @!p0 $0xF7A, s2;
	p2 =	seq.s32 @!p0 s5, $0x0  }
0x1f: {  	s9 =	smul.u32 $0xF7A, s1;
	s8 =	simm.s32 @!p0 $0x1BF5;
	p2 =	por !p2, p0  }
0x20: {  	[sflag:s8] =	ssyncset.s32 @!p0 $0xFFFFF086;
	s6 =	sadd.s32 @!p0 s3, s7;
	s7 =	simm.s32 @!p0 $0x108  }
0x21: {  	s3 =	sadd.s32 s3, s9;
	s6 =	sadd.s32 @!p0 $0x88, s6;
	s7 =	simm.s32 @p2 $0x1082  }
0x22: {  	[simem:s7], [sflag:s8] =	dma.local @!p0 [hbm:s6], $0xF7A  }
0x23: {  	s9 =	sor.u32 $0xD0000000, s2;
	s6 =	simm.s32 $0x108;
	_ =	swait.ge @!p0 [sflag:s8], $0x0  }
0x24: {  	s3 =	sadd.s32 $0x88, s3;
	s6 =	simm.s32 @!p1 $0x1082;
	[sflag:s4] =	ssyncset.s32 $0xFFFFF086  }
0x25: {  	[simem:s6], [sflag:s4] =	dma.local [hbm:s3], $0xF7A  }
0x26: {  	[smem:$0x3F7F] =	sst s1;
	(tag) =	ssettag s2;
	_ =	strace s9  }
0x27: {  	s1 =	sld [smem:$0x3F8F]  }
0x28: {  	s2 =	sld [smem:$0x3F90]  }
0x29: {  	s4 =	sld [smem:$0x3F92]  }
0x2a: {  	p0 =	seq.s32 s5, $0x0;
	s5 =	sld [smem:$0x3F93]  }
0x2b: {  	s6 =	sld [smem:$0x3F94]  }
0x2c: {  	s7 =	sld [smem:$0x3F95]  }
0x2d: {  	s3 =	simm.s32 $0x108;
	s8 =	sld [smem:$0x3F96]  }
0x2e: {  	s3 =	simm.s32 @!p0 $0x1082;
	s9 =	sld [smem:$0x3F97]  }
0x2f: {  	lr =	sadd.s32 s0, s3;
	s0 =	sld [smem:$0x3F8E]  }
0x30: {  	s3 =	sld [smem:$0x3F91]  }
0x31: {  	[smem:$0x3F9A] =	sst s10  }
0x32: {  	s10 =	sld [smem:$0x3F98];
	_ =	sdelay $0x3  }
0x33: {  	p0 =	seq.s32 s10, $0x1;
	s10 =	sld [smem:$0x3F9A];
	_ =	sdelay $0x3  }
0x34: {  	[smem:$0x3F9A] =	sst s10  }
0x35: {  	s10 =	sld [smem:$0x3F99];
	_ =	sdelay $0x3  }
0x36: {  	p1 =	seq.s32 s10, $0x1;
	s10 =	sld [smem:$0x3F9A];
	_ =	sdelay $0x3  }
0x37: {  	[smem:$0x3F9A] =	sst s10  }
0x38: {  	s10 =	sld [smem:$0x3F9B]  }
0x39: {  	_ = 	snop;
	(pc) =	sbr.ind lr, $3  }
0x3a: {  	_ = 	snop  }
0x3b: {  	_ = 	snop  }
0x3c: {  	p2 =	seq.s32 s10, $0x1;
	s10 =	sld [smem:$0x3F9A]  }
0x3d: {  	_ =	shalt  }
0x3e: {  	_ =	shalt  }
0x3f: {  	_ =	shalt  }
0x40: {  	_ =	shalt  }
0x41: {  	_ =	shalt  }
0x42: {  	_ =	shalt  }
0x43: {  	_ =	shalt  }
0x44: {  	_ =	shalt  }
0x45: {  	_ =	shalt  }
0x46: {  	_ =	shalt  }
0x47: {  	_ =	shalt  }
0x48: {  	_ =	shalt  }
0x49: {  	_ =	shalt  }
0x4a: {  	_ =	shalt  }
0x4b: {  	_ =	shalt  }
0x4c: {  	_ =	shalt  }
0x4d: {  	_ =	shalt  }
0x4e: {  	_ =	shalt  }
0x4f: {  	_ =	shalt  }
0x50: {  	_ =	shalt  }
0x51: {  	_ =	shalt  }
0x52: {  	_ =	shalt  }
0x53: {  	_ =	shalt  }
0x54: {  	_ =	shalt  }
0x55: {  	_ =	shalt  }
0x56: {  	_ =	shalt  }
0x57: {  	_ =	shalt  }
0x58: {  	_ =	shalt  }
0x59: {  	_ =	shalt  }
0x5a: {  	_ =	shalt  }
0x5b: {  	_ =	shalt  }
0x5c: {  	_ =	shalt  }
0x5d: {  	_ =	shalt  }
0x5e: {  	_ =	shalt  }
0x5f: {  	_ =	shalt  }
0x60: {  	_ =	shalt  }
0x61: {  	_ =	shalt  }
0x62: {  	_ =	shalt  }
0x63: {  	_ =	shalt  }
0x64: {  	_ =	shalt  }
0x65: {  	_ =	shalt  }
0x66: {  	_ =	shalt  }
0x67: {  	_ =	shalt  }
0x68: {  	_ =	shalt  }
0x69: {  	_ =	shalt  }
0x6a: {  	_ =	shalt  }
0x6b: {  	_ =	shalt  }
0x6c: {  	_ =	shalt  }
0x6d: {  	_ =	shalt  }
0x6e: {  	_ =	shalt  }
0x6f: {  	_ =	shalt  }
0x70: {  	_ =	shalt  }
0x71: {  	_ =	shalt  }
0x72: {  	_ =	shalt  }
0x73: {  	_ =	shalt  }
0x74: {  	_ =	shalt  }
0x75: {  	_ =	shalt  }
0x76: {  	_ =	shalt  }
0x77: {  	_ =	shalt  }
0x78: {  	_ =	shalt  }
0x79: {  	_ =	shalt  }
0x7a: {  	_ =	shalt  }
0x7b: {  	_ =	shalt  }
0x7c: {  	_ =	shalt  }
0x7d: {  	_ =	shalt  }
0x7e: {  	_ =	shalt  }
0x7f: {  	_ =	shalt  }
0x80: {  	_ =	shalt  }
0x81: {  	_ =	shalt  }
0x82: {  	_ =	shalt  }
0x83: {  	_ =	shalt  }
0x84: {  	_ =	shalt  }
0x85: {  	_ =	shalt  }
0x86: {  	_ =	shalt  }
0x87: {  	_ =	shalt  }
.Lfunc_end0:
.L_simem_size_0:
called_computation.1_lowered:
.L_overlay_start_0:
0x88: {  	s2 =	sld [smem:$0x3FD9]  }
0x89: {  	s3 =	sld [smem:$0x3FFE];
	_ =	sdelay $0x1  }
0x8a: {  	s1 =	srdreg.scid  }
0x8b: {  	s0 =	sand.u32 $0x1, s1  }
0x8c: {  	s16 =	sshll.u32 s0, $0xA;
	s2 =	sadd.s32 s3, s2  }
0x8d: {  	s2 =	sadd.s32 s2, s16  }
0x8e: {  	[smem:$0x3FA6] =	sst s2  }
0x8f: {  	_ = 	snop  }
0x90: {  	(tm) =	ssettm $0x1  }
0x91: {  	s17 =	sld [smem:$0x3FFB];
	_ =	sdelay $0x3  }
0x92: {  	_ =	strace s17  }
0x93: {  	s2 =	sld [smem:$0x3FFC];
	_ =	sdelay $0x3  }
0x94: {  	_ =	strace s2  }
0x95: {  	s2 =	sld [smem:$0x3FFD];
	_ =	sdelay $0x3  }
0x96: {  	_ =	strace s2  }
0x97: {  	_ =	strace $0x8FFFFFFF  }
0x98: {  	s18 =	sld [smem:$0x3FDB];
	_ =	sdelay $0x1  }
0x99: {  	s19 =	simm.s32 $_scs_section_size  }
0x9a: {  	s4 =	simm.s32 $_size__tile_overlayer_lowered;
	s5 =	simm.s32 $_tile_overlayer_lowered  }
0x9b: {  	s22 =	simm.s32 $0x1BFF;
	s21 =	sshll.u32 s5, $0x1;
	s2 =	sadd.s32 s19, s18  }
0x9c: {  	s6 =	simm.s32 $0x0;
	s20 =	sshll.u32 s4, $0x1;
	s4 =	sadd.s32 s21, s2  }
0x9d: {  	[timem:s6], [sflag:s22] =	dma.local [hbm:s4], s20  }
0x9e: {  	_ =	swait.ge [sflag:s22], s20  }
0x9f: {  	s3 =	ssub.s32 $0x0, s20;
	[sflag:s22] =	ssyncset.done $0x0  }
0xa0: {  	[sflag:s22] =	ssyncadd.s32 s3;
	_ =	sdelay $0x1  }
0xa1: {  	s23 =	simm.s32 $0x1B8B  }
0xa2: {  	_ =	swait.ge [sflag:s23], $0x1  }
0xa3: {  	[sflag:s23] =	ssyncset.done $0x0  }
0xa4: {  	s25 =	simm.s32 $0x1B8E;
	s24 =	sld [smem:$0x3FFE];
	[sflag:s23] =	ssyncadd.s32 $0xFFFFFFFF  }
0xa5: {  	s26 =	simm.s32 $execute0_lowered;
	[smem:$0x3FD2] =	sst s25  }
0xa6: {  	s4 =	sshll.u32 s26, $0x1;
	_ =	strace $0x80000049;
	[dreg:$0x1] =	wrdreg $0xFFFFFFFF  }
0xa7: {  	s28 =	simm.s32 $_size_execute0_lowered;
	s2 =	sadd.s32 s2, s4;
	[dreg:$0x0] =	wrdreg $0x0  }
0xa8: {  	s4 =	sshll.u32 s28, $0x1;
	[dreg:$0x2] =	wrdreg s2  }
0xa9: {  	[dreg:$0x3] =	wrdreg s4  }
0xaa: {  	[dreg:$0x4] =	wrdreg $0xC0  }
0xab: {  	_ =	task [dreg:s6], $0x5FFFF  }
0xac: {  	[dreg:$0x1] =	wrdreg $0xFFFFFFFF  }
0xad: {  	[dreg:$0x0] =	wrdreg $0x60  }
0xae: {  	[dreg:$0x2] =	wrdreg s24  }
0xaf: {  	[dreg:$0x3] =	wrdreg $0x9  }
0xb0: {  	_ =	task.clear_ibuf [dreg:s6], $0x4FFFF;
	_ =	strace $0x90000049  }
0xb1: {  	s29 =	simm.s32 $0x9;
	_ =	strace $0x8000004B  }
0xb2: {  	_ =	swait.ge [sflag:s29], $0x1  }
0xb3: {  	[sflag:s29] =	ssyncadd.s32 $0xFFFFFFFF  }
0xb4: {  	_ =	strace $0x9000004B  }
0xb5: {  	_ =	sfence  }
0xb6: {  	s30 =	sld [smem:$0x0];
	_ =	sdelay $0x2  }
0xb7: {  	s31 =	sshll.u32 s1, $0xD;
	s1 =	sshrl.u32 s1, $0x2  }
0xb8: {  	s3 =	sand.u32 $0x4000, s31;
	s1 =	sadd.s32 s1, s30  }
0xb9: {  	s0 =	sor.u32 s3, s0;
	s1 =	sshll.u32 s1, $0x11  }
0xba: {  	s0 =	sor.u32 s1, s0  }
0xbb: {  	s0 =	sadd.s32 $0x8F2B, s0  }
0xbc: {  	[sflag:s0] =	ssyncadd.remote.s32 $0x1  }
0xbd: {  	_ =	sfence.sel $0xFFFF  }
0xbe: {  	[dreg:$0x0] =	wrdreg $0xFFFFFFFF;
	(pc) =	sbr.abs _section_cstart, $3  }
0xbf: {  	[dreg:$0x1] =	wrdreg $0xFFFFFFFF  }
0xc0: {  	_ =	task.clear_ibuf [dreg:s6], $0x2FFFF;
	_ =	strace $0x9FFFFFFF  }
0xc1: {  	(tm) =	ssettm $0x7FFFFFFF  }
tec
execute0_lowered:
.L_overlay_start_1:
0x0: {  	(tag) =	ssettag $0x1  }
0x1: {  	s0 =	rddreg [dreg:$0x0]  }
0x2: {  	s1 =	srdreg.scid;
	s6 =	stileid.u32  }
0x3: {  	s2 =	simm.s32 $0x0;
	s24 =	simm.s32 $0x900;
	s25 =	simm.s32 $0x1100  }
0x4: {  	s26 =	simm.s32 $0x1900;
	s9 =	simm.s32 $0x2900;
	s10 =	simm.s32 $0x3100  }
0x5: {  	s11 =	simm.s32 $0x3900;
	s12 =	simm.s32 $0x4100;
	s13 =	simm.s32 $0x4900  }
0x6: {  	s14 =	simm.s32 $0x5100;
	s15 =	simm.s32 $0x5900;
	s16 =	simm.s32 $0x6100  }
0x7: {  	s17 =	simm.s32 $0x6900;
	s18 =	simm.s32 $0x7100;
	s19 =	simm.s32 $0x7900  }
0x8: {  	s28 =	simm.s32 $0xB900;
	s29 =	simm.s32 $0xC100;
	s30 =	simm.s32 $0x1  }
0x9: {  	s31 =	simm.s32 $0x0;
	s1 =	sand.u32 $0x1, s1;
	s4 =	smul.u32 $0x2710, s6  }
0xa: {  	[smem:$0x7FF] =	sst s2;
	s3 =	sadd.s32 $0x59A00, s0;
	s20 =	smul.u32 $0x4E200, s6  }
0xb: {  	s6 =	simm.s32 $0x2;
	_ =	strace $0x8000004A;
	[dreg:$0x3] =	wrdreg s24  }
0xc: {  	s5 =	smul.u32 $0x1388, s1;
	s21 =	ssub.s32 $0x2, s1;
	[dreg:$0x4] =	wrdreg s25  }
0xd: {  	s1 =	smul.u32 $0x27100, s1;
	[dreg:$0x5] =	wrdreg s26;
	s24 =	simm.s32 $0xA100  }
0xe: {  	s25 =	simm.s32 $0xA900;
	s7 =	sshrl.u32 s21, $0x1;
	s4 =	sadd.s32 s5, s4  }
0xf: {  	s26 =	simm.s32 $0xB100;
	s22 =	ssub.s32 s21, s7;
	s4 =	sshrl.u32 s4, $0x3  }
0x10: {  	s7 =	simm.s32 $0x100;
	s21 =	simm.s32 $0x8900;
	s8 =	sadd.s32 s4, s0  }
0x11: {  	s0 =	sadd.s32 s20, s0;
	s4 =	smax.u32 s22, $0x1;
	s20 =	simm.s32 $0x8100  }
0x12: {  	v2 =	vlaneseq.u32;
	[dreg:$0x6] =	wrdreg s4;
	s0 =	sadd.s32 s1, s0;
	s23 =	sadd.s32 $0x54A00, s8  }
0x13: {  	vm0 =	vmmov $0xffff;
	v1 =	vshrl.u32 v2, $0x3;
	s22 =	simm.s32 $0x9100;
	s0 =	sadd.s32 $0xA7C00, s0;
	[dreg:$0x2] =	wrdreg s23  }
0x14: {  	v0 =	vand.u32 $0x7, v2;
	v2 =	vor.u32 $0x8, v2;
	v1 =	vmul.u32 $0x8, v1;
	s8 =	simm.s32 $0x2100;
	s23 =	simm.s32 $0x9900;
	[dreg:$0x7] =	wrdreg s0  }
.LBB2_1:
0x15: {  	s5 =	rddreg [dreg:$0x7];
	s1 =	simm.s32 $0x0  }
.LBB2_2:
0x16: {  	s4 =	rddreg [dreg:$0x2]  }
0x17: {  	s4 =	sadd.s32 s1, s4  }
0x18: {  	[tilespmem:s2], [sflag:$0x2] =	stream.linear.gather [hbm4b:s4+s2], $0xC8, $0x38;
	[tilespmem:$0xC900] =	vst v63  }
0x19: {  	_ =	swait.ge [sflag:s6], $0xC8  }
0x1a: {  	[sflag:s6] =	ssyncset.done $0x0  }
0x1b: {  	[sflag:s6] =	ssyncadd.s32 $0xFFFFFF38  }
0x1c: {  	v3 =	vld [tilespmem:$0x0];
	_ =	sdelay $0x4  }
0x1d: {  	v4 =	vshll.u32 v3, $0x1  }
0x1e: {  	v3 =	vand.u32 $0x7, v3;
	v4 =	vand.u32 $0xFFFFFFF0, v4  }
0x1f: {  	v3 =	vor.u32 v3, v4  }
0x20: {  	v4 =	vperm.xlane v3, v0;
	_ =	sdelay $0x1  }
0x21: {  	v3 =	vperm.xlane v3, v2;
	v4 =	vadd.s32 v1, v4;
	_ =	sdelay $0x1  }
0x22: {  	v3 =	vadd.s32 v1, v3;
	_ =	sdelay $0x2  }
0x23: {  	[tilespmem:s7], [sflag:$0x1] =	stream.indirect_vreg.gather [hbm4b:s3+s2], $0x80, v4, vm0, $0xb8;
	[tilespmem:$0xC900] =	vst v63  }
0x24: {  	s0 =	rddreg [dreg:$0x3]  }
0x25: {  	[tilespmem:s0], [sflag:$0x1] =	stream.indirect_vreg.gather [hbm4b:s3+s2], $0x80, v3, vm0, $0xb8;
	[tilespmem:$0xC900] =	vst v63  }
0x26: {  	v3 =	vld [tilespmem:$0x10];
	_ =	sdelay $0x4  }
0x27: {  	v52 =	vshll.u32 v3, $0x1  }
0x28: {  	v3 =	vand.u32 $0x7, v3;
	v4 =	vand.u32 $0xFFFFFFF0, v52  }
0x29: {  	v3 =	vor.u32 v3, v4  }
0x2a: {  	v4 =	vperm.xlane v3, v0;
	_ =	sdelay $0x1  }
0x2b: {  	v3 =	vperm.xlane v3, v2;
	v4 =	vadd.s32 v1, v4;
	_ =	sdelay $0x1  }
0x2c: {  	v3 =	vadd.s32 v1, v3;
	_ =	sdelay $0x1  }
0x2d: {  	s4 =	rddreg [dreg:$0x4]  }
0x2e: {  	[tilespmem:s4], [sflag:$0x1] =	stream.indirect_vreg.gather [hbm4b:s3+s2], $0x80, v4, vm0, $0xb8;
	[tilespmem:$0xC900] =	vst v63  }
0x2f: {  	s0 =	rddreg [dreg:$0x5]  }
0x30: {  	[tilespmem:s0], [sflag:$0x1] =	stream.indirect_vreg.gather [hbm4b:s3+s2], $0x80, v3, vm0, $0xb8;
	[tilespmem:$0xC900] =	vst v63  }
0x31: {  	v3 =	vld [tilespmem:$0x20];
	_ =	sdelay $0x4  }
0x32: {  	v53 =	vshll.u32 v3, $0x1  }
0x33: {  	v3 =	vand.u32 $0x7, v3;
	v4 =	vand.u32 $0xFFFFFFF0, v53  }
0x34: {  	v3 =	vor.u32 v3, v4  }
0x35: {  	v4 =	vperm.xlane v3, v0;
	_ =	sdelay $0x1  }
0x36: {  	v3 =	vperm.xlane v3, v2;
	v4 =	vadd.s32 v1, v4;
	_ =	sdelay $0x1  }
0x37: {  	v3 =	vadd.s32 v1, v3;
	_ =	sdelay $0x2  }
0x38: {  	[tilespmem:s8], [sflag:$0x1] =	stream.indirect_vreg.gather [hbm4b:s3+s2], $0x80, v4, vm0, $0xb8;
	[tilespmem:$0xC900] =	vst v63  }
0x39: {  	_ = 	snop  }
0x3a: {  	[tilespmem:s9], [sflag:$0x1] =	stream.indirect_vreg.gather [hbm4b:s3+s2], $0x80, v3, vm0, $0xb8;
	[tilespmem:$0xC900] =	vst v63  }
0x3b: {  	v3 =	vld [tilespmem:$0x30];
	_ =	sdelay $0x4  }
0x3c: {  	v54 =	vshll.u32 v3, $0x1  }
0x3d: {  	v3 =	vand.u32 $0x7, v3;
	v4 =	vand.u32 $0xFFFFFFF0, v54  }
0x3e: {  	v3 =	vor.u32 v3, v4  }
0x3f: {  	v4 =	vperm.xlane v3, v0;
	_ =	sdelay $0x1  }
0x40: {  	v3 =	vperm.xlane v3, v2;
	v4 =	vadd.s32 v1, v4;
	_ =	sdelay $0x1  }
0x41: {  	v3 =	vadd.s32 v1, v3;
	_ =	sdelay $0x2  }
0x42: {  	[tilespmem:s10], [sflag:$0x1] =	stream.indirect_vreg.gather [hbm4b:s3+s2], $0x80, v4, vm0, $0xb8;
	[tilespmem:$0xC900] =	vst v63  }
0x43: {  	_ = 	snop  }
0x44: {  	[tilespmem:s11], [sflag:$0x1] =	stream.indirect_vreg.gather [hbm4b:s3+s2], $0x80, v3, vm0, $0xb8;
	[tilespmem:$0xC900] =	vst v63  }
0x45: {  	v3 =	vld [tilespmem:$0x40];
	_ =	sdelay $0x4  }
0x46: {  	v55 =	vshll.u32 v3, $0x1  }
0x47: {  	v3 =	vand.u32 $0x7, v3;
	v4 =	vand.u32 $0xFFFFFFF0, v55  }
0x48: {  	v3 =	vor.u32 v3, v4  }
0x49: {  	v4 =	vperm.xlane v3, v0;
	_ =	sdelay $0x1  }
0x4a: {  	v3 =	vperm.xlane v3, v2;
	v4 =	vadd.s32 v1, v4;
	_ =	sdelay $0x1  }
0x4b: {  	v3 =	vadd.s32 v1, v3;
	_ =	sdelay $0x2  }
0x4c: {  	[tilespmem:s12], [sflag:$0x1] =	stream.indirect_vreg.gather [hbm4b:s3+s2], $0x80, v4, vm0, $0xb8;
	[tilespmem:$0xC900] =	vst v63  }
0x4d: {  	_ = 	snop  }
0x4e: {  	[tilespmem:s13], [sflag:$0x1] =	stream.indirect_vreg.gather [hbm4b:s3+s2], $0x80, v3, vm0, $0xb8;
	[tilespmem:$0xC900] =	vst v63  }
0x4f: {  	v3 =	vld [tilespmem:$0x50];
	_ =	sdelay $0x4  }
0x50: {  	v56 =	vshll.u32 v3, $0x1  }
0x51: {  	v3 =	vand.u32 $0x7, v3;
	v4 =	vand.u32 $0xFFFFFFF0, v56  }
0x52: {  	v3 =	vor.u32 v3, v4  }
0x53: {  	v4 =	vperm.xlane v3, v0;
	_ =	sdelay $0x1  }
0x54: {  	v3 =	vperm.xlane v3, v2;
	v4 =	vadd.s32 v1, v4;
	_ =	sdelay $0x1  }
0x55: {  	v3 =	vadd.s32 v1, v3;
	_ =	sdelay $0x2  }
0x56: {  	[tilespmem:s14], [sflag:$0x1] =	stream.indirect_vreg.gather [hbm4b:s3+s2], $0x80, v4, vm0, $0xb8;
	[tilespmem:$0xC900] =	vst v63  }
0x57: {  	_ = 	snop  }
0x58: {  	[tilespmem:s15], [sflag:$0x1] =	stream.indirect_vreg.gather [hbm4b:s3+s2], $0x80, v3, vm0, $0xb8;
	[tilespmem:$0xC900] =	vst v63  }
0x59: {  	v3 =	vld [tilespmem:$0x60];
	_ =	sdelay $0x4  }
0x5a: {  	v57 =	vshll.u32 v3, $0x1  }
0x5b: {  	v3 =	vand.u32 $0x7, v3;
	v4 =	vand.u32 $0xFFFFFFF0, v57  }
0x5c: {  	v3 =	vor.u32 v3, v4  }
0x5d: {  	v4 =	vperm.xlane v3, v0;
	_ =	sdelay $0x1  }
0x5e: {  	v3 =	vperm.xlane v3, v2;
	v4 =	vadd.s32 v1, v4;
	_ =	sdelay $0x1  }
0x5f: {  	v3 =	vadd.s32 v1, v3;
	_ =	sdelay $0x2  }
0x60: {  	[tilespmem:s16], [sflag:$0x1] =	stream.indirect_vreg.gather [hbm4b:s3+s2], $0x80, v4, vm0, $0xb8;
	[tilespmem:$0xC900] =	vst v63  }
0x61: {  	_ = 	snop  }
0x62: {  	[tilespmem:s17], [sflag:$0x1] =	stream.indirect_vreg.gather [hbm4b:s3+s2], $0x80, v3, vm0, $0xb8;
	[tilespmem:$0xC900] =	vst v63  }
0x63: {  	v3 =	vld [tilespmem:$0x70];
	_ =	sdelay $0x4  }
0x64: {  	v58 =	vshll.u32 v3, $0x1  }
0x65: {  	v3 =	vand.u32 $0x7, v3;
	v4 =	vand.u32 $0xFFFFFFF0, v58  }
0x66: {  	v3 =	vor.u32 v3, v4  }
0x67: {  	v4 =	vperm.xlane v3, v0;
	_ =	sdelay $0x1  }
0x68: {  	v3 =	vperm.xlane v3, v2;
	v4 =	vadd.s32 v1, v4;
	_ =	sdelay $0x1  }
0x69: {  	v3 =	vadd.s32 v1, v3;
	_ =	sdelay $0x2  }
0x6a: {  	[tilespmem:s18], [sflag:$0x1] =	stream.indirect_vreg.gather [hbm4b:s3+s2], $0x80, v4, vm0, $0xb8;
	[tilespmem:$0xC900] =	vst v63  }
0x6b: {  	_ = 	snop  }
0x6c: {  	[tilespmem:s19], [sflag:$0x1] =	stream.indirect_vreg.gather [hbm4b:s3+s2], $0x80, v3, vm0, $0xb8;
	[tilespmem:$0xC900] =	vst v63  }
0x6d: {  	v3 =	vld [tilespmem:$0x80];
	_ =	sdelay $0x4  }
0x6e: {  	v59 =	vshll.u32 v3, $0x1  }
0x6f: {  	v3 =	vand.u32 $0x7, v3;
	v4 =	vand.u32 $0xFFFFFFF0, v59  }
0x70: {  	v3 =	vor.u32 v3, v4  }
0x71: {  	v4 =	vperm.xlane v3, v0;
	_ =	sdelay $0x1  }
0x72: {  	v3 =	vperm.xlane v3, v2;
	v4 =	vadd.s32 v1, v4;
	_ =	sdelay $0x1  }
0x73: {  	v3 =	vadd.s32 v1, v3;
	_ =	sdelay $0x2  }
0x74: {  	[tilespmem:s20], [sflag:$0x1] =	stream.indirect_vreg.gather [hbm4b:s3+s2], $0x80, v4, vm0, $0xb8;
	[tilespmem:$0xC900] =	vst v63  }
0x75: {  	_ = 	snop  }
0x76: {  	[tilespmem:s21], [sflag:$0x1] =	stream.indirect_vreg.gather [hbm4b:s3+s2], $0x80, v3, vm0, $0xb8;
	[tilespmem:$0xC900] =	vst v63  }
0x77: {  	v3 =	vld [tilespmem:$0x90];
	_ =	sdelay $0x4  }
0x78: {  	v60 =	vshll.u32 v3, $0x1  }
0x79: {  	v3 =	vand.u32 $0x7, v3;
	v4 =	vand.u32 $0xFFFFFFF0, v60  }
0x7a: {  	v3 =	vor.u32 v3, v4  }
0x7b: {  	v4 =	vperm.xlane v3, v0;
	_ =	sdelay $0x1  }
0x7c: {  	v3 =	vperm.xlane v3, v2;
	v4 =	vadd.s32 v1, v4;
	_ =	sdelay $0x1  }
0x7d: {  	v3 =	vadd.s32 v1, v3;
	_ =	sdelay $0x2  }
0x7e: {  	[tilespmem:s22], [sflag:$0x1] =	stream.indirect_vreg.gather [hbm4b:s3+s2], $0x80, v4, vm0, $0xb8;
	[tilespmem:$0xC900] =	vst v63  }
0x7f: {  	_ = 	snop  }
0x80: {  	[tilespmem:s23], [sflag:$0x1] =	stream.indirect_vreg.gather [hbm4b:s3+s2], $0x80, v3, vm0, $0xb8;
	[tilespmem:$0xC900] =	vst v63  }
0x81: {  	v3 =	vld [tilespmem:$0xA0];
	_ =	sdelay $0x4  }
0x82: {  	v61 =	vshll.u32 v3, $0x1  }
0x83: {  	v3 =	vand.u32 $0x7, v3;
	v4 =	vand.u32 $0xFFFFFFF0, v61  }
0x84: {  	v3 =	vor.u32 v3, v4  }
0x85: {  	v4 =	vperm.xlane v3, v0;
	_ =	sdelay $0x1  }
0x86: {  	v3 =	vperm.xlane v3, v2;
	v4 =	vadd.s32 v1, v4;
	_ =	sdelay $0x1  }
0x87: {  	v3 =	vadd.s32 v1, v3;
	_ =	sdelay $0x2  }
0x88: {  	[tilespmem:s24], [sflag:$0x1] =	stream.indirect_vreg.gather [hbm4b:s3+s2], $0x80, v4, vm0, $0xb8;
	[tilespmem:$0xC900] =	vst v63  }
0x89: {  	_ = 	snop  }
0x8a: {  	[tilespmem:s25], [sflag:$0x1] =	stream.indirect_vreg.gather [hbm4b:s3+s2], $0x80, v3, vm0, $0xb8;
	[tilespmem:$0xC900] =	vst v63  }
0x8b: {  	v3 =	vld [tilespmem:$0xB0];
	_ =	sdelay $0x4  }
0x8c: {  	v62 =	vshll.u32 v3, $0x1  }
0x8d: {  	v3 =	vand.u32 $0x7, v3;
	v4 =	vand.u32 $0xFFFFFFF0, v62  }
0x8e: {  	v3 =	vor.u32 v3, v4  }
0x8f: {  	v4 =	vperm.xlane v3, v0;
	_ =	sdelay $0x1  }
0x90: {  	v3 =	vperm.xlane v3, v2;
	v4 =	vadd.s32 v1, v4;
	_ =	sdelay $0x1  }
0x91: {  	v3 =	vadd.s32 v1, v3;
	_ =	sdelay $0x2  }
0x92: {  	[tilespmem:s26], [sflag:$0x1] =	stream.indirect_vreg.gather [hbm4b:s3+s2], $0x80, v4, vm0, $0xb8;
	[tilespmem:$0xC900] =	vst v63  }
0x93: {  	_ = 	snop  }
0x94: {  	[tilespmem:s28], [sflag:$0x1] =	stream.indirect_vreg.gather [hbm4b:s3+s2], $0x80, v3, vm0, $0xb8;
	[tilespmem:$0xC900] =	vst v63  }
0x95: {  	v3 =	vld.msk [tilespmem:$0xC0], $0xff;
	_ =	sdelay $0x4  }
0x96: {  	v63 =	vshll.u32 v3, $0x1  }
0x97: {  	v3 =	vand.u32 $0x7, v3;
	v4 =	vand.u32 $0xFFFFFFF0, v63  }
0x98: {  	v3 =	vor.u32 v3, v4  }
0x99: {  	v3 =	vperm.xlane v3, v0;
	_ =	sdelay $0x1  }
0x9a: {  	v3 =	vadd.s32 v1, v3;
	_ =	sdelay $0x4  }
0x9b: {  	[tilespmem:s29], [sflag:$0x1] =	stream.indirect_vreg.gather [hbm4b:s3+s2], $0x80, v3, vm0, $0xb8;
	[tilespmem:$0xC900] =	vst v63  }
0x9c: {  	_ =	swait.ge [sflag:s30], $0xC800  }
0x9d: {  	p0 =	sne.s32 s1, $0x258;
	[sflag:s30] =	ssyncset.done $0x0  }
.Ltmp0:
0x9e: {  	[sflag:s30] =	ssyncadd.s32 $0xFFFF3800;
	(pc) =	sbr.rel @p0 .LBB2_2-.Ltmp0, $4  }
0x9f: {  	[hbm4b:s5+s2] =	stream.linear.scatter [tilespmem:s7], [sflag:$0x2], $0xC800, $0x38;
	[tilespmem:$0xC900] =	vst v63  }
0xa0: {  	_ =	swait.ge [sflag:s6], $0xC800  }
0xa1: {  	[sflag:s6] =	ssyncset.done $0x0  }
0xa2: {  	s1 =	sadd.s32 $0x19, s1;
	s5 =	sadd.s32 $0x1900, s5;
	[sflag:s6] =	ssyncadd.s32 $0xFFFF3800  }
0xa3: {  	s31 =	sadd.s32 $0x1, s31;
	s0 =	rddreg [dreg:$0x6]  }
0xa4: {  	p0 =	sne.s32 s31, s0  }
.Ltmp1:
0xa5: {  	_ = 	snop;
	(pc) =	sbr.rel @p0 .LBB2_1-.Ltmp1, $1  }
0xa6: {  	_ =	sdelay $0x3  }
0xa7: {  	_ =	sfence.sel $0x180000  }
0xa8: {  	[bflag:$0x0] =	sbarrier.arrive $0xFFFF  }
0xa9: {  	_ =	strace $0x9000004A  }
0xaa: {  	s0 =	stileid.u32;
	[bflag:$0x2] =	sbarrier.arrive $0xFFFF  }
0xab: {  	p0 =	sne.s32 s0, $0x0;
	s0 =	rddreg [dreg:$0x1]  }
0xac: {  	s0 =	sadd.s32 @!p0 $0x100000, s0  }
0xad: {  	[sflag:s0] =	ssyncadd.tile.s32 @!p0 $0x1;
	_ =	shalt  }
.Lfunc_end2:
_tile_overlayer_lowered:
.L_overlay_start_2:
0xae: {  	(tag) =	ssettag $0x2  }
0xaf: {  	s0 =	rddreg [dreg:$0x0];
	s2 =	stileid.u32  }
0xb0: {  	s1 =	rddreg [dreg:$0x1];
	p0 =	sne.s32 s2, $0x0  }
0xb1: {  	s3 =	rddreg [dreg:$0x2];
	[bflag:$0x3] =	sbarrier.arrive $0xFFFF;
	s2 =	simm.s32 @!p0 $0x1C02  }
0xb2: {  	[timem:s3], [sflag:s2] =	dma.local @!p0 [hbm:s0], s1  }
0xb3: {  	s0 =	simm.s32 @!p0 $0x2  }
0xb4: {  	_ =	swait.ge @!p0 [sflag:s0], s1  }
0xb5: {  	s1 =	ssub.s32 @!p0 $0x0, s1;
	[sflag:s0] =	ssyncset.done @!p0 $0x0  }
0xb6: {  	[sflag:s0] =	ssyncadd.s32 @!p0 s1  }
0xb7: {  	[bflag:$0x3] =	sbarrier.arrive $0xFFFF  }
0xb8: {  	_ =	shalt  }

// kernel: kernel.18.cloned.1.call-start
scs
__scs_entry_jumppad:
0x0: {  	(pc) =	sbr.rel $0x88, $3  }
0x1: {  	(tag) =	ssettag $0x0;
	lr =	simm.s32 $0x1  }
0x2: {  	[smem:$0x3F7F] =	sst lr;
	_ =	strace $0xD0000000  }
0x3: {  	_ = 	snop  }
0x4: {  	_ = 	snop  }
0x5: {  	_ = 	snop  }
0x6: {  	_ = 	snop  }
0x7: {  	_ = 	snop  }
__scs_overlays_trampoline_lowered:
0x8: {  	[smem:$0x3F8E] =	sst s0  }
0x9: {  	[smem:$0x3F8F] =	sst s1  }
0xa: {  	[smem:$0x3F90] =	sst s2  }
0xb: {  	[smem:$0x3F91] =	sst s3  }
0xc: {  	[smem:$0x3F92] =	sst s4  }
0xd: {  	[smem:$0x3F93] =	sst s5  }
0xe: {  	[smem:$0x3F94] =	sst s6  }
0xf: {  	[smem:$0x3F95] =	sst s7  }
0x10: {  	[smem:$0x3F96] =	sst s8  }
0x11: {  	[smem:$0x3F97] =	sst s9;
	s0 =	simm.s32 @!p0 $0x0  }
0x12: {  	s1 =	sld [smem:$0x3F7D];
	s0 =	simm.s32 @p0 $0x1  }
0x13: {  	[smem:$0x3F98] =	sst s0;
	s0 =	simm.s32 @!p1 $0x0  }
0x14: {  	s2 =	sld [smem:$0x3F7C];
	s0 =	simm.s32 @p1 $0x1  }
0x15: {  	[smem:$0x3F99] =	sst s0;
	s0 =	simm.s32 @!p2 $0x0  }
0x16: {  	s3 =	sld [smem:$0x3FDB];
	s0 =	simm.s32 @p2 $0x1  }
0x17: {  	s4 =	simm.s32 $0x1BF5;
	[smem:$0x3F9B] =	sst s0  }
0x18: {  	s0 =	sld [smem:$0x3F7E];
	_ =	swait.ge [sflag:s4], $0x0  }
0x19: {  	s7 =	sld [smem:$0x3F7F]  }
0x1a: {  	s8 =	sadd.s32 $0xFFFFE003, lr  }
0x1b: {  	s9 =	sadd.s32 $0xFFFFFEF7, lr;
	s5 =	simm.s32 $0xFFFFFFFF;
	p2 =	slt.u32 s8, $0xFFFFF086  }
0x1c: {  	p1 =	slt.u32 s9, $0xF7A;
	s5 =	simm.s32 @!p2 $0x0  }
0x1d: {  	s5 =	simm.s32 @p1 $0x1;
	p0 =	seq.s32 s7, s2  }
0x1e: {  	s7 =	smul.u32 @!p0 $0xF7A, s2;
	p2 =	seq.s32 @!p0 s5, $0x0  }
0x1f: {  	s9 =	smul.u32 $0xF7A, s1;
	s8 =	simm.s32 @!p0 $0x1BF5;
	p2 =	por !p2, p0  }
0x20: {  	[sflag:s8] =	ssyncset.s32 @!p0 $0xFFFFF086;
	s6 =	sadd.s32 @!p0 s3, s7;
	s7 =	simm.s32 @!p0 $0x108  }
0x21: {  	s3 =	sadd.s32 s3, s9;
	s6 =	sadd.s32 @!p0 $0x88, s6;
	s7 =	simm.s32 @p2 $0x1082  }
0x22: {  	[simem:s7], [sflag:s8] =	dma.local @!p0 [hbm:s6], $0xF7A  }
0x23: {  	s9 =	sor.u32 $0xD0000000, s2;
	s6 =	simm.s32 $0x108;
	_ =	swait.ge @!p0 [sflag:s8], $0x0  }
0x24: {  	s3 =	sadd.s32 $0x88, s3;
	s6 =	simm.s32 @!p1 $0x1082;
	[sflag:s4] =	ssyncset.s32 $0xFFFFF086  }
0x25: {  	[simem:s6], [sflag:s4] =	dma.local [hbm:s3], $0xF7A  }
0x26: {  	[smem:$0x3F7F] =	sst s1;
	(tag) =	ssettag s2;
	_ =	strace s9  }
0x27: {  	s1 =	sld [smem:$0x3F8F]  }
0x28: {  	s2 =	sld [smem:$0x3F90]  }
0x29: {  	s4 =	sld [smem:$0x3F92]  }
0x2a: {  	p0 =	seq.s32 s5, $0x0;
	s5 =	sld [smem:$0x3F93]  }
0x2b: {  	s6 =	sld [smem:$0x3F94]  }
0x2c: {  	s7 =	sld [smem:$0x3F95]  }
0x2d: {  	s3 =	simm.s32 $0x108;
	s8 =	sld [smem:$0x3F96]  }
0x2e: {  	s3 =	simm.s32 @!p0 $0x1082;
	s9 =	sld [smem:$0x3F97]  }
0x2f: {  	lr =	sadd.s32 s0, s3;
	s0 =	sld [smem:$0x3F8E]  }
0x30: {  	s3 =	sld [smem:$0x3F91]  }
0x31: {  	[smem:$0x3F9A] =	sst s10  }
0x32: {  	s10 =	sld [smem:$0x3F98];
	_ =	sdelay $0x3  }
0x33: {  	p0 =	seq.s32 s10, $0x1;
	s10 =	sld [smem:$0x3F9A];
	_ =	sdelay $0x3  }
0x34: {  	[smem:$0x3F9A] =	sst s10  }
0x35: {  	s10 =	sld [smem:$0x3F99];
	_ =	sdelay $0x3  }
0x36: {  	p1 =	seq.s32 s10, $0x1;
	s10 =	sld [smem:$0x3F9A];
	_ =	sdelay $0x3  }
0x37: {  	[smem:$0x3F9A] =	sst s10  }
0x38: {  	s10 =	sld [smem:$0x3F9B]  }
0x39: {  	_ = 	snop;
	(pc) =	sbr.ind lr, $3  }
0x3a: {  	_ = 	snop  }
0x3b: {  	_ = 	snop  }
0x3c: {  	p2 =	seq.s32 s10, $0x1;
	s10 =	sld [smem:$0x3F9A]  }
0x3d: {  	_ =	shalt  }
0x3e: {  	_ =	shalt  }
0x3f: {  	_ =	shalt  }
0x40: {  	_ =	shalt  }
0x41: {  	_ =	shalt  }
0x42: {  	_ =	shalt  }
0x43: {  	_ =	shalt  }
0x44: {  	_ =	shalt  }
0x45: {  	_ =	shalt  }
0x46: {  	_ =	shalt  }
0x47: {  	_ =	shalt  }
0x48: {  	_ =	shalt  }
0x49: {  	_ =	shalt  }
0x4a: {  	_ =	shalt  }
0x4b: {  	_ =	shalt  }
0x4c: {  	_ =	shalt  }
0x4d: {  	_ =	shalt  }
0x4e: {  	_ =	shalt  }
0x4f: {  	_ =	shalt  }
0x50: {  	_ =	shalt  }
0x51: {  	_ =	shalt  }
0x52: {  	_ =	shalt  }
0x53: {  	_ =	shalt  }
0x54: {  	_ =	shalt  }
0x55: {  	_ =	shalt  }
0x56: {  	_ =	shalt  }
0x57: {  	_ =	shalt  }
0x58: {  	_ =	shalt  }
0x59: {  	_ =	shalt  }
0x5a: {  	_ =	shalt  }
0x5b: {  	_ =	shalt  }
0x5c: {  	_ =	shalt  }
0x5d: {  	_ =	shalt  }
0x5e: {  	_ =	shalt  }
0x5f: {  	_ =	shalt  }
0x60: {  	_ =	shalt  }
0x61: {  	_ =	shalt  }
0x62: {  	_ =	shalt  }
0x63: {  	_ =	shalt  }
0x64: {  	_ =	shalt  }
0x65: {  	_ =	shalt  }
0x66: {  	_ =	shalt  }
0x67: {  	_ =	shalt  }
0x68: {  	_ =	shalt  }
0x69: {  	_ =	shalt  }
0x6a: {  	_ =	shalt  }
0x6b: {  	_ =	shalt  }
0x6c: {  	_ =	shalt  }
0x6d: {  	_ =	shalt  }
0x6e: {  	_ =	shalt  }
0x6f: {  	_ =	shalt  }
0x70: {  	_ =	shalt  }
0x71: {  	_ =	shalt  }
0x72: {  	_ =	shalt  }
0x73: {  	_ =	shalt  }
0x74: {  	_ =	shalt  }
0x75: {  	_ =	shalt  }
0x76: {  	_ =	shalt  }
0x77: {  	_ =	shalt  }
0x78: {  	_ =	shalt  }
0x79: {  	_ =	shalt  }
0x7a: {  	_ =	shalt  }
0x7b: {  	_ =	shalt  }
0x7c: {  	_ =	shalt  }
0x7d: {  	_ =	shalt  }
0x7e: {  	_ =	shalt  }
0x7f: {  	_ =	shalt  }
0x80: {  	_ =	shalt  }
0x81: {  	_ =	shalt  }
0x82: {  	_ =	shalt  }
0x83: {  	_ =	shalt  }
0x84: {  	_ =	shalt  }
0x85: {  	_ =	shalt  }
0x86: {  	_ =	shalt  }
0x87: {  	_ =	shalt  }
.Lfunc_end0:
.L_simem_size_0:
called_computation.2_lowered:
.L_overlay_start_0:
0x88: {  	s2 =	sld [smem:$0x3FD9]  }
0x89: {  	s3 =	sld [smem:$0x3FFE];
	_ =	sdelay $0x1  }
0x8a: {  	s1 =	srdreg.scid  }
0x8b: {  	s0 =	sand.u32 $0x1, s1  }
0x8c: {  	s16 =	sshll.u32 s0, $0xA;
	s2 =	sadd.s32 s3, s2  }
0x8d: {  	s2 =	sadd.s32 s2, s16  }
0x8e: {  	[smem:$0x3FA6] =	sst s2  }
0x8f: {  	_ = 	snop  }
0x90: {  	(tm) =	ssettm $0x1  }
0x91: {  	s17 =	sld [smem:$0x3FFB];
	_ =	sdelay $0x3  }
0x92: {  	_ =	strace s17  }
0x93: {  	s2 =	sld [smem:$0x3FFC];
	_ =	sdelay $0x3  }
0x94: {  	_ =	strace s2  }
0x95: {  	s2 =	sld [smem:$0x3FFD];
	_ =	sdelay $0x3  }
0x96: {  	_ =	strace s2  }
0x97: {  	_ =	strace $0x8FFFFFFF  }
0x98: {  	s18 =	sld [smem:$0x3FDB];
	_ =	sdelay $0x1  }
0x99: {  	s19 =	simm.s32 $_scs_section_size  }
0x9a: {  	s4 =	simm.s32 $_size__tile_overlayer_lowered;
	s5 =	simm.s32 $_tile_overlayer_lowered  }
0x9b: {  	s22 =	simm.s32 $0x1BFF;
	s21 =	sshll.u32 s5, $0x1;
	s2 =	sadd.s32 s19, s18  }
0x9c: {  	s6 =	simm.s32 $0x0;
	s20 =	sshll.u32 s4, $0x1;
	s4 =	sadd.s32 s21, s2  }
0x9d: {  	[timem:s6], [sflag:s22] =	dma.local [hbm:s4], s20  }
0x9e: {  	_ =	swait.ge [sflag:s22], s20  }
0x9f: {  	s3 =	ssub.s32 $0x0, s20;
	[sflag:s22] =	ssyncset.done $0x0  }
0xa0: {  	[sflag:s22] =	ssyncadd.s32 s3;
	_ =	sdelay $0x1  }
0xa1: {  	s23 =	simm.s32 $0x1B8B  }
0xa2: {  	_ =	swait.ge [sflag:s23], $0x1  }
0xa3: {  	[sflag:s23] =	ssyncset.done $0x0  }
0xa4: {  	s25 =	simm.s32 $0x1B8E;
	s24 =	sld [smem:$0x3FFE];
	[sflag:s23] =	ssyncadd.s32 $0xFFFFFFFF  }
0xa5: {  	s26 =	simm.s32 $execute0_lowered;
	[smem:$0x3FD2] =	sst s25  }
0xa6: {  	s4 =	sshll.u32 s26, $0x1;
	_ =	strace $0x8000004C;
	[dreg:$0x1] =	wrdreg $0xFFFFFFFF  }
0xa7: {  	s28 =	simm.s32 $_size_execute0_lowered;
	s2 =	sadd.s32 s2, s4;
	[dreg:$0x0] =	wrdreg $0x0  }
0xa8: {  	s4 =	sshll.u32 s28, $0x1;
	[dreg:$0x2] =	wrdreg s2  }
0xa9: {  	[dreg:$0x3] =	wrdreg s4  }
0xaa: {  	[dreg:$0x4] =	wrdreg $0xC0  }
0xab: {  	_ =	task [dreg:s6], $0x5FFFF  }
0xac: {  	[dreg:$0x1] =	wrdreg $0xFFFFFFFF  }
0xad: {  	[dreg:$0x0] =	wrdreg $0x60  }
0xae: {  	[dreg:$0x2] =	wrdreg s24  }
0xaf: {  	[dreg:$0x3] =	wrdreg $0x9  }
0xb0: {  	_ =	task.clear_ibuf [dreg:s6], $0x4FFFF;
	_ =	strace $0x9000004C  }
0xb1: {  	s29 =	simm.s32 $0x9;
	_ =	strace $0x8000004E  }
0xb2: {  	_ =	swait.ge [sflag:s29], $0x1  }
0xb3: {  	[sflag:s29] =	ssyncadd.s32 $0xFFFFFFFF  }
0xb4: {  	_ =	strace $0x9000004E  }
0xb5: {  	_ =	sfence  }
0xb6: {  	s30 =	sld [smem:$0x0];
	_ =	sdelay $0x2  }
0xb7: {  	s31 =	sshll.u32 s1, $0xD;
	s1 =	sshrl.u32 s1, $0x2  }
0xb8: {  	s3 =	sand.u32 $0x4000, s31;
	s1 =	sadd.s32 s1, s30  }
0xb9: {  	s0 =	sor.u32 s3, s0;
	s1 =	sshll.u32 s1, $0x11  }
0xba: {  	s0 =	sor.u32 s1, s0  }
0xbb: {  	s0 =	sadd.s32 $0x8F2B, s0  }
0xbc: {  	[sflag:s0] =	ssyncadd.remote.s32 $0x1  }
0xbd: {  	_ =	sfence.sel $0xFFFF  }
0xbe: {  	[dreg:$0x0] =	wrdreg $0xFFFFFFFF;
	(pc) =	sbr.abs _section_cstart, $3  }
0xbf: {  	[dreg:$0x1] =	wrdreg $0xFFFFFFFF  }
0xc0: {  	_ =	task.clear_ibuf [dreg:s6], $0x2FFFF;
	_ =	strace $0x9FFFFFFF  }
0xc1: {  	(tm) =	ssettm $0x7FFFFFFF  }
tec
execute0_lowered:
.L_overlay_start_1:
0x0: {  	(tag) =	ssettag $0x1  }
0x1: {  	s0 =	srdreg.scid;
	s3 =	stileid.u32  }
0x2: {  	s0 =	sand.u32 $0x1, s0;
	s1 =	smul.u32 $0x4E20, s3  }
0x3: {  	s2 =	smul.u32 $0x2710, s0;
	_ =	sdelay $0x1  }
0x4: {  	s4 =	rddreg [dreg:$0x0];
	s1 =	sadd.s32 s2, s1;
	s2 =	simm.s32 $0x0  }
0x5: {  	s20 =	simm.s32 $0xA00;
	[smem:$0x7FF] =	sst s2  }
0x6: {  	s21 =	simm.s32 $0x1200;
	_ =	strace $0x8000004D;
	[dreg:$0x3] =	wrdreg s20  }
0x7: {  	s22 =	simm.s32 $0x1A00;
	[dreg:$0x4] =	wrdreg s21  }
0x8: {  	s23 =	simm.s32 $0x2200;
	[dreg:$0x5] =	wrdreg s22  }
0x9: {  	s24 =	simm.s32 $0x2A00;
	[dreg:$0x6] =	wrdreg s23  }
0xa: {  	s25 =	simm.s32 $0x3200;
	[dreg:$0x7] =	wrdreg s24  }
0xb: {  	s26 =	simm.s32 $0x3A00;
	[dreg:$0x8] =	wrdreg s25  }
0xc: {  	s5 =	simm.s32 $0x4200;
	[dreg:$0x9] =	wrdreg s26  }
0xd: {  	s6 =	simm.s32 $0x4A00;
	[dreg:$0xa] =	wrdreg s5  }
0xe: {  	s7 =	simm.s32 $0x5200;
	[dreg:$0xb] =	wrdreg s6  }
0xf: {  	s8 =	simm.s32 $0x5A00;
	s9 =	simm.s32 $0x6200;
	[dreg:$0xc] =	wrdreg s7  }
0x10: {  	s10 =	simm.s32 $0x6A00;
	s11 =	simm.s32 $0x7200;
	[dreg:$0xd] =	wrdreg s8  }
0x11: {  	s12 =	simm.s32 $0x7A00;
	s13 =	simm.s32 $0x8200;
	[dreg:$0xe] =	wrdreg s9  }
0x12: {  	s14 =	simm.s32 $0x8A00;
	s15 =	simm.s32 $0x9200;
	[dreg:$0xf] =	wrdreg s10  }
0x13: {  	s16 =	simm.s32 $0x9A00;
	s18 =	simm.s32 $0xA200;
	[dreg:$0x10] =	wrdreg s11  }
0x14: {  	s19 =	simm.s32 $0xAA00;
	s28 =	simm.s32 $0x18200;
	[dreg:$0x11] =	wrdreg s12  }
0x15: {  	s29 =	simm.s32 $0x18A00;
	s30 =	simm.s32 $0x1;
	[dreg:$0x12] =	wrdreg s13  }
0x16: {  	s31 =	simm.s32 $0x0;
	s17 =	ssub.s32 $0x2, s0;
	[dreg:$0x13] =	wrdreg s14  }
0x17: {  	s0 =	smul.u32 $0x4E200, s0;
	s1 =	sshrl.u32 s1, $0x3;
	[dreg:$0x14] =	wrdreg s15  }
0x18: {  	s1 =	sadd.s32 s1, s4;
	s5 =	smul.u32 $0x9C400, s3;
	[dreg:$0x15] =	wrdreg s16  }
0x19: {  	s3 =	sadd.s32 $0x5EE00, s4;
	s6 =	sshrl.u32 s17, $0x1;
	[dreg:$0x16] =	wrdreg s18  }
0x1a: {  	[dreg:$0x17] =	wrdreg s19;
	s20 =	simm.s32 $0xB200;
	s21 =	simm.s32 $0xBA00  }
0x1b: {  	s22 =	simm.s32 $0xC200;
	s23 =	simm.s32 $0xCA00;
	s24 =	simm.s32 $0xD200  }
0x1c: {  	s25 =	simm.s32 $0xDA00;
	s7 =	simm.s32 $0x200;
	s26 =	simm.s32 $0xE200  }
0x1d: {  	s8 =	simm.s32 $0xEA00;
	s9 =	simm.s32 $0xF200;
	[dreg:$0x18] =	wrdreg s20  }
0x1e: {  	s10 =	simm.s32 $0xFA00;
	s11 =	simm.s32 $0x10200;
	[dreg:$0x19] =	wrdreg s21  }
0x1f: {  	s12 =	simm.s32 $0x10A00;
	s13 =	simm.s32 $0x11200;
	[dreg:$0x1a] =	wrdreg s22  }
0x20: {  	s14 =	simm.s32 $0x11A00;
	s15 =	simm.s32 $0x12200;
	[dreg:$0x1b] =	wrdreg s23  }
0x21: {  	s16 =	simm.s32 $0x12A00;
	s18 =	simm.s32 $0x13A00;
	[dreg:$0x1c] =	wrdreg s24  }
0x22: {  	s19 =	simm.s32 $0x14200;
	s1 =	sadd.s32 $0x41400, s1;
	[dreg:$0x1d] =	wrdreg s25  }
0x23: {  	[dreg:$0x1e] =	wrdreg s26;
	s20 =	simm.s32 $0x14A00;
	s21 =	simm.s32 $0x15200  }
0x24: {  	s22 =	simm.s32 $0x15A00;
	s23 =	simm.s32 $0x16200;
	s24 =	simm.s32 $0x16A00  }
0x25: {  	s25 =	simm.s32 $0x17200;
	s5 =	sadd.s32 s5, s4;
	s4 =	ssub.s32 s17, s6  }
0x26: {  	v2 =	vlaneseq.u32;
	[dreg:$0x2] =	wrdreg s1;
	s4 =	smax.u32 s4, $0x1;
	s0 =	sadd.s32 s0, s5  }
0x27: {  	vm0 =	vmmov $0xffff;
	v1 =	vshrl.u32 v2, $0x3;
	s26 =	simm.s32 $0x17A00;
	[dreg:$0x1f] =	wrdreg s4;
	s0 =	sadd.s32 $0xAD000, s0  }
0x28: {  	v0 =	vand.u32 $0x7, v2;
	v2 =	vor.u32 $0x8, v2;
	v1 =	vmul.u32 $0x8, v1;
	s6 =	simm.s32 $0x2;
	s17 =	simm.s32 $0x13200;
	[smem:$0x7FD] =	sst s0  }
.LBB2_1:
0x29: {  	s5 =	sld [smem:$0x7FD];
	s0 =	simm.s32 $0x0  }
.LBB2_2:
0x2a: {  	s4 =	rddreg [dreg:$0x2]  }
0x2b: {  	s4 =	sadd.s32 s0, s4  }
0x2c: {  	[tilespmem:s2], [sflag:$0x2] =	stream.linear.gather [hbm4b:s4+s2], $0x190, $0x38;
	[tilespmem:$0x19200] =	vst v63  }
0x2d: {  	_ =	swait.ge [sflag:s6], $0x190  }
0x2e: {  	[sflag:s6] =	ssyncset.done $0x0  }
0x2f: {  	[sflag:s6] =	ssyncadd.s32 $0xFFFFFE70  }
0x30: {  	v3 =	vld [tilespmem:$0x0];
	_ =	sdelay $0x4  }
0x31: {  	v4 =	vshll.u32 v3, $0x1  }
0x32: {  	v3 =	vand.u32 $0x7, v3;
	v4 =	vand.u32 $0xFFFFFFF0, v4  }
0x33: {  	v3 =	vor.u32 v3, v4  }
0x34: {  	v4 =	vperm.xlane v3, v0;
	_ =	sdelay $0x1  }
0x35: {  	v3 =	vperm.xlane v3, v2;
	v4 =	vadd.s32 v1, v4;
	_ =	sdelay $0x1  }
0x36: {  	v3 =	vadd.s32 v1, v3;
	_ =	sdelay $0x2  }
0x37: {  	[tilespmem:s7], [sflag:$0x1] =	stream.indirect_vreg.gather [hbm4b:s3+s2], $0x80, v4, vm0, $0xb8;
	[tilespmem:$0x19200] =	vst v63  }
0x38: {  	s1 =	rddreg [dreg:$0x3]  }
0x39: {  	[tilespmem:s1], [sflag:$0x1] =	stream.indirect_vreg.gather [hbm4b:s3+s2], $0x80, v3, vm0, $0xb8;
	[tilespmem:$0x19200] =	vst v63  }
0x3a: {  	v3 =	vld [tilespmem:$0x10];
	_ =	sdelay $0x4  }
0x3b: {  	v40 =	vshll.u32 v3, $0x1  }
0x3c: {  	v3 =	vand.u32 $0x7, v3;
	v4 =	vand.u32 $0xFFFFFFF0, v40  }
0x3d: {  	v3 =	vor.u32 v3, v4  }
0x3e: {  	v4 =	vperm.xlane v3, v0;
	_ =	sdelay $0x1  }
0x3f: {  	v3 =	vperm.xlane v3, v2;
	v4 =	vadd.s32 v1, v4;
	_ =	sdelay $0x1  }
0x40: {  	v3 =	vadd.s32 v1, v3;
	_ =	sdelay $0x1  }
0x41: {  	s4 =	rddreg [dreg:$0x4]  }
0x42: {  	[tilespmem:s4], [sflag:$0x1] =	stream.indirect_vreg.gather [hbm4b:s3+s2], $0x80, v4, vm0, $0xb8;
	[tilespmem:$0x19200] =	vst v63  }
0x43: {  	s1 =	rddreg [dreg:$0x5]  }
0x44: {  	[tilespmem:s1], [sflag:$0x1] =	stream.indirect_vreg.gather [hbm4b:s3+s2], $0x80, v3, vm0, $0xb8;
	[tilespmem:$0x19200] =	vst v63  }
0x45: {  	v3 =	vld [tilespmem:$0x20];
	_ =	sdelay $0x4  }
0x46: {  	v41 =	vshll.u32 v3, $0x1  }
0x47: {  	v3 =	vand.u32 $0x7, v3;
	v4 =	vand.u32 $0xFFFFFFF0, v41  }
0x48: {  	v3 =	vor.u32 v3, v4  }
0x49: {  	v4 =	vperm.xlane v3, v0;
	_ =	sdelay $0x1  }
0x4a: {  	v3 =	vperm.xlane v3, v2;
	v4 =	vadd.s32 v1, v4;
	_ =	sdelay $0x1  }
0x4b: {  	v3 =	vadd.s32 v1, v3;
	_ =	sdelay $0x1  }
0x4c: {  	s1 =	rddreg [dreg:$0x6]  }
0x4d: {  	[tilespmem:s1], [sflag:$0x1] =	stream.indirect_vreg.gather [hbm4b:s3+s2], $0x80, v4, vm0, $0xb8;
	[tilespmem:$0x19200] =	vst v63  }
0x4e: {  	s4 =	rddreg [dreg:$0x7]  }
0x4f: {  	[tilespmem:s4], [sflag:$0x1] =	stream.indirect_vreg.gather [hbm4b:s3+s2], $0x80, v3, vm0, $0xb8;
	[tilespmem:$0x19200] =	vst v63  }
0x50: {  	v3 =	vld [tilespmem:$0x30];
	_ =	sdelay $0x4  }
0x51: {  	v42 =	vshll.u32 v3, $0x1  }
0x52: {  	v3 =	vand.u32 $0x7, v3;
	v4 =	vand.u32 $0xFFFFFFF0, v42  }
0x53: {  	v3 =	vor.u32 v3, v4  }
0x54: {  	v4 =	vperm.xlane v3, v0;
	_ =	sdelay $0x1  }
0x55: {  	v3 =	vperm.xlane v3, v2;
	v4 =	vadd.s32 v1, v4;
	_ =	sdelay $0x1  }
0x56: {  	v3 =	vadd.s32 v1, v3;
	_ =	sdelay $0x1  }
0x57: {  	s1 =	rddreg [dreg:$0x8]  }
0x58: {  	[tilespmem:s1], [sflag:$0x1] =	stream.indirect_vreg.gather [hbm4b:s3+s2], $0x80, v4, vm0, $0xb8;
	[tilespmem:$0x19200] =	vst v63  }
0x59: {  	s4 =	rddreg [dreg:$0x9]  }
0x5a: {  	[tilespmem:s4], [sflag:$0x1] =	stream.indirect_vreg.gather [hbm4b:s3+s2], $0x80, v3, vm0, $0xb8;
	[tilespmem:$0x19200] =	vst v63  }
0x5b: {  	v3 =	vld [tilespmem:$0x40];
	_ =	sdelay $0x4  }
0x5c: {  	v43 =	vshll.u32 v3, $0x1  }
0x5d: {  	v3 =	vand.u32 $0x7, v3;
	v4 =	vand.u32 $0xFFFFFFF0, v43  }
0x5e: {  	v3 =	vor.u32 v3, v4  }
0x5f: {  	v4 =	vperm.xlane v3, v0;
	_ =	sdelay $0x1  }
0x60: {  	v3 =	vperm.xlane v3, v2;
	v4 =	vadd.s32 v1, v4;
	_ =	sdelay $0x1  }
0x61: {  	v3 =	vadd.s32 v1, v3;
	_ =	sdelay $0x1  }
0x62: {  	s1 =	rddreg [dreg:$0xa]  }
0x63: {  	[tilespmem:s1], [sflag:$0x1] =	stream.indirect_vreg.gather [hbm4b:s3+s2], $0x80, v4, vm0, $0xb8;
	[tilespmem:$0x19200] =	vst v63  }
0x64: {  	s4 =	rddreg [dreg:$0xb]  }
0x65: {  	[tilespmem:s4], [sflag:$0x1] =	stream.indirect_vreg.gather [hbm4b:s3+s2], $0x80, v3, vm0, $0xb8;
	[tilespmem:$0x19200] =	vst v63  }
0x66: {  	v3 =	vld [tilespmem:$0x50];
	_ =	sdelay $0x4  }
0x67: {  	v44 =	vshll.u32 v3, $0x1  }
0x68: {  	v3 =	vand.u32 $0x7, v3;
	v4 =	vand.u32 $0xFFFFFFF0, v44  }
0x69: {  	v3 =	vor.u32 v3, v4  }
0x6a: {  	v4 =	vperm.xlane v3, v0;
	_ =	sdelay $0x1  }
0x6b: {  	v3 =	vperm.xlane v3, v2;
	v4 =	vadd.s32 v1, v4;
	_ =	sdelay $0x1  }
0x6c: {  	v3 =	vadd.s32 v1, v3;
	_ =	sdelay $0x1  }
0x6d: {  	s1 =	rddreg [dreg:$0xc]  }
0x6e: {  	[tilespmem:s1], [sflag:$0x1] =	stream.indirect_vreg.gather [hbm4b:s3+s2], $0x80, v4, vm0, $0xb8;
	[tilespmem:$0x19200] =	vst v63  }
0x6f: {  	s4 =	rddreg [dreg:$0xd]  }
0x70: {  	[tilespmem:s4], [sflag:$0x1] =	stream.indirect_vreg.gather [hbm4b:s3+s2], $0x80, v3, vm0, $0xb8;
	[tilespmem:$0x19200] =	vst v63  }
0x71: {  	v3 =	vld [tilespmem:$0x60];
	_ =	sdelay $0x4  }
0x72: {  	v45 =	vshll.u32 v3, $0x1  }
0x73: {  	v3 =	vand.u32 $0x7, v3;
	v4 =	vand.u32 $0xFFFFFFF0, v45  }
0x74: {  	v3 =	vor.u32 v3, v4  }
0x75: {  	v4 =	vperm.xlane v3, v0;
	_ =	sdelay $0x1  }
0x76: {  	v3 =	vperm.xlane v3, v2;
	v4 =	vadd.s32 v1, v4;
	_ =	sdelay $0x1  }
0x77: {  	v3 =	vadd.s32 v1, v3;
	_ =	sdelay $0x1  }
0x78: {  	s1 =	rddreg [dreg:$0xe]  }
0x79: {  	[tilespmem:s1], [sflag:$0x1] =	stream.indirect_vreg.gather [hbm4b:s3+s2], $0x80, v4, vm0, $0xb8;
	[tilespmem:$0x19200] =	vst v63  }
0x7a: {  	s4 =	rddreg [dreg:$0xf]  }
0x7b: {  	[tilespmem:s4], [sflag:$0x1] =	stream.indirect_vreg.gather [hbm4b:s3+s2], $0x80, v3, vm0, $0xb8;
	[tilespmem:$0x19200] =	vst v63  }
0x7c: {  	v3 =	vld [tilespmem:$0x70];
	_ =	sdelay $0x4  }
0x7d: {  	v46 =	vshll.u32 v3, $0x1  }
0x7e: {  	v3 =	vand.u32 $0x7, v3;
	v4 =	vand.u32 $0xFFFFFFF0, v46  }
0x7f: {  	v3 =	vor.u32 v3, v4  }
0x80: {  	v4 =	vperm.xlane v3, v0;
	_ =	sdelay $0x1  }
0x81: {  	v3 =	vperm.xlane v3, v2;
	v4 =	vadd.s32 v1, v4;
	_ =	sdelay $0x1  }
0x82: {  	v3 =	vadd.s32 v1, v3;
	_ =	sdelay $0x1  }
0x83: {  	s1 =	rddreg [dreg:$0x10]  }
0x84: {  	[tilespmem:s1], [sflag:$0x1] =	stream.indirect_vreg.gather [hbm4b:s3+s2], $0x80, v4, vm0, $0xb8;
	[tilespmem:$0x19200] =	vst v63  }
0x85: {  	s4 =	rddreg [dreg:$0x11]  }
0x86: {  	[tilespmem:s4], [sflag:$0x1] =	stream.indirect_vreg.gather [hbm4b:s3+s2], $0x80, v3, vm0, $0xb8;
	[tilespmem:$0x19200] =	vst v63  }
0x87: {  	v3 =	vld [tilespmem:$0x80];
	_ =	sdelay $0x4  }
0x88: {  	v47 =	vshll.u32 v3, $0x1  }
0x89: {  	v3 =	vand.u32 $0x7, v3;
	v4 =	vand.u32 $0xFFFFFFF0, v47  }
0x8a: {  	v3 =	vor.u32 v3, v4  }
0x8b: {  	v4 =	vperm.xlane v3, v0;
	_ =	sdelay $0x1  }
0x8c: {  	v3 =	vperm.xlane v3, v2;
	v4 =	vadd.s32 v1, v4;
	_ =	sdelay $0x1  }
0x8d: {  	v3 =	vadd.s32 v1, v3;
	_ =	sdelay $0x1  }
0x8e: {  	s1 =	rddreg [dreg:$0x12]  }
0x8f: {  	[tilespmem:s1], [sflag:$0x1] =	stream.indirect_vreg.gather [hbm4b:s3+s2], $0x80, v4, vm0, $0xb8;
	[tilespmem:$0x19200] =	vst v63  }
0x90: {  	s4 =	rddreg [dreg:$0x13]  }
0x91: {  	[tilespmem:s4], [sflag:$0x1] =	stream.indirect_vreg.gather [hbm4b:s3+s2], $0x80, v3, vm0, $0xb8;
	[tilespmem:$0x19200] =	vst v63  }
0x92: {  	v3 =	vld [tilespmem:$0x90];
	_ =	sdelay $0x4  }
0x93: {  	v48 =	vshll.u32 v3, $0x1  }
0x94: {  	v3 =	vand.u32 $0x7, v3;
	v4 =	vand.u32 $0xFFFFFFF0, v48  }
0x95: {  	v3 =	vor.u32 v3, v4  }
0x96: {  	v4 =	vperm.xlane v3, v0;
	_ =	sdelay $0x1  }
0x97: {  	v3 =	vperm.xlane v3, v2;
	v4 =	vadd.s32 v1, v4;
	_ =	sdelay $0x1  }
0x98: {  	v3 =	vadd.s32 v1, v3;
	_ =	sdelay $0x1  }
0x99: {  	s1 =	rddreg [dreg:$0x14]  }
0x9a: {  	[tilespmem:s1], [sflag:$0x1] =	stream.indirect_vreg.gather [hbm4b:s3+s2], $0x80, v4, vm0, $0xb8;
	[tilespmem:$0x19200] =	vst v63  }
0x9b: {  	s4 =	rddreg [dreg:$0x15]  }
0x9c: {  	[tilespmem:s4], [sflag:$0x1] =	stream.indirect_vreg.gather [hbm4b:s3+s2], $0x80, v3, vm0, $0xb8;
	[tilespmem:$0x19200] =	vst v63  }
0x9d: {  	v3 =	vld [tilespmem:$0xA0];
	_ =	sdelay $0x4  }
0x9e: {  	v49 =	vshll.u32 v3, $0x1  }
0x9f: {  	v3 =	vand.u32 $0x7, v3;
	v4 =	vand.u32 $0xFFFFFFF0, v49  }
0xa0: {  	v3 =	vor.u32 v3, v4  }
0xa1: {  	v4 =	vperm.xlane v3, v0;
	_ =	sdelay $0x1  }
0xa2: {  	v3 =	vperm.xlane v3, v2;
	v4 =	vadd.s32 v1, v4;
	_ =	sdelay $0x1  }
0xa3: {  	v3 =	vadd.s32 v1, v3;
	_ =	sdelay $0x1  }
0xa4: {  	s1 =	rddreg [dreg:$0x16]  }
0xa5: {  	[tilespmem:s1], [sflag:$0x1] =	stream.indirect_vreg.gather [hbm4b:s3+s2], $0x80, v4, vm0, $0xb8;
	[tilespmem:$0x19200] =	vst v63  }
0xa6: {  	s4 =	rddreg [dreg:$0x17]  }
0xa7: {  	[tilespmem:s4], [sflag:$0x1] =	stream.indirect_vreg.gather [hbm4b:s3+s2], $0x80, v3, vm0, $0xb8;
	[tilespmem:$0x19200] =	vst v63  }
0xa8: {  	v3 =	vld [tilespmem:$0xB0];
	_ =	sdelay $0x4  }
0xa9: {  	v50 =	vshll.u32 v3, $0x1  }
0xaa: {  	v3 =	vand.u32 $0x7, v3;
	v4 =	vand.u32 $0xFFFFFFF0, v50  }
0xab: {  	v3 =	vor.u32 v3, v4  }
0xac: {  	v4 =	vperm.xlane v3, v0;
	_ =	sdelay $0x1  }
0xad: {  	v3 =	vperm.xlane v3, v2;
	v4 =	vadd.s32 v1, v4;
	_ =	sdelay $0x1  }
0xae: {  	v3 =	vadd.s32 v1, v3;
	_ =	sdelay $0x1  }
0xaf: {  	s1 =	rddreg [dreg:$0x18]  }
0xb0: {  	[tilespmem:s1], [sflag:$0x1] =	stream.indirect_vreg.gather [hbm4b:s3+s2], $0x80, v4, vm0, $0xb8;
	[tilespmem:$0x19200] =	vst v63  }
0xb1: {  	s4 =	rddreg [dreg:$0x19]  }
0xb2: {  	[tilespmem:s4], [sflag:$0x1] =	stream.indirect_vreg.gather [hbm4b:s3+s2], $0x80, v3, vm0, $0xb8;
	[tilespmem:$0x19200] =	vst v63  }
0xb3: {  	v3 =	vld [tilespmem:$0xC0];
	_ =	sdelay $0x4  }
0xb4: {  	v51 =	vshll.u32 v3, $0x1  }
0xb5: {  	v3 =	vand.u32 $0x7, v3;
	v4 =	vand.u32 $0xFFFFFFF0, v51  }
0xb6: {  	v3 =	vor.u32 v3, v4  }
0xb7: {  	v4 =	vperm.xlane v3, v0;
	_ =	sdelay $0x1  }
0xb8: {  	v3 =	vperm.xlane v3, v2;
	v4 =	vadd.s32 v1, v4;
	_ =	sdelay $0x1  }
0xb9: {  	v3 =	vadd.s32 v1, v3;
	_ =	sdelay $0x1  }
0xba: {  	s1 =	rddreg [dreg:$0x1a]  }
0xbb: {  	[tilespmem:s1], [sflag:$0x1] =	stream.indirect_vreg.gather [hbm4b:s3+s2], $0x80, v4, vm0, $0xb8;
	[tilespmem:$0x19200] =	vst v63  }
0xbc: {  	s4 =	rddreg [dreg:$0x1b]  }
0xbd: {  	[tilespmem:s4], [sflag:$0x1] =	stream.indirect_vreg.gather [hbm4b:s3+s2], $0x80, v3, vm0, $0xb8;
	[tilespmem:$0x19200] =	vst v63  }
0xbe: {  	v3 =	vld [tilespmem:$0xD0];
	_ =	sdelay $0x4  }
0xbf: {  	v52 =	vshll.u32 v3, $0x1  }
0xc0: {  	v3 =	vand.u32 $0x7, v3;
	v4 =	vand.u32 $0xFFFFFFF0, v52  }
0xc1: {  	v3 =	vor.u32 v3, v4  }
0xc2: {  	v4 =	vperm.xlane v3, v0;
	_ =	sdelay $0x1  }
0xc3: {  	v3 =	vperm.xlane v3, v2;
	v4 =	vadd.s32 v1, v4;
	_ =	sdelay $0x1  }
0xc4: {  	v3 =	vadd.s32 v1, v3;
	_ =	sdelay $0x1  }
0xc5: {  	s1 =	rddreg [dreg:$0x1c]  }
0xc6: {  	[tilespmem:s1], [sflag:$0x1] =	stream.indirect_vreg.gather [hbm4b:s3+s2], $0x80, v4, vm0, $0xb8;
	[tilespmem:$0x19200] =	vst v63  }
0xc7: {  	s4 =	rddreg [dreg:$0x1d]  }
0xc8: {  	[tilespmem:s4], [sflag:$0x1] =	stream.indirect_vreg.gather [hbm4b:s3+s2], $0x80, v3, vm0, $0xb8;
	[tilespmem:$0x19200] =	vst v63  }
0xc9: {  	v3 =	vld [tilespmem:$0xE0];
	_ =	sdelay $0x4  }
0xca: {  	v53 =	vshll.u32 v3, $0x1  }
0xcb: {  	v3 =	vand.u32 $0x7, v3;
	v4 =	vand.u32 $0xFFFFFFF0, v53  }
0xcc: {  	v3 =	vor.u32 v3, v4  }
0xcd: {  	v4 =	vperm.xlane v3, v0;
	_ =	sdelay $0x1  }
0xce: {  	v3 =	vperm.xlane v3, v2;
	v4 =	vadd.s32 v1, v4;
	_ =	sdelay $0x1  }
0xcf: {  	v3 =	vadd.s32 v1, v3;
	_ =	sdelay $0x1  }
0xd0: {  	s4 =	rddreg [dreg:$0x1e]  }
0xd1: {  	[tilespmem:s4], [sflag:$0x1] =	stream.indirect_vreg.gather [hbm4b:s3+s2], $0x80, v4, vm0, $0xb8;
	[tilespmem:$0x19200] =	vst v63  }
0xd2: {  	_ = 	snop  }
0xd3: {  	[tilespmem:s8], [sflag:$0x1] =	stream.indirect_vreg.gather [hbm4b:s3+s2], $0x80, v3, vm0, $0xb8;
	[tilespmem:$0x19200] =	vst v63  }
0xd4: {  	v3 =	vld [tilespmem:$0xF0];
	_ =	sdelay $0x4  }
0xd5: {  	v54 =	vshll.u32 v3, $0x1  }
0xd6: {  	v3 =	vand.u32 $0x7, v3;
	v4 =	vand.u32 $0xFFFFFFF0, v54  }
0xd7: {  	v3 =	vor.u32 v3, v4  }
0xd8: {  	v4 =	vperm.xlane v3, v0;
	_ =	sdelay $0x1  }
0xd9: {  	v3 =	vperm.xlane v3, v2;
	v4 =	vadd.s32 v1, v4;
	_ =	sdelay $0x1  }
0xda: {  	v3 =	vadd.s32 v1, v3;
	_ =	sdelay $0x2  }
0xdb: {  	[tilespmem:s9], [sflag:$0x1] =	stream.indirect_vreg.gather [hbm4b:s3+s2], $0x80, v4, vm0, $0xb8;
	[tilespmem:$0x19200] =	vst v63  }
0xdc: {  	_ = 	snop  }
0xdd: {  	[tilespmem:s10], [sflag:$0x1] =	stream.indirect_vreg.gather [hbm4b:s3+s2], $0x80, v3, vm0, $0xb8;
	[tilespmem:$0x19200] =	vst v63  }
0xde: {  	v3 =	vld [tilespmem:$0x100];
	_ =	sdelay $0x4  }
0xdf: {  	v55 =	vshll.u32 v3, $0x1  }
0xe0: {  	v3 =	vand.u32 $0x7, v3;
	v4 =	vand.u32 $0xFFFFFFF0, v55  }
0xe1: {  	v3 =	vor.u32 v3, v4  }
0xe2: {  	v4 =	vperm.xlane v3, v0;
	_ =	sdelay $0x1  }
0xe3: {  	v3 =	vperm.xlane v3, v2;
	v4 =	vadd.s32 v1, v4;
	_ =	sdelay $0x1  }
0xe4: {  	v3 =	vadd.s32 v1, v3;
	_ =	sdelay $0x2  }
0xe5: {  	[tilespmem:s11], [sflag:$0x1] =	stream.indirect_vreg.gather [hbm4b:s3+s2], $0x80, v4, vm0, $0xb8;
	[tilespmem:$0x19200] =	vst v63  }
0xe6: {  	_ = 	snop  }
0xe7: {  	[tilespmem:s12], [sflag:$0x1] =	stream.indirect_vreg.gather [hbm4b:s3+s2], $0x80, v3, vm0, $0xb8;
	[tilespmem:$0x19200] =	vst v63  }
0xe8: {  	v3 =	vld [tilespmem:$0x110];
	_ =	sdelay $0x4  }
0xe9: {  	v56 =	vshll.u32 v3, $0x1  }
0xea: {  	v3 =	vand.u32 $0x7, v3;
	v4 =	vand.u32 $0xFFFFFFF0, v56  }
0xeb: {  	v3 =	vor.u32 v3, v4  }
0xec: {  	v4 =	vperm.xlane v3, v0;
	_ =	sdelay $0x1  }
0xed: {  	v3 =	vperm.xlane v3, v2;
	v4 =	vadd.s32 v1, v4;
	_ =	sdelay $0x1  }
0xee: {  	v3 =	vadd.s32 v1, v3;
	_ =	sdelay $0x2  }
0xef: {  	[tilespmem:s13], [sflag:$0x1] =	stream.indirect_vreg.gather [hbm4b:s3+s2], $0x80, v4, vm0, $0xb8;
	[tilespmem:$0x19200] =	vst v63  }
0xf0: {  	_ = 	snop  }
0xf1: {  	[tilespmem:s14], [sflag:$0x1] =	stream.indirect_vreg.gather [hbm4b:s3+s2], $0x80, v3, vm0, $0xb8;
	[tilespmem:$0x19200] =	vst v63  }
0xf2: {  	v3 =	vld [tilespmem:$0x120];
	_ =	sdelay $0x4  }
0xf3: {  	v57 =	vshll.u32 v3, $0x1  }
0xf4: {  	v3 =	vand.u32 $0x7, v3;
	v4 =	vand.u32 $0xFFFFFFF0, v57  }
0xf5: {  	v3 =	vor.u32 v3, v4  }
0xf6: {  	v4 =	vperm.xlane v3, v0;
	_ =	sdelay $0x1  }
0xf7: {  	v3 =	vperm.xlane v3, v2;
	v4 =	vadd.s32 v1, v4;
	_ =	sdelay $0x1  }
0xf8: {  	v3 =	vadd.s32 v1, v3;
	_ =	sdelay $0x2  }
0xf9: {  	[tilespmem:s15], [sflag:$0x1] =	stream.indirect_vreg.gather [hbm4b:s3+s2], $0x80, v4, vm0, $0xb8;
	[tilespmem:$0x19200] =	vst v63  }
0xfa: {  	_ = 	snop  }
0xfb: {  	[tilespmem:s16], [sflag:$0x1] =	stream.indirect_vreg.gather [hbm4b:s3+s2], $0x80, v3, vm0, $0xb8;
	[tilespmem:$0x19200] =	vst v63  }
0xfc: {  	v3 =	vld [tilespmem:$0x130];
	_ =	sdelay $0x4  }
0xfd: {  	v58 =	vshll.u32 v3, $0x1  }
0xfe: {  	v3 =	vand.u32 $0x7, v3;
	v4 =	vand.u32 $0xFFFFFFF0, v58  }
0xff: {  	v3 =	vor.u32 v3, v4  }
0x100: {  	v4 =	vperm.xlane v3, v0;
	_ =	sdelay $0x1  }
0x101: {  	v3 =	vperm.xlane v3, v2;
	v4 =	vadd.s32 v1, v4;
	_ =	sdelay $0x1  }
0x102: {  	v3 =	vadd.s32 v1, v3;
	_ =	sdelay $0x2  }
0x103: {  	[tilespmem:s17], [sflag:$0x1] =	stream.indirect_vreg.gather [hbm4b:s3+s2], $0x80, v4, vm0, $0xb8;
	[tilespmem:$0x19200] =	vst v63  }
0x104: {  	_ = 	snop  }
0x105: {  	[tilespmem:s18], [sflag:$0x1] =	stream.indirect_vreg.gather [hbm4b:s3+s2], $0x80, v3, vm0, $0xb8;
	[tilespmem:$0x19200] =	vst v63  }
0x106: {  	v3 =	vld [tilespmem:$0x140];
	_ =	sdelay $0x4  }
0x107: {  	v59 =	vshll.u32 v3, $0x1  }
0x108: {  	v3 =	vand.u32 $0x7, v3;
	v4 =	vand.u32 $0xFFFFFFF0, v59  }
0x109: {  	v3 =	vor.u32 v3, v4  }
0x10a: {  	v4 =	vperm.xlane v3, v0;
	_ =	sdelay $0x1  }
0x10b: {  	v3 =	vperm.xlane v3, v2;
	v4 =	vadd.s32 v1, v4;
	_ =	sdelay $0x1  }
0x10c: {  	v3 =	vadd.s32 v1, v3;
	_ =	sdelay $0x2  }
0x10d: {  	[tilespmem:s19], [sflag:$0x1] =	stream.indirect_vreg.gather [hbm4b:s3+s2], $0x80, v4, vm0, $0xb8;
	[tilespmem:$0x19200] =	vst v63  }
0x10e: {  	_ = 	snop  }
0x10f: {  	[tilespmem:s20], [sflag:$0x1] =	stream.indirect_vreg.gather [hbm4b:s3+s2], $0x80, v3, vm0, $0xb8;
	[tilespmem:$0x19200] =	vst v63  }
0x110: {  	v3 =	vld [tilespmem:$0x150];
	_ =	sdelay $0x4  }
0x111: {  	v60 =	vshll.u32 v3, $0x1  }
0x112: {  	v3 =	vand.u32 $0x7, v3;
	v4 =	vand.u32 $0xFFFFFFF0, v60  }
0x113: {  	v3 =	vor.u32 v3, v4  }
0x114: {  	v4 =	vperm.xlane v3, v0;
	_ =	sdelay $0x1  }
0x115: {  	v3 =	vperm.xlane v3, v2;
	v4 =	vadd.s32 v1, v4;
	_ =	sdelay $0x1  }
0x116: {  	v3 =	vadd.s32 v1, v3;
	_ =	sdelay $0x2  }
0x117: {  	[tilespmem:s21], [sflag:$0x1] =	stream.indirect_vreg.gather [hbm4b:s3+s2], $0x80, v4, vm0, $0xb8;
	[tilespmem:$0x19200] =	vst v63  }
0x118: {  	_ = 	snop  }
0x119: {  	[tilespmem:s22], [sflag:$0x1] =	stream.indirect_vreg.gather [hbm4b:s3+s2], $0x80, v3, vm0, $0xb8;
	[tilespmem:$0x19200] =	vst v63  }
0x11a: {  	v3 =	vld [tilespmem:$0x160];
	_ =	sdelay $0x4  }
0x11b: {  	v61 =	vshll.u32 v3, $0x1  }
0x11c: {  	v3 =	vand.u32 $0x7, v3;
	v4 =	vand.u32 $0xFFFFFFF0, v61  }
0x11d: {  	v3 =	vor.u32 v3, v4  }
0x11e: {  	v4 =	vperm.xlane v3, v0;
	_ =	sdelay $0x1  }
0x11f: {  	v3 =	vperm.xlane v3, v2;
	v4 =	vadd.s32 v1, v4;
	_ =	sdelay $0x1  }
0x120: {  	v3 =	vadd.s32 v1, v3;
	_ =	sdelay $0x2  }
0x121: {  	[tilespmem:s23], [sflag:$0x1] =	stream.indirect_vreg.gather [hbm4b:s3+s2], $0x80, v4, vm0, $0xb8;
	[tilespmem:$0x19200] =	vst v63  }
0x122: {  	_ = 	snop  }
0x123: {  	[tilespmem:s24], [sflag:$0x1] =	stream.indirect_vreg.gather [hbm4b:s3+s2], $0x80, v3, vm0, $0xb8;
	[tilespmem:$0x19200] =	vst v63  }
0x124: {  	v3 =	vld [tilespmem:$0x170];
	_ =	sdelay $0x4  }
0x125: {  	v62 =	vshll.u32 v3, $0x1  }
0x126: {  	v3 =	vand.u32 $0x7, v3;
	v4 =	vand.u32 $0xFFFFFFF0, v62  }
0x127: {  	v3 =	vor.u32 v3, v4  }
0x128: {  	v4 =	vperm.xlane v3, v0;
	_ =	sdelay $0x1  }
0x129: {  	v3 =	vperm.xlane v3, v2;
	v4 =	vadd.s32 v1, v4;
	_ =	sdelay $0x1  }
0x12a: {  	v3 =	vadd.s32 v1, v3;
	_ =	sdelay $0x2  }
0x12b: {  	[tilespmem:s25], [sflag:$0x1] =	stream.indirect_vreg.gather [hbm4b:s3+s2], $0x80, v4, vm0, $0xb8;
	[tilespmem:$0x19200] =	vst v63  }
0x12c: {  	_ = 	snop  }
0x12d: {  	[tilespmem:s26], [sflag:$0x1] =	stream.indirect_vreg.gather [hbm4b:s3+s2], $0x80, v3, vm0, $0xb8;
	[tilespmem:$0x19200] =	vst v63  }
0x12e: {  	v3 =	vld [tilespmem:$0x180];
	_ =	sdelay $0x4  }
0x12f: {  	v63 =	vshll.u32 v3, $0x1  }
0x130: {  	v3 =	vand.u32 $0x7, v3;
	v4 =	vand.u32 $0xFFFFFFF0, v63  }
0x131: {  	v3 =	vor.u32 v3, v4  }
0x132: {  	v4 =	vperm.xlane v3, v0;
	_ =	sdelay $0x1  }
0x133: {  	v3 =	vperm.xlane v3, v2;
	v4 =	vadd.s32 v1, v4;
	_ =	sdelay $0x1  }
0x134: {  	v3 =	vadd.s32 v1, v3;
	_ =	sdelay $0x2  }
0x135: {  	[tilespmem:s28], [sflag:$0x1] =	stream.indirect_vreg.gather [hbm4b:s3+s2], $0x80, v4, vm0, $0xb8;
	[tilespmem:$0x19200] =	vst v63  }
0x136: {  	_ = 	snop  }
0x137: {  	[tilespmem:s29], [sflag:$0x1] =	stream.indirect_vreg.gather [hbm4b:s3+s2], $0x80, v3, vm0, $0xb8;
	[tilespmem:$0x19200] =	vst v63  }
0x138: {  	_ =	swait.ge [sflag:s30], $0x19000  }
0x139: {  	p0 =	sne.s32 s0, $0x4B0;
	[sflag:s30] =	ssyncset.done $0x0  }
.Ltmp0:
0x13a: {  	[sflag:s30] =	ssyncadd.s32 $0xFFFE7000;
	(pc) =	sbr.rel @p0 .LBB2_2-.Ltmp0, $4  }
0x13b: {  	[hbm4b:s5+s2] =	stream.linear.scatter [tilespmem:s7], [sflag:$0x2], $0x19000, $0x38;
	[tilespmem:$0x19200] =	vst v63  }
0x13c: {  	_ =	swait.ge [sflag:s6], $0x19000  }
0x13d: {  	[sflag:s6] =	ssyncset.done $0x0  }
0x13e: {  	s0 =	sadd.s32 $0x32, s0;
	s5 =	sadd.s32 $0x3200, s5;
	[sflag:s6] =	ssyncadd.s32 $0xFFFE7000  }
0x13f: {  	s31 =	sadd.s32 $0x1, s31;
	s0 =	rddreg [dreg:$0x1f]  }
0x140: {  	p0 =	sne.s32 s31, s0  }
.Ltmp1:
0x141: {  	_ = 	snop;
	(pc) =	sbr.rel @p0 .LBB2_1-.Ltmp1, $1  }
0x142: {  	_ =	sdelay $0x3  }
0x143: {  	_ =	sfence.sel $0x180000  }
0x144: {  	[bflag:$0x0] =	sbarrier.arrive $0xFFFF  }
0x145: {  	_ =	strace $0x9000004D  }
0x146: {  	s0 =	stileid.u32;
	[bflag:$0x2] =	sbarrier.arrive $0xFFFF  }
0x147: {  	p0 =	sne.s32 s0, $0x0;
	s0 =	rddreg [dreg:$0x1]  }
0x148: {  	s0 =	sadd.s32 @!p0 $0x100000, s0  }
0x149: {  	[sflag:s0] =	ssyncadd.tile.s32 @!p0 $0x1;
	_ =	shalt  }
.Lfunc_end2:
_tile_overlayer_lowered:
.L_overlay_start_2:
0x14a: {  	(tag) =	ssettag $0x2  }
0x14b: {  	s0 =	rddreg [dreg:$0x0];
	s2 =	stileid.u32  }
0x14c: {  	s1 =	rddreg [dreg:$0x1];
	p0 =	sne.s32 s2, $0x0  }
0x14d: {  	s3 =	rddreg [dreg:$0x2];
	[bflag:$0x3] =	sbarrier.arrive $0xFFFF;
	s2 =	simm.s32 @!p0 $0x1C02  }
0x14e: {  	[timem:s3], [sflag:s2] =	dma.local @!p0 [hbm:s0], s1  }
0x14f: {  	s0 =	simm.s32 @!p0 $0x2  }
0x150: {  	_ =	swait.ge @!p0 [sflag:s0], s1  }
0x151: {  	s1 =	ssub.s32 @!p0 $0x0, s1;
	[sflag:s0] =	ssyncset.done @!p0 $0x0  }
0x152: {  	[sflag:s0] =	ssyncadd.s32 @!p0 s1  }
0x153: {  	[bflag:$0x3] =	sbarrier.arrive $0xFFFF  }
0x154: {  	_ =	shalt  }

</sc_bundles>
